<compile_context>
chip_gen: v7x
topology: tpu7x:2x2x1
jax: 0.10.2.dev20260603
libtpu: 0.0.44.dev20260713+nightly
codegen_flags: <defaults>
</compile_context>

<pallas_src>
import functools

import jax
import jax.numpy as jnp
from jax import lax
from jax.experimental import pallas as pl
from jax.experimental.pallas import tpu as pltpu
from jax.experimental.pallas import tpu_sc as plsc

B = 16384
D = 64
NE = 1000000
NR = 1000
NC = 2
NS = 16
NW = NC * NS
BPW = B // NW
ICH = 256
NCH = BPW // ICH


def _body(hidx, ridx, tidx, ent_tbl, rel_tbl, oh, og, ot,
          idx_v, buf_a, buf_b, out_v, sem_a, sem_b, wsem):
    wid = lax.axis_index("s") * NC + lax.axis_index("c")
    base = wid * BPW
    bufs = (buf_a, buf_b)
    sems = (sem_a, sem_b)

    def gather_one(idx_hbm, tbl, out_hbm, prev_write):
        pltpu.sync_copy(idx_hbm.at[pl.ds(base, BPW)], idx_v)

        def fire(c, buf, sem):
            def wave(jc, carry):
                gv = idx_v[pl.ds(c * ICH + jc * 16, 16)]
                for j in range(16):
                    pltpu.async_copy(tbl.at[pl.ds(gv[j], 1)],
                                     buf.at[pl.ds(jc * 16 + j, 1)], sem)
                return carry
            lax.fori_loop(0, ICH // 16, wave, 0)

        def extract(c, buf):
            def chunk16(jc, carry):
                jv = lax.iota(jnp.int32, 16) + jc * 16
                def dgroup(d8, carry2):
                    for dd in range(8):
                        d = d8 * 8 + dd
                        dv = jnp.zeros((16,), jnp.int32) + d
                        out_v[d, pl.ds(c * ICH + jc * 16, 16)] = (
                            plsc.load_gather(buf, [jv, dv]))
                    return carry2
                lax.fori_loop(0, D // 8, dgroup, 0)
                return carry
            lax.fori_loop(0, ICH // 16, chunk16, 0)

        fire(0, bufs[0], sems[0])
        for c in range(NCH):
            if c + 1 < NCH:
                fire(c + 1, bufs[(c + 1) % 2], sems[(c + 1) % 2])
            pltpu.make_async_copy(tbl.at[pl.ds(0, ICH)],
                                  bufs[c % 2], sems[c % 2]).wait()
            if c == 0 and prev_write is not None:
                prev_write.wait()
            extract(c, bufs[c % 2])

        return pltpu.async_copy(out_v, out_hbm.at[:, pl.ds(base, BPW)], wsem)

    w = gather_one(ridx, rel_tbl, og, None)
    w = gather_one(hidx, ent_tbl, oh, w)
    gather_one(tidx, ent_tbl, ot, w).wait()


_mesh = plsc.VectorSubcoreMesh(core_axis_name="c", subcore_axis_name="s")

_gather = functools.partial(
    pl.kernel,
    out_type=(
        jax.ShapeDtypeStruct((D, B), jnp.float32),
        jax.ShapeDtypeStruct((D, B), jnp.float32),
        jax.ShapeDtypeStruct((D, B), jnp.float32),
    ),
    mesh=_mesh,
    compiler_params=pltpu.CompilerParams(needs_layout_passes=False, disable_bounds_checks=True, disable_semaphore_checks=True),
    scratch_types=[
        pltpu.VMEM((BPW,), jnp.int32),
        pltpu.VMEM((ICH, D), jnp.float32),
        pltpu.VMEM((ICH, D), jnp.float32),
        pltpu.VMEM((D, BPW), jnp.float32),
        pltpu.SemaphoreType.DMA,
        pltpu.SemaphoreType.DMA,
        pltpu.SemaphoreType.DMA,
    ],
)(_body)


@jax.jit
def kernel(head, relation, tail, entity_table, relation_table):
    h = head.astype(jnp.int32)
    r = relation.astype(jnp.int32)
    t = tail.astype(jnp.int32)
    ent_rm = lax.optimization_barrier(entity_table.T).T
    rel_rm = lax.optimization_barrier(relation_table.T).T
    oh, og, ot = _gather(h, r, t, ent_rm, rel_rm)
    return (oh.T, og.T, ot.T)

# --- scband reference (transcript-rebuilt; emitter-appended) ---
"""Pipeline reference for scband-trans-e-60705067762205 (READ-ONLY COPY).

The authoritative reference and input builder live on the scoring server;
editing this copy changes nothing except your own understanding.
"""

import jax, jax.numpy as jnp
import numpy as np

NUM_ENTITY = 1000000
NUM_RELATION = 1000
EMB_DIM = 64
BATCH = 16384


def setup_inputs(seed: int = 0) -> dict:
    key = jax.random.key(seed)
    k1, k2, k3, k4, k5 = jax.random.split(key, 5)
    head = jax.random.randint(k1, (BATCH,), 0, NUM_ENTITY, dtype=jnp.int64) if jax.config.jax_enable_x64 else jax.random.randint(k1, (BATCH,), 0, NUM_ENTITY).astype(jnp.int32)
    relation = jax.random.randint(k2, (BATCH,), 0, NUM_RELATION).astype(head.dtype)
    tail = jax.random.randint(k3, (BATCH,), 0, NUM_ENTITY).astype(head.dtype)
    # Learned parameters: nn.Embedding default init is N(0, 1)
    entity_table = jax.random.normal(k4, (NUM_ENTITY, EMB_DIM), dtype=jnp.float32)
    relation_table = jax.random.normal(k5, (NUM_RELATION, EMB_DIM), dtype=jnp.float32)
    return {
        "head": head,
        "relation": relation,
        "tail": tail,
        "entity_table": entity_table,
        "relation_table": relation_table,
    }


def reference(head, relation, tail, entity_table, relation_table):
    # TransE.forward: gathers entity embeddings for head/tail and relation
    # embeddings for relation (all args provided -> all branches taken).
    head_emb = jnp.take(entity_table, head, axis=0)
    tail_emb = jnp.take(entity_table, tail, axis=0)
    relation_emb = jnp.take(relation_table, relation, axis=0)
    return (head_emb, relation_emb, tail_emb)


if False:  # reference __main__ guard neutralized (emitter)
    inp = setup_inputs()
    out = reference(**inp)
    print([o.shape for o in out])

if __name__ == "__main__":
    import jax
    _d = setup_inputs()
    print(jax.jit(kernel)(*tuple(_d.values())))

</pallas_src>

<mosaic_0001>
#map = affine_map<(d0, d1) -> (0)>
#map1 = affine_map<(d0, d1) -> (0, 0)>
module attributes {stable_mosaic.version = 14 : i64} {
  func.func @_body(%arg0: i32, %arg1: i32, %arg2: memref<16384xi32, #tpu.memory_space<hbm>>, %arg3: memref<16384xi32, #tpu.memory_space<hbm>>, %arg4: memref<16384xi32, #tpu.memory_space<hbm>>, %arg5: memref<1000000x64xf32, #tpu.memory_space<hbm>>, %arg6: memref<1000x64xf32, #tpu.memory_space<hbm>>, %arg7: memref<64x16384xf32, #tpu.memory_space<hbm>>, %arg8: memref<64x16384xf32, #tpu.memory_space<hbm>>, %arg9: memref<64x16384xf32, #tpu.memory_space<hbm>>, %arg10: memref<512xi32, #tpu.memory_space<vmem>>, %arg11: memref<256x64xf32, #tpu.memory_space<vmem>>, %arg12: memref<256x64xf32, #tpu.memory_space<vmem>>, %arg13: memref<64x512xf32, #tpu.memory_space<vmem>>, %arg14: memref<!tpu.dma_semaphore, #tpu.memory_space<semaphore_mem>>, %arg15: memref<!tpu.dma_semaphore, #tpu.memory_space<semaphore_mem>>, %arg16: memref<!tpu.dma_semaphore, #tpu.memory_space<semaphore_mem>>) attributes {dimension_semantics = [#tpu.dimension_semantics<core_parallel>, #tpu.dimension_semantics<subcore_parallel>], iteration_bounds = array<i64: 2, 16>, scalar_prefetch = 0 : i64, scratch_operands = 7 : i64, tpu.core_type = #tpu.core_type<sc_vector_subcore>, window_params = [{transform_indices = #map}, {transform_indices = #map}, {transform_indices = #map}, {transform_indices = #map1}, {transform_indices = #map1}, {transform_indices = #map1}, {transform_indices = #map1}, {transform_indices = #map1}]} {
    %mul3A = arith.constant 2 : i32
    %mul3A_0 = arith.muli %arg1, %mul3A : i32
    %add3A = arith.addi %mul3A_0, %arg0 : i32
    %mul3A_1 = arith.constant 512 : i32
    %mul3A_2 = arith.muli %add3A, %mul3A_1 : i32
    "tpu.region"() ({
      %run_scoped3A = tpu.sem_alloc : memref<!tpu.dma_semaphore, #tpu.memory_space<semaphore_mem>>
      %dma_start3A_132 = tpu.memref_slice %arg3[%mul3A_2] : memref<16384xi32, #tpu.memory_space<hbm>> -> memref<512xi32, #tpu.memory_space<hbm>>
      %dma_start3A_133 = tpu.memref_slice %arg3[%mul3A_2] : memref<16384xi32, #tpu.memory_space<hbm>> -> memref<512xi32, #tpu.memory_space<hbm>>
      tpu.enqueue_dma source(%dma_start3A_133 : memref<512xi32, #tpu.memory_space<hbm>>) target(%arg10 : memref<512xi32, #tpu.memory_space<vmem>>) target_semaphore(%run_scoped3A : memref<!tpu.dma_semaphore, #tpu.memory_space<semaphore_mem>>)
      %dma_wait3A_134 = tpu.memref_slice %arg3[%mul3A_2] : memref<16384xi32, #tpu.memory_space<hbm>> -> memref<512xi32, #tpu.memory_space<hbm>>
      %dma_wait3A_135 = tpu.memref_slice %arg3[%mul3A_2] : memref<16384xi32, #tpu.memory_space<hbm>> -> memref<512xi32, #tpu.memory_space<hbm>>
      tpu.wait_dma2 semaphore(%run_scoped3A : memref<!tpu.dma_semaphore, #tpu.memory_space<semaphore_mem>>) src(%dma_wait3A_135 : memref<512xi32, #tpu.memory_space<hbm>>) dst(%arg10 : memref<512xi32, #tpu.memory_space<vmem>>)
      tpu.yield
    }) : () -> ()
    %scan3A = arith.constant 0 : i32
    %scan3A_3 = arith.constant 0 : i32
    %scan3A_4 = arith.constant 16 : i32
    %scan3A_5 = arith.addi %scan3A_3, %scan3A_4 : i32
    %scan3A_6 = arith.constant 1 : i32
    scf.for %scan3A_132 = %scan3A_3 to %scan3A_5 step %scan3A_6  : i32 {
      %mul3A_133 = arith.constant 16 : i32
      %mul3A_134 = arith.muli %scan3A_132, %mul3A_133 : i32
      %add3A_135 = arith.constant 0 : i32
      %add3A_136 = arith.addi %add3A_135, %mul3A_134 : i32
      %get3A = arith.index_cast %add3A_136 : i32 to index
      %get3A_137 = tpu.vector_load %arg10[%get3A] {strides = array<i32>} : memref<512xi32, #tpu.memory_space<vmem>>, vector<16xi32>,
      %slice3A = vector.extract_strided_slice %get3A_137 {offsets = [0], sizes = [1], strides = [1]} : vector<16xi32> to vector<1xi32>
      %squeeze3A = vector.extract %slice3A[0] : i32 from vector<1xi32>
      %mul3A_138 = arith.constant 16 : i32
      %mul3A_139 = arith.muli %scan3A_132, %mul3A_138 : i32
      %add3A_140 = arith.constant 0 : i32
      %add3A_141 = arith.addi %mul3A_139, %add3A_140 : i32
      %dma_start3A_142 = arith.constant 0 : i32
      %dma_start3A_143 = tpu.memref_slice %arg11[%add3A_141, %dma_start3A_142] : memref<256x64xf32, #tpu.memory_space<vmem>> -> memref<1x64xf32, #tpu.memory_space<vmem>>
      %dma_start3A_144 = arith.constant 0 : i32
      %dma_start3A_145 = tpu.memref_slice %arg6[%squeeze3A, %dma_start3A_144] : memref<1000x64xf32, #tpu.memory_space<hbm>> -> memref<1x64xf32, #tpu.memory_space<hbm>>
      %dma_start3A_146 = arith.constant 0 : i32
      %dma_start3A_147 = tpu.memref_slice %arg11[%add3A_141, %dma_start3A_146] : memref<256x64xf32, #tpu.memory_space<vmem>> -> memref<1x64xf32, #tpu.memory_space<vmem>>
      %dma_start3A_148 = arith.constant 0 : i32
      %dma_start3A_149 = tpu.memref_slice %arg6[%squeeze3A, %dma_start3A_148] : memref<1000x64xf32, #tpu.memory_space<hbm>> -> memref<1x64xf32, #tpu.memory_space<hbm>>
      tpu.enqueue_dma source(%dma_start3A_149 : memref<1x64xf32, #tpu.memory_space<hbm>>) target(%dma_start3A_147 : memref<1x64xf32, #tpu.memory_space<vmem>>) target_semaphore(%arg14 : memref<!tpu.dma_semaphore, #tpu.memory_space<semaphore_mem>>)
      %slice3A_150 = vector.extract_strided_slice %get3A_137 {offsets = [1], sizes = [1], strides = [1]} : vector<16xi32> to vector<1xi32>
      %squeeze3A_151 = vector.extract %slice3A_150[0] : i32 from vector<1xi32>
      %mul3A_152 = arith.constant 16 : i32
      %mul3A_153 = arith.muli %scan3A_132, %mul3A_152 : i32
      %add3A_154 = arith.constant 1 : i32
      %add3A_155 = arith.addi %mul3A_153, %add3A_154 : i32
      %dma_start3A_156 = arith.constant 0 : i32
      %dma_start3A_157 = tpu.memref_slice %arg11[%add3A_155, %dma_start3A_156] : memref<256x64xf32, #tpu.memory_space<vmem>> -> memref<1x64xf32, #tpu.memory_space<vmem>>
      %dma_start3A_158 = arith.constant 0 : i32
      %dma_start3A_159 = tpu.memref_slice %arg6[%squeeze3A_151, %dma_start3A_158] : memref<1000x64xf32, #tpu.memory_space<hbm>> -> memref<1x64xf32, #tpu.memory_space<hbm>>
      %dma_start3A_160 = arith.constant 0 : i32
      %dma_start3A_161 = tpu.memref_slice %arg11[%add3A_155, %dma_start3A_160] : memref<256x64xf32, #tpu.memory_space<vmem>> -> memref<1x64xf32, #tpu.memory_space<vmem>>
      %dma_start3A_162 = arith.constant 0 : i32
      %dma_start3A_163 = tpu.memref_slice %arg6[%squeeze3A_151, %dma_start3A_162] : memref<1000x64xf32, #tpu.memory_space<hbm>> -> memref<1x64xf32, #tpu.memory_space<hbm>>
      tpu.enqueue_dma source(%dma_start3A_163 : memref<1x64xf32, #tpu.memory_space<hbm>>) target(%dma_start3A_161 : memref<1x64xf32, #tpu.memory_space<vmem>>) target_semaphore(%arg14 : memref<!tpu.dma_semaphore, #tpu.memory_space<semaphore_mem>>)
      %slice3A_164 = vector.extract_strided_slice %get3A_137 {offsets = [2], sizes = [1], strides = [1]} : vector<16xi32> to vector<1xi32>
      %squeeze3A_165 = vector.extract %slice3A_164[0] : i32 from vector<1xi32>
      %mul3A_166 = arith.constant 16 : i32
      %mul3A_167 = arith.muli %scan3A_132, %mul3A_166 : i32
      %add3A_168 = arith.constant 2 : i32
      %add3A_169 = arith.addi %mul3A_167, %add3A_168 : i32
      %dma_start3A_170 = arith.constant 0 : i32
      %dma_start3A_171 = tpu.memref_slice %arg11[%add3A_169, %dma_start3A_170] : memref<256x64xf32, #tpu.memory_space<vmem>> -> memref<1x64xf32, #tpu.memory_space<vmem>>
      %dma_start3A_172 = arith.constant 0 : i32
      %dma_start3A_173 = tpu.memref_slice %arg6[%squeeze3A_165, %dma_start3A_172] : memref<1000x64xf32, #tpu.memory_space<hbm>> -> memref<1x64xf32, #tpu.memory_space<hbm>>
      %dma_start3A_174 = arith.constant 0 : i32
      %dma_start3A_175 = tpu.memref_slice %arg11[%add3A_169, %dma_start3A_174] : memref<256x64xf32, #tpu.memory_space<vmem>> -> memref<1x64xf32, #tpu.memory_space<vmem>>
      %dma_start3A_176 = arith.constant 0 : i32
      %dma_start3A_177 = tpu.memref_slice %arg6[%squeeze3A_165, %dma_start3A_176] : memref<1000x64xf32, #tpu.memory_space<hbm>> -> memref<1x64xf32, #tpu.memory_space<hbm>>
      tpu.enqueue_dma source(%dma_start3A_177 : memref<1x64xf32, #tpu.memory_space<hbm>>) target(%dma_start3A_175 : memref<1x64xf32, #tpu.memory_space<vmem>>) target_semaphore(%arg14 : memref<!tpu.dma_semaphore, #tpu.memory_space<semaphore_mem>>)
      %slice3A_178 = vector.extract_strided_slice %get3A_137 {offsets = [3], sizes = [1], strides = [1]} : vector<16xi32> to vector<1xi32>
      %squeeze3A_179 = vector.extract %slice3A_178[0] : i32 from vector<1xi32>
      %mul3A_180 = arith.constant 16 : i32
      %mul3A_181 = arith.muli %scan3A_132, %mul3A_180 : i32
      %add3A_182 = arith.constant 3 : i32
      %add3A_183 = arith.addi %mul3A_181, %add3A_182 : i32
      %dma_start3A_184 = arith.constant 0 : i32
      %dma_start3A_185 = tpu.memref_slice %arg11[%add3A_183, %dma_start3A_184] : memref<256x64xf32, #tpu.memory_space<vmem>> -> memref<1x64xf32, #tpu.memory_space<vmem>>
      %dma_start3A_186 = arith.constant 0 : i32
      %dma_start3A_187 = tpu.memref_slice %arg6[%squeeze3A_179, %dma_start3A_186] : memref<1000x64xf32, #tpu.memory_space<hbm>> -> memref<1x64xf32, #tpu.memory_space<hbm>>
      %dma_start3A_188 = arith.constant 0 : i32
      %dma_start3A_189 = tpu.memref_slice %arg11[%add3A_183, %dma_start3A_188] : memref<256x64xf32, #tpu.memory_space<vmem>> -> memref<1x64xf32, #tpu.memory_space<vmem>>
      %dma_start3A_190 = arith.constant 0 : i32
      %dma_start3A_191 = tpu.memref_slice %arg6[%squeeze3A_179, %dma_start3A_190] : memref<1000x64xf32, #tpu.memory_space<hbm>> -> memref<1x64xf32, #tpu.memory_space<hbm>>
      tpu.enqueue_dma source(%dma_start3A_191 : memref<1x64xf32, #tpu.memory_space<hbm>>) target(%dma_start3A_189 : memref<1x64xf32, #tpu.memory_space<vmem>>) target_semaphore(%arg14 : memref<!tpu.dma_semaphore, #tpu.memory_space<semaphore_mem>>)
      %slice3A_192 = vector.extract_strided_slice %get3A_137 {offsets = [4], sizes = [1], strides = [1]} : vector<16xi32> to vector<1xi32>
      %squeeze3A_193 = vector.extract %slice3A_192[0] : i32 from vector<1xi32>
      %mul3A_194 = arith.constant 16 : i32
      %mul3A_195 = arith.muli %scan3A_132, %mul3A_194 : i32
      %add3A_196 = arith.constant 4 : i32
      %add3A_197 = arith.addi %mul3A_195, %add3A_196 : i32
      %dma_start3A_198 = arith.constant 0 : i32
      %dma_start3A_199 = tpu.memref_slice %arg11[%add3A_197, %dma_start3A_198] : memref<256x64xf32, #tpu.memory_space<vmem>> -> memref<1x64xf32, #tpu.memory_space<vmem>>
      %dma_start3A_200 = arith.constant 0 : i32
      %dma_start3A_201 = tpu.memref_slice %arg6[%squeeze3A_193, %dma_start3A_200] : memref<1000x64xf32, #tpu.memory_space<hbm>> -> memref<1x64xf32, #tpu.memory_space<hbm>>
      %dma_start3A_202 = arith.constant 0 : i32
      %dma_start3A_203 = tpu.memref_slice %arg11[%add3A_197, %dma_start3A_202] : memref<256x64xf32, #tpu.memory_space<vmem>> -> memref<1x64xf32, #tpu.memory_space<vmem>>
      %dma_start3A_204 = arith.constant 0 : i32
      %dma_start3A_205 = tpu.memref_slice %arg6[%squeeze3A_193, %dma_start3A_204] : memref<1000x64xf32, #tpu.memory_space<hbm>> -> memref<1x64xf32, #tpu.memory_space<hbm>>
      tpu.enqueue_dma source(%dma_start3A_205 : memref<1x64xf32, #tpu.memory_space<hbm>>) target(%dma_start3A_203 : memref<1x64xf32, #tpu.memory_space<vmem>>) target_semaphore(%arg14 : memref<!tpu.dma_semaphore, #tpu.memory_space<semaphore_mem>>)
      %slice3A_206 = vector.extract_strided_slice %get3A_137 {offsets = [5], sizes = [1], strides = [1]} : vector<16xi32> to vector<1xi32>
      %squeeze3A_207 = vector.extract %slice3A_206[0] : i32 from vector<1xi32>
      %mul3A_208 = arith.constant 16 : i32
      %mul3A_209 = arith.muli %scan3A_132, %mul3A_208 : i32
      %add3A_210 = arith.constant 5 : i32
      %add3A_211 = arith.addi %mul3A_209, %add3A_210 : i32
      %dma_start3A_212 = arith.constant 0 : i32
      %dma_start3A_213 = tpu.memref_slice %arg11[%add3A_211, %dma_start3A_212] : memref<256x64xf32, #tpu.memory_space<vmem>> -> memref<1x64xf32, #tpu.memory_space<vmem>>
      %dma_start3A_214 = arith.constant 0 : i32
      %dma_start3A_215 = tpu.memref_slice %arg6[%squeeze3A_207, %dma_start3A_214] : memref<1000x64xf32, #tpu.memory_space<hbm>> -> memref<1x64xf32, #tpu.memory_space<hbm>>
      %dma_start3A_216 = arith.constant 0 : i32
      %dma_start3A_217 = tpu.memref_slice %arg11[%add3A_211, %dma_start3A_216] : memref<256x64xf32, #tpu.memory_space<vmem>> -> memref<1x64xf32, #tpu.memory_space<vmem>>
      %dma_start3A_218 = arith.constant 0 : i32
      %dma_start3A_219 = tpu.memref_slice %arg6[%squeeze3A_207, %dma_start3A_218] : memref<1000x64xf32, #tpu.memory_space<hbm>> -> memref<1x64xf32, #tpu.memory_space<hbm>>
      tpu.enqueue_dma source(%dma_start3A_219 : memref<1x64xf32, #tpu.memory_space<hbm>>) target(%dma_start3A_217 : memref<1x64xf32, #tpu.memory_space<vmem>>) target_semaphore(%arg14 : memref<!tpu.dma_semaphore, #tpu.memory_space<semaphore_mem>>)
      %slice3A_220 = vector.extract_strided_slice %get3A_137 {offsets = [6], sizes = [1], strides = [1]} : vector<16xi32> to vector<1xi32>
      %squeeze3A_221 = vector.extract %slice3A_220[0] : i32 from vector<1xi32>
      %mul3A_222 = arith.constant 16 : i32
      %mul3A_223 = arith.muli %scan3A_132, %mul3A_222 : i32
      %add3A_224 = arith.constant 6 : i32
      %add3A_225 = arith.addi %mul3A_223, %add3A_224 : i32
      %dma_start3A_226 = arith.constant 0 : i32
      %dma_start3A_227 = tpu.memref_slice %arg11[%add3A_225, %dma_start3A_226] : memref<256x64xf32, #tpu.memory_space<vmem>> -> memref<1x64xf32, #tpu.memory_space<vmem>>
      %dma_start3A_228 = arith.constant 0 : i32
      %dma_start3A_229 = tpu.memref_slice %arg6[%squeeze3A_221, %dma_start3A_228] : memref<1000x64xf32, #tpu.memory_space<hbm>> -> memref<1x64xf32, #tpu.memory_space<hbm>>
      %dma_start3A_230 = arith.constant 0 : i32
      %dma_start3A_231 = tpu.memref_slice %arg11[%add3A_225, %dma_start3A_230] : memref<256x64xf32, #tpu.memory_space<vmem>> -> memref<1x64xf32, #tpu.memory_space<vmem>>
      %dma_start3A_232 = arith.constant 0 : i32
      %dma_start3A_233 = tpu.memref_slice %arg6[%squeeze3A_221, %dma_start3A_232] : memref<1000x64xf32, #tpu.memory_space<hbm>> -> memref<1x64xf32, #tpu.memory_space<hbm>>
      tpu.enqueue_dma source(%dma_start3A_233 : memref<1x64xf32, #tpu.memory_space<hbm>>) target(%dma_start3A_231 : memref<1x64xf32, #tpu.memory_space<vmem>>) target_semaphore(%arg14 : memref<!tpu.dma_semaphore, #tpu.memory_space<semaphore_mem>>)
      %slice3A_234 = vector.extract_strided_slice %get3A_137 {offsets = [7], sizes = [1], strides = [1]} : vector<16xi32> to vector<1xi32>
      %squeeze3A_235 = vector.extract %slice3A_234[0] : i32 from vector<1xi32>
      %mul3A_236 = arith.constant 16 : i32
      %mul3A_237 = arith.muli %scan3A_132, %mul3A_236 : i32
      %add3A_238 = arith.constant 7 : i32
      %add3A_239 = arith.addi %mul3A_237, %add3A_238 : i32
      %dma_start3A_240 = arith.constant 0 : i32
      %dma_start3A_241 = tpu.memref_slice %arg11[%add3A_239, %dma_start3A_240] : memref<256x64xf32, #tpu.memory_space<vmem>> -> memref<1x64xf32, #tpu.memory_space<vmem>>
      %dma_start3A_242 = arith.constant 0 : i32
      %dma_start3A_243 = tpu.memref_slice %arg6[%squeeze3A_235, %dma_start3A_242] : memref<1000x64xf32, #tpu.memory_space<hbm>> -> memref<1x64xf32, #tpu.memory_space<hbm>>
      %dma_start3A_244 = arith.constant 0 : i32
      %dma_start3A_245 = tpu.memref_slice %arg11[%add3A_239, %dma_start3A_244] : memref<256x64xf32, #tpu.memory_space<vmem>> -> memref<1x64xf32, #tpu.memory_space<vmem>>
      %dma_start3A_246 = arith.constant 0 : i32
      %dma_start3A_247 = tpu.memref_slice %arg6[%squeeze3A_235, %dma_start3A_246] : memref<1000x64xf32, #tpu.memory_space<hbm>> -> memref<1x64xf32, #tpu.memory_space<hbm>>
      tpu.enqueue_dma source(%dma_start3A_247 : memref<1x64xf32, #tpu.memory_space<hbm>>) target(%dma_start3A_245 : memref<1x64xf32, #tpu.memory_space<vmem>>) target_semaphore(%arg14 : memref<!tpu.dma_semaphore, #tpu.memory_space<semaphore_mem>>)
      %slice3A_248 = vector.extract_strided_slice %get3A_137 {offsets = [8], sizes = [1], strides = [1]} : vector<16xi32> to vector<1xi32>
      %squeeze3A_249 = vector.extract %slice3A_248[0] : i32 from vector<1xi32>
      %mul3A_250 = arith.constant 16 : i32
      %mul3A_251 = arith.muli %scan3A_132, %mul3A_250 : i32
      %add3A_252 = arith.constant 8 : i32
      %add3A_253 = arith.addi %mul3A_251, %add3A_252 : i32
      %dma_start3A_254 = arith.constant 0 : i32
      %dma_start3A_255 = tpu.memref_slice %arg11[%add3A_253, %dma_start3A_254] : memref<256x64xf32, #tpu.memory_space<vmem>> -> memref<1x64xf32, #tpu.memory_space<vmem>>
      %dma_start3A_256 = arith.constant 0 : i32
      %dma_start3A_257 = tpu.memref_slice %arg6[%squeeze3A_249, %dma_start3A_256] : memref<1000x64xf32, #tpu.memory_space<hbm>> -> memref<1x64xf32, #tpu.memory_space<hbm>>
      %dma_start3A_258 = arith.constant 0 : i32
      %dma_start3A_259 = tpu.memref_slice %arg11[%add3A_253, %dma_start3A_258] : memref<256x64xf32, #tpu.memory_space<vmem>> -> memref<1x64xf32, #tpu.memory_space<vmem>>
      %dma_start3A_260 = arith.constant 0 : i32
      %dma_start3A_261 = tpu.memref_slice %arg6[%squeeze3A_249, %dma_start3A_260] : memref<1000x64xf32, #tpu.memory_space<hbm>> -> memref<1x64xf32, #tpu.memory_space<hbm>>
      tpu.enqueue_dma source(%dma_start3A_261 : memref<1x64xf32, #tpu.memory_space<hbm>>) target(%dma_start3A_259 : memref<1x64xf32, #tpu.memory_space<vmem>>) target_semaphore(%arg14 : memref<!tpu.dma_semaphore, #tpu.memory_space<semaphore_mem>>)
      %slice3A_262 = vector.extract_strided_slice %get3A_137 {offsets = [9], sizes = [1], strides = [1]} : vector<16xi32> to vector<1xi32>
      %squeeze3A_263 = vector.extract %slice3A_262[0] : i32 from vector<1xi32>
      %mul3A_264 = arith.constant 16 : i32
      %mul3A_265 = arith.muli %scan3A_132, %mul3A_264 : i32
      %add3A_266 = arith.constant 9 : i32
      %add3A_267 = arith.addi %mul3A_265, %add3A_266 : i32
      %dma_start3A_268 = arith.constant 0 : i32
      %dma_start3A_269 = tpu.memref_slice %arg11[%add3A_267, %dma_start3A_268] : memref<256x64xf32, #tpu.memory_space<vmem>> -> memref<1x64xf32, #tpu.memory_space<vmem>>
      %dma_start3A_270 = arith.constant 0 : i32
      %dma_start3A_271 = tpu.memref_slice %arg6[%squeeze3A_263, %dma_start3A_270] : memref<1000x64xf32, #tpu.memory_space<hbm>> -> memref<1x64xf32, #tpu.memory_space<hbm>>
      %dma_start3A_272 = arith.constant 0 : i32
      %dma_start3A_273 = tpu.memref_slice %arg11[%add3A_267, %dma_start3A_272] : memref<256x64xf32, #tpu.memory_space<vmem>> -> memref<1x64xf32, #tpu.memory_space<vmem>>
      %dma_start3A_274 = arith.constant 0 : i32
      %dma_start3A_275 = tpu.memref_slice %arg6[%squeeze3A_263, %dma_start3A_274] : memref<1000x64xf32, #tpu.memory_space<hbm>> -> memref<1x64xf32, #tpu.memory_space<hbm>>
      tpu.enqueue_dma source(%dma_start3A_275 : memref<1x64xf32, #tpu.memory_space<hbm>>) target(%dma_start3A_273 : memref<1x64xf32, #tpu.memory_space<vmem>>) target_semaphore(%arg14 : memref<!tpu.dma_semaphore, #tpu.memory_space<semaphore_mem>>)
      %slice3A_276 = vector.extract_strided_slice %get3A_137 {offsets = [10], sizes = [1], strides = [1]} : vector<16xi32> to vector<1xi32>
      %squeeze3A_277 = vector.extract %slice3A_276[0] : i32 from vector<1xi32>
      %mul3A_278 = arith.constant 16 : i32
      %mul3A_279 = arith.muli %scan3A_132, %mul3A_278 : i32
      %add3A_280 = arith.constant 10 : i32
      %add3A_281 = arith.addi %mul3A_279, %add3A_280 : i32
      %dma_start3A_282 = arith.constant 0 : i32
      %dma_start3A_283 = tpu.memref_slice %arg11[%add3A_281, %dma_start3A_282] : memref<256x64xf32, #tpu.memory_space<vmem>> -> memref<1x64xf32, #tpu.memory_space<vmem>>
      %dma_start3A_284 = arith.constant 0 : i32
      %dma_start3A_285 = tpu.memref_slice %arg6[%squeeze3A_277, %dma_start3A_284] : memref<1000x64xf32, #tpu.memory_space<hbm>> -> memref<1x64xf32, #tpu.memory_space<hbm>>
      %dma_start3A_286 = arith.constant 0 : i32
      %dma_start3A_287 = tpu.memref_slice %arg11[%add3A_281, %dma_start3A_286] : memref<256x64xf32, #tpu.memory_space<vmem>> -> memref<1x64xf32, #tpu.memory_space<vmem>>
      %dma_start3A_288 = arith.constant 0 : i32
      %dma_start3A_289 = tpu.memref_slice %arg6[%squeeze3A_277, %dma_start3A_288] : memref<1000x64xf32, #tpu.memory_space<hbm>> -> memref<1x64xf32, #tpu.memory_space<hbm>>
      tpu.enqueue_dma source(%dma_start3A_289 : memref<1x64xf32, #tpu.memory_space<hbm>>) target(%dma_start3A_287 : memref<1x64xf32, #tpu.memory_space<vmem>>) target_semaphore(%arg14 : memref<!tpu.dma_semaphore, #tpu.memory_space<semaphore_mem>>)
      %slice3A_290 = vector.extract_strided_slice %get3A_137 {offsets = [11], sizes = [1], strides = [1]} : vector<16xi32> to vector<1xi32>
      %squeeze3A_291 = vector.extract %slice3A_290[0] : i32 from vector<1xi32>
      %mul3A_292 = arith.constant 16 : i32
      %mul3A_293 = arith.muli %scan3A_132, %mul3A_292 : i32
      %add3A_294 = arith.constant 11 : i32
      %add3A_295 = arith.addi %mul3A_293, %add3A_294 : i32
      %dma_start3A_296 = arith.constant 0 : i32
      %dma_start3A_297 = tpu.memref_slice %arg11[%add3A_295, %dma_start3A_296] : memref<256x64xf32, #tpu.memory_space<vmem>> -> memref<1x64xf32, #tpu.memory_space<vmem>>
      %dma_start3A_298 = arith.constant 0 : i32
      %dma_start3A_299 = tpu.memref_slice %arg6[%squeeze3A_291, %dma_start3A_298] : memref<1000x64xf32, #tpu.memory_space<hbm>> -> memref<1x64xf32, #tpu.memory_space<hbm>>
      %dma_start3A_300 = arith.constant 0 : i32
      %dma_start3A_301 = tpu.memref_slice %arg11[%add3A_295, %dma_start3A_300] : memref<256x64xf32, #tpu.memory_space<vmem>> -> memref<1x64xf32, #tpu.memory_space<vmem>>
      %dma_start3A_302 = arith.constant 0 : i32
      %dma_start3A_303 = tpu.memref_slice %arg6[%squeeze3A_291, %dma_start3A_302] : memref<1000x64xf32, #tpu.memory_space<hbm>> -> memref<1x64xf32, #tpu.memory_space<hbm>>
      tpu.enqueue_dma source(%dma_start3A_303 : memref<1x64xf32, #tpu.memory_space<hbm>>) target(%dma_start3A_301 : memref<1x64xf32, #tpu.memory_space<vmem>>) target_semaphore(%arg14 : memref<!tpu.dma_semaphore, #tpu.memory_space<semaphore_mem>>)
      %slice3A_304 = vector.extract_strided_slice %get3A_137 {offsets = [12], sizes = [1], strides = [1]} : vector<16xi32> to vector<1xi32>
      %squeeze3A_305 = vector.extract %slice3A_304[0] : i32 from vector<1xi32>
      %mul3A_306 = arith.constant 16 : i32
      %mul3A_307 = arith.muli %scan3A_132, %mul3A_306 : i32
      %add3A_308 = arith.constant 12 : i32
      %add3A_309 = arith.addi %mul3A_307, %add3A_308 : i32
      %dma_start3A_310 = arith.constant 0 : i32
      %dma_start3A_311 = tpu.memref_slice %arg11[%add3A_309, %dma_start3A_310] : memref<256x64xf32, #tpu.memory_space<vmem>> -> memref<1x64xf32, #tpu.memory_space<vmem>>
      %dma_start3A_312 = arith.constant 0 : i32
      %dma_start3A_313 = tpu.memref_slice %arg6[%squeeze3A_305, %dma_start3A_312] : memref<1000x64xf32, #tpu.memory_space<hbm>> -> memref<1x64xf32, #tpu.memory_space<hbm>>
      %dma_start3A_314 = arith.constant 0 : i32
      %dma_start3A_315 = tpu.memref_slice %arg11[%add3A_309, %dma_start3A_314] : memref<256x64xf32, #tpu.memory_space<vmem>> -> memref<1x64xf32, #tpu.memory_space<vmem>>
      %dma_start3A_316 = arith.constant 0 : i32
      %dma_start3A_317 = tpu.memref_slice %arg6[%squeeze3A_305, %dma_start3A_316] : memref<1000x64xf32, #tpu.memory_space<hbm>> -> memref<1x64xf32, #tpu.memory_space<hbm>>
      tpu.enqueue_dma source(%dma_start3A_317 : memref<1x64xf32, #tpu.memory_space<hbm>>) target(%dma_start3A_315 : memref<1x64xf32, #tpu.memory_space<vmem>>) target_semaphore(%arg14 : memref<!tpu.dma_semaphore, #tpu.memory_space<semaphore_mem>>)
      %slice3A_318 = vector.extract_strided_slice %get3A_137 {offsets = [13], sizes = [1], strides = [1]} : vector<16xi32> to vector<1xi32>
      %squeeze3A_319 = vector.extract %slice3A_318[0] : i32 from vector<1xi32>
      %mul3A_320 = arith.constant 16 : i32
      %mul3A_321 = arith.muli %scan3A_132, %mul3A_320 : i32
      %add3A_322 = arith.constant 13 : i32
      %add3A_323 = arith.addi %mul3A_321, %add3A_322 : i32
      %dma_start3A_324 = arith.constant 0 : i32
      %dma_start3A_325 = tpu.memref_slice %arg11[%add3A_323, %dma_start3A_324] : memref<256x64xf32, #tpu.memory_space<vmem>> -> memref<1x64xf32, #tpu.memory_space<vmem>>
      %dma_start3A_326 = arith.constant 0 : i32
      %dma_start3A_327 = tpu.memref_slice %arg6[%squeeze3A_319, %dma_start3A_326] : memref<1000x64xf32, #tpu.memory_space<hbm>> -> memref<1x64xf32, #tpu.memory_space<hbm>>
      %dma_start3A_328 = arith.constant 0 : i32
      %dma_start3A_329 = tpu.memref_slice %arg11[%add3A_323, %dma_start3A_328] : memref<256x64xf32, #tpu.memory_space<vmem>> -> memref<1x64xf32, #tpu.memory_space<vmem>>
      %dma_start3A_330 = arith.constant 0 : i32
      %dma_start3A_331 = tpu.memref_slice %arg6[%squeeze3A_319, %dma_start3A_330] : memref<1000x64xf32, #tpu.memory_space<hbm>> -> memref<1x64xf32, #tpu.memory_space<hbm>>
      tpu.enqueue_dma source(%dma_start3A_331 : memref<1x64xf32, #tpu.memory_space<hbm>>) target(%dma_start3A_329 : memref<1x64xf32, #tpu.memory_space<vmem>>) target_semaphore(%arg14 : memref<!tpu.dma_semaphore, #tpu.memory_space<semaphore_mem>>)
      %slice3A_332 = vector.extract_strided_slice %get3A_137 {offsets = [14], sizes = [1], strides = [1]} : vector<16xi32> to vector<1xi32>
      %squeeze3A_333 = vector.extract %slice3A_332[0] : i32 from vector<1xi32>
      %mul3A_334 = arith.constant 16 : i32
      %mul3A_335 = arith.muli %scan3A_132, %mul3A_334 : i32
      %add3A_336 = arith.constant 14 : i32
      %add3A_337 = arith.addi %mul3A_335, %add3A_336 : i32
      %dma_start3A_338 = arith.constant 0 : i32
      %dma_start3A_339 = tpu.memref_slice %arg11[%add3A_337, %dma_start3A_338] : memref<256x64xf32, #tpu.memory_space<vmem>> -> memref<1x64xf32, #tpu.memory_space<vmem>>
      %dma_start3A_340 = arith.constant 0 : i32
      %dma_start3A_341 = tpu.memref_slice %arg6[%squeeze3A_333, %dma_start3A_340] : memref<1000x64xf32, #tpu.memory_space<hbm>> -> memref<1x64xf32, #tpu.memory_space<hbm>>
      %dma_start3A_342 = arith.constant 0 : i32
      %dma_start3A_343 = tpu.memref_slice %arg11[%add3A_337, %dma_start3A_342] : memref<256x64xf32, #tpu.memory_space<vmem>> -> memref<1x64xf32, #tpu.memory_space<vmem>>
      %dma_start3A_344 = arith.constant 0 : i32
      %dma_start3A_345 = tpu.memref_slice %arg6[%squeeze3A_333, %dma_start3A_344] : memref<1000x64xf32, #tpu.memory_space<hbm>> -> memref<1x64xf32, #tpu.memory_space<hbm>>
      tpu.enqueue_dma source(%dma_start3A_345 : memref<1x64xf32, #tpu.memory_space<hbm>>) target(%dma_start3A_343 : memref<1x64xf32, #tpu.memory_space<vmem>>) target_semaphore(%arg14 : memref<!tpu.dma_semaphore, #tpu.memory_space<semaphore_mem>>)
      %slice3A_346 = vector.extract_strided_slice %get3A_137 {offsets = [15], sizes = [1], strides = [1]} : vector<16xi32> to vector<1xi32>
      %squeeze3A_347 = vector.extract %slice3A_346[0] : i32 from vector<1xi32>
      %mul3A_348 = arith.constant 16 : i32
      %mul3A_349 = arith.muli %scan3A_132, %mul3A_348 : i32
      %add3A_350 = arith.constant 15 : i32
      %add3A_351 = arith.addi %mul3A_349, %add3A_350 : i32
      %dma_start3A_352 = arith.constant 0 : i32
      %dma_start3A_353 = tpu.memref_slice %arg11[%add3A_351, %dma_start3A_352] : memref<256x64xf32, #tpu.memory_space<vmem>> -> memref<1x64xf32, #tpu.memory_space<vmem>>
      %dma_start3A_354 = arith.constant 0 : i32
      %dma_start3A_355 = tpu.memref_slice %arg6[%squeeze3A_347, %dma_start3A_354] : memref<1000x64xf32, #tpu.memory_space<hbm>> -> memref<1x64xf32, #tpu.memory_space<hbm>>
      %dma_start3A_356 = arith.constant 0 : i32
      %dma_start3A_357 = tpu.memref_slice %arg11[%add3A_351, %dma_start3A_356] : memref<256x64xf32, #tpu.memory_space<vmem>> -> memref<1x64xf32, #tpu.memory_space<vmem>>
      %dma_start3A_358 = arith.constant 0 : i32
      %dma_start3A_359 = tpu.memref_slice %arg6[%squeeze3A_347, %dma_start3A_358] : memref<1000x64xf32, #tpu.memory_space<hbm>> -> memref<1x64xf32, #tpu.memory_space<hbm>>
      tpu.enqueue_dma source(%dma_start3A_359 : memref<1x64xf32, #tpu.memory_space<hbm>>) target(%dma_start3A_357 : memref<1x64xf32, #tpu.memory_space<vmem>>) target_semaphore(%arg14 : memref<!tpu.dma_semaphore, #tpu.memory_space<semaphore_mem>>)
    }
    %scan3A_7 = arith.constant 16 : i32
    %scan3A_8 = arith.constant 0 : i32
    %scan3A_9 = arith.constant 0 : i32
    %scan3A_10 = arith.constant 16 : i32
    %scan3A_11 = arith.addi %scan3A_9, %scan3A_10 : i32
    %scan3A_12 = arith.constant 1 : i32
    scf.for %scan3A_132 = %scan3A_9 to %scan3A_11 step %scan3A_12  : i32 {
      %mul3A_133 = arith.constant 16 : i32
      %mul3A_134 = arith.muli %scan3A_132, %mul3A_133 : i32
      %add3A_135 = arith.constant 256 : i32
      %add3A_136 = arith.addi %add3A_135, %mul3A_134 : i32
      %get3A = arith.index_cast %add3A_136 : i32 to index
      %get3A_137 = tpu.vector_load %arg10[%get3A] {strides = array<i32>} : memref<512xi32, #tpu.memory_space<vmem>>, vector<16xi32>,
      %slice3A = vector.extract_strided_slice %get3A_137 {offsets = [0], sizes = [1], strides = [1]} : vector<16xi32> to vector<1xi32>
      %squeeze3A = vector.extract %slice3A[0] : i32 from vector<1xi32>
      %mul3A_138 = arith.constant 16 : i32
      %mul3A_139 = arith.muli %scan3A_132, %mul3A_138 : i32
      %add3A_140 = arith.constant 0 : i32
      %add3A_141 = arith.addi %mul3A_139, %add3A_140 : i32
      %dma_start3A_142 = arith.constant 0 : i32
      %dma_start3A_143 = tpu.memref_slice %arg12[%add3A_141, %dma_start3A_142] : memref<256x64xf32, #tpu.memory_space<vmem>> -> memref<1x64xf32, #tpu.memory_space<vmem>>
      %dma_start3A_144 = arith.constant 0 : i32
      %dma_start3A_145 = tpu.memref_slice %arg6[%squeeze3A, %dma_start3A_144] : memref<1000x64xf32, #tpu.memory_space<hbm>> -> memref<1x64xf32, #tpu.memory_space<hbm>>
      %dma_start3A_146 = arith.constant 0 : i32
      %dma_start3A_147 = tpu.memref_slice %arg12[%add3A_141, %dma_start3A_146] : memref<256x64xf32, #tpu.memory_space<vmem>> -> memref<1x64xf32, #tpu.memory_space<vmem>>
      %dma_start3A_148 = arith.constant 0 : i32
      %dma_start3A_149 = tpu.memref_slice %arg6[%squeeze3A, %dma_start3A_148] : memref<1000x64xf32, #tpu.memory_space<hbm>> -> memref<1x64xf32, #tpu.memory_space<hbm>>
      tpu.enqueue_dma source(%dma_start3A_149 : memref<1x64xf32, #tpu.memory_space<hbm>>) target(%dma_start3A_147 : memref<1x64xf32, #tpu.memory_space<vmem>>) target_semaphore(%arg15 : memref<!tpu.dma_semaphore, #tpu.memory_space<semaphore_mem>>)
      %slice3A_150 = vector.extract_strided_slice %get3A_137 {offsets = [1], sizes = [1], strides = [1]} : vector<16xi32> to vector<1xi32>
      %squeeze3A_151 = vector.extract %slice3A_150[0] : i32 from vector<1xi32>
      %mul3A_152 = arith.constant 16 : i32
      %mul3A_153 = arith.muli %scan3A_132, %mul3A_152 : i32
      %add3A_154 = arith.constant 1 : i32
      %add3A_155 = arith.addi %mul3A_153, %add3A_154 : i32
      %dma_start3A_156 = arith.constant 0 : i32
      %dma_start3A_157 = tpu.memref_slice %arg12[%add3A_155, %dma_start3A_156] : memref<256x64xf32, #tpu.memory_space<vmem>> -> memref<1x64xf32, #tpu.memory_space<vmem>>
      %dma_start3A_158 = arith.constant 0 : i32
      %dma_start3A_159 = tpu.memref_slice %arg6[%squeeze3A_151, %dma_start3A_158] : memref<1000x64xf32, #tpu.memory_space<hbm>> -> memref<1x64xf32, #tpu.memory_space<hbm>>
      %dma_start3A_160 = arith.constant 0 : i32
      %dma_start3A_161 = tpu.memref_slice %arg12[%add3A_155, %dma_start3A_160] : memref<256x64xf32, #tpu.memory_space<vmem>> -> memref<1x64xf32, #tpu.memory_space<vmem>>
      %dma_start3A_162 = arith.constant 0 : i32
      %dma_start3A_163 = tpu.memref_slice %arg6[%squeeze3A_151, %dma_start3A_162] : memref<1000x64xf32, #tpu.memory_space<hbm>> -> memref<1x64xf32, #tpu.memory_space<hbm>>
      tpu.enqueue_dma source(%dma_start3A_163 : memref<1x64xf32, #tpu.memory_space<hbm>>) target(%dma_start3A_161 : memref<1x64xf32, #tpu.memory_space<vmem>>) target_semaphore(%arg15 : memref<!tpu.dma_semaphore, #tpu.memory_space<semaphore_mem>>)
      %slice3A_164 = vector.extract_strided_slice %get3A_137 {offsets = [2], sizes = [1], strides = [1]} : vector<16xi32> to vector<1xi32>
      %squeeze3A_165 = vector.extract %slice3A_164[0] : i32 from vector<1xi32>
      %mul3A_166 = arith.constant 16 : i32
      %mul3A_167 = arith.muli %scan3A_132, %mul3A_166 : i32
      %add3A_168 = arith.constant 2 : i32
      %add3A_169 = arith.addi %mul3A_167, %add3A_168 : i32
      %dma_start3A_170 = arith.constant 0 : i32
      %dma_start3A_171 = tpu.memref_slice %arg12[%add3A_169, %dma_start3A_170] : memref<256x64xf32, #tpu.memory_space<vmem>> -> memref<1x64xf32, #tpu.memory_space<vmem>>
      %dma_start3A_172 = arith.constant 0 : i32
      %dma_start3A_173 = tpu.memref_slice %arg6[%squeeze3A_165, %dma_start3A_172] : memref<1000x64xf32, #tpu.memory_space<hbm>> -> memref<1x64xf32, #tpu.memory_space<hbm>>
      %dma_start3A_174 = arith.constant 0 : i32
      %dma_start3A_175 = tpu.memref_slice %arg12[%add3A_169, %dma_start3A_174] : memref<256x64xf32, #tpu.memory_space<vmem>> -> memref<1x64xf32, #tpu.memory_space<vmem>>
      %dma_start3A_176 = arith.constant 0 : i32
      %dma_start3A_177 = tpu.memref_slice %arg6[%squeeze3A_165, %dma_start3A_176] : memref<1000x64xf32, #tpu.memory_space<hbm>> -> memref<1x64xf32, #tpu.memory_space<hbm>>
      tpu.enqueue_dma source(%dma_start3A_177 : memref<1x64xf32, #tpu.memory_space<hbm>>) target(%dma_start3A_175 : memref<1x64xf32, #tpu.memory_space<vmem>>) target_semaphore(%arg15 : memref<!tpu.dma_semaphore, #tpu.memory_space<semaphore_mem>>)
      %slice3A_178 = vector.extract_strided_slice %get3A_137 {offsets = [3], sizes = [1], strides = [1]} : vector<16xi32> to vector<1xi32>
      %squeeze3A_179 = vector.extract %slice3A_178[0] : i32 from vector<1xi32>
      %mul3A_180 = arith.constant 16 : i32
      %mul3A_181 = arith.muli %scan3A_132, %mul3A_180 : i32
      %add3A_182 = arith.constant 3 : i32
      %add3A_183 = arith.addi %mul3A_181, %add3A_182 : i32
      %dma_start3A_184 = arith.constant 0 : i32
      %dma_start3A_185 = tpu.memref_slice %arg12[%add3A_183, %dma_start3A_184] : memref<256x64xf32, #tpu.memory_space<vmem>> -> memref<1x64xf32, #tpu.memory_space<vmem>>
      %dma_start3A_186 = arith.constant 0 : i32
      %dma_start3A_187 = tpu.memref_slice %arg6[%squeeze3A_179, %dma_start3A_186] : memref<1000x64xf32, #tpu.memory_space<hbm>> -> memref<1x64xf32, #tpu.memory_space<hbm>>
      %dma_start3A_188 = arith.constant 0 : i32
      %dma_start3A_189 = tpu.memref_slice %arg12[%add3A_183, %dma_start3A_188] : memref<256x64xf32, #tpu.memory_space<vmem>> -> memref<1x64xf32, #tpu.memory_space<vmem>>
      %dma_start3A_190 = arith.constant 0 : i32
      %dma_start3A_191 = tpu.memref_slice %arg6[%squeeze3A_179, %dma_start3A_190] : memref<1000x64xf32, #tpu.memory_space<hbm>> -> memref<1x64xf32, #tpu.memory_space<hbm>>
      tpu.enqueue_dma source(%dma_start3A_191 : memref<1x64xf32, #tpu.memory_space<hbm>>) target(%dma_start3A_189 : memref<1x64xf32, #tpu.memory_space<vmem>>) target_semaphore(%arg15 : memref<!tpu.dma_semaphore, #tpu.memory_space<semaphore_mem>>)
      %slice3A_192 = vector.extract_strided_slice %get3A_137 {offsets = [4], sizes = [1], strides = [1]} : vector<16xi32> to vector<1xi32>
      %squeeze3A_193 = vector.extract %slice3A_192[0] : i32 from vector<1xi32>
      %mul3A_194 = arith.constant 16 : i32
      %mul3A_195 = arith.muli %scan3A_132, %mul3A_194 : i32
      %add3A_196 = arith.constant 4 : i32
      %add3A_197 = arith.addi %mul3A_195, %add3A_196 : i32
      %dma_start3A_198 = arith.constant 0 : i32
      %dma_start3A_199 = tpu.memref_slice %arg12[%add3A_197, %dma_start3A_198] : memref<256x64xf32, #tpu.memory_space<vmem>> -> memref<1x64xf32, #tpu.memory_space<vmem>>
      %dma_start3A_200 = arith.constant 0 : i32
      %dma_start3A_201 = tpu.memref_slice %arg6[%squeeze3A_193, %dma_start3A_200] : memref<1000x64xf32, #tpu.memory_space<hbm>> -> memref<1x64xf32, #tpu.memory_space<hbm>>
      %dma_start3A_202 = arith.constant 0 : i32
      %dma_start3A_203 = tpu.memref_slice %arg12[%add3A_197, %dma_start3A_202] : memref<256x64xf32, #tpu.memory_space<vmem>> -> memref<1x64xf32, #tpu.memory_space<vmem>>
      %dma_start3A_204 = arith.constant 0 : i32
      %dma_start3A_205 = tpu.memref_slice %arg6[%squeeze3A_193, %dma_start3A_204] : memref<1000x64xf32, #tpu.memory_space<hbm>> -> memref<1x64xf32, #tpu.memory_space<hbm>>
      tpu.enqueue_dma source(%dma_start3A_205 : memref<1x64xf32, #tpu.memory_space<hbm>>) target(%dma_start3A_203 : memref<1x64xf32, #tpu.memory_space<vmem>>) target_semaphore(%arg15 : memref<!tpu.dma_semaphore, #tpu.memory_space<semaphore_mem>>)
      %slice3A_206 = vector.extract_strided_slice %get3A_137 {offsets = [5], sizes = [1], strides = [1]} : vector<16xi32> to vector<1xi32>
      %squeeze3A_207 = vector.extract %slice3A_206[0] : i32 from vector<1xi32>
      %mul3A_208 = arith.constant 16 : i32
      %mul3A_209 = arith.muli %scan3A_132, %mul3A_208 : i32
      %add3A_210 = arith.constant 5 : i32
      %add3A_211 = arith.addi %mul3A_209, %add3A_210 : i32
      %dma_start3A_212 = arith.constant 0 : i32
      %dma_start3A_213 = tpu.memref_slice %arg12[%add3A_211, %dma_start3A_212] : memref<256x64xf32, #tpu.memory_space<vmem>> -> memref<1x64xf32, #tpu.memory_space<vmem>>
      %dma_start3A_214 = arith.constant 0 : i32
      %dma_start3A_215 = tpu.memref_slice %arg6[%squeeze3A_207, %dma_start3A_214] : memref<1000x64xf32, #tpu.memory_space<hbm>> -> memref<1x64xf32, #tpu.memory_space<hbm>>
      %dma_start3A_216 = arith.constant 0 : i32
      %dma_start3A_217 = tpu.memref_slice %arg12[%add3A_211, %dma_start3A_216] : memref<256x64xf32, #tpu.memory_space<vmem>> -> memref<1x64xf32, #tpu.memory_space<vmem>>
      %dma_start3A_218 = arith.constant 0 : i32
      %dma_start3A_219 = tpu.memref_slice %arg6[%squeeze3A_207, %dma_start3A_218] : memref<1000x64xf32, #tpu.memory_space<hbm>> -> memref<1x64xf32, #tpu.memory_space<hbm>>
      tpu.enqueue_dma source(%dma_start3A_219 : memref<1x64xf32, #tpu.memory_space<hbm>>) target(%dma_start3A_217 : memref<1x64xf32, #tpu.memory_space<vmem>>) target_semaphore(%arg15 : memref<!tpu.dma_semaphore, #tpu.memory_space<semaphore_mem>>)
      %slice3A_220 = vector.extract_strided_slice %get3A_137 {offsets = [6], sizes = [1], strides = [1]} : vector<16xi32> to vector<1xi32>
      %squeeze3A_221 = vector.extract %slice3A_220[0] : i32 from vector<1xi32>
      %mul3A_222 = arith.constant 16 : i32
      %mul3A_223 = arith.muli %scan3A_132, %mul3A_222 : i32
      %add3A_224 = arith.constant 6 : i32
      %add3A_225 = arith.addi %mul3A_223, %add3A_224 : i32
      %dma_start3A_226 = arith.constant 0 : i32
      %dma_start3A_227 = tpu.memref_slice %arg12[%add3A_225, %dma_start3A_226] : memref<256x64xf32, #tpu.memory_space<vmem>> -> memref<1x64xf32, #tpu.memory_space<vmem>>
      %dma_start3A_228 = arith.constant 0 : i32
      %dma_start3A_229 = tpu.memref_slice %arg6[%squeeze3A_221, %dma_start3A_228] : memref<1000x64xf32, #tpu.memory_space<hbm>> -> memref<1x64xf32, #tpu.memory_space<hbm>>
      %dma_start3A_230 = arith.constant 0 : i32
      %dma_start3A_231 = tpu.memref_slice %arg12[%add3A_225, %dma_start3A_230] : memref<256x64xf32, #tpu.memory_space<vmem>> -> memref<1x64xf32, #tpu.memory_space<vmem>>
      %dma_start3A_232 = arith.constant 0 : i32
      %dma_start3A_233 = tpu.memref_slice %arg6[%squeeze3A_221, %dma_start3A_232] : memref<1000x64xf32, #tpu.memory_space<hbm>> -> memref<1x64xf32, #tpu.memory_space<hbm>>
      tpu.enqueue_dma source(%dma_start3A_233 : memref<1x64xf32, #tpu.memory_space<hbm>>) target(%dma_start3A_231 : memref<1x64xf32, #tpu.memory_space<vmem>>) target_semaphore(%arg15 : memref<!tpu.dma_semaphore, #tpu.memory_space<semaphore_mem>>)
      %slice3A_234 = vector.extract_strided_slice %get3A_137 {offsets = [7], sizes = [1], strides = [1]} : vector<16xi32> to vector<1xi32>
      %squeeze3A_235 = vector.extract %slice3A_234[0] : i32 from vector<1xi32>
      %mul3A_236 = arith.constant 16 : i32
      %mul3A_237 = arith.muli %scan3A_132, %mul3A_236 : i32
      %add3A_238 = arith.constant 7 : i32
      %add3A_239 = arith.addi %mul3A_237, %add3A_238 : i32
      %dma_start3A_240 = arith.constant 0 : i32
      %dma_start3A_241 = tpu.memref_slice %arg12[%add3A_239, %dma_start3A_240] : memref<256x64xf32, #tpu.memory_space<vmem>> -> memref<1x64xf32, #tpu.memory_space<vmem>>
      %dma_start3A_242 = arith.constant 0 : i32
      %dma_start3A_243 = tpu.memref_slice %arg6[%squeeze3A_235, %dma_start3A_242] : memref<1000x64xf32, #tpu.memory_space<hbm>> -> memref<1x64xf32, #tpu.memory_space<hbm>>
      %dma_start3A_244 = arith.constant 0 : i32
      %dma_start3A_245 = tpu.memref_slice %arg12[%add3A_239, %dma_start3A_244] : memref<256x64xf32, #tpu.memory_space<vmem>> -> memref<1x64xf32, #tpu.memory_space<vmem>>
      %dma_start3A_246 = arith.constant 0 : i32
      %dma_start3A_247 = tpu.memref_slice %arg6[%squeeze3A_235, %dma_start3A_246] : memref<1000x64xf32, #tpu.memory_space<hbm>> -> memref<1x64xf32, #tpu.memory_space<hbm>>
      tpu.enqueue_dma source(%dma_start3A_247 : memref<1x64xf32, #tpu.memory_space<hbm>>) target(%dma_start3A_245 : memref<1x64xf32, #tpu.memory_space<vmem>>) target_semaphore(%arg15 : memref<!tpu.dma_semaphore, #tpu.memory_space<semaphore_mem>>)
      %slice3A_248 = vector.extract_strided_slice %get3A_137 {offsets = [8], sizes = [1], strides = [1]} : vector<16xi32> to vector<1xi32>
      %squeeze3A_249 = vector.extract %slice3A_248[0] : i32 from vector<1xi32>
      %mul3A_250 = arith.constant 16 : i32
      %mul3A_251 = arith.muli %scan3A_132, %mul3A_250 : i32
      %add3A_252 = arith.constant 8 : i32
      %add3A_253 = arith.addi %mul3A_251, %add3A_252 : i32
      %dma_start3A_254 = arith.constant 0 : i32
      %dma_start3A_255 = tpu.memref_slice %arg12[%add3A_253, %dma_start3A_254] : memref<256x64xf32, #tpu.memory_space<vmem>> -> memref<1x64xf32, #tpu.memory_space<vmem>>
      %dma_start3A_256 = arith.constant 0 : i32
      %dma_start3A_257 = tpu.memref_slice %arg6[%squeeze3A_249, %dma_start3A_256] : memref<1000x64xf32, #tpu.memory_space<hbm>> -> memref<1x64xf32, #tpu.memory_space<hbm>>
      %dma_start3A_258 = arith.constant 0 : i32
      %dma_start3A_259 = tpu.memref_slice %arg12[%add3A_253, %dma_start3A_258] : memref<256x64xf32, #tpu.memory_space<vmem>> -> memref<1x64xf32, #tpu.memory_space<vmem>>
      %dma_start3A_260 = arith.constant 0 : i32
      %dma_start3A_261 = tpu.memref_slice %arg6[%squeeze3A_249, %dma_start3A_260] : memref<1000x64xf32, #tpu.memory_space<hbm>> -> memref<1x64xf32, #tpu.memory_space<hbm>>
      tpu.enqueue_dma source(%dma_start3A_261 : memref<1x64xf32, #tpu.memory_space<hbm>>) target(%dma_start3A_259 : memref<1x64xf32, #tpu.memory_space<vmem>>) target_semaphore(%arg15 : memref<!tpu.dma_semaphore, #tpu.memory_space<semaphore_mem>>)
      %slice3A_262 = vector.extract_strided_slice %get3A_137 {offsets = [9], sizes = [1], strides = [1]} : vector<16xi32> to vector<1xi32>
      %squeeze3A_263 = vector.extract %slice3A_262[0] : i32 from vector<1xi32>
      %mul3A_264 = arith.constant 16 : i32
      %mul3A_265 = arith.muli %scan3A_132, %mul3A_264 : i32
      %add3A_266 = arith.constant 9 : i32
      %add3A_267 = arith.addi %mul3A_265, %add3A_266 : i32
      %dma_start3A_268 = arith.constant 0 : i32
      %dma_start3A_269 = tpu.memref_slice %arg12[%add3A_267, %dma_start3A_268] : memref<256x64xf32, #tpu.memory_space<vmem>> -> memref<1x64xf32, #tpu.memory_space<vmem>>
      %dma_start3A_270 = arith.constant 0 : i32
      %dma_start3A_271 = tpu.memref_slice %arg6[%squeeze3A_263, %dma_start3A_270] : memref<1000x64xf32, #tpu.memory_space<hbm>> -> memref<1x64xf32, #tpu.memory_space<hbm>>
      %dma_start3A_272 = arith.constant 0 : i32
      %dma_start3A_273 = tpu.memref_slice %arg12[%add3A_267, %dma_start3A_272] : memref<256x64xf32, #tpu.memory_space<vmem>> -> memref<1x64xf32, #tpu.memory_space<vmem>>
      %dma_start3A_274 = arith.constant 0 : i32
      %dma_start3A_275 = tpu.memref_slice %arg6[%squeeze3A_263, %dma_start3A_274] : memref<1000x64xf32, #tpu.memory_space<hbm>> -> memref<1x64xf32, #tpu.memory_space<hbm>>
      tpu.enqueue_dma source(%dma_start3A_275 : memref<1x64xf32, #tpu.memory_space<hbm>>) target(%dma_start3A_273 : memref<1x64xf32, #tpu.memory_space<vmem>>) target_semaphore(%arg15 : memref<!tpu.dma_semaphore, #tpu.memory_space<semaphore_mem>>)
      %slice3A_276 = vector.extract_strided_slice %get3A_137 {offsets = [10], sizes = [1], strides = [1]} : vector<16xi32> to vector<1xi32>
      %squeeze3A_277 = vector.extract %slice3A_276[0] : i32 from vector<1xi32>
      %mul3A_278 = arith.constant 16 : i32
      %mul3A_279 = arith.muli %scan3A_132, %mul3A_278 : i32
      %add3A_280 = arith.constant 10 : i32
      %add3A_281 = arith.addi %mul3A_279, %add3A_280 : i32
      %dma_start3A_282 = arith.constant 0 : i32
      %dma_start3A_283 = tpu.memref_slice %arg12[%add3A_281, %dma_start3A_282] : memref<256x64xf32, #tpu.memory_space<vmem>> -> memref<1x64xf32, #tpu.memory_space<vmem>>
      %dma_start3A_284 = arith.constant 0 : i32
      %dma_start3A_285 = tpu.memref_slice %arg6[%squeeze3A_277, %dma_start3A_284] : memref<1000x64xf32, #tpu.memory_space<hbm>> -> memref<1x64xf32, #tpu.memory_space<hbm>>
      %dma_start3A_286 = arith.constant 0 : i32
      %dma_start3A_287 = tpu.memref_slice %arg12[%add3A_281, %dma_start3A_286] : memref<256x64xf32, #tpu.memory_space<vmem>> -> memref<1x64xf32, #tpu.memory_space<vmem>>
      %dma_start3A_288 = arith.constant 0 : i32
      %dma_start3A_289 = tpu.memref_slice %arg6[%squeeze3A_277, %dma_start3A_288] : memref<1000x64xf32, #tpu.memory_space<hbm>> -> memref<1x64xf32, #tpu.memory_space<hbm>>
      tpu.enqueue_dma source(%dma_start3A_289 : memref<1x64xf32, #tpu.memory_space<hbm>>) target(%dma_start3A_287 : memref<1x64xf32, #tpu.memory_space<vmem>>) target_semaphore(%arg15 : memref<!tpu.dma_semaphore, #tpu.memory_space<semaphore_mem>>)
      %slice3A_290 = vector.extract_strided_slice %get3A_137 {offsets = [11], sizes = [1], strides = [1]} : vector<16xi32> to vector<1xi32>
      %squeeze3A_291 = vector.extract %slice3A_290[0] : i32 from vector<1xi32>
      %mul3A_292 = arith.constant 16 : i32
      %mul3A_293 = arith.muli %scan3A_132, %mul3A_292 : i32
      %add3A_294 = arith.constant 11 : i32
      %add3A_295 = arith.addi %mul3A_293, %add3A_294 : i32
      %dma_start3A_296 = arith.constant 0 : i32
      %dma_start3A_297 = tpu.memref_slice %arg12[%add3A_295, %dma_start3A_296] : memref<256x64xf32, #tpu.memory_space<vmem>> -> memref<1x64xf32, #tpu.memory_space<vmem>>
      %dma_start3A_298 = arith.constant 0 : i32
      %dma_start3A_299 = tpu.memref_slice %arg6[%squeeze3A_291, %dma_start3A_298] : memref<1000x64xf32, #tpu.memory_space<hbm>> -> memref<1x64xf32, #tpu.memory_space<hbm>>
      %dma_start3A_300 = arith.constant 0 : i32
      %dma_start3A_301 = tpu.memref_slice %arg12[%add3A_295, %dma_start3A_300] : memref<256x64xf32, #tpu.memory_space<vmem>> -> memref<1x64xf32, #tpu.memory_space<vmem>>
      %dma_start3A_302 = arith.constant 0 : i32
      %dma_start3A_303 = tpu.memref_slice %arg6[%squeeze3A_291, %dma_start3A_302] : memref<1000x64xf32, #tpu.memory_space<hbm>> -> memref<1x64xf32, #tpu.memory_space<hbm>>
      tpu.enqueue_dma source(%dma_start3A_303 : memref<1x64xf32, #tpu.memory_space<hbm>>) target(%dma_start3A_301 : memref<1x64xf32, #tpu.memory_space<vmem>>) target_semaphore(%arg15 : memref<!tpu.dma_semaphore, #tpu.memory_space<semaphore_mem>>)
      %slice3A_304 = vector.extract_strided_slice %get3A_137 {offsets = [12], sizes = [1], strides = [1]} : vector<16xi32> to vector<1xi32>
      %squeeze3A_305 = vector.extract %slice3A_304[0] : i32 from vector<1xi32>
      %mul3A_306 = arith.constant 16 : i32
      %mul3A_307 = arith.muli %scan3A_132, %mul3A_306 : i32
      %add3A_308 = arith.constant 12 : i32
      %add3A_309 = arith.addi %mul3A_307, %add3A_308 : i32
      %dma_start3A_310 = arith.constant 0 : i32
      %dma_start3A_311 = tpu.memref_slice %arg12[%add3A_309, %dma_start3A_310] : memref<256x64xf32, #tpu.memory_space<vmem>> -> memref<1x64xf32, #tpu.memory_space<vmem>>
      %dma_start3A_312 = arith.constant 0 : i32
      %dma_start3A_313 = tpu.memref_slice %arg6[%squeeze3A_305, %dma_start3A_312] : memref<1000x64xf32, #tpu.memory_space<hbm>> -> memref<1x64xf32, #tpu.memory_space<hbm>>
      %dma_start3A_314 = arith.constant 0 : i32
      %dma_start3A_315 = tpu.memref_slice %arg12[%add3A_309, %dma_start3A_314] : memref<256x64xf32, #tpu.memory_space<vmem>> -> memref<1x64xf32, #tpu.memory_space<vmem>>
      %dma_start3A_316 = arith.constant 0 : i32
      %dma_start3A_317 = tpu.memref_slice %arg6[%squeeze3A_305, %dma_start3A_316] : memref<1000x64xf32, #tpu.memory_space<hbm>> -> memref<1x64xf32, #tpu.memory_space<hbm>>
      tpu.enqueue_dma source(%dma_start3A_317 : memref<1x64xf32, #tpu.memory_space<hbm>>) target(%dma_start3A_315 : memref<1x64xf32, #tpu.memory_space<vmem>>) target_semaphore(%arg15 : memref<!tpu.dma_semaphore, #tpu.memory_space<semaphore_mem>>)
      %slice3A_318 = vector.extract_strided_slice %get3A_137 {offsets = [13], sizes = [1], strides = [1]} : vector<16xi32> to vector<1xi32>
      %squeeze3A_319 = vector.extract %slice3A_318[0] : i32 from vector<1xi32>
      %mul3A_320 = arith.constant 16 : i32
      %mul3A_321 = arith.muli %scan3A_132, %mul3A_320 : i32
      %add3A_322 = arith.constant 13 : i32
      %add3A_323 = arith.addi %mul3A_321, %add3A_322 : i32
      %dma_start3A_324 = arith.constant 0 : i32
      %dma_start3A_325 = tpu.memref_slice %arg12[%add3A_323, %dma_start3A_324] : memref<256x64xf32, #tpu.memory_space<vmem>> -> memref<1x64xf32, #tpu.memory_space<vmem>>
      %dma_start3A_326 = arith.constant 0 : i32
      %dma_start3A_327 = tpu.memref_slice %arg6[%squeeze3A_319, %dma_start3A_326] : memref<1000x64xf32, #tpu.memory_space<hbm>> -> memref<1x64xf32, #tpu.memory_space<hbm>>
      %dma_start3A_328 = arith.constant 0 : i32
      %dma_start3A_329 = tpu.memref_slice %arg12[%add3A_323, %dma_start3A_328] : memref<256x64xf32, #tpu.memory_space<vmem>> -> memref<1x64xf32, #tpu.memory_space<vmem>>
      %dma_start3A_330 = arith.constant 0 : i32
      %dma_start3A_331 = tpu.memref_slice %arg6[%squeeze3A_319, %dma_start3A_330] : memref<1000x64xf32, #tpu.memory_space<hbm>> -> memref<1x64xf32, #tpu.memory_space<hbm>>
      tpu.enqueue_dma source(%dma_start3A_331 : memref<1x64xf32, #tpu.memory_space<hbm>>) target(%dma_start3A_329 : memref<1x64xf32, #tpu.memory_space<vmem>>) target_semaphore(%arg15 : memref<!tpu.dma_semaphore, #tpu.memory_space<semaphore_mem>>)
      %slice3A_332 = vector.extract_strided_slice %get3A_137 {offsets = [14], sizes = [1], strides = [1]} : vector<16xi32> to vector<1xi32>
      %squeeze3A_333 = vector.extract %slice3A_332[0] : i32 from vector<1xi32>
      %mul3A_334 = arith.constant 16 : i32
      %mul3A_335 = arith.muli %scan3A_132, %mul3A_334 : i32
      %add3A_336 = arith.constant 14 : i32
      %add3A_337 = arith.addi %mul3A_335, %add3A_336 : i32
      %dma_start3A_338 = arith.constant 0 : i32
      %dma_start3A_339 = tpu.memref_slice %arg12[%add3A_337, %dma_start3A_338] : memref<256x64xf32, #tpu.memory_space<vmem>> -> memref<1x64xf32, #tpu.memory_space<vmem>>
      %dma_start3A_340 = arith.constant 0 : i32
      %dma_start3A_341 = tpu.memref_slice %arg6[%squeeze3A_333, %dma_start3A_340] : memref<1000x64xf32, #tpu.memory_space<hbm>> -> memref<1x64xf32, #tpu.memory_space<hbm>>
      %dma_start3A_342 = arith.constant 0 : i32
      %dma_start3A_343 = tpu.memref_slice %arg12[%add3A_337, %dma_start3A_342] : memref<256x64xf32, #tpu.memory_space<vmem>> -> memref<1x64xf32, #tpu.memory_space<vmem>>
      %dma_start3A_344 = arith.constant 0 : i32
      %dma_start3A_345 = tpu.memref_slice %arg6[%squeeze3A_333, %dma_start3A_344] : memref<1000x64xf32, #tpu.memory_space<hbm>> -> memref<1x64xf32, #tpu.memory_space<hbm>>
      tpu.enqueue_dma source(%dma_start3A_345 : memref<1x64xf32, #tpu.memory_space<hbm>>) target(%dma_start3A_343 : memref<1x64xf32, #tpu.memory_space<vmem>>) target_semaphore(%arg15 : memref<!tpu.dma_semaphore, #tpu.memory_space<semaphore_mem>>)
      %slice3A_346 = vector.extract_strided_slice %get3A_137 {offsets = [15], sizes = [1], strides = [1]} : vector<16xi32> to vector<1xi32>
      %squeeze3A_347 = vector.extract %slice3A_346[0] : i32 from vector<1xi32>
      %mul3A_348 = arith.constant 16 : i32
      %mul3A_349 = arith.muli %scan3A_132, %mul3A_348 : i32
      %add3A_350 = arith.constant 15 : i32
      %add3A_351 = arith.addi %mul3A_349, %add3A_350 : i32
      %dma_start3A_352 = arith.constant 0 : i32
      %dma_start3A_353 = tpu.memref_slice %arg12[%add3A_351, %dma_start3A_352] : memref<256x64xf32, #tpu.memory_space<vmem>> -> memref<1x64xf32, #tpu.memory_space<vmem>>
      %dma_start3A_354 = arith.constant 0 : i32
      %dma_start3A_355 = tpu.memref_slice %arg6[%squeeze3A_347, %dma_start3A_354] : memref<1000x64xf32, #tpu.memory_space<hbm>> -> memref<1x64xf32, #tpu.memory_space<hbm>>
      %dma_start3A_356 = arith.constant 0 : i32
      %dma_start3A_357 = tpu.memref_slice %arg12[%add3A_351, %dma_start3A_356] : memref<256x64xf32, #tpu.memory_space<vmem>> -> memref<1x64xf32, #tpu.memory_space<vmem>>
      %dma_start3A_358 = arith.constant 0 : i32
      %dma_start3A_359 = tpu.memref_slice %arg6[%squeeze3A_347, %dma_start3A_358] : memref<1000x64xf32, #tpu.memory_space<hbm>> -> memref<1x64xf32, #tpu.memory_space<hbm>>
      tpu.enqueue_dma source(%dma_start3A_359 : memref<1x64xf32, #tpu.memory_space<hbm>>) target(%dma_start3A_357 : memref<1x64xf32, #tpu.memory_space<vmem>>) target_semaphore(%arg15 : memref<!tpu.dma_semaphore, #tpu.memory_space<semaphore_mem>>)
    }
    %scan3A_13 = arith.constant 16 : i32
    %dma_wait3A = arith.constant 0 : i32
    %dma_wait3A_14 = arith.constant 0 : i32
    %dma_wait3A_15 = tpu.memref_slice %arg6[%dma_wait3A, %dma_wait3A_14] : memref<1000x64xf32, #tpu.memory_space<hbm>> -> memref<256x64xf32, #tpu.memory_space<hbm>>
    %dma_wait3A_16 = arith.constant 0 : i32
    %dma_wait3A_17 = arith.constant 0 : i32
    %dma_wait3A_18 = tpu.memref_slice %arg6[%dma_wait3A_16, %dma_wait3A_17] : memref<1000x64xf32, #tpu.memory_space<hbm>> -> memref<256x64xf32, #tpu.memory_space<hbm>>
    tpu.wait_dma2 semaphore(%arg14 : memref<!tpu.dma_semaphore, #tpu.memory_space<semaphore_mem>>) src(%dma_wait3A_18 : memref<256x64xf32, #tpu.memory_space<hbm>>) dst(%arg11 : memref<256x64xf32, #tpu.memory_space<vmem>>)
    %scan3A_19 = arith.constant 0 : i32
    %scan3A_20 = arith.constant 0 : i32
    %scan3A_21 = arith.constant 16 : i32
    %scan3A_22 = arith.addi %scan3A_20, %scan3A_21 : i32
    %scan3A_23 = arith.constant 1 : i32
    scf.for %scan3A_132 = %scan3A_20 to %scan3A_22 step %scan3A_23  : i32 {
      %iota3A = tpu.iota {dimensions = array<i32: 0>} : vector<16xi32>
      %mul3A_133 = arith.constant 16 : i32
      %mul3A_134 = arith.muli %scan3A_132, %mul3A_133 : i32
      %add3A_135 = vector.broadcast %mul3A_134 : i32 to vector<16xi32>
      %add3A_136 = arith.addi %iota3A, %add3A_135 : vector<16xi32>
      %scan3A_137 = arith.constant 0 : i32
      %scan3A_138 = arith.constant 0 : i32
      %scan3A_139 = arith.constant 8 : i32
      %scan3A_140 = arith.addi %scan3A_138, %scan3A_139 : i32
      %scan3A_141 = arith.constant 1 : i32
      scf.for %scan3A_143 = %scan3A_138 to %scan3A_140 step %scan3A_141  : i32 {
        %mul3A_144 = arith.constant 8 : i32
        %mul3A_145 = arith.muli %scan3A_143, %mul3A_144 : i32
        %add3A_146 = arith.constant 0 : i32
        %add3A_147 = arith.addi %mul3A_145, %add3A_146 : i32
        %broadcast_in_dim3A = arith.constant 0 : i32
        %broadcast_in_dim3A_148 = vector.broadcast %broadcast_in_dim3A : i32 to vector<16xi32>
        %add3A_149 = vector.broadcast %add3A_147 : i32 to vector<16xi32>
        %add3A_150 = arith.addi %broadcast_in_dim3A_148, %add3A_149 : vector<16xi32>
        %gather3A = tpu.vector_load_idx %arg11[%add3A_136, %add3A_150] : memref<256x64xf32, #tpu.memory_space<vmem>>[vector<16xi32>, vector<16xi32>], vector<16xf32>,
        %mul3A_151 = arith.constant 16 : i32
        %mul3A_152 = arith.muli %scan3A_132, %mul3A_151 : i32
        %add3A_153 = arith.constant 0 : i32
        %add3A_154 = arith.addi %add3A_153, %mul3A_152 : i32
        %swap3A = arith.index_cast %add3A_147 : i32 to index
        %swap3A_155 = arith.index_cast %add3A_154 : i32 to index
        %swap3A_156 = tpu.vector_load %arg13[%swap3A, %swap3A_155] {strides = array<i32>} : memref<64x512xf32, #tpu.memory_space<vmem>>, vector<16xf32>,
        tpu.vector_store %arg13[%swap3A, %swap3A_155], %gather3A {strides = array<i32>} : memref<64x512xf32, #tpu.memory_space<vmem>>, vector<16xf32>,
        %mul3A_157 = arith.constant 8 : i32
        %mul3A_158 = arith.muli %scan3A_143, %mul3A_157 : i32
        %add3A_159 = arith.constant 1 : i32
        %add3A_160 = arith.addi %mul3A_158, %add3A_159 : i32
        %broadcast_in_dim3A_161 = arith.constant 0 : i32
        %broadcast_in_dim3A_162 = vector.broadcast %broadcast_in_dim3A_161 : i32 to vector<16xi32>
        %add3A_163 = vector.broadcast %add3A_160 : i32 to vector<16xi32>
        %add3A_164 = arith.addi %broadcast_in_dim3A_162, %add3A_163 : vector<16xi32>
        %gather3A_165 = tpu.vector_load_idx %arg11[%add3A_136, %add3A_164] : memref<256x64xf32, #tpu.memory_space<vmem>>[vector<16xi32>, vector<16xi32>], vector<16xf32>,
        %mul3A_166 = arith.constant 16 : i32
        %mul3A_167 = arith.muli %scan3A_132, %mul3A_166 : i32
        %add3A_168 = arith.constant 0 : i32
        %add3A_169 = arith.addi %add3A_168, %mul3A_167 : i32
        %swap3A_170 = arith.index_cast %add3A_160 : i32 to index
        %swap3A_171 = arith.index_cast %add3A_169 : i32 to index
        %swap3A_172 = tpu.vector_load %arg13[%swap3A_170, %swap3A_171] {strides = array<i32>} : memref<64x512xf32, #tpu.memory_space<vmem>>, vector<16xf32>,
        tpu.vector_store %arg13[%swap3A_170, %swap3A_171], %gather3A_165 {strides = array<i32>} : memref<64x512xf32, #tpu.memory_space<vmem>>, vector<16xf32>,
        %mul3A_173 = arith.constant 8 : i32
        %mul3A_174 = arith.muli %scan3A_143, %mul3A_173 : i32
        %add3A_175 = arith.constant 2 : i32
        %add3A_176 = arith.addi %mul3A_174, %add3A_175 : i32
        %broadcast_in_dim3A_177 = arith.constant 0 : i32
        %broadcast_in_dim3A_178 = vector.broadcast %broadcast_in_dim3A_177 : i32 to vector<16xi32>
        %add3A_179 = vector.broadcast %add3A_176 : i32 to vector<16xi32>
        %add3A_180 = arith.addi %broadcast_in_dim3A_178, %add3A_179 : vector<16xi32>
        %gather3A_181 = tpu.vector_load_idx %arg11[%add3A_136, %add3A_180] : memref<256x64xf32, #tpu.memory_space<vmem>>[vector<16xi32>, vector<16xi32>], vector<16xf32>,
        %mul3A_182 = arith.constant 16 : i32
        %mul3A_183 = arith.muli %scan3A_132, %mul3A_182 : i32
        %add3A_184 = arith.constant 0 : i32
        %add3A_185 = arith.addi %add3A_184, %mul3A_183 : i32
        %swap3A_186 = arith.index_cast %add3A_176 : i32 to index
        %swap3A_187 = arith.index_cast %add3A_185 : i32 to index
        %swap3A_188 = tpu.vector_load %arg13[%swap3A_186, %swap3A_187] {strides = array<i32>} : memref<64x512xf32, #tpu.memory_space<vmem>>, vector<16xf32>,
        tpu.vector_store %arg13[%swap3A_186, %swap3A_187], %gather3A_181 {strides = array<i32>} : memref<64x512xf32, #tpu.memory_space<vmem>>, vector<16xf32>,
        %mul3A_189 = arith.constant 8 : i32
        %mul3A_190 = arith.muli %scan3A_143, %mul3A_189 : i32
        %add3A_191 = arith.constant 3 : i32
        %add3A_192 = arith.addi %mul3A_190, %add3A_191 : i32
        %broadcast_in_dim3A_193 = arith.constant 0 : i32
        %broadcast_in_dim3A_194 = vector.broadcast %broadcast_in_dim3A_193 : i32 to vector<16xi32>
        %add3A_195 = vector.broadcast %add3A_192 : i32 to vector<16xi32>
        %add3A_196 = arith.addi %broadcast_in_dim3A_194, %add3A_195 : vector<16xi32>
        %gather3A_197 = tpu.vector_load_idx %arg11[%add3A_136, %add3A_196] : memref<256x64xf32, #tpu.memory_space<vmem>>[vector<16xi32>, vector<16xi32>], vector<16xf32>,
        %mul3A_198 = arith.constant 16 : i32
        %mul3A_199 = arith.muli %scan3A_132, %mul3A_198 : i32
        %add3A_200 = arith.constant 0 : i32
        %add3A_201 = arith.addi %add3A_200, %mul3A_199 : i32
        %swap3A_202 = arith.index_cast %add3A_192 : i32 to index
        %swap3A_203 = arith.index_cast %add3A_201 : i32 to index
        %swap3A_204 = tpu.vector_load %arg13[%swap3A_202, %swap3A_203] {strides = array<i32>} : memref<64x512xf32, #tpu.memory_space<vmem>>, vector<16xf32>,
        tpu.vector_store %arg13[%swap3A_202, %swap3A_203], %gather3A_197 {strides = array<i32>} : memref<64x512xf32, #tpu.memory_space<vmem>>, vector<16xf32>,
        %mul3A_205 = arith.constant 8 : i32
        %mul3A_206 = arith.muli %scan3A_143, %mul3A_205 : i32
        %add3A_207 = arith.constant 4 : i32
        %add3A_208 = arith.addi %mul3A_206, %add3A_207 : i32
        %broadcast_in_dim3A_209 = arith.constant 0 : i32
        %broadcast_in_dim3A_210 = vector.broadcast %broadcast_in_dim3A_209 : i32 to vector<16xi32>
        %add3A_211 = vector.broadcast %add3A_208 : i32 to vector<16xi32>
        %add3A_212 = arith.addi %broadcast_in_dim3A_210, %add3A_211 : vector<16xi32>
        %gather3A_213 = tpu.vector_load_idx %arg11[%add3A_136, %add3A_212] : memref<256x64xf32, #tpu.memory_space<vmem>>[vector<16xi32>, vector<16xi32>], vector<16xf32>,
        %mul3A_214 = arith.constant 16 : i32
        %mul3A_215 = arith.muli %scan3A_132, %mul3A_214 : i32
        %add3A_216 = arith.constant 0 : i32
        %add3A_217 = arith.addi %add3A_216, %mul3A_215 : i32
        %swap3A_218 = arith.index_cast %add3A_208 : i32 to index
        %swap3A_219 = arith.index_cast %add3A_217 : i32 to index
        %swap3A_220 = tpu.vector_load %arg13[%swap3A_218, %swap3A_219] {strides = array<i32>} : memref<64x512xf32, #tpu.memory_space<vmem>>, vector<16xf32>,
        tpu.vector_store %arg13[%swap3A_218, %swap3A_219], %gather3A_213 {strides = array<i32>} : memref<64x512xf32, #tpu.memory_space<vmem>>, vector<16xf32>,
        %mul3A_221 = arith.constant 8 : i32
        %mul3A_222 = arith.muli %scan3A_143, %mul3A_221 : i32
        %add3A_223 = arith.constant 5 : i32
        %add3A_224 = arith.addi %mul3A_222, %add3A_223 : i32
        %broadcast_in_dim3A_225 = arith.constant 0 : i32
        %broadcast_in_dim3A_226 = vector.broadcast %broadcast_in_dim3A_225 : i32 to vector<16xi32>
        %add3A_227 = vector.broadcast %add3A_224 : i32 to vector<16xi32>
        %add3A_228 = arith.addi %broadcast_in_dim3A_226, %add3A_227 : vector<16xi32>
        %gather3A_229 = tpu.vector_load_idx %arg11[%add3A_136, %add3A_228] : memref<256x64xf32, #tpu.memory_space<vmem>>[vector<16xi32>, vector<16xi32>], vector<16xf32>,
        %mul3A_230 = arith.constant 16 : i32
        %mul3A_231 = arith.muli %scan3A_132, %mul3A_230 : i32
        %add3A_232 = arith.constant 0 : i32
        %add3A_233 = arith.addi %add3A_232, %mul3A_231 : i32
        %swap3A_234 = arith.index_cast %add3A_224 : i32 to index
        %swap3A_235 = arith.index_cast %add3A_233 : i32 to index
        %swap3A_236 = tpu.vector_load %arg13[%swap3A_234, %swap3A_235] {strides = array<i32>} : memref<64x512xf32, #tpu.memory_space<vmem>>, vector<16xf32>,
        tpu.vector_store %arg13[%swap3A_234, %swap3A_235], %gather3A_229 {strides = array<i32>} : memref<64x512xf32, #tpu.memory_space<vmem>>, vector<16xf32>,
        %mul3A_237 = arith.constant 8 : i32
        %mul3A_238 = arith.muli %scan3A_143, %mul3A_237 : i32
        %add3A_239 = arith.constant 6 : i32
        %add3A_240 = arith.addi %mul3A_238, %add3A_239 : i32
        %broadcast_in_dim3A_241 = arith.constant 0 : i32
        %broadcast_in_dim3A_242 = vector.broadcast %broadcast_in_dim3A_241 : i32 to vector<16xi32>
        %add3A_243 = vector.broadcast %add3A_240 : i32 to vector<16xi32>
        %add3A_244 = arith.addi %broadcast_in_dim3A_242, %add3A_243 : vector<16xi32>
        %gather3A_245 = tpu.vector_load_idx %arg11[%add3A_136, %add3A_244] : memref<256x64xf32, #tpu.memory_space<vmem>>[vector<16xi32>, vector<16xi32>], vector<16xf32>,
        %mul3A_246 = arith.constant 16 : i32
        %mul3A_247 = arith.muli %scan3A_132, %mul3A_246 : i32
        %add3A_248 = arith.constant 0 : i32
        %add3A_249 = arith.addi %add3A_248, %mul3A_247 : i32
        %swap3A_250 = arith.index_cast %add3A_240 : i32 to index
        %swap3A_251 = arith.index_cast %add3A_249 : i32 to index
        %swap3A_252 = tpu.vector_load %arg13[%swap3A_250, %swap3A_251] {strides = array<i32>} : memref<64x512xf32, #tpu.memory_space<vmem>>, vector<16xf32>,
        tpu.vector_store %arg13[%swap3A_250, %swap3A_251], %gather3A_245 {strides = array<i32>} : memref<64x512xf32, #tpu.memory_space<vmem>>, vector<16xf32>,
        %mul3A_253 = arith.constant 8 : i32
        %mul3A_254 = arith.muli %scan3A_143, %mul3A_253 : i32
        %add3A_255 = arith.constant 7 : i32
        %add3A_256 = arith.addi %mul3A_254, %add3A_255 : i32
        %broadcast_in_dim3A_257 = arith.constant 0 : i32
        %broadcast_in_dim3A_258 = vector.broadcast %broadcast_in_dim3A_257 : i32 to vector<16xi32>
        %add3A_259 = vector.broadcast %add3A_256 : i32 to vector<16xi32>
        %add3A_260 = arith.addi %broadcast_in_dim3A_258, %add3A_259 : vector<16xi32>
        %gather3A_261 = tpu.vector_load_idx %arg11[%add3A_136, %add3A_260] : memref<256x64xf32, #tpu.memory_space<vmem>>[vector<16xi32>, vector<16xi32>], vector<16xf32>,
        %mul3A_262 = arith.constant 16 : i32
        %mul3A_263 = arith.muli %scan3A_132, %mul3A_262 : i32
        %add3A_264 = arith.constant 0 : i32
        %add3A_265 = arith.addi %add3A_264, %mul3A_263 : i32
        %swap3A_266 = arith.index_cast %add3A_256 : i32 to index
        %swap3A_267 = arith.index_cast %add3A_265 : i32 to index
        %swap3A_268 = tpu.vector_load %arg13[%swap3A_266, %swap3A_267] {strides = array<i32>} : memref<64x512xf32, #tpu.memory_space<vmem>>, vector<16xf32>,
        tpu.vector_store %arg13[%swap3A_266, %swap3A_267], %gather3A_261 {strides = array<i32>} : memref<64x512xf32, #tpu.memory_space<vmem>>, vector<16xf32>,
      }
      %scan3A_142 = arith.constant 8 : i32
    }
    %scan3A_24 = arith.constant 16 : i32
    %dma_wait3A_25 = arith.constant 0 : i32
    %dma_wait3A_26 = arith.constant 0 : i32
    %dma_wait3A_27 = tpu.memref_slice %arg6[%dma_wait3A_25, %dma_wait3A_26] : memref<1000x64xf32, #tpu.memory_space<hbm>> -> memref<256x64xf32, #tpu.memory_space<hbm>>
    %dma_wait3A_28 = arith.constant 0 : i32
    %dma_wait3A_29 = arith.constant 0 : i32
    %dma_wait3A_30 = tpu.memref_slice %arg6[%dma_wait3A_28, %dma_wait3A_29] : memref<1000x64xf32, #tpu.memory_space<hbm>> -> memref<256x64xf32, #tpu.memory_space<hbm>>
    tpu.wait_dma2 semaphore(%arg15 : memref<!tpu.dma_semaphore, #tpu.memory_space<semaphore_mem>>) src(%dma_wait3A_30 : memref<256x64xf32, #tpu.memory_space<hbm>>) dst(%arg12 : memref<256x64xf32, #tpu.memory_space<vmem>>)
    %scan3A_31 = arith.constant 0 : i32
    %scan3A_32 = arith.constant 0 : i32
    %scan3A_33 = arith.constant 16 : i32
    %scan3A_34 = arith.addi %scan3A_32, %scan3A_33 : i32
    %scan3A_35 = arith.constant 1 : i32
    scf.for %scan3A_132 = %scan3A_32 to %scan3A_34 step %scan3A_35  : i32 {
      %iota3A = tpu.iota {dimensions = array<i32: 0>} : vector<16xi32>
      %mul3A_133 = arith.constant 16 : i32
      %mul3A_134 = arith.muli %scan3A_132, %mul3A_133 : i32
      %add3A_135 = vector.broadcast %mul3A_134 : i32 to vector<16xi32>
      %add3A_136 = arith.addi %iota3A, %add3A_135 : vector<16xi32>
      %scan3A_137 = arith.constant 0 : i32
      %scan3A_138 = arith.constant 0 : i32
      %scan3A_139 = arith.constant 8 : i32
      %scan3A_140 = arith.addi %scan3A_138, %scan3A_139 : i32
      %scan3A_141 = arith.constant 1 : i32
      scf.for %scan3A_143 = %scan3A_138 to %scan3A_140 step %scan3A_141  : i32 {
        %mul3A_144 = arith.constant 8 : i32
        %mul3A_145 = arith.muli %scan3A_143, %mul3A_144 : i32
        %add3A_146 = arith.constant 0 : i32
        %add3A_147 = arith.addi %mul3A_145, %add3A_146 : i32
        %broadcast_in_dim3A = arith.constant 0 : i32
        %broadcast_in_dim3A_148 = vector.broadcast %broadcast_in_dim3A : i32 to vector<16xi32>
        %add3A_149 = vector.broadcast %add3A_147 : i32 to vector<16xi32>
        %add3A_150 = arith.addi %broadcast_in_dim3A_148, %add3A_149 : vector<16xi32>
        %gather3A = tpu.vector_load_idx %arg12[%add3A_136, %add3A_150] : memref<256x64xf32, #tpu.memory_space<vmem>>[vector<16xi32>, vector<16xi32>], vector<16xf32>,
        %mul3A_151 = arith.constant 16 : i32
        %mul3A_152 = arith.muli %scan3A_132, %mul3A_151 : i32
        %add3A_153 = arith.constant 256 : i32
        %add3A_154 = arith.addi %add3A_153, %mul3A_152 : i32
        %swap3A = arith.index_cast %add3A_147 : i32 to index
        %swap3A_155 = arith.index_cast %add3A_154 : i32 to index
        %swap3A_156 = tpu.vector_load %arg13[%swap3A, %swap3A_155] {strides = array<i32>} : memref<64x512xf32, #tpu.memory_space<vmem>>, vector<16xf32>,
        tpu.vector_store %arg13[%swap3A, %swap3A_155], %gather3A {strides = array<i32>} : memref<64x512xf32, #tpu.memory_space<vmem>>, vector<16xf32>,
        %mul3A_157 = arith.constant 8 : i32
        %mul3A_158 = arith.muli %scan3A_143, %mul3A_157 : i32
        %add3A_159 = arith.constant 1 : i32
        %add3A_160 = arith.addi %mul3A_158, %add3A_159 : i32
        %broadcast_in_dim3A_161 = arith.constant 0 : i32
        %broadcast_in_dim3A_162 = vector.broadcast %broadcast_in_dim3A_161 : i32 to vector<16xi32>
        %add3A_163 = vector.broadcast %add3A_160 : i32 to vector<16xi32>
        %add3A_164 = arith.addi %broadcast_in_dim3A_162, %add3A_163 : vector<16xi32>
        %gather3A_165 = tpu.vector_load_idx %arg12[%add3A_136, %add3A_164] : memref<256x64xf32, #tpu.memory_space<vmem>>[vector<16xi32>, vector<16xi32>], vector<16xf32>,
        %mul3A_166 = arith.constant 16 : i32
        %mul3A_167 = arith.muli %scan3A_132, %mul3A_166 : i32
        %add3A_168 = arith.constant 256 : i32
        %add3A_169 = arith.addi %add3A_168, %mul3A_167 : i32
        %swap3A_170 = arith.index_cast %add3A_160 : i32 to index
        %swap3A_171 = arith.index_cast %add3A_169 : i32 to index
        %swap3A_172 = tpu.vector_load %arg13[%swap3A_170, %swap3A_171] {strides = array<i32>} : memref<64x512xf32, #tpu.memory_space<vmem>>, vector<16xf32>,
        tpu.vector_store %arg13[%swap3A_170, %swap3A_171], %gather3A_165 {strides = array<i32>} : memref<64x512xf32, #tpu.memory_space<vmem>>, vector<16xf32>,
        %mul3A_173 = arith.constant 8 : i32
        %mul3A_174 = arith.muli %scan3A_143, %mul3A_173 : i32
        %add3A_175 = arith.constant 2 : i32
        %add3A_176 = arith.addi %mul3A_174, %add3A_175 : i32
        %broadcast_in_dim3A_177 = arith.constant 0 : i32
        %broadcast_in_dim3A_178 = vector.broadcast %broadcast_in_dim3A_177 : i32 to vector<16xi32>
        %add3A_179 = vector.broadcast %add3A_176 : i32 to vector<16xi32>
        %add3A_180 = arith.addi %broadcast_in_dim3A_178, %add3A_179 : vector<16xi32>
        %gather3A_181 = tpu.vector_load_idx %arg12[%add3A_136, %add3A_180] : memref<256x64xf32, #tpu.memory_space<vmem>>[vector<16xi32>, vector<16xi32>], vector<16xf32>,
        %mul3A_182 = arith.constant 16 : i32
        %mul3A_183 = arith.muli %scan3A_132, %mul3A_182 : i32
        %add3A_184 = arith.constant 256 : i32
        %add3A_185 = arith.addi %add3A_184, %mul3A_183 : i32
        %swap3A_186 = arith.index_cast %add3A_176 : i32 to index
        %swap3A_187 = arith.index_cast %add3A_185 : i32 to index
        %swap3A_188 = tpu.vector_load %arg13[%swap3A_186, %swap3A_187] {strides = array<i32>} : memref<64x512xf32, #tpu.memory_space<vmem>>, vector<16xf32>,
        tpu.vector_store %arg13[%swap3A_186, %swap3A_187], %gather3A_181 {strides = array<i32>} : memref<64x512xf32, #tpu.memory_space<vmem>>, vector<16xf32>,
        %mul3A_189 = arith.constant 8 : i32
        %mul3A_190 = arith.muli %scan3A_143, %mul3A_189 : i32
        %add3A_191 = arith.constant 3 : i32
        %add3A_192 = arith.addi %mul3A_190, %add3A_191 : i32
        %broadcast_in_dim3A_193 = arith.constant 0 : i32
        %broadcast_in_dim3A_194 = vector.broadcast %broadcast_in_dim3A_193 : i32 to vector<16xi32>
        %add3A_195 = vector.broadcast %add3A_192 : i32 to vector<16xi32>
        %add3A_196 = arith.addi %broadcast_in_dim3A_194, %add3A_195 : vector<16xi32>
        %gather3A_197 = tpu.vector_load_idx %arg12[%add3A_136, %add3A_196] : memref<256x64xf32, #tpu.memory_space<vmem>>[vector<16xi32>, vector<16xi32>], vector<16xf32>,
        %mul3A_198 = arith.constant 16 : i32
        %mul3A_199 = arith.muli %scan3A_132, %mul3A_198 : i32
        %add3A_200 = arith.constant 256 : i32
        %add3A_201 = arith.addi %add3A_200, %mul3A_199 : i32
        %swap3A_202 = arith.index_cast %add3A_192 : i32 to index
        %swap3A_203 = arith.index_cast %add3A_201 : i32 to index
        %swap3A_204 = tpu.vector_load %arg13[%swap3A_202, %swap3A_203] {strides = array<i32>} : memref<64x512xf32, #tpu.memory_space<vmem>>, vector<16xf32>,
        tpu.vector_store %arg13[%swap3A_202, %swap3A_203], %gather3A_197 {strides = array<i32>} : memref<64x512xf32, #tpu.memory_space<vmem>>, vector<16xf32>,
        %mul3A_205 = arith.constant 8 : i32
        %mul3A_206 = arith.muli %scan3A_143, %mul3A_205 : i32
        %add3A_207 = arith.constant 4 : i32
        %add3A_208 = arith.addi %mul3A_206, %add3A_207 : i32
        %broadcast_in_dim3A_209 = arith.constant 0 : i32
        %broadcast_in_dim3A_210 = vector.broadcast %broadcast_in_dim3A_209 : i32 to vector<16xi32>
        %add3A_211 = vector.broadcast %add3A_208 : i32 to vector<16xi32>
        %add3A_212 = arith.addi %broadcast_in_dim3A_210, %add3A_211 : vector<16xi32>
        %gather3A_213 = tpu.vector_load_idx %arg12[%add3A_136, %add3A_212] : memref<256x64xf32, #tpu.memory_space<vmem>>[vector<16xi32>, vector<16xi32>], vector<16xf32>,
        %mul3A_214 = arith.constant 16 : i32
        %mul3A_215 = arith.muli %scan3A_132, %mul3A_214 : i32
        %add3A_216 = arith.constant 256 : i32
        %add3A_217 = arith.addi %add3A_216, %mul3A_215 : i32
        %swap3A_218 = arith.index_cast %add3A_208 : i32 to index
        %swap3A_219 = arith.index_cast %add3A_217 : i32 to index
        %swap3A_220 = tpu.vector_load %arg13[%swap3A_218, %swap3A_219] {strides = array<i32>} : memref<64x512xf32, #tpu.memory_space<vmem>>, vector<16xf32>,
        tpu.vector_store %arg13[%swap3A_218, %swap3A_219], %gather3A_213 {strides = array<i32>} : memref<64x512xf32, #tpu.memory_space<vmem>>, vector<16xf32>,
        %mul3A_221 = arith.constant 8 : i32
        %mul3A_222 = arith.muli %scan3A_143, %mul3A_221 : i32
        %add3A_223 = arith.constant 5 : i32
        %add3A_224 = arith.addi %mul3A_222, %add3A_223 : i32
        %broadcast_in_dim3A_225 = arith.constant 0 : i32
        %broadcast_in_dim3A_226 = vector.broadcast %broadcast_in_dim3A_225 : i32 to vector<16xi32>
        %add3A_227 = vector.broadcast %add3A_224 : i32 to vector<16xi32>
        %add3A_228 = arith.addi %broadcast_in_dim3A_226, %add3A_227 : vector<16xi32>
        %gather3A_229 = tpu.vector_load_idx %arg12[%add3A_136, %add3A_228] : memref<256x64xf32, #tpu.memory_space<vmem>>[vector<16xi32>, vector<16xi32>], vector<16xf32>,
        %mul3A_230 = arith.constant 16 : i32
        %mul3A_231 = arith.muli %scan3A_132, %mul3A_230 : i32
        %add3A_232 = arith.constant 256 : i32
        %add3A_233 = arith.addi %add3A_232, %mul3A_231 : i32
        %swap3A_234 = arith.index_cast %add3A_224 : i32 to index
        %swap3A_235 = arith.index_cast %add3A_233 : i32 to index
        %swap3A_236 = tpu.vector_load %arg13[%swap3A_234, %swap3A_235] {strides = array<i32>} : memref<64x512xf32, #tpu.memory_space<vmem>>, vector<16xf32>,
        tpu.vector_store %arg13[%swap3A_234, %swap3A_235], %gather3A_229 {strides = array<i32>} : memref<64x512xf32, #tpu.memory_space<vmem>>, vector<16xf32>,
        %mul3A_237 = arith.constant 8 : i32
        %mul3A_238 = arith.muli %scan3A_143, %mul3A_237 : i32
        %add3A_239 = arith.constant 6 : i32
        %add3A_240 = arith.addi %mul3A_238, %add3A_239 : i32
        %broadcast_in_dim3A_241 = arith.constant 0 : i32
        %broadcast_in_dim3A_242 = vector.broadcast %broadcast_in_dim3A_241 : i32 to vector<16xi32>
        %add3A_243 = vector.broadcast %add3A_240 : i32 to vector<16xi32>
        %add3A_244 = arith.addi %broadcast_in_dim3A_242, %add3A_243 : vector<16xi32>
        %gather3A_245 = tpu.vector_load_idx %arg12[%add3A_136, %add3A_244] : memref<256x64xf32, #tpu.memory_space<vmem>>[vector<16xi32>, vector<16xi32>], vector<16xf32>,
        %mul3A_246 = arith.constant 16 : i32
        %mul3A_247 = arith.muli %scan3A_132, %mul3A_246 : i32
        %add3A_248 = arith.constant 256 : i32
        %add3A_249 = arith.addi %add3A_248, %mul3A_247 : i32
        %swap3A_250 = arith.index_cast %add3A_240 : i32 to index
        %swap3A_251 = arith.index_cast %add3A_249 : i32 to index
        %swap3A_252 = tpu.vector_load %arg13[%swap3A_250, %swap3A_251] {strides = array<i32>} : memref<64x512xf32, #tpu.memory_space<vmem>>, vector<16xf32>,
        tpu.vector_store %arg13[%swap3A_250, %swap3A_251], %gather3A_245 {strides = array<i32>} : memref<64x512xf32, #tpu.memory_space<vmem>>, vector<16xf32>,
        %mul3A_253 = arith.constant 8 : i32
        %mul3A_254 = arith.muli %scan3A_143, %mul3A_253 : i32
        %add3A_255 = arith.constant 7 : i32
        %add3A_256 = arith.addi %mul3A_254, %add3A_255 : i32
        %broadcast_in_dim3A_257 = arith.constant 0 : i32
        %broadcast_in_dim3A_258 = vector.broadcast %broadcast_in_dim3A_257 : i32 to vector<16xi32>
        %add3A_259 = vector.broadcast %add3A_256 : i32 to vector<16xi32>
        %add3A_260 = arith.addi %broadcast_in_dim3A_258, %add3A_259 : vector<16xi32>
        %gather3A_261 = tpu.vector_load_idx %arg12[%add3A_136, %add3A_260] : memref<256x64xf32, #tpu.memory_space<vmem>>[vector<16xi32>, vector<16xi32>], vector<16xf32>,
        %mul3A_262 = arith.constant 16 : i32
        %mul3A_263 = arith.muli %scan3A_132, %mul3A_262 : i32
        %add3A_264 = arith.constant 256 : i32
        %add3A_265 = arith.addi %add3A_264, %mul3A_263 : i32
        %swap3A_266 = arith.index_cast %add3A_256 : i32 to index
        %swap3A_267 = arith.index_cast %add3A_265 : i32 to index
        %swap3A_268 = tpu.vector_load %arg13[%swap3A_266, %swap3A_267] {strides = array<i32>} : memref<64x512xf32, #tpu.memory_space<vmem>>, vector<16xf32>,
        tpu.vector_store %arg13[%swap3A_266, %swap3A_267], %gather3A_261 {strides = array<i32>} : memref<64x512xf32, #tpu.memory_space<vmem>>, vector<16xf32>,
      }
      %scan3A_142 = arith.constant 8 : i32
    }
    %scan3A_36 = arith.constant 16 : i32
    %dma_start3A = arith.constant 0 : i32
    %dma_start3A_37 = tpu.memref_slice %arg8[%dma_start3A, %mul3A_2] : memref<64x16384xf32, #tpu.memory_space<hbm>> -> memref<64x512xf32, #tpu.memory_space<hbm>>
    %dma_start3A_38 = arith.constant 0 : i32
    %dma_start3A_39 = tpu.memref_slice %arg8[%dma_start3A_38, %mul3A_2] : memref<64x16384xf32, #tpu.memory_space<hbm>> -> memref<64x512xf32, #tpu.memory_space<hbm>>
    tpu.enqueue_dma source(%arg13 : memref<64x512xf32, #tpu.memory_space<vmem>>) target(%dma_start3A_39 : memref<64x512xf32, #tpu.memory_space<hbm>>) target_semaphore(%arg16 : memref<!tpu.dma_semaphore, #tpu.memory_space<semaphore_mem>>)
    "tpu.region"() ({
      %run_scoped3A = tpu.sem_alloc : memref<!tpu.dma_semaphore, #tpu.memory_space<semaphore_mem>>
      %dma_start3A_132 = tpu.memref_slice %arg2[%mul3A_2] : memref<16384xi32, #tpu.memory_space<hbm>> -> memref<512xi32, #tpu.memory_space<hbm>>
      %dma_start3A_133 = tpu.memref_slice %arg2[%mul3A_2] : memref<16384xi32, #tpu.memory_space<hbm>> -> memref<512xi32, #tpu.memory_space<hbm>>
      tpu.enqueue_dma source(%dma_start3A_133 : memref<512xi32, #tpu.memory_space<hbm>>) target(%arg10 : memref<512xi32, #tpu.memory_space<vmem>>) target_semaphore(%run_scoped3A : memref<!tpu.dma_semaphore, #tpu.memory_space<semaphore_mem>>)
      %dma_wait3A_134 = tpu.memref_slice %arg2[%mul3A_2] : memref<16384xi32, #tpu.memory_space<hbm>> -> memref<512xi32, #tpu.memory_space<hbm>>
      %dma_wait3A_135 = tpu.memref_slice %arg2[%mul3A_2] : memref<16384xi32, #tpu.memory_space<hbm>> -> memref<512xi32, #tpu.memory_space<hbm>>
      tpu.wait_dma2 semaphore(%run_scoped3A : memref<!tpu.dma_semaphore, #tpu.memory_space<semaphore_mem>>) src(%dma_wait3A_135 : memref<512xi32, #tpu.memory_space<hbm>>) dst(%arg10 : memref<512xi32, #tpu.memory_space<vmem>>)
      tpu.yield
    }) : () -> ()
    %scan3A_40 = arith.constant 0 : i32
    %scan3A_41 = arith.constant 0 : i32
    %scan3A_42 = arith.constant 16 : i32
    %scan3A_43 = arith.addi %scan3A_41, %scan3A_42 : i32
    %scan3A_44 = arith.constant 1 : i32
    scf.for %scan3A_132 = %scan3A_41 to %scan3A_43 step %scan3A_44  : i32 {
      %mul3A_133 = arith.constant 16 : i32
      %mul3A_134 = arith.muli %scan3A_132, %mul3A_133 : i32
      %add3A_135 = arith.constant 0 : i32
      %add3A_136 = arith.addi %add3A_135, %mul3A_134 : i32
      %get3A = arith.index_cast %add3A_136 : i32 to index
      %get3A_137 = tpu.vector_load %arg10[%get3A] {strides = array<i32>} : memref<512xi32, #tpu.memory_space<vmem>>, vector<16xi32>,
      %slice3A = vector.extract_strided_slice %get3A_137 {offsets = [0], sizes = [1], strides = [1]} : vector<16xi32> to vector<1xi32>
      %squeeze3A = vector.extract %slice3A[0] : i32 from vector<1xi32>
      %mul3A_138 = arith.constant 16 : i32
      %mul3A_139 = arith.muli %scan3A_132, %mul3A_138 : i32
      %add3A_140 = arith.constant 0 : i32
      %add3A_141 = arith.addi %mul3A_139, %add3A_140 : i32
      %dma_start3A_142 = arith.constant 0 : i32
      %dma_start3A_143 = tpu.memref_slice %arg11[%add3A_141, %dma_start3A_142] : memref<256x64xf32, #tpu.memory_space<vmem>> -> memref<1x64xf32, #tpu.memory_space<vmem>>
      %dma_start3A_144 = arith.constant 0 : i32
      %dma_start3A_145 = tpu.memref_slice %arg5[%squeeze3A, %dma_start3A_144] : memref<1000000x64xf32, #tpu.memory_space<hbm>> -> memref<1x64xf32, #tpu.memory_space<hbm>>
      %dma_start3A_146 = arith.constant 0 : i32
      %dma_start3A_147 = tpu.memref_slice %arg11[%add3A_141, %dma_start3A_146] : memref<256x64xf32, #tpu.memory_space<vmem>> -> memref<1x64xf32, #tpu.memory_space<vmem>>
      %dma_start3A_148 = arith.constant 0 : i32
      %dma_start3A_149 = tpu.memref_slice %arg5[%squeeze3A, %dma_start3A_148] : memref<1000000x64xf32, #tpu.memory_space<hbm>> -> memref<1x64xf32, #tpu.memory_space<hbm>>
      tpu.enqueue_dma source(%dma_start3A_149 : memref<1x64xf32, #tpu.memory_space<hbm>>) target(%dma_start3A_147 : memref<1x64xf32, #tpu.memory_space<vmem>>) target_semaphore(%arg14 : memref<!tpu.dma_semaphore, #tpu.memory_space<semaphore_mem>>)
      %slice3A_150 = vector.extract_strided_slice %get3A_137 {offsets = [1], sizes = [1], strides = [1]} : vector<16xi32> to vector<1xi32>
      %squeeze3A_151 = vector.extract %slice3A_150[0] : i32 from vector<1xi32>
      %mul3A_152 = arith.constant 16 : i32
      %mul3A_153 = arith.muli %scan3A_132, %mul3A_152 : i32
      %add3A_154 = arith.constant 1 : i32
      %add3A_155 = arith.addi %mul3A_153, %add3A_154 : i32
      %dma_start3A_156 = arith.constant 0 : i32
      %dma_start3A_157 = tpu.memref_slice %arg11[%add3A_155, %dma_start3A_156] : memref<256x64xf32, #tpu.memory_space<vmem>> -> memref<1x64xf32, #tpu.memory_space<vmem>>
      %dma_start3A_158 = arith.constant 0 : i32
      %dma_start3A_159 = tpu.memref_slice %arg5[%squeeze3A_151, %dma_start3A_158] : memref<1000000x64xf32, #tpu.memory_space<hbm>> -> memref<1x64xf32, #tpu.memory_space<hbm>>
      %dma_start3A_160 = arith.constant 0 : i32
      %dma_start3A_161 = tpu.memref_slice %arg11[%add3A_155, %dma_start3A_160] : memref<256x64xf32, #tpu.memory_space<vmem>> -> memref<1x64xf32, #tpu.memory_space<vmem>>
      %dma_start3A_162 = arith.constant 0 : i32
      %dma_start3A_163 = tpu.memref_slice %arg5[%squeeze3A_151, %dma_start3A_162] : memref<1000000x64xf32, #tpu.memory_space<hbm>> -> memref<1x64xf32, #tpu.memory_space<hbm>>
      tpu.enqueue_dma source(%dma_start3A_163 : memref<1x64xf32, #tpu.memory_space<hbm>>) target(%dma_start3A_161 : memref<1x64xf32, #tpu.memory_space<vmem>>) target_semaphore(%arg14 : memref<!tpu.dma_semaphore, #tpu.memory_space<semaphore_mem>>)
      %slice3A_164 = vector.extract_strided_slice %get3A_137 {offsets = [2], sizes = [1], strides = [1]} : vector<16xi32> to vector<1xi32>
      %squeeze3A_165 = vector.extract %slice3A_164[0] : i32 from vector<1xi32>
      %mul3A_166 = arith.constant 16 : i32
      %mul3A_167 = arith.muli %scan3A_132, %mul3A_166 : i32
      %add3A_168 = arith.constant 2 : i32
      %add3A_169 = arith.addi %mul3A_167, %add3A_168 : i32
      %dma_start3A_170 = arith.constant 0 : i32
      %dma_start3A_171 = tpu.memref_slice %arg11[%add3A_169, %dma_start3A_170] : memref<256x64xf32, #tpu.memory_space<vmem>> -> memref<1x64xf32, #tpu.memory_space<vmem>>
      %dma_start3A_172 = arith.constant 0 : i32
      %dma_start3A_173 = tpu.memref_slice %arg5[%squeeze3A_165, %dma_start3A_172] : memref<1000000x64xf32, #tpu.memory_space<hbm>> -> memref<1x64xf32, #tpu.memory_space<hbm>>
      %dma_start3A_174 = arith.constant 0 : i32
      %dma_start3A_175 = tpu.memref_slice %arg11[%add3A_169, %dma_start3A_174] : memref<256x64xf32, #tpu.memory_space<vmem>> -> memref<1x64xf32, #tpu.memory_space<vmem>>
      %dma_start3A_176 = arith.constant 0 : i32
      %dma_start3A_177 = tpu.memref_slice %arg5[%squeeze3A_165, %dma_start3A_176] : memref<1000000x64xf32, #tpu.memory_space<hbm>> -> memref<1x64xf32, #tpu.memory_space<hbm>>
      tpu.enqueue_dma source(%dma_start3A_177 : memref<1x64xf32, #tpu.memory_space<hbm>>) target(%dma_start3A_175 : memref<1x64xf32, #tpu.memory_space<vmem>>) target_semaphore(%arg14 : memref<!tpu.dma_semaphore, #tpu.memory_space<semaphore_mem>>)
      %slice3A_178 = vector.extract_strided_slice %get3A_137 {offsets = [3], sizes = [1], strides = [1]} : vector<16xi32> to vector<1xi32>
      %squeeze3A_179 = vector.extract %slice3A_178[0] : i32 from vector<1xi32>
      %mul3A_180 = arith.constant 16 : i32
      %mul3A_181 = arith.muli %scan3A_132, %mul3A_180 : i32
      %add3A_182 = arith.constant 3 : i32
      %add3A_183 = arith.addi %mul3A_181, %add3A_182 : i32
      %dma_start3A_184 = arith.constant 0 : i32
      %dma_start3A_185 = tpu.memref_slice %arg11[%add3A_183, %dma_start3A_184] : memref<256x64xf32, #tpu.memory_space<vmem>> -> memref<1x64xf32, #tpu.memory_space<vmem>>
      %dma_start3A_186 = arith.constant 0 : i32
      %dma_start3A_187 = tpu.memref_slice %arg5[%squeeze3A_179, %dma_start3A_186] : memref<1000000x64xf32, #tpu.memory_space<hbm>> -> memref<1x64xf32, #tpu.memory_space<hbm>>
      %dma_start3A_188 = arith.constant 0 : i32
      %dma_start3A_189 = tpu.memref_slice %arg11[%add3A_183, %dma_start3A_188] : memref<256x64xf32, #tpu.memory_space<vmem>> -> memref<1x64xf32, #tpu.memory_space<vmem>>
      %dma_start3A_190 = arith.constant 0 : i32
      %dma_start3A_191 = tpu.memref_slice %arg5[%squeeze3A_179, %dma_start3A_190] : memref<1000000x64xf32, #tpu.memory_space<hbm>> -> memref<1x64xf32, #tpu.memory_space<hbm>>
      tpu.enqueue_dma source(%dma_start3A_191 : memref<1x64xf32, #tpu.memory_space<hbm>>) target(%dma_start3A_189 : memref<1x64xf32, #tpu.memory_space<vmem>>) target_semaphore(%arg14 : memref<!tpu.dma_semaphore, #tpu.memory_space<semaphore_mem>>)
      %slice3A_192 = vector.extract_strided_slice %get3A_137 {offsets = [4], sizes = [1], strides = [1]} : vector<16xi32> to vector<1xi32>
      %squeeze3A_193 = vector.extract %slice3A_192[0] : i32 from vector<1xi32>
      %mul3A_194 = arith.constant 16 : i32
      %mul3A_195 = arith.muli %scan3A_132, %mul3A_194 : i32
      %add3A_196 = arith.constant 4 : i32
      %add3A_197 = arith.addi %mul3A_195, %add3A_196 : i32
      %dma_start3A_198 = arith.constant 0 : i32
      %dma_start3A_199 = tpu.memref_slice %arg11[%add3A_197, %dma_start3A_198] : memref<256x64xf32, #tpu.memory_space<vmem>> -> memref<1x64xf32, #tpu.memory_space<vmem>>
      %dma_start3A_200 = arith.constant 0 : i32
      %dma_start3A_201 = tpu.memref_slice %arg5[%squeeze3A_193, %dma_start3A_200] : memref<1000000x64xf32, #tpu.memory_space<hbm>> -> memref<1x64xf32, #tpu.memory_space<hbm>>
      %dma_start3A_202 = arith.constant 0 : i32
      %dma_start3A_203 = tpu.memref_slice %arg11[%add3A_197, %dma_start3A_202] : memref<256x64xf32, #tpu.memory_space<vmem>> -> memref<1x64xf32, #tpu.memory_space<vmem>>
      %dma_start3A_204 = arith.constant 0 : i32
      %dma_start3A_205 = tpu.memref_slice %arg5[%squeeze3A_193, %dma_start3A_204] : memref<1000000x64xf32, #tpu.memory_space<hbm>> -> memref<1x64xf32, #tpu.memory_space<hbm>>
      tpu.enqueue_dma source(%dma_start3A_205 : memref<1x64xf32, #tpu.memory_space<hbm>>) target(%dma_start3A_203 : memref<1x64xf32, #tpu.memory_space<vmem>>) target_semaphore(%arg14 : memref<!tpu.dma_semaphore, #tpu.memory_space<semaphore_mem>>)
      %slice3A_206 = vector.extract_strided_slice %get3A_137 {offsets = [5], sizes = [1], strides = [1]} : vector<16xi32> to vector<1xi32>
      %squeeze3A_207 = vector.extract %slice3A_206[0] : i32 from vector<1xi32>
      %mul3A_208 = arith.constant 16 : i32
      %mul3A_209 = arith.muli %scan3A_132, %mul3A_208 : i32
      %add3A_210 = arith.constant 5 : i32
      %add3A_211 = arith.addi %mul3A_209, %add3A_210 : i32
      %dma_start3A_212 = arith.constant 0 : i32
      %dma_start3A_213 = tpu.memref_slice %arg11[%add3A_211, %dma_start3A_212] : memref<256x64xf32, #tpu.memory_space<vmem>> -> memref<1x64xf32, #tpu.memory_space<vmem>>
      %dma_start3A_214 = arith.constant 0 : i32
      %dma_start3A_215 = tpu.memref_slice %arg5[%squeeze3A_207, %dma_start3A_214] : memref<1000000x64xf32, #tpu.memory_space<hbm>> -> memref<1x64xf32, #tpu.memory_space<hbm>>
      %dma_start3A_216 = arith.constant 0 : i32
      %dma_start3A_217 = tpu.memref_slice %arg11[%add3A_211, %dma_start3A_216] : memref<256x64xf32, #tpu.memory_space<vmem>> -> memref<1x64xf32, #tpu.memory_space<vmem>>
      %dma_start3A_218 = arith.constant 0 : i32
      %dma_start3A_219 = tpu.memref_slice %arg5[%squeeze3A_207, %dma_start3A_218] : memref<1000000x64xf32, #tpu.memory_space<hbm>> -> memref<1x64xf32, #tpu.memory_space<hbm>>
      tpu.enqueue_dma source(%dma_start3A_219 : memref<1x64xf32, #tpu.memory_space<hbm>>) target(%dma_start3A_217 : memref<1x64xf32, #tpu.memory_space<vmem>>) target_semaphore(%arg14 : memref<!tpu.dma_semaphore, #tpu.memory_space<semaphore_mem>>)
      %slice3A_220 = vector.extract_strided_slice %get3A_137 {offsets = [6], sizes = [1], strides = [1]} : vector<16xi32> to vector<1xi32>
      %squeeze3A_221 = vector.extract %slice3A_220[0] : i32 from vector<1xi32>
      %mul3A_222 = arith.constant 16 : i32
      %mul3A_223 = arith.muli %scan3A_132, %mul3A_222 : i32
      %add3A_224 = arith.constant 6 : i32
      %add3A_225 = arith.addi %mul3A_223, %add3A_224 : i32
      %dma_start3A_226 = arith.constant 0 : i32
      %dma_start3A_227 = tpu.memref_slice %arg11[%add3A_225, %dma_start3A_226] : memref<256x64xf32, #tpu.memory_space<vmem>> -> memref<1x64xf32, #tpu.memory_space<vmem>>
      %dma_start3A_228 = arith.constant 0 : i32
      %dma_start3A_229 = tpu.memref_slice %arg5[%squeeze3A_221, %dma_start3A_228] : memref<1000000x64xf32, #tpu.memory_space<hbm>> -> memref<1x64xf32, #tpu.memory_space<hbm>>
      %dma_start3A_230 = arith.constant 0 : i32
      %dma_start3A_231 = tpu.memref_slice %arg11[%add3A_225, %dma_start3A_230] : memref<256x64xf32, #tpu.memory_space<vmem>> -> memref<1x64xf32, #tpu.memory_space<vmem>>
      %dma_start3A_232 = arith.constant 0 : i32
      %dma_start3A_233 = tpu.memref_slice %arg5[%squeeze3A_221, %dma_start3A_232] : memref<1000000x64xf32, #tpu.memory_space<hbm>> -> memref<1x64xf32, #tpu.memory_space<hbm>>
      tpu.enqueue_dma source(%dma_start3A_233 : memref<1x64xf32, #tpu.memory_space<hbm>>) target(%dma_start3A_231 : memref<1x64xf32, #tpu.memory_space<vmem>>) target_semaphore(%arg14 : memref<!tpu.dma_semaphore, #tpu.memory_space<semaphore_mem>>)
      %slice3A_234 = vector.extract_strided_slice %get3A_137 {offsets = [7], sizes = [1], strides = [1]} : vector<16xi32> to vector<1xi32>
      %squeeze3A_235 = vector.extract %slice3A_234[0] : i32 from vector<1xi32>
      %mul3A_236 = arith.constant 16 : i32
      %mul3A_237 = arith.muli %scan3A_132, %mul3A_236 : i32
      %add3A_238 = arith.constant 7 : i32
      %add3A_239 = arith.addi %mul3A_237, %add3A_238 : i32
      %dma_start3A_240 = arith.constant 0 : i32
      %dma_start3A_241 = tpu.memref_slice %arg11[%add3A_239, %dma_start3A_240] : memref<256x64xf32, #tpu.memory_space<vmem>> -> memref<1x64xf32, #tpu.memory_space<vmem>>
      %dma_start3A_242 = arith.constant 0 : i32
      %dma_start3A_243 = tpu.memref_slice %arg5[%squeeze3A_235, %dma_start3A_242] : memref<1000000x64xf32, #tpu.memory_space<hbm>> -> memref<1x64xf32, #tpu.memory_space<hbm>>
      %dma_start3A_244 = arith.constant 0 : i32
      %dma_start3A_245 = tpu.memref_slice %arg11[%add3A_239, %dma_start3A_244] : memref<256x64xf32, #tpu.memory_space<vmem>> -> memref<1x64xf32, #tpu.memory_space<vmem>>
      %dma_start3A_246 = arith.constant 0 : i32
      %dma_start3A_247 = tpu.memref_slice %arg5[%squeeze3A_235, %dma_start3A_246] : memref<1000000x64xf32, #tpu.memory_space<hbm>> -> memref<1x64xf32, #tpu.memory_space<hbm>>
      tpu.enqueue_dma source(%dma_start3A_247 : memref<1x64xf32, #tpu.memory_space<hbm>>) target(%dma_start3A_245 : memref<1x64xf32, #tpu.memory_space<vmem>>) target_semaphore(%arg14 : memref<!tpu.dma_semaphore, #tpu.memory_space<semaphore_mem>>)
      %slice3A_248 = vector.extract_strided_slice %get3A_137 {offsets = [8], sizes = [1], strides = [1]} : vector<16xi32> to vector<1xi32>
      %squeeze3A_249 = vector.extract %slice3A_248[0] : i32 from vector<1xi32>
      %mul3A_250 = arith.constant 16 : i32
      %mul3A_251 = arith.muli %scan3A_132, %mul3A_250 : i32
      %add3A_252 = arith.constant 8 : i32
      %add3A_253 = arith.addi %mul3A_251, %add3A_252 : i32
      %dma_start3A_254 = arith.constant 0 : i32
      %dma_start3A_255 = tpu.memref_slice %arg11[%add3A_253, %dma_start3A_254] : memref<256x64xf32, #tpu.memory_space<vmem>> -> memref<1x64xf32, #tpu.memory_space<vmem>>
      %dma_start3A_256 = arith.constant 0 : i32
      %dma_start3A_257 = tpu.memref_slice %arg5[%squeeze3A_249, %dma_start3A_256] : memref<1000000x64xf32, #tpu.memory_space<hbm>> -> memref<1x64xf32, #tpu.memory_space<hbm>>
      %dma_start3A_258 = arith.constant 0 : i32
      %dma_start3A_259 = tpu.memref_slice %arg11[%add3A_253, %dma_start3A_258] : memref<256x64xf32, #tpu.memory_space<vmem>> -> memref<1x64xf32, #tpu.memory_space<vmem>>
      %dma_start3A_260 = arith.constant 0 : i32
      %dma_start3A_261 = tpu.memref_slice %arg5[%squeeze3A_249, %dma_start3A_260] : memref<1000000x64xf32, #tpu.memory_space<hbm>> -> memref<1x64xf32, #tpu.memory_space<hbm>>
      tpu.enqueue_dma source(%dma_start3A_261 : memref<1x64xf32, #tpu.memory_space<hbm>>) target(%dma_start3A_259 : memref<1x64xf32, #tpu.memory_space<vmem>>) target_semaphore(%arg14 : memref<!tpu.dma_semaphore, #tpu.memory_space<semaphore_mem>>)
      %slice3A_262 = vector.extract_strided_slice %get3A_137 {offsets = [9], sizes = [1], strides = [1]} : vector<16xi32> to vector<1xi32>
      %squeeze3A_263 = vector.extract %slice3A_262[0] : i32 from vector<1xi32>
      %mul3A_264 = arith.constant 16 : i32
      %mul3A_265 = arith.muli %scan3A_132, %mul3A_264 : i32
      %add3A_266 = arith.constant 9 : i32
      %add3A_267 = arith.addi %mul3A_265, %add3A_266 : i32
      %dma_start3A_268 = arith.constant 0 : i32
      %dma_start3A_269 = tpu.memref_slice %arg11[%add3A_267, %dma_start3A_268] : memref<256x64xf32, #tpu.memory_space<vmem>> -> memref<1x64xf32, #tpu.memory_space<vmem>>
      %dma_start3A_270 = arith.constant 0 : i32
      %dma_start3A_271 = tpu.memref_slice %arg5[%squeeze3A_263, %dma_start3A_270] : memref<1000000x64xf32, #tpu.memory_space<hbm>> -> memref<1x64xf32, #tpu.memory_space<hbm>>
      %dma_start3A_272 = arith.constant 0 : i32
      %dma_start3A_273 = tpu.memref_slice %arg11[%add3A_267, %dma_start3A_272] : memref<256x64xf32, #tpu.memory_space<vmem>> -> memref<1x64xf32, #tpu.memory_space<vmem>>
      %dma_start3A_274 = arith.constant 0 : i32
      %dma_start3A_275 = tpu.memref_slice %arg5[%squeeze3A_263, %dma_start3A_274] : memref<1000000x64xf32, #tpu.memory_space<hbm>> -> memref<1x64xf32, #tpu.memory_space<hbm>>
      tpu.enqueue_dma source(%dma_start3A_275 : memref<1x64xf32, #tpu.memory_space<hbm>>) target(%dma_start3A_273 : memref<1x64xf32, #tpu.memory_space<vmem>>) target_semaphore(%arg14 : memref<!tpu.dma_semaphore, #tpu.memory_space<semaphore_mem>>)
      %slice3A_276 = vector.extract_strided_slice %get3A_137 {offsets = [10], sizes = [1], strides = [1]} : vector<16xi32> to vector<1xi32>
      %squeeze3A_277 = vector.extract %slice3A_276[0] : i32 from vector<1xi32>
      %mul3A_278 = arith.constant 16 : i32
      %mul3A_279 = arith.muli %scan3A_132, %mul3A_278 : i32
      %add3A_280 = arith.constant 10 : i32
      %add3A_281 = arith.addi %mul3A_279, %add3A_280 : i32
      %dma_start3A_282 = arith.constant 0 : i32
      %dma_start3A_283 = tpu.memref_slice %arg11[%add3A_281, %dma_start3A_282] : memref<256x64xf32, #tpu.memory_space<vmem>> -> memref<1x64xf32, #tpu.memory_space<vmem>>
      %dma_start3A_284 = arith.constant 0 : i32
      %dma_start3A_285 = tpu.memref_slice %arg5[%squeeze3A_277, %dma_start3A_284] : memref<1000000x64xf32, #tpu.memory_space<hbm>> -> memref<1x64xf32, #tpu.memory_space<hbm>>
      %dma_start3A_286 = arith.constant 0 : i32
      %dma_start3A_287 = tpu.memref_slice %arg11[%add3A_281, %dma_start3A_286] : memref<256x64xf32, #tpu.memory_space<vmem>> -> memref<1x64xf32, #tpu.memory_space<vmem>>
      %dma_start3A_288 = arith.constant 0 : i32
      %dma_start3A_289 = tpu.memref_slice %arg5[%squeeze3A_277, %dma_start3A_288] : memref<1000000x64xf32, #tpu.memory_space<hbm>> -> memref<1x64xf32, #tpu.memory_space<hbm>>
      tpu.enqueue_dma source(%dma_start3A_289 : memref<1x64xf32, #tpu.memory_space<hbm>>) target(%dma_start3A_287 : memref<1x64xf32, #tpu.memory_space<vmem>>) target_semaphore(%arg14 : memref<!tpu.dma_semaphore, #tpu.memory_space<semaphore_mem>>)
      %slice3A_290 = vector.extract_strided_slice %get3A_137 {offsets = [11], sizes = [1], strides = [1]} : vector<16xi32> to vector<1xi32>
      %squeeze3A_291 = vector.extract %slice3A_290[0] : i32 from vector<1xi32>
      %mul3A_292 = arith.constant 16 : i32
      %mul3A_293 = arith.muli %scan3A_132, %mul3A_292 : i32
      %add3A_294 = arith.constant 11 : i32
      %add3A_295 = arith.addi %mul3A_293, %add3A_294 : i32
      %dma_start3A_296 = arith.constant 0 : i32
      %dma_start3A_297 = tpu.memref_slice %arg11[%add3A_295, %dma_start3A_296] : memref<256x64xf32, #tpu.memory_space<vmem>> -> memref<1x64xf32, #tpu.memory_space<vmem>>
      %dma_start3A_298 = arith.constant 0 : i32
      %dma_start3A_299 = tpu.memref_slice %arg5[%squeeze3A_291, %dma_start3A_298] : memref<1000000x64xf32, #tpu.memory_space<hbm>> -> memref<1x64xf32, #tpu.memory_space<hbm>>
      %dma_start3A_300 = arith.constant 0 : i32
      %dma_start3A_301 = tpu.memref_slice %arg11[%add3A_295, %dma_start3A_300] : memref<256x64xf32, #tpu.memory_space<vmem>> -> memref<1x64xf32, #tpu.memory_space<vmem>>
      %dma_start3A_302 = arith.constant 0 : i32
      %dma_start3A_303 = tpu.memref_slice %arg5[%squeeze3A_291, %dma_start3A_302] : memref<1000000x64xf32, #tpu.memory_space<hbm>> -> memref<1x64xf32, #tpu.memory_space<hbm>>
      tpu.enqueue_dma source(%dma_start3A_303 : memref<1x64xf32, #tpu.memory_space<hbm>>) target(%dma_start3A_301 : memref<1x64xf32, #tpu.memory_space<vmem>>) target_semaphore(%arg14 : memref<!tpu.dma_semaphore, #tpu.memory_space<semaphore_mem>>)
      %slice3A_304 = vector.extract_strided_slice %get3A_137 {offsets = [12], sizes = [1], strides = [1]} : vector<16xi32> to vector<1xi32>
      %squeeze3A_305 = vector.extract %slice3A_304[0] : i32 from vector<1xi32>
      %mul3A_306 = arith.constant 16 : i32
      %mul3A_307 = arith.muli %scan3A_132, %mul3A_306 : i32
      %add3A_308 = arith.constant 12 : i32
      %add3A_309 = arith.addi %mul3A_307, %add3A_308 : i32
      %dma_start3A_310 = arith.constant 0 : i32
      %dma_start3A_311 = tpu.memref_slice %arg11[%add3A_309, %dma_start3A_310] : memref<256x64xf32, #tpu.memory_space<vmem>> -> memref<1x64xf32, #tpu.memory_space<vmem>>
      %dma_start3A_312 = arith.constant 0 : i32
      %dma_start3A_313 = tpu.memref_slice %arg5[%squeeze3A_305, %dma_start3A_312] : memref<1000000x64xf32, #tpu.memory_space<hbm>> -> memref<1x64xf32, #tpu.memory_space<hbm>>
      %dma_start3A_314 = arith.constant 0 : i32
      %dma_start3A_315 = tpu.memref_slice %arg11[%add3A_309, %dma_start3A_314] : memref<256x64xf32, #tpu.memory_space<vmem>> -> memref<1x64xf32, #tpu.memory_space<vmem>>
      %dma_start3A_316 = arith.constant 0 : i32
      %dma_start3A_317 = tpu.memref_slice %arg5[%squeeze3A_305, %dma_start3A_316] : memref<1000000x64xf32, #tpu.memory_space<hbm>> -> memref<1x64xf32, #tpu.memory_space<hbm>>
      tpu.enqueue_dma source(%dma_start3A_317 : memref<1x64xf32, #tpu.memory_space<hbm>>) target(%dma_start3A_315 : memref<1x64xf32, #tpu.memory_space<vmem>>) target_semaphore(%arg14 : memref<!tpu.dma_semaphore, #tpu.memory_space<semaphore_mem>>)
      %slice3A_318 = vector.extract_strided_slice %get3A_137 {offsets = [13], sizes = [1], strides = [1]} : vector<16xi32> to vector<1xi32>
      %squeeze3A_319 = vector.extract %slice3A_318[0] : i32 from vector<1xi32>
      %mul3A_320 = arith.constant 16 : i32
      %mul3A_321 = arith.muli %scan3A_132, %mul3A_320 : i32
      %add3A_322 = arith.constant 13 : i32
      %add3A_323 = arith.addi %mul3A_321, %add3A_322 : i32
      %dma_start3A_324 = arith.constant 0 : i32
      %dma_start3A_325 = tpu.memref_slice %arg11[%add3A_323, %dma_start3A_324] : memref<256x64xf32, #tpu.memory_space<vmem>> -> memref<1x64xf32, #tpu.memory_space<vmem>>
      %dma_start3A_326 = arith.constant 0 : i32
      %dma_start3A_327 = tpu.memref_slice %arg5[%squeeze3A_319, %dma_start3A_326] : memref<1000000x64xf32, #tpu.memory_space<hbm>> -> memref<1x64xf32, #tpu.memory_space<hbm>>
      %dma_start3A_328 = arith.constant 0 : i32
      %dma_start3A_329 = tpu.memref_slice %arg11[%add3A_323, %dma_start3A_328] : memref<256x64xf32, #tpu.memory_space<vmem>> -> memref<1x64xf32, #tpu.memory_space<vmem>>
      %dma_start3A_330 = arith.constant 0 : i32
      %dma_start3A_331 = tpu.memref_slice %arg5[%squeeze3A_319, %dma_start3A_330] : memref<1000000x64xf32, #tpu.memory_space<hbm>> -> memref<1x64xf32, #tpu.memory_space<hbm>>
      tpu.enqueue_dma source(%dma_start3A_331 : memref<1x64xf32, #tpu.memory_space<hbm>>) target(%dma_start3A_329 : memref<1x64xf32, #tpu.memory_space<vmem>>) target_semaphore(%arg14 : memref<!tpu.dma_semaphore, #tpu.memory_space<semaphore_mem>>)
      %slice3A_332 = vector.extract_strided_slice %get3A_137 {offsets = [14], sizes = [1], strides = [1]} : vector<16xi32> to vector<1xi32>
      %squeeze3A_333 = vector.extract %slice3A_332[0] : i32 from vector<1xi32>
      %mul3A_334 = arith.constant 16 : i32
      %mul3A_335 = arith.muli %scan3A_132, %mul3A_334 : i32
      %add3A_336 = arith.constant 14 : i32
      %add3A_337 = arith.addi %mul3A_335, %add3A_336 : i32
      %dma_start3A_338 = arith.constant 0 : i32
      %dma_start3A_339 = tpu.memref_slice %arg11[%add3A_337, %dma_start3A_338] : memref<256x64xf32, #tpu.memory_space<vmem>> -> memref<1x64xf32, #tpu.memory_space<vmem>>
      %dma_start3A_340 = arith.constant 0 : i32
      %dma_start3A_341 = tpu.memref_slice %arg5[%squeeze3A_333, %dma_start3A_340] : memref<1000000x64xf32, #tpu.memory_space<hbm>> -> memref<1x64xf32, #tpu.memory_space<hbm>>
      %dma_start3A_342 = arith.constant 0 : i32
      %dma_start3A_343 = tpu.memref_slice %arg11[%add3A_337, %dma_start3A_342] : memref<256x64xf32, #tpu.memory_space<vmem>> -> memref<1x64xf32, #tpu.memory_space<vmem>>
      %dma_start3A_344 = arith.constant 0 : i32
      %dma_start3A_345 = tpu.memref_slice %arg5[%squeeze3A_333, %dma_start3A_344] : memref<1000000x64xf32, #tpu.memory_space<hbm>> -> memref<1x64xf32, #tpu.memory_space<hbm>>
      tpu.enqueue_dma source(%dma_start3A_345 : memref<1x64xf32, #tpu.memory_space<hbm>>) target(%dma_start3A_343 : memref<1x64xf32, #tpu.memory_space<vmem>>) target_semaphore(%arg14 : memref<!tpu.dma_semaphore, #tpu.memory_space<semaphore_mem>>)
      %slice3A_346 = vector.extract_strided_slice %get3A_137 {offsets = [15], sizes = [1], strides = [1]} : vector<16xi32> to vector<1xi32>
      %squeeze3A_347 = vector.extract %slice3A_346[0] : i32 from vector<1xi32>
      %mul3A_348 = arith.constant 16 : i32
      %mul3A_349 = arith.muli %scan3A_132, %mul3A_348 : i32
      %add3A_350 = arith.constant 15 : i32
      %add3A_351 = arith.addi %mul3A_349, %add3A_350 : i32
      %dma_start3A_352 = arith.constant 0 : i32
      %dma_start3A_353 = tpu.memref_slice %arg11[%add3A_351, %dma_start3A_352] : memref<256x64xf32, #tpu.memory_space<vmem>> -> memref<1x64xf32, #tpu.memory_space<vmem>>
      %dma_start3A_354 = arith.constant 0 : i32
      %dma_start3A_355 = tpu.memref_slice %arg5[%squeeze3A_347, %dma_start3A_354] : memref<1000000x64xf32, #tpu.memory_space<hbm>> -> memref<1x64xf32, #tpu.memory_space<hbm>>
      %dma_start3A_356 = arith.constant 0 : i32
      %dma_start3A_357 = tpu.memref_slice %arg11[%add3A_351, %dma_start3A_356] : memref<256x64xf32, #tpu.memory_space<vmem>> -> memref<1x64xf32, #tpu.memory_space<vmem>>
      %dma_start3A_358 = arith.constant 0 : i32
      %dma_start3A_359 = tpu.memref_slice %arg5[%squeeze3A_347, %dma_start3A_358] : memref<1000000x64xf32, #tpu.memory_space<hbm>> -> memref<1x64xf32, #tpu.memory_space<hbm>>
      tpu.enqueue_dma source(%dma_start3A_359 : memref<1x64xf32, #tpu.memory_space<hbm>>) target(%dma_start3A_357 : memref<1x64xf32, #tpu.memory_space<vmem>>) target_semaphore(%arg14 : memref<!tpu.dma_semaphore, #tpu.memory_space<semaphore_mem>>)
    }
    %scan3A_45 = arith.constant 16 : i32
    %scan3A_46 = arith.constant 0 : i32
    %scan3A_47 = arith.constant 0 : i32
    %scan3A_48 = arith.constant 16 : i32
    %scan3A_49 = arith.addi %scan3A_47, %scan3A_48 : i32
    %scan3A_50 = arith.constant 1 : i32
    scf.for %scan3A_132 = %scan3A_47 to %scan3A_49 step %scan3A_50  : i32 {
      %mul3A_133 = arith.constant 16 : i32
      %mul3A_134 = arith.muli %scan3A_132, %mul3A_133 : i32
      %add3A_135 = arith.constant 256 : i32
      %add3A_136 = arith.addi %add3A_135, %mul3A_134 : i32
      %get3A = arith.index_cast %add3A_136 : i32 to index
      %get3A_137 = tpu.vector_load %arg10[%get3A] {strides = array<i32>} : memref<512xi32, #tpu.memory_space<vmem>>, vector<16xi32>,
      %slice3A = vector.extract_strided_slice %get3A_137 {offsets = [0], sizes = [1], strides = [1]} : vector<16xi32> to vector<1xi32>
      %squeeze3A = vector.extract %slice3A[0] : i32 from vector<1xi32>
      %mul3A_138 = arith.constant 16 : i32
      %mul3A_139 = arith.muli %scan3A_132, %mul3A_138 : i32
      %add3A_140 = arith.constant 0 : i32
      %add3A_141 = arith.addi %mul3A_139, %add3A_140 : i32
      %dma_start3A_142 = arith.constant 0 : i32
      %dma_start3A_143 = tpu.memref_slice %arg12[%add3A_141, %dma_start3A_142] : memref<256x64xf32, #tpu.memory_space<vmem>> -> memref<1x64xf32, #tpu.memory_space<vmem>>
      %dma_start3A_144 = arith.constant 0 : i32
      %dma_start3A_145 = tpu.memref_slice %arg5[%squeeze3A, %dma_start3A_144] : memref<1000000x64xf32, #tpu.memory_space<hbm>> -> memref<1x64xf32, #tpu.memory_space<hbm>>
      %dma_start3A_146 = arith.constant 0 : i32
      %dma_start3A_147 = tpu.memref_slice %arg12[%add3A_141, %dma_start3A_146] : memref<256x64xf32, #tpu.memory_space<vmem>> -> memref<1x64xf32, #tpu.memory_space<vmem>>
      %dma_start3A_148 = arith.constant 0 : i32
      %dma_start3A_149 = tpu.memref_slice %arg5[%squeeze3A, %dma_start3A_148] : memref<1000000x64xf32, #tpu.memory_space<hbm>> -> memref<1x64xf32, #tpu.memory_space<hbm>>
      tpu.enqueue_dma source(%dma_start3A_149 : memref<1x64xf32, #tpu.memory_space<hbm>>) target(%dma_start3A_147 : memref<1x64xf32, #tpu.memory_space<vmem>>) target_semaphore(%arg15 : memref<!tpu.dma_semaphore, #tpu.memory_space<semaphore_mem>>)
      %slice3A_150 = vector.extract_strided_slice %get3A_137 {offsets = [1], sizes = [1], strides = [1]} : vector<16xi32> to vector<1xi32>
      %squeeze3A_151 = vector.extract %slice3A_150[0] : i32 from vector<1xi32>
      %mul3A_152 = arith.constant 16 : i32
      %mul3A_153 = arith.muli %scan3A_132, %mul3A_152 : i32
      %add3A_154 = arith.constant 1 : i32
      %add3A_155 = arith.addi %mul3A_153, %add3A_154 : i32
      %dma_start3A_156 = arith.constant 0 : i32
      %dma_start3A_157 = tpu.memref_slice %arg12[%add3A_155, %dma_start3A_156] : memref<256x64xf32, #tpu.memory_space<vmem>> -> memref<1x64xf32, #tpu.memory_space<vmem>>
      %dma_start3A_158 = arith.constant 0 : i32
      %dma_start3A_159 = tpu.memref_slice %arg5[%squeeze3A_151, %dma_start3A_158] : memref<1000000x64xf32, #tpu.memory_space<hbm>> -> memref<1x64xf32, #tpu.memory_space<hbm>>
      %dma_start3A_160 = arith.constant 0 : i32
      %dma_start3A_161 = tpu.memref_slice %arg12[%add3A_155, %dma_start3A_160] : memref<256x64xf32, #tpu.memory_space<vmem>> -> memref<1x64xf32, #tpu.memory_space<vmem>>
      %dma_start3A_162 = arith.constant 0 : i32
      %dma_start3A_163 = tpu.memref_slice %arg5[%squeeze3A_151, %dma_start3A_162] : memref<1000000x64xf32, #tpu.memory_space<hbm>> -> memref<1x64xf32, #tpu.memory_space<hbm>>
      tpu.enqueue_dma source(%dma_start3A_163 : memref<1x64xf32, #tpu.memory_space<hbm>>) target(%dma_start3A_161 : memref<1x64xf32, #tpu.memory_space<vmem>>) target_semaphore(%arg15 : memref<!tpu.dma_semaphore, #tpu.memory_space<semaphore_mem>>)
      %slice3A_164 = vector.extract_strided_slice %get3A_137 {offsets = [2], sizes = [1], strides = [1]} : vector<16xi32> to vector<1xi32>
      %squeeze3A_165 = vector.extract %slice3A_164[0] : i32 from vector<1xi32>
      %mul3A_166 = arith.constant 16 : i32
      %mul3A_167 = arith.muli %scan3A_132, %mul3A_166 : i32
      %add3A_168 = arith.constant 2 : i32
      %add3A_169 = arith.addi %mul3A_167, %add3A_168 : i32
      %dma_start3A_170 = arith.constant 0 : i32
      %dma_start3A_171 = tpu.memref_slice %arg12[%add3A_169, %dma_start3A_170] : memref<256x64xf32, #tpu.memory_space<vmem>> -> memref<1x64xf32, #tpu.memory_space<vmem>>
      %dma_start3A_172 = arith.constant 0 : i32
      %dma_start3A_173 = tpu.memref_slice %arg5[%squeeze3A_165, %dma_start3A_172] : memref<1000000x64xf32, #tpu.memory_space<hbm>> -> memref<1x64xf32, #tpu.memory_space<hbm>>
      %dma_start3A_174 = arith.constant 0 : i32
      %dma_start3A_175 = tpu.memref_slice %arg12[%add3A_169, %dma_start3A_174] : memref<256x64xf32, #tpu.memory_space<vmem>> -> memref<1x64xf32, #tpu.memory_space<vmem>>
      %dma_start3A_176 = arith.constant 0 : i32
      %dma_start3A_177 = tpu.memref_slice %arg5[%squeeze3A_165, %dma_start3A_176] : memref<1000000x64xf32, #tpu.memory_space<hbm>> -> memref<1x64xf32, #tpu.memory_space<hbm>>
      tpu.enqueue_dma source(%dma_start3A_177 : memref<1x64xf32, #tpu.memory_space<hbm>>) target(%dma_start3A_175 : memref<1x64xf32, #tpu.memory_space<vmem>>) target_semaphore(%arg15 : memref<!tpu.dma_semaphore, #tpu.memory_space<semaphore_mem>>)
      %slice3A_178 = vector.extract_strided_slice %get3A_137 {offsets = [3], sizes = [1], strides = [1]} : vector<16xi32> to vector<1xi32>
      %squeeze3A_179 = vector.extract %slice3A_178[0] : i32 from vector<1xi32>
      %mul3A_180 = arith.constant 16 : i32
      %mul3A_181 = arith.muli %scan3A_132, %mul3A_180 : i32
      %add3A_182 = arith.constant 3 : i32
      %add3A_183 = arith.addi %mul3A_181, %add3A_182 : i32
      %dma_start3A_184 = arith.constant 0 : i32
      %dma_start3A_185 = tpu.memref_slice %arg12[%add3A_183, %dma_start3A_184] : memref<256x64xf32, #tpu.memory_space<vmem>> -> memref<1x64xf32, #tpu.memory_space<vmem>>
      %dma_start3A_186 = arith.constant 0 : i32
      %dma_start3A_187 = tpu.memref_slice %arg5[%squeeze3A_179, %dma_start3A_186] : memref<1000000x64xf32, #tpu.memory_space<hbm>> -> memref<1x64xf32, #tpu.memory_space<hbm>>
      %dma_start3A_188 = arith.constant 0 : i32
      %dma_start3A_189 = tpu.memref_slice %arg12[%add3A_183, %dma_start3A_188] : memref<256x64xf32, #tpu.memory_space<vmem>> -> memref<1x64xf32, #tpu.memory_space<vmem>>
      %dma_start3A_190 = arith.constant 0 : i32
      %dma_start3A_191 = tpu.memref_slice %arg5[%squeeze3A_179, %dma_start3A_190] : memref<1000000x64xf32, #tpu.memory_space<hbm>> -> memref<1x64xf32, #tpu.memory_space<hbm>>
      tpu.enqueue_dma source(%dma_start3A_191 : memref<1x64xf32, #tpu.memory_space<hbm>>) target(%dma_start3A_189 : memref<1x64xf32, #tpu.memory_space<vmem>>) target_semaphore(%arg15 : memref<!tpu.dma_semaphore, #tpu.memory_space<semaphore_mem>>)
      %slice3A_192 = vector.extract_strided_slice %get3A_137 {offsets = [4], sizes = [1], strides = [1]} : vector<16xi32> to vector<1xi32>
      %squeeze3A_193 = vector.extract %slice3A_192[0] : i32 from vector<1xi32>
      %mul3A_194 = arith.constant 16 : i32
      %mul3A_195 = arith.muli %scan3A_132, %mul3A_194 : i32
      %add3A_196 = arith.constant 4 : i32
      %add3A_197 = arith.addi %mul3A_195, %add3A_196 : i32
      %dma_start3A_198 = arith.constant 0 : i32
      %dma_start3A_199 = tpu.memref_slice %arg12[%add3A_197, %dma_start3A_198] : memref<256x64xf32, #tpu.memory_space<vmem>> -> memref<1x64xf32, #tpu.memory_space<vmem>>
      %dma_start3A_200 = arith.constant 0 : i32
      %dma_start3A_201 = tpu.memref_slice %arg5[%squeeze3A_193, %dma_start3A_200] : memref<1000000x64xf32, #tpu.memory_space<hbm>> -> memref<1x64xf32, #tpu.memory_space<hbm>>
      %dma_start3A_202 = arith.constant 0 : i32
      %dma_start3A_203 = tpu.memref_slice %arg12[%add3A_197, %dma_start3A_202] : memref<256x64xf32, #tpu.memory_space<vmem>> -> memref<1x64xf32, #tpu.memory_space<vmem>>
      %dma_start3A_204 = arith.constant 0 : i32
      %dma_start3A_205 = tpu.memref_slice %arg5[%squeeze3A_193, %dma_start3A_204] : memref<1000000x64xf32, #tpu.memory_space<hbm>> -> memref<1x64xf32, #tpu.memory_space<hbm>>
      tpu.enqueue_dma source(%dma_start3A_205 : memref<1x64xf32, #tpu.memory_space<hbm>>) target(%dma_start3A_203 : memref<1x64xf32, #tpu.memory_space<vmem>>) target_semaphore(%arg15 : memref<!tpu.dma_semaphore, #tpu.memory_space<semaphore_mem>>)
      %slice3A_206 = vector.extract_strided_slice %get3A_137 {offsets = [5], sizes = [1], strides = [1]} : vector<16xi32> to vector<1xi32>
      %squeeze3A_207 = vector.extract %slice3A_206[0] : i32 from vector<1xi32>
      %mul3A_208 = arith.constant 16 : i32
      %mul3A_209 = arith.muli %scan3A_132, %mul3A_208 : i32
      %add3A_210 = arith.constant 5 : i32
      %add3A_211 = arith.addi %mul3A_209, %add3A_210 : i32
      %dma_start3A_212 = arith.constant 0 : i32
      %dma_start3A_213 = tpu.memref_slice %arg12[%add3A_211, %dma_start3A_212] : memref<256x64xf32, #tpu.memory_space<vmem>> -> memref<1x64xf32, #tpu.memory_space<vmem>>
      %dma_start3A_214 = arith.constant 0 : i32
      %dma_start3A_215 = tpu.memref_slice %arg5[%squeeze3A_207, %dma_start3A_214] : memref<1000000x64xf32, #tpu.memory_space<hbm>> -> memref<1x64xf32, #tpu.memory_space<hbm>>
      %dma_start3A_216 = arith.constant 0 : i32
      %dma_start3A_217 = tpu.memref_slice %arg12[%add3A_211, %dma_start3A_216] : memref<256x64xf32, #tpu.memory_space<vmem>> -> memref<1x64xf32, #tpu.memory_space<vmem>>
      %dma_start3A_218 = arith.constant 0 : i32
      %dma_start3A_219 = tpu.memref_slice %arg5[%squeeze3A_207, %dma_start3A_218] : memref<1000000x64xf32, #tpu.memory_space<hbm>> -> memref<1x64xf32, #tpu.memory_space<hbm>>
      tpu.enqueue_dma source(%dma_start3A_219 : memref<1x64xf32, #tpu.memory_space<hbm>>) target(%dma_start3A_217 : memref<1x64xf32, #tpu.memory_space<vmem>>) target_semaphore(%arg15 : memref<!tpu.dma_semaphore, #tpu.memory_space<semaphore_mem>>)
      %slice3A_220 = vector.extract_strided_slice %get3A_137 {offsets = [6], sizes = [1], strides = [1]} : vector<16xi32> to vector<1xi32>
      %squeeze3A_221 = vector.extract %slice3A_220[0] : i32 from vector<1xi32>
      %mul3A_222 = arith.constant 16 : i32
      %mul3A_223 = arith.muli %scan3A_132, %mul3A_222 : i32
      %add3A_224 = arith.constant 6 : i32
      %add3A_225 = arith.addi %mul3A_223, %add3A_224 : i32
      %dma_start3A_226 = arith.constant 0 : i32
      %dma_start3A_227 = tpu.memref_slice %arg12[%add3A_225, %dma_start3A_226] : memref<256x64xf32, #tpu.memory_space<vmem>> -> memref<1x64xf32, #tpu.memory_space<vmem>>
      %dma_start3A_228 = arith.constant 0 : i32
      %dma_start3A_229 = tpu.memref_slice %arg5[%squeeze3A_221, %dma_start3A_228] : memref<1000000x64xf32, #tpu.memory_space<hbm>> -> memref<1x64xf32, #tpu.memory_space<hbm>>
      %dma_start3A_230 = arith.constant 0 : i32
      %dma_start3A_231 = tpu.memref_slice %arg12[%add3A_225, %dma_start3A_230] : memref<256x64xf32, #tpu.memory_space<vmem>> -> memref<1x64xf32, #tpu.memory_space<vmem>>
      %dma_start3A_232 = arith.constant 0 : i32
      %dma_start3A_233 = tpu.memref_slice %arg5[%squeeze3A_221, %dma_start3A_232] : memref<1000000x64xf32, #tpu.memory_space<hbm>> -> memref<1x64xf32, #tpu.memory_space<hbm>>
      tpu.enqueue_dma source(%dma_start3A_233 : memref<1x64xf32, #tpu.memory_space<hbm>>) target(%dma_start3A_231 : memref<1x64xf32, #tpu.memory_space<vmem>>) target_semaphore(%arg15 : memref<!tpu.dma_semaphore, #tpu.memory_space<semaphore_mem>>)
      %slice3A_234 = vector.extract_strided_slice %get3A_137 {offsets = [7], sizes = [1], strides = [1]} : vector<16xi32> to vector<1xi32>
      %squeeze3A_235 = vector.extract %slice3A_234[0] : i32 from vector<1xi32>
      %mul3A_236 = arith.constant 16 : i32
      %mul3A_237 = arith.muli %scan3A_132, %mul3A_236 : i32
      %add3A_238 = arith.constant 7 : i32
      %add3A_239 = arith.addi %mul3A_237, %add3A_238 : i32
      %dma_start3A_240 = arith.constant 0 : i32
      %dma_start3A_241 = tpu.memref_slice %arg12[%add3A_239, %dma_start3A_240] : memref<256x64xf32, #tpu.memory_space<vmem>> -> memref<1x64xf32, #tpu.memory_space<vmem>>
      %dma_start3A_242 = arith.constant 0 : i32
      %dma_start3A_243 = tpu.memref_slice %arg5[%squeeze3A_235, %dma_start3A_242] : memref<1000000x64xf32, #tpu.memory_space<hbm>> -> memref<1x64xf32, #tpu.memory_space<hbm>>
      %dma_start3A_244 = arith.constant 0 : i32
      %dma_start3A_245 = tpu.memref_slice %arg12[%add3A_239, %dma_start3A_244] : memref<256x64xf32, #tpu.memory_space<vmem>> -> memref<1x64xf32, #tpu.memory_space<vmem>>
      %dma_start3A_246 = arith.constant 0 : i32
      %dma_start3A_247 = tpu.memref_slice %arg5[%squeeze3A_235, %dma_start3A_246] : memref<1000000x64xf32, #tpu.memory_space<hbm>> -> memref<1x64xf32, #tpu.memory_space<hbm>>
      tpu.enqueue_dma source(%dma_start3A_247 : memref<1x64xf32, #tpu.memory_space<hbm>>) target(%dma_start3A_245 : memref<1x64xf32, #tpu.memory_space<vmem>>) target_semaphore(%arg15 : memref<!tpu.dma_semaphore, #tpu.memory_space<semaphore_mem>>)
      %slice3A_248 = vector.extract_strided_slice %get3A_137 {offsets = [8], sizes = [1], strides = [1]} : vector<16xi32> to vector<1xi32>
      %squeeze3A_249 = vector.extract %slice3A_248[0] : i32 from vector<1xi32>
      %mul3A_250 = arith.constant 16 : i32
      %mul3A_251 = arith.muli %scan3A_132, %mul3A_250 : i32
      %add3A_252 = arith.constant 8 : i32
      %add3A_253 = arith.addi %mul3A_251, %add3A_252 : i32
      %dma_start3A_254 = arith.constant 0 : i32
      %dma_start3A_255 = tpu.memref_slice %arg12[%add3A_253, %dma_start3A_254] : memref<256x64xf32, #tpu.memory_space<vmem>> -> memref<1x64xf32, #tpu.memory_space<vmem>>
      %dma_start3A_256 = arith.constant 0 : i32
      %dma_start3A_257 = tpu.memref_slice %arg5[%squeeze3A_249, %dma_start3A_256] : memref<1000000x64xf32, #tpu.memory_space<hbm>> -> memref<1x64xf32, #tpu.memory_space<hbm>>
      %dma_start3A_258 = arith.constant 0 : i32
      %dma_start3A_259 = tpu.memref_slice %arg12[%add3A_253, %dma_start3A_258] : memref<256x64xf32, #tpu.memory_space<vmem>> -> memref<1x64xf32, #tpu.memory_space<vmem>>
      %dma_start3A_260 = arith.constant 0 : i32
      %dma_start3A_261 = tpu.memref_slice %arg5[%squeeze3A_249, %dma_start3A_260] : memref<1000000x64xf32, #tpu.memory_space<hbm>> -> memref<1x64xf32, #tpu.memory_space<hbm>>
      tpu.enqueue_dma source(%dma_start3A_261 : memref<1x64xf32, #tpu.memory_space<hbm>>) target(%dma_start3A_259 : memref<1x64xf32, #tpu.memory_space<vmem>>) target_semaphore(%arg15 : memref<!tpu.dma_semaphore, #tpu.memory_space<semaphore_mem>>)
      %slice3A_262 = vector.extract_strided_slice %get3A_137 {offsets = [9], sizes = [1], strides = [1]} : vector<16xi32> to vector<1xi32>
      %squeeze3A_263 = vector.extract %slice3A_262[0] : i32 from vector<1xi32>
      %mul3A_264 = arith.constant 16 : i32
      %mul3A_265 = arith.muli %scan3A_132, %mul3A_264 : i32
      %add3A_266 = arith.constant 9 : i32
      %add3A_267 = arith.addi %mul3A_265, %add3A_266 : i32
      %dma_start3A_268 = arith.constant 0 : i32
      %dma_start3A_269 = tpu.memref_slice %arg12[%add3A_267, %dma_start3A_268] : memref<256x64xf32, #tpu.memory_space<vmem>> -> memref<1x64xf32, #tpu.memory_space<vmem>>
      %dma_start3A_270 = arith.constant 0 : i32
      %dma_start3A_271 = tpu.memref_slice %arg5[%squeeze3A_263, %dma_start3A_270] : memref<1000000x64xf32, #tpu.memory_space<hbm>> -> memref<1x64xf32, #tpu.memory_space<hbm>>
      %dma_start3A_272 = arith.constant 0 : i32
      %dma_start3A_273 = tpu.memref_slice %arg12[%add3A_267, %dma_start3A_272] : memref<256x64xf32, #tpu.memory_space<vmem>> -> memref<1x64xf32, #tpu.memory_space<vmem>>
      %dma_start3A_274 = arith.constant 0 : i32
      %dma_start3A_275 = tpu.memref_slice %arg5[%squeeze3A_263, %dma_start3A_274] : memref<1000000x64xf32, #tpu.memory_space<hbm>> -> memref<1x64xf32, #tpu.memory_space<hbm>>
      tpu.enqueue_dma source(%dma_start3A_275 : memref<1x64xf32, #tpu.memory_space<hbm>>) target(%dma_start3A_273 : memref<1x64xf32, #tpu.memory_space<vmem>>) target_semaphore(%arg15 : memref<!tpu.dma_semaphore, #tpu.memory_space<semaphore_mem>>)
      %slice3A_276 = vector.extract_strided_slice %get3A_137 {offsets = [10], sizes = [1], strides = [1]} : vector<16xi32> to vector<1xi32>
      %squeeze3A_277 = vector.extract %slice3A_276[0] : i32 from vector<1xi32>
      %mul3A_278 = arith.constant 16 : i32
      %mul3A_279 = arith.muli %scan3A_132, %mul3A_278 : i32
      %add3A_280 = arith.constant 10 : i32
      %add3A_281 = arith.addi %mul3A_279, %add3A_280 : i32
      %dma_start3A_282 = arith.constant 0 : i32
      %dma_start3A_283 = tpu.memref_slice %arg12[%add3A_281, %dma_start3A_282] : memref<256x64xf32, #tpu.memory_space<vmem>> -> memref<1x64xf32, #tpu.memory_space<vmem>>
      %dma_start3A_284 = arith.constant 0 : i32
      %dma_start3A_285 = tpu.memref_slice %arg5[%squeeze3A_277, %dma_start3A_284] : memref<1000000x64xf32, #tpu.memory_space<hbm>> -> memref<1x64xf32, #tpu.memory_space<hbm>>
      %dma_start3A_286 = arith.constant 0 : i32
      %dma_start3A_287 = tpu.memref_slice %arg12[%add3A_281, %dma_start3A_286] : memref<256x64xf32, #tpu.memory_space<vmem>> -> memref<1x64xf32, #tpu.memory_space<vmem>>
      %dma_start3A_288 = arith.constant 0 : i32
      %dma_start3A_289 = tpu.memref_slice %arg5[%squeeze3A_277, %dma_start3A_288] : memref<1000000x64xf32, #tpu.memory_space<hbm>> -> memref<1x64xf32, #tpu.memory_space<hbm>>
      tpu.enqueue_dma source(%dma_start3A_289 : memref<1x64xf32, #tpu.memory_space<hbm>>) target(%dma_start3A_287 : memref<1x64xf32, #tpu.memory_space<vmem>>) target_semaphore(%arg15 : memref<!tpu.dma_semaphore, #tpu.memory_space<semaphore_mem>>)
      %slice3A_290 = vector.extract_strided_slice %get3A_137 {offsets = [11], sizes = [1], strides = [1]} : vector<16xi32> to vector<1xi32>
      %squeeze3A_291 = vector.extract %slice3A_290[0] : i32 from vector<1xi32>
      %mul3A_292 = arith.constant 16 : i32
      %mul3A_293 = arith.muli %scan3A_132, %mul3A_292 : i32
      %add3A_294 = arith.constant 11 : i32
      %add3A_295 = arith.addi %mul3A_293, %add3A_294 : i32
      %dma_start3A_296 = arith.constant 0 : i32
      %dma_start3A_297 = tpu.memref_slice %arg12[%add3A_295, %dma_start3A_296] : memref<256x64xf32, #tpu.memory_space<vmem>> -> memref<1x64xf32, #tpu.memory_space<vmem>>
      %dma_start3A_298 = arith.constant 0 : i32
      %dma_start3A_299 = tpu.memref_slice %arg5[%squeeze3A_291, %dma_start3A_298] : memref<1000000x64xf32, #tpu.memory_space<hbm>> -> memref<1x64xf32, #tpu.memory_space<hbm>>
      %dma_start3A_300 = arith.constant 0 : i32
      %dma_start3A_301 = tpu.memref_slice %arg12[%add3A_295, %dma_start3A_300] : memref<256x64xf32, #tpu.memory_space<vmem>> -> memref<1x64xf32, #tpu.memory_space<vmem>>
      %dma_start3A_302 = arith.constant 0 : i32
      %dma_start3A_303 = tpu.memref_slice %arg5[%squeeze3A_291, %dma_start3A_302] : memref<1000000x64xf32, #tpu.memory_space<hbm>> -> memref<1x64xf32, #tpu.memory_space<hbm>>
      tpu.enqueue_dma source(%dma_start3A_303 : memref<1x64xf32, #tpu.memory_space<hbm>>) target(%dma_start3A_301 : memref<1x64xf32, #tpu.memory_space<vmem>>) target_semaphore(%arg15 : memref<!tpu.dma_semaphore, #tpu.memory_space<semaphore_mem>>)
      %slice3A_304 = vector.extract_strided_slice %get3A_137 {offsets = [12], sizes = [1], strides = [1]} : vector<16xi32> to vector<1xi32>
      %squeeze3A_305 = vector.extract %slice3A_304[0] : i32 from vector<1xi32>
      %mul3A_306 = arith.constant 16 : i32
      %mul3A_307 = arith.muli %scan3A_132, %mul3A_306 : i32
      %add3A_308 = arith.constant 12 : i32
      %add3A_309 = arith.addi %mul3A_307, %add3A_308 : i32
      %dma_start3A_310 = arith.constant 0 : i32
      %dma_start3A_311 = tpu.memref_slice %arg12[%add3A_309, %dma_start3A_310] : memref<256x64xf32, #tpu.memory_space<vmem>> -> memref<1x64xf32, #tpu.memory_space<vmem>>
      %dma_start3A_312 = arith.constant 0 : i32
      %dma_start3A_313 = tpu.memref_slice %arg5[%squeeze3A_305, %dma_start3A_312] : memref<1000000x64xf32, #tpu.memory_space<hbm>> -> memref<1x64xf32, #tpu.memory_space<hbm>>
      %dma_start3A_314 = arith.constant 0 : i32
      %dma_start3A_315 = tpu.memref_slice %arg12[%add3A_309, %dma_start3A_314] : memref<256x64xf32, #tpu.memory_space<vmem>> -> memref<1x64xf32, #tpu.memory_space<vmem>>
      %dma_start3A_316 = arith.constant 0 : i32
      %dma_start3A_317 = tpu.memref_slice %arg5[%squeeze3A_305, %dma_start3A_316] : memref<1000000x64xf32, #tpu.memory_space<hbm>> -> memref<1x64xf32, #tpu.memory_space<hbm>>
      tpu.enqueue_dma source(%dma_start3A_317 : memref<1x64xf32, #tpu.memory_space<hbm>>) target(%dma_start3A_315 : memref<1x64xf32, #tpu.memory_space<vmem>>) target_semaphore(%arg15 : memref<!tpu.dma_semaphore, #tpu.memory_space<semaphore_mem>>)
      %slice3A_318 = vector.extract_strided_slice %get3A_137 {offsets = [13], sizes = [1], strides = [1]} : vector<16xi32> to vector<1xi32>
      %squeeze3A_319 = vector.extract %slice3A_318[0] : i32 from vector<1xi32>
      %mul3A_320 = arith.constant 16 : i32
      %mul3A_321 = arith.muli %scan3A_132, %mul3A_320 : i32
      %add3A_322 = arith.constant 13 : i32
      %add3A_323 = arith.addi %mul3A_321, %add3A_322 : i32
      %dma_start3A_324 = arith.constant 0 : i32
      %dma_start3A_325 = tpu.memref_slice %arg12[%add3A_323, %dma_start3A_324] : memref<256x64xf32, #tpu.memory_space<vmem>> -> memref<1x64xf32, #tpu.memory_space<vmem>>
      %dma_start3A_326 = arith.constant 0 : i32
      %dma_start3A_327 = tpu.memref_slice %arg5[%squeeze3A_319, %dma_start3A_326] : memref<1000000x64xf32, #tpu.memory_space<hbm>> -> memref<1x64xf32, #tpu.memory_space<hbm>>
      %dma_start3A_328 = arith.constant 0 : i32
      %dma_start3A_329 = tpu.memref_slice %arg12[%add3A_323, %dma_start3A_328] : memref<256x64xf32, #tpu.memory_space<vmem>> -> memref<1x64xf32, #tpu.memory_space<vmem>>
      %dma_start3A_330 = arith.constant 0 : i32
      %dma_start3A_331 = tpu.memref_slice %arg5[%squeeze3A_319, %dma_start3A_330] : memref<1000000x64xf32, #tpu.memory_space<hbm>> -> memref<1x64xf32, #tpu.memory_space<hbm>>
      tpu.enqueue_dma source(%dma_start3A_331 : memref<1x64xf32, #tpu.memory_space<hbm>>) target(%dma_start3A_329 : memref<1x64xf32, #tpu.memory_space<vmem>>) target_semaphore(%arg15 : memref<!tpu.dma_semaphore, #tpu.memory_space<semaphore_mem>>)
      %slice3A_332 = vector.extract_strided_slice %get3A_137 {offsets = [14], sizes = [1], strides = [1]} : vector<16xi32> to vector<1xi32>
      %squeeze3A_333 = vector.extract %slice3A_332[0] : i32 from vector<1xi32>
      %mul3A_334 = arith.constant 16 : i32
      %mul3A_335 = arith.muli %scan3A_132, %mul3A_334 : i32
      %add3A_336 = arith.constant 14 : i32
      %add3A_337 = arith.addi %mul3A_335, %add3A_336 : i32
      %dma_start3A_338 = arith.constant 0 : i32
      %dma_start3A_339 = tpu.memref_slice %arg12[%add3A_337, %dma_start3A_338] : memref<256x64xf32, #tpu.memory_space<vmem>> -> memref<1x64xf32, #tpu.memory_space<vmem>>
      %dma_start3A_340 = arith.constant 0 : i32
      %dma_start3A_341 = tpu.memref_slice %arg5[%squeeze3A_333, %dma_start3A_340] : memref<1000000x64xf32, #tpu.memory_space<hbm>> -> memref<1x64xf32, #tpu.memory_space<hbm>>
      %dma_start3A_342 = arith.constant 0 : i32
      %dma_start3A_343 = tpu.memref_slice %arg12[%add3A_337, %dma_start3A_342] : memref<256x64xf32, #tpu.memory_space<vmem>> -> memref<1x64xf32, #tpu.memory_space<vmem>>
      %dma_start3A_344 = arith.constant 0 : i32
      %dma_start3A_345 = tpu.memref_slice %arg5[%squeeze3A_333, %dma_start3A_344] : memref<1000000x64xf32, #tpu.memory_space<hbm>> -> memref<1x64xf32, #tpu.memory_space<hbm>>
      tpu.enqueue_dma source(%dma_start3A_345 : memref<1x64xf32, #tpu.memory_space<hbm>>) target(%dma_start3A_343 : memref<1x64xf32, #tpu.memory_space<vmem>>) target_semaphore(%arg15 : memref<!tpu.dma_semaphore, #tpu.memory_space<semaphore_mem>>)
      %slice3A_346 = vector.extract_strided_slice %get3A_137 {offsets = [15], sizes = [1], strides = [1]} : vector<16xi32> to vector<1xi32>
      %squeeze3A_347 = vector.extract %slice3A_346[0] : i32 from vector<1xi32>
      %mul3A_348 = arith.constant 16 : i32
      %mul3A_349 = arith.muli %scan3A_132, %mul3A_348 : i32
      %add3A_350 = arith.constant 15 : i32
      %add3A_351 = arith.addi %mul3A_349, %add3A_350 : i32
      %dma_start3A_352 = arith.constant 0 : i32
      %dma_start3A_353 = tpu.memref_slice %arg12[%add3A_351, %dma_start3A_352] : memref<256x64xf32, #tpu.memory_space<vmem>> -> memref<1x64xf32, #tpu.memory_space<vmem>>
      %dma_start3A_354 = arith.constant 0 : i32
      %dma_start3A_355 = tpu.memref_slice %arg5[%squeeze3A_347, %dma_start3A_354] : memref<1000000x64xf32, #tpu.memory_space<hbm>> -> memref<1x64xf32, #tpu.memory_space<hbm>>
      %dma_start3A_356 = arith.constant 0 : i32
      %dma_start3A_357 = tpu.memref_slice %arg12[%add3A_351, %dma_start3A_356] : memref<256x64xf32, #tpu.memory_space<vmem>> -> memref<1x64xf32, #tpu.memory_space<vmem>>
      %dma_start3A_358 = arith.constant 0 : i32
      %dma_start3A_359 = tpu.memref_slice %arg5[%squeeze3A_347, %dma_start3A_358] : memref<1000000x64xf32, #tpu.memory_space<hbm>> -> memref<1x64xf32, #tpu.memory_space<hbm>>
      tpu.enqueue_dma source(%dma_start3A_359 : memref<1x64xf32, #tpu.memory_space<hbm>>) target(%dma_start3A_357 : memref<1x64xf32, #tpu.memory_space<vmem>>) target_semaphore(%arg15 : memref<!tpu.dma_semaphore, #tpu.memory_space<semaphore_mem>>)
    }
    %scan3A_51 = arith.constant 16 : i32
    %dma_wait3A_52 = arith.constant 0 : i32
    %dma_wait3A_53 = arith.constant 0 : i32
    %dma_wait3A_54 = tpu.memref_slice %arg5[%dma_wait3A_52, %dma_wait3A_53] : memref<1000000x64xf32, #tpu.memory_space<hbm>> -> memref<256x64xf32, #tpu.memory_space<hbm>>
    %dma_wait3A_55 = arith.constant 0 : i32
    %dma_wait3A_56 = arith.constant 0 : i32
    %dma_wait3A_57 = tpu.memref_slice %arg5[%dma_wait3A_55, %dma_wait3A_56] : memref<1000000x64xf32, #tpu.memory_space<hbm>> -> memref<256x64xf32, #tpu.memory_space<hbm>>
    tpu.wait_dma2 semaphore(%arg14 : memref<!tpu.dma_semaphore, #tpu.memory_space<semaphore_mem>>) src(%dma_wait3A_57 : memref<256x64xf32, #tpu.memory_space<hbm>>) dst(%arg11 : memref<256x64xf32, #tpu.memory_space<vmem>>)
    %dma_wait3A_58 = arith.constant 0 : i32
    %dma_wait3A_59 = tpu.memref_slice %arg8[%dma_wait3A_58, %mul3A_2] : memref<64x16384xf32, #tpu.memory_space<hbm>> -> memref<64x512xf32, #tpu.memory_space<hbm>>
    %dma_wait3A_60 = arith.constant 0 : i32
    %dma_wait3A_61 = tpu.memref_slice %arg8[%dma_wait3A_60, %mul3A_2] : memref<64x16384xf32, #tpu.memory_space<hbm>> -> memref<64x512xf32, #tpu.memory_space<hbm>>
    tpu.wait_dma2 semaphore(%arg16 : memref<!tpu.dma_semaphore, #tpu.memory_space<semaphore_mem>>) src(%arg13 : memref<64x512xf32, #tpu.memory_space<vmem>>) dst(%dma_wait3A_61 : memref<64x512xf32, #tpu.memory_space<hbm>>)
    %scan3A_62 = arith.constant 0 : i32
    %scan3A_63 = arith.constant 0 : i32
    %scan3A_64 = arith.constant 16 : i32
    %scan3A_65 = arith.addi %scan3A_63, %scan3A_64 : i32
    %scan3A_66 = arith.constant 1 : i32
    scf.for %scan3A_132 = %scan3A_63 to %scan3A_65 step %scan3A_66  : i32 {
      %iota3A = tpu.iota {dimensions = array<i32: 0>} : vector<16xi32>
      %mul3A_133 = arith.constant 16 : i32
      %mul3A_134 = arith.muli %scan3A_132, %mul3A_133 : i32
      %add3A_135 = vector.broadcast %mul3A_134 : i32 to vector<16xi32>
      %add3A_136 = arith.addi %iota3A, %add3A_135 : vector<16xi32>
      %scan3A_137 = arith.constant 0 : i32
      %scan3A_138 = arith.constant 0 : i32
      %scan3A_139 = arith.constant 8 : i32
      %scan3A_140 = arith.addi %scan3A_138, %scan3A_139 : i32
      %scan3A_141 = arith.constant 1 : i32
      scf.for %scan3A_143 = %scan3A_138 to %scan3A_140 step %scan3A_141  : i32 {
        %mul3A_144 = arith.constant 8 : i32
        %mul3A_145 = arith.muli %scan3A_143, %mul3A_144 : i32
        %add3A_146 = arith.constant 0 : i32
        %add3A_147 = arith.addi %mul3A_145, %add3A_146 : i32
        %broadcast_in_dim3A = arith.constant 0 : i32
        %broadcast_in_dim3A_148 = vector.broadcast %broadcast_in_dim3A : i32 to vector<16xi32>
        %add3A_149 = vector.broadcast %add3A_147 : i32 to vector<16xi32>
        %add3A_150 = arith.addi %broadcast_in_dim3A_148, %add3A_149 : vector<16xi32>
        %gather3A = tpu.vector_load_idx %arg11[%add3A_136, %add3A_150] : memref<256x64xf32, #tpu.memory_space<vmem>>[vector<16xi32>, vector<16xi32>], vector<16xf32>,
        %mul3A_151 = arith.constant 16 : i32
        %mul3A_152 = arith.muli %scan3A_132, %mul3A_151 : i32
        %add3A_153 = arith.constant 0 : i32
        %add3A_154 = arith.addi %add3A_153, %mul3A_152 : i32
        %swap3A = arith.index_cast %add3A_147 : i32 to index
        %swap3A_155 = arith.index_cast %add3A_154 : i32 to index
        %swap3A_156 = tpu.vector_load %arg13[%swap3A, %swap3A_155] {strides = array<i32>} : memref<64x512xf32, #tpu.memory_space<vmem>>, vector<16xf32>,
        tpu.vector_store %arg13[%swap3A, %swap3A_155], %gather3A {strides = array<i32>} : memref<64x512xf32, #tpu.memory_space<vmem>>, vector<16xf32>,
        %mul3A_157 = arith.constant 8 : i32
        %mul3A_158 = arith.muli %scan3A_143, %mul3A_157 : i32
        %add3A_159 = arith.constant 1 : i32
        %add3A_160 = arith.addi %mul3A_158, %add3A_159 : i32
        %broadcast_in_dim3A_161 = arith.constant 0 : i32
        %broadcast_in_dim3A_162 = vector.broadcast %broadcast_in_dim3A_161 : i32 to vector<16xi32>
        %add3A_163 = vector.broadcast %add3A_160 : i32 to vector<16xi32>
        %add3A_164 = arith.addi %broadcast_in_dim3A_162, %add3A_163 : vector<16xi32>
        %gather3A_165 = tpu.vector_load_idx %arg11[%add3A_136, %add3A_164] : memref<256x64xf32, #tpu.memory_space<vmem>>[vector<16xi32>, vector<16xi32>], vector<16xf32>,
        %mul3A_166 = arith.constant 16 : i32
        %mul3A_167 = arith.muli %scan3A_132, %mul3A_166 : i32
        %add3A_168 = arith.constant 0 : i32
        %add3A_169 = arith.addi %add3A_168, %mul3A_167 : i32
        %swap3A_170 = arith.index_cast %add3A_160 : i32 to index
        %swap3A_171 = arith.index_cast %add3A_169 : i32 to index
        %swap3A_172 = tpu.vector_load %arg13[%swap3A_170, %swap3A_171] {strides = array<i32>} : memref<64x512xf32, #tpu.memory_space<vmem>>, vector<16xf32>,
        tpu.vector_store %arg13[%swap3A_170, %swap3A_171], %gather3A_165 {strides = array<i32>} : memref<64x512xf32, #tpu.memory_space<vmem>>, vector<16xf32>,
        %mul3A_173 = arith.constant 8 : i32
        %mul3A_174 = arith.muli %scan3A_143, %mul3A_173 : i32
        %add3A_175 = arith.constant 2 : i32
        %add3A_176 = arith.addi %mul3A_174, %add3A_175 : i32
        %broadcast_in_dim3A_177 = arith.constant 0 : i32
        %broadcast_in_dim3A_178 = vector.broadcast %broadcast_in_dim3A_177 : i32 to vector<16xi32>
        %add3A_179 = vector.broadcast %add3A_176 : i32 to vector<16xi32>
        %add3A_180 = arith.addi %broadcast_in_dim3A_178, %add3A_179 : vector<16xi32>
        %gather3A_181 = tpu.vector_load_idx %arg11[%add3A_136, %add3A_180] : memref<256x64xf32, #tpu.memory_space<vmem>>[vector<16xi32>, vector<16xi32>], vector<16xf32>,
        %mul3A_182 = arith.constant 16 : i32
        %mul3A_183 = arith.muli %scan3A_132, %mul3A_182 : i32
        %add3A_184 = arith.constant 0 : i32
        %add3A_185 = arith.addi %add3A_184, %mul3A_183 : i32
        %swap3A_186 = arith.index_cast %add3A_176 : i32 to index
        %swap3A_187 = arith.index_cast %add3A_185 : i32 to index
        %swap3A_188 = tpu.vector_load %arg13[%swap3A_186, %swap3A_187] {strides = array<i32>} : memref<64x512xf32, #tpu.memory_space<vmem>>, vector<16xf32>,
        tpu.vector_store %arg13[%swap3A_186, %swap3A_187], %gather3A_181 {strides = array<i32>} : memref<64x512xf32, #tpu.memory_space<vmem>>, vector<16xf32>,
        %mul3A_189 = arith.constant 8 : i32
        %mul3A_190 = arith.muli %scan3A_143, %mul3A_189 : i32
        %add3A_191 = arith.constant 3 : i32
        %add3A_192 = arith.addi %mul3A_190, %add3A_191 : i32
        %broadcast_in_dim3A_193 = arith.constant 0 : i32
        %broadcast_in_dim3A_194 = vector.broadcast %broadcast_in_dim3A_193 : i32 to vector<16xi32>
        %add3A_195 = vector.broadcast %add3A_192 : i32 to vector<16xi32>
        %add3A_196 = arith.addi %broadcast_in_dim3A_194, %add3A_195 : vector<16xi32>
        %gather3A_197 = tpu.vector_load_idx %arg11[%add3A_136, %add3A_196] : memref<256x64xf32, #tpu.memory_space<vmem>>[vector<16xi32>, vector<16xi32>], vector<16xf32>,
        %mul3A_198 = arith.constant 16 : i32
        %mul3A_199 = arith.muli %scan3A_132, %mul3A_198 : i32
        %add3A_200 = arith.constant 0 : i32
        %add3A_201 = arith.addi %add3A_200, %mul3A_199 : i32
        %swap3A_202 = arith.index_cast %add3A_192 : i32 to index
        %swap3A_203 = arith.index_cast %add3A_201 : i32 to index
        %swap3A_204 = tpu.vector_load %arg13[%swap3A_202, %swap3A_203] {strides = array<i32>} : memref<64x512xf32, #tpu.memory_space<vmem>>, vector<16xf32>,
        tpu.vector_store %arg13[%swap3A_202, %swap3A_203], %gather3A_197 {strides = array<i32>} : memref<64x512xf32, #tpu.memory_space<vmem>>, vector<16xf32>,
        %mul3A_205 = arith.constant 8 : i32
        %mul3A_206 = arith.muli %scan3A_143, %mul3A_205 : i32
        %add3A_207 = arith.constant 4 : i32
        %add3A_208 = arith.addi %mul3A_206, %add3A_207 : i32
        %broadcast_in_dim3A_209 = arith.constant 0 : i32
        %broadcast_in_dim3A_210 = vector.broadcast %broadcast_in_dim3A_209 : i32 to vector<16xi32>
        %add3A_211 = vector.broadcast %add3A_208 : i32 to vector<16xi32>
        %add3A_212 = arith.addi %broadcast_in_dim3A_210, %add3A_211 : vector<16xi32>
        %gather3A_213 = tpu.vector_load_idx %arg11[%add3A_136, %add3A_212] : memref<256x64xf32, #tpu.memory_space<vmem>>[vector<16xi32>, vector<16xi32>], vector<16xf32>,
        %mul3A_214 = arith.constant 16 : i32
        %mul3A_215 = arith.muli %scan3A_132, %mul3A_214 : i32
        %add3A_216 = arith.constant 0 : i32
        %add3A_217 = arith.addi %add3A_216, %mul3A_215 : i32
        %swap3A_218 = arith.index_cast %add3A_208 : i32 to index
        %swap3A_219 = arith.index_cast %add3A_217 : i32 to index
        %swap3A_220 = tpu.vector_load %arg13[%swap3A_218, %swap3A_219] {strides = array<i32>} : memref<64x512xf32, #tpu.memory_space<vmem>>, vector<16xf32>,
        tpu.vector_store %arg13[%swap3A_218, %swap3A_219], %gather3A_213 {strides = array<i32>} : memref<64x512xf32, #tpu.memory_space<vmem>>, vector<16xf32>,
        %mul3A_221 = arith.constant 8 : i32
        %mul3A_222 = arith.muli %scan3A_143, %mul3A_221 : i32
        %add3A_223 = arith.constant 5 : i32
        %add3A_224 = arith.addi %mul3A_222, %add3A_223 : i32
        %broadcast_in_dim3A_225 = arith.constant 0 : i32
        %broadcast_in_dim3A_226 = vector.broadcast %broadcast_in_dim3A_225 : i32 to vector<16xi32>
        %add3A_227 = vector.broadcast %add3A_224 : i32 to vector<16xi32>
        %add3A_228 = arith.addi %broadcast_in_dim3A_226, %add3A_227 : vector<16xi32>
        %gather3A_229 = tpu.vector_load_idx %arg11[%add3A_136, %add3A_228] : memref<256x64xf32, #tpu.memory_space<vmem>>[vector<16xi32>, vector<16xi32>], vector<16xf32>,
        %mul3A_230 = arith.constant 16 : i32
        %mul3A_231 = arith.muli %scan3A_132, %mul3A_230 : i32
        %add3A_232 = arith.constant 0 : i32
        %add3A_233 = arith.addi %add3A_232, %mul3A_231 : i32
        %swap3A_234 = arith.index_cast %add3A_224 : i32 to index
        %swap3A_235 = arith.index_cast %add3A_233 : i32 to index
        %swap3A_236 = tpu.vector_load %arg13[%swap3A_234, %swap3A_235] {strides = array<i32>} : memref<64x512xf32, #tpu.memory_space<vmem>>, vector<16xf32>,
        tpu.vector_store %arg13[%swap3A_234, %swap3A_235], %gather3A_229 {strides = array<i32>} : memref<64x512xf32, #tpu.memory_space<vmem>>, vector<16xf32>,
        %mul3A_237 = arith.constant 8 : i32
        %mul3A_238 = arith.muli %scan3A_143, %mul3A_237 : i32
        %add3A_239 = arith.constant 6 : i32
        %add3A_240 = arith.addi %mul3A_238, %add3A_239 : i32
        %broadcast_in_dim3A_241 = arith.constant 0 : i32
        %broadcast_in_dim3A_242 = vector.broadcast %broadcast_in_dim3A_241 : i32 to vector<16xi32>
        %add3A_243 = vector.broadcast %add3A_240 : i32 to vector<16xi32>
        %add3A_244 = arith.addi %broadcast_in_dim3A_242, %add3A_243 : vector<16xi32>
        %gather3A_245 = tpu.vector_load_idx %arg11[%add3A_136, %add3A_244] : memref<256x64xf32, #tpu.memory_space<vmem>>[vector<16xi32>, vector<16xi32>], vector<16xf32>,
        %mul3A_246 = arith.constant 16 : i32
        %mul3A_247 = arith.muli %scan3A_132, %mul3A_246 : i32
        %add3A_248 = arith.constant 0 : i32
        %add3A_249 = arith.addi %add3A_248, %mul3A_247 : i32
        %swap3A_250 = arith.index_cast %add3A_240 : i32 to index
        %swap3A_251 = arith.index_cast %add3A_249 : i32 to index
        %swap3A_252 = tpu.vector_load %arg13[%swap3A_250, %swap3A_251] {strides = array<i32>} : memref<64x512xf32, #tpu.memory_space<vmem>>, vector<16xf32>,
        tpu.vector_store %arg13[%swap3A_250, %swap3A_251], %gather3A_245 {strides = array<i32>} : memref<64x512xf32, #tpu.memory_space<vmem>>, vector<16xf32>,
        %mul3A_253 = arith.constant 8 : i32
        %mul3A_254 = arith.muli %scan3A_143, %mul3A_253 : i32
        %add3A_255 = arith.constant 7 : i32
        %add3A_256 = arith.addi %mul3A_254, %add3A_255 : i32
        %broadcast_in_dim3A_257 = arith.constant 0 : i32
        %broadcast_in_dim3A_258 = vector.broadcast %broadcast_in_dim3A_257 : i32 to vector<16xi32>
        %add3A_259 = vector.broadcast %add3A_256 : i32 to vector<16xi32>
        %add3A_260 = arith.addi %broadcast_in_dim3A_258, %add3A_259 : vector<16xi32>
        %gather3A_261 = tpu.vector_load_idx %arg11[%add3A_136, %add3A_260] : memref<256x64xf32, #tpu.memory_space<vmem>>[vector<16xi32>, vector<16xi32>], vector<16xf32>,
        %mul3A_262 = arith.constant 16 : i32
        %mul3A_263 = arith.muli %scan3A_132, %mul3A_262 : i32
        %add3A_264 = arith.constant 0 : i32
        %add3A_265 = arith.addi %add3A_264, %mul3A_263 : i32
        %swap3A_266 = arith.index_cast %add3A_256 : i32 to index
        %swap3A_267 = arith.index_cast %add3A_265 : i32 to index
        %swap3A_268 = tpu.vector_load %arg13[%swap3A_266, %swap3A_267] {strides = array<i32>} : memref<64x512xf32, #tpu.memory_space<vmem>>, vector<16xf32>,
        tpu.vector_store %arg13[%swap3A_266, %swap3A_267], %gather3A_261 {strides = array<i32>} : memref<64x512xf32, #tpu.memory_space<vmem>>, vector<16xf32>,
      }
      %scan3A_142 = arith.constant 8 : i32
    }
    %scan3A_67 = arith.constant 16 : i32
    %dma_wait3A_68 = arith.constant 0 : i32
    %dma_wait3A_69 = arith.constant 0 : i32
    %dma_wait3A_70 = tpu.memref_slice %arg5[%dma_wait3A_68, %dma_wait3A_69] : memref<1000000x64xf32, #tpu.memory_space<hbm>> -> memref<256x64xf32, #tpu.memory_space<hbm>>
    %dma_wait3A_71 = arith.constant 0 : i32
    %dma_wait3A_72 = arith.constant 0 : i32
    %dma_wait3A_73 = tpu.memref_slice %arg5[%dma_wait3A_71, %dma_wait3A_72] : memref<1000000x64xf32, #tpu.memory_space<hbm>> -> memref<256x64xf32, #tpu.memory_space<hbm>>
    tpu.wait_dma2 semaphore(%arg15 : memref<!tpu.dma_semaphore, #tpu.memory_space<semaphore_mem>>) src(%dma_wait3A_73 : memref<256x64xf32, #tpu.memory_space<hbm>>) dst(%arg12 : memref<256x64xf32, #tpu.memory_space<vmem>>)
    %scan3A_74 = arith.constant 0 : i32
    %scan3A_75 = arith.constant 0 : i32
    %scan3A_76 = arith.constant 16 : i32
    %scan3A_77 = arith.addi %scan3A_75, %scan3A_76 : i32
    %scan3A_78 = arith.constant 1 : i32
    scf.for %scan3A_132 = %scan3A_75 to %scan3A_77 step %scan3A_78  : i32 {
      %iota3A = tpu.iota {dimensions = array<i32: 0>} : vector<16xi32>
      %mul3A_133 = arith.constant 16 : i32
      %mul3A_134 = arith.muli %scan3A_132, %mul3A_133 : i32
      %add3A_135 = vector.broadcast %mul3A_134 : i32 to vector<16xi32>
      %add3A_136 = arith.addi %iota3A, %add3A_135 : vector<16xi32>
      %scan3A_137 = arith.constant 0 : i32
      %scan3A_138 = arith.constant 0 : i32
      %scan3A_139 = arith.constant 8 : i32
      %scan3A_140 = arith.addi %scan3A_138, %scan3A_139 : i32
      %scan3A_141 = arith.constant 1 : i32
      scf.for %scan3A_143 = %scan3A_138 to %scan3A_140 step %scan3A_141  : i32 {
        %mul3A_144 = arith.constant 8 : i32
        %mul3A_145 = arith.muli %scan3A_143, %mul3A_144 : i32
        %add3A_146 = arith.constant 0 : i32
        %add3A_147 = arith.addi %mul3A_145, %add3A_146 : i32
        %broadcast_in_dim3A = arith.constant 0 : i32
        %broadcast_in_dim3A_148 = vector.broadcast %broadcast_in_dim3A : i32 to vector<16xi32>
        %add3A_149 = vector.broadcast %add3A_147 : i32 to vector<16xi32>
        %add3A_150 = arith.addi %broadcast_in_dim3A_148, %add3A_149 : vector<16xi32>
        %gather3A = tpu.vector_load_idx %arg12[%add3A_136, %add3A_150] : memref<256x64xf32, #tpu.memory_space<vmem>>[vector<16xi32>, vector<16xi32>], vector<16xf32>,
        %mul3A_151 = arith.constant 16 : i32
        %mul3A_152 = arith.muli %scan3A_132, %mul3A_151 : i32
        %add3A_153 = arith.constant 256 : i32
        %add3A_154 = arith.addi %add3A_153, %mul3A_152 : i32
        %swap3A = arith.index_cast %add3A_147 : i32 to index
        %swap3A_155 = arith.index_cast %add3A_154 : i32 to index
        %swap3A_156 = tpu.vector_load %arg13[%swap3A, %swap3A_155] {strides = array<i32>} : memref<64x512xf32, #tpu.memory_space<vmem>>, vector<16xf32>,
        tpu.vector_store %arg13[%swap3A, %swap3A_155], %gather3A {strides = array<i32>} : memref<64x512xf32, #tpu.memory_space<vmem>>, vector<16xf32>,
        %mul3A_157 = arith.constant 8 : i32
        %mul3A_158 = arith.muli %scan3A_143, %mul3A_157 : i32
        %add3A_159 = arith.constant 1 : i32
        %add3A_160 = arith.addi %mul3A_158, %add3A_159 : i32
        %broadcast_in_dim3A_161 = arith.constant 0 : i32
        %broadcast_in_dim3A_162 = vector.broadcast %broadcast_in_dim3A_161 : i32 to vector<16xi32>
        %add3A_163 = vector.broadcast %add3A_160 : i32 to vector<16xi32>
        %add3A_164 = arith.addi %broadcast_in_dim3A_162, %add3A_163 : vector<16xi32>
        %gather3A_165 = tpu.vector_load_idx %arg12[%add3A_136, %add3A_164] : memref<256x64xf32, #tpu.memory_space<vmem>>[vector<16xi32>, vector<16xi32>], vector<16xf32>,
        %mul3A_166 = arith.constant 16 : i32
        %mul3A_167 = arith.muli %scan3A_132, %mul3A_166 : i32
        %add3A_168 = arith.constant 256 : i32
        %add3A_169 = arith.addi %add3A_168, %mul3A_167 : i32
        %swap3A_170 = arith.index_cast %add3A_160 : i32 to index
        %swap3A_171 = arith.index_cast %add3A_169 : i32 to index
        %swap3A_172 = tpu.vector_load %arg13[%swap3A_170, %swap3A_171] {strides = array<i32>} : memref<64x512xf32, #tpu.memory_space<vmem>>, vector<16xf32>,
        tpu.vector_store %arg13[%swap3A_170, %swap3A_171], %gather3A_165 {strides = array<i32>} : memref<64x512xf32, #tpu.memory_space<vmem>>, vector<16xf32>,
        %mul3A_173 = arith.constant 8 : i32
        %mul3A_174 = arith.muli %scan3A_143, %mul3A_173 : i32
        %add3A_175 = arith.constant 2 : i32
        %add3A_176 = arith.addi %mul3A_174, %add3A_175 : i32
        %broadcast_in_dim3A_177 = arith.constant 0 : i32
        %broadcast_in_dim3A_178 = vector.broadcast %broadcast_in_dim3A_177 : i32 to vector<16xi32>
        %add3A_179 = vector.broadcast %add3A_176 : i32 to vector<16xi32>
        %add3A_180 = arith.addi %broadcast_in_dim3A_178, %add3A_179 : vector<16xi32>
        %gather3A_181 = tpu.vector_load_idx %arg12[%add3A_136, %add3A_180] : memref<256x64xf32, #tpu.memory_space<vmem>>[vector<16xi32>, vector<16xi32>], vector<16xf32>,
        %mul3A_182 = arith.constant 16 : i32
        %mul3A_183 = arith.muli %scan3A_132, %mul3A_182 : i32
        %add3A_184 = arith.constant 256 : i32
        %add3A_185 = arith.addi %add3A_184, %mul3A_183 : i32
        %swap3A_186 = arith.index_cast %add3A_176 : i32 to index
        %swap3A_187 = arith.index_cast %add3A_185 : i32 to index
        %swap3A_188 = tpu.vector_load %arg13[%swap3A_186, %swap3A_187] {strides = array<i32>} : memref<64x512xf32, #tpu.memory_space<vmem>>, vector<16xf32>,
        tpu.vector_store %arg13[%swap3A_186, %swap3A_187], %gather3A_181 {strides = array<i32>} : memref<64x512xf32, #tpu.memory_space<vmem>>, vector<16xf32>,
        %mul3A_189 = arith.constant 8 : i32
        %mul3A_190 = arith.muli %scan3A_143, %mul3A_189 : i32
        %add3A_191 = arith.constant 3 : i32
        %add3A_192 = arith.addi %mul3A_190, %add3A_191 : i32
        %broadcast_in_dim3A_193 = arith.constant 0 : i32
        %broadcast_in_dim3A_194 = vector.broadcast %broadcast_in_dim3A_193 : i32 to vector<16xi32>
        %add3A_195 = vector.broadcast %add3A_192 : i32 to vector<16xi32>
        %add3A_196 = arith.addi %broadcast_in_dim3A_194, %add3A_195 : vector<16xi32>
        %gather3A_197 = tpu.vector_load_idx %arg12[%add3A_136, %add3A_196] : memref<256x64xf32, #tpu.memory_space<vmem>>[vector<16xi32>, vector<16xi32>], vector<16xf32>,
        %mul3A_198 = arith.constant 16 : i32
        %mul3A_199 = arith.muli %scan3A_132, %mul3A_198 : i32
        %add3A_200 = arith.constant 256 : i32
        %add3A_201 = arith.addi %add3A_200, %mul3A_199 : i32
        %swap3A_202 = arith.index_cast %add3A_192 : i32 to index
        %swap3A_203 = arith.index_cast %add3A_201 : i32 to index
        %swap3A_204 = tpu.vector_load %arg13[%swap3A_202, %swap3A_203] {strides = array<i32>} : memref<64x512xf32, #tpu.memory_space<vmem>>, vector<16xf32>,
        tpu.vector_store %arg13[%swap3A_202, %swap3A_203], %gather3A_197 {strides = array<i32>} : memref<64x512xf32, #tpu.memory_space<vmem>>, vector<16xf32>,
        %mul3A_205 = arith.constant 8 : i32
        %mul3A_206 = arith.muli %scan3A_143, %mul3A_205 : i32
        %add3A_207 = arith.constant 4 : i32
        %add3A_208 = arith.addi %mul3A_206, %add3A_207 : i32
        %broadcast_in_dim3A_209 = arith.constant 0 : i32
        %broadcast_in_dim3A_210 = vector.broadcast %broadcast_in_dim3A_209 : i32 to vector<16xi32>
        %add3A_211 = vector.broadcast %add3A_208 : i32 to vector<16xi32>
        %add3A_212 = arith.addi %broadcast_in_dim3A_210, %add3A_211 : vector<16xi32>
        %gather3A_213 = tpu.vector_load_idx %arg12[%add3A_136, %add3A_212] : memref<256x64xf32, #tpu.memory_space<vmem>>[vector<16xi32>, vector<16xi32>], vector<16xf32>,
        %mul3A_214 = arith.constant 16 : i32
        %mul3A_215 = arith.muli %scan3A_132, %mul3A_214 : i32
        %add3A_216 = arith.constant 256 : i32
        %add3A_217 = arith.addi %add3A_216, %mul3A_215 : i32
        %swap3A_218 = arith.index_cast %add3A_208 : i32 to index
        %swap3A_219 = arith.index_cast %add3A_217 : i32 to index
        %swap3A_220 = tpu.vector_load %arg13[%swap3A_218, %swap3A_219] {strides = array<i32>} : memref<64x512xf32, #tpu.memory_space<vmem>>, vector<16xf32>,
        tpu.vector_store %arg13[%swap3A_218, %swap3A_219], %gather3A_213 {strides = array<i32>} : memref<64x512xf32, #tpu.memory_space<vmem>>, vector<16xf32>,
        %mul3A_221 = arith.constant 8 : i32
        %mul3A_222 = arith.muli %scan3A_143, %mul3A_221 : i32
        %add3A_223 = arith.constant 5 : i32
        %add3A_224 = arith.addi %mul3A_222, %add3A_223 : i32
        %broadcast_in_dim3A_225 = arith.constant 0 : i32
        %broadcast_in_dim3A_226 = vector.broadcast %broadcast_in_dim3A_225 : i32 to vector<16xi32>
        %add3A_227 = vector.broadcast %add3A_224 : i32 to vector<16xi32>
        %add3A_228 = arith.addi %broadcast_in_dim3A_226, %add3A_227 : vector<16xi32>
        %gather3A_229 = tpu.vector_load_idx %arg12[%add3A_136, %add3A_228] : memref<256x64xf32, #tpu.memory_space<vmem>>[vector<16xi32>, vector<16xi32>], vector<16xf32>,
        %mul3A_230 = arith.constant 16 : i32
        %mul3A_231 = arith.muli %scan3A_132, %mul3A_230 : i32
        %add3A_232 = arith.constant 256 : i32
        %add3A_233 = arith.addi %add3A_232, %mul3A_231 : i32
        %swap3A_234 = arith.index_cast %add3A_224 : i32 to index
        %swap3A_235 = arith.index_cast %add3A_233 : i32 to index
        %swap3A_236 = tpu.vector_load %arg13[%swap3A_234, %swap3A_235] {strides = array<i32>} : memref<64x512xf32, #tpu.memory_space<vmem>>, vector<16xf32>,
        tpu.vector_store %arg13[%swap3A_234, %swap3A_235], %gather3A_229 {strides = array<i32>} : memref<64x512xf32, #tpu.memory_space<vmem>>, vector<16xf32>,
        %mul3A_237 = arith.constant 8 : i32
        %mul3A_238 = arith.muli %scan3A_143, %mul3A_237 : i32
        %add3A_239 = arith.constant 6 : i32
        %add3A_240 = arith.addi %mul3A_238, %add3A_239 : i32
        %broadcast_in_dim3A_241 = arith.constant 0 : i32
        %broadcast_in_dim3A_242 = vector.broadcast %broadcast_in_dim3A_241 : i32 to vector<16xi32>
        %add3A_243 = vector.broadcast %add3A_240 : i32 to vector<16xi32>
        %add3A_244 = arith.addi %broadcast_in_dim3A_242, %add3A_243 : vector<16xi32>
        %gather3A_245 = tpu.vector_load_idx %arg12[%add3A_136, %add3A_244] : memref<256x64xf32, #tpu.memory_space<vmem>>[vector<16xi32>, vector<16xi32>], vector<16xf32>,
        %mul3A_246 = arith.constant 16 : i32
        %mul3A_247 = arith.muli %scan3A_132, %mul3A_246 : i32
        %add3A_248 = arith.constant 256 : i32
        %add3A_249 = arith.addi %add3A_248, %mul3A_247 : i32
        %swap3A_250 = arith.index_cast %add3A_240 : i32 to index
        %swap3A_251 = arith.index_cast %add3A_249 : i32 to index
        %swap3A_252 = tpu.vector_load %arg13[%swap3A_250, %swap3A_251] {strides = array<i32>} : memref<64x512xf32, #tpu.memory_space<vmem>>, vector<16xf32>,
        tpu.vector_store %arg13[%swap3A_250, %swap3A_251], %gather3A_245 {strides = array<i32>} : memref<64x512xf32, #tpu.memory_space<vmem>>, vector<16xf32>,
        %mul3A_253 = arith.constant 8 : i32
        %mul3A_254 = arith.muli %scan3A_143, %mul3A_253 : i32
        %add3A_255 = arith.constant 7 : i32
        %add3A_256 = arith.addi %mul3A_254, %add3A_255 : i32
        %broadcast_in_dim3A_257 = arith.constant 0 : i32
        %broadcast_in_dim3A_258 = vector.broadcast %broadcast_in_dim3A_257 : i32 to vector<16xi32>
        %add3A_259 = vector.broadcast %add3A_256 : i32 to vector<16xi32>
        %add3A_260 = arith.addi %broadcast_in_dim3A_258, %add3A_259 : vector<16xi32>
        %gather3A_261 = tpu.vector_load_idx %arg12[%add3A_136, %add3A_260] : memref<256x64xf32, #tpu.memory_space<vmem>>[vector<16xi32>, vector<16xi32>], vector<16xf32>,
        %mul3A_262 = arith.constant 16 : i32
        %mul3A_263 = arith.muli %scan3A_132, %mul3A_262 : i32
        %add3A_264 = arith.constant 256 : i32
        %add3A_265 = arith.addi %add3A_264, %mul3A_263 : i32
        %swap3A_266 = arith.index_cast %add3A_256 : i32 to index
        %swap3A_267 = arith.index_cast %add3A_265 : i32 to index
        %swap3A_268 = tpu.vector_load %arg13[%swap3A_266, %swap3A_267] {strides = array<i32>} : memref<64x512xf32, #tpu.memory_space<vmem>>, vector<16xf32>,
        tpu.vector_store %arg13[%swap3A_266, %swap3A_267], %gather3A_261 {strides = array<i32>} : memref<64x512xf32, #tpu.memory_space<vmem>>, vector<16xf32>,
      }
      %scan3A_142 = arith.constant 8 : i32
    }
    %scan3A_79 = arith.constant 16 : i32
    %dma_start3A_80 = arith.constant 0 : i32
    %dma_start3A_81 = tpu.memref_slice %arg7[%dma_start3A_80, %mul3A_2] : memref<64x16384xf32, #tpu.memory_space<hbm>> -> memref<64x512xf32, #tpu.memory_space<hbm>>
    %dma_start3A_82 = arith.constant 0 : i32
    %dma_start3A_83 = tpu.memref_slice %arg7[%dma_start3A_82, %mul3A_2] : memref<64x16384xf32, #tpu.memory_space<hbm>> -> memref<64x512xf32, #tpu.memory_space<hbm>>
    tpu.enqueue_dma source(%arg13 : memref<64x512xf32, #tpu.memory_space<vmem>>) target(%dma_start3A_83 : memref<64x512xf32, #tpu.memory_space<hbm>>) target_semaphore(%arg16 : memref<!tpu.dma_semaphore, #tpu.memory_space<semaphore_mem>>)
    "tpu.region"() ({
      %run_scoped3A = tpu.sem_alloc : memref<!tpu.dma_semaphore, #tpu.memory_space<semaphore_mem>>
      %dma_start3A_132 = tpu.memref_slice %arg4[%mul3A_2] : memref<16384xi32, #tpu.memory_space<hbm>> -> memref<512xi32, #tpu.memory_space<hbm>>
      %dma_start3A_133 = tpu.memref_slice %arg4[%mul3A_2] : memref<16384xi32, #tpu.memory_space<hbm>> -> memref<512xi32, #tpu.memory_space<hbm>>
      tpu.enqueue_dma source(%dma_start3A_133 : memref<512xi32, #tpu.memory_space<hbm>>) target(%arg10 : memref<512xi32, #tpu.memory_space<vmem>>) target_semaphore(%run_scoped3A : memref<!tpu.dma_semaphore, #tpu.memory_space<semaphore_mem>>)
      %dma_wait3A_134 = tpu.memref_slice %arg4[%mul3A_2] : memref<16384xi32, #tpu.memory_space<hbm>> -> memref<512xi32, #tpu.memory_space<hbm>>
      %dma_wait3A_135 = tpu.memref_slice %arg4[%mul3A_2] : memref<16384xi32, #tpu.memory_space<hbm>> -> memref<512xi32, #tpu.memory_space<hbm>>
      tpu.wait_dma2 semaphore(%run_scoped3A : memref<!tpu.dma_semaphore, #tpu.memory_space<semaphore_mem>>) src(%dma_wait3A_135 : memref<512xi32, #tpu.memory_space<hbm>>) dst(%arg10 : memref<512xi32, #tpu.memory_space<vmem>>)
      tpu.yield
    }) : () -> ()
    %scan3A_84 = arith.constant 0 : i32
    %scan3A_85 = arith.constant 0 : i32
    %scan3A_86 = arith.constant 16 : i32
    %scan3A_87 = arith.addi %scan3A_85, %scan3A_86 : i32
    %scan3A_88 = arith.constant 1 : i32
    scf.for %scan3A_132 = %scan3A_85 to %scan3A_87 step %scan3A_88  : i32 {
      %mul3A_133 = arith.constant 16 : i32
      %mul3A_134 = arith.muli %scan3A_132, %mul3A_133 : i32
      %add3A_135 = arith.constant 0 : i32
      %add3A_136 = arith.addi %add3A_135, %mul3A_134 : i32
      %get3A = arith.index_cast %add3A_136 : i32 to index
      %get3A_137 = tpu.vector_load %arg10[%get3A] {strides = array<i32>} : memref<512xi32, #tpu.memory_space<vmem>>, vector<16xi32>,
      %slice3A = vector.extract_strided_slice %get3A_137 {offsets = [0], sizes = [1], strides = [1]} : vector<16xi32> to vector<1xi32>
      %squeeze3A = vector.extract %slice3A[0] : i32 from vector<1xi32>
      %mul3A_138 = arith.constant 16 : i32
      %mul3A_139 = arith.muli %scan3A_132, %mul3A_138 : i32
      %add3A_140 = arith.constant 0 : i32
      %add3A_141 = arith.addi %mul3A_139, %add3A_140 : i32
      %dma_start3A_142 = arith.constant 0 : i32
      %dma_start3A_143 = tpu.memref_slice %arg11[%add3A_141, %dma_start3A_142] : memref<256x64xf32, #tpu.memory_space<vmem>> -> memref<1x64xf32, #tpu.memory_space<vmem>>
      %dma_start3A_144 = arith.constant 0 : i32
      %dma_start3A_145 = tpu.memref_slice %arg5[%squeeze3A, %dma_start3A_144] : memref<1000000x64xf32, #tpu.memory_space<hbm>> -> memref<1x64xf32, #tpu.memory_space<hbm>>
      %dma_start3A_146 = arith.constant 0 : i32
      %dma_start3A_147 = tpu.memref_slice %arg11[%add3A_141, %dma_start3A_146] : memref<256x64xf32, #tpu.memory_space<vmem>> -> memref<1x64xf32, #tpu.memory_space<vmem>>
      %dma_start3A_148 = arith.constant 0 : i32
      %dma_start3A_149 = tpu.memref_slice %arg5[%squeeze3A, %dma_start3A_148] : memref<1000000x64xf32, #tpu.memory_space<hbm>> -> memref<1x64xf32, #tpu.memory_space<hbm>>
      tpu.enqueue_dma source(%dma_start3A_149 : memref<1x64xf32, #tpu.memory_space<hbm>>) target(%dma_start3A_147 : memref<1x64xf32, #tpu.memory_space<vmem>>) target_semaphore(%arg14 : memref<!tpu.dma_semaphore, #tpu.memory_space<semaphore_mem>>)
      %slice3A_150 = vector.extract_strided_slice %get3A_137 {offsets = [1], sizes = [1], strides = [1]} : vector<16xi32> to vector<1xi32>
      %squeeze3A_151 = vector.extract %slice3A_150[0] : i32 from vector<1xi32>
      %mul3A_152 = arith.constant 16 : i32
      %mul3A_153 = arith.muli %scan3A_132, %mul3A_152 : i32
      %add3A_154 = arith.constant 1 : i32
      %add3A_155 = arith.addi %mul3A_153, %add3A_154 : i32
      %dma_start3A_156 = arith.constant 0 : i32
      %dma_start3A_157 = tpu.memref_slice %arg11[%add3A_155, %dma_start3A_156] : memref<256x64xf32, #tpu.memory_space<vmem>> -> memref<1x64xf32, #tpu.memory_space<vmem>>
      %dma_start3A_158 = arith.constant 0 : i32
      %dma_start3A_159 = tpu.memref_slice %arg5[%squeeze3A_151, %dma_start3A_158] : memref<1000000x64xf32, #tpu.memory_space<hbm>> -> memref<1x64xf32, #tpu.memory_space<hbm>>
      %dma_start3A_160 = arith.constant 0 : i32
      %dma_start3A_161 = tpu.memref_slice %arg11[%add3A_155, %dma_start3A_160] : memref<256x64xf32, #tpu.memory_space<vmem>> -> memref<1x64xf32, #tpu.memory_space<vmem>>
      %dma_start3A_162 = arith.constant 0 : i32
      %dma_start3A_163 = tpu.memref_slice %arg5[%squeeze3A_151, %dma_start3A_162] : memref<1000000x64xf32, #tpu.memory_space<hbm>> -> memref<1x64xf32, #tpu.memory_space<hbm>>
      tpu.enqueue_dma source(%dma_start3A_163 : memref<1x64xf32, #tpu.memory_space<hbm>>) target(%dma_start3A_161 : memref<1x64xf32, #tpu.memory_space<vmem>>) target_semaphore(%arg14 : memref<!tpu.dma_semaphore, #tpu.memory_space<semaphore_mem>>)
      %slice3A_164 = vector.extract_strided_slice %get3A_137 {offsets = [2], sizes = [1], strides = [1]} : vector<16xi32> to vector<1xi32>
      %squeeze3A_165 = vector.extract %slice3A_164[0] : i32 from vector<1xi32>
      %mul3A_166 = arith.constant 16 : i32
      %mul3A_167 = arith.muli %scan3A_132, %mul3A_166 : i32
      %add3A_168 = arith.constant 2 : i32
      %add3A_169 = arith.addi %mul3A_167, %add3A_168 : i32
      %dma_start3A_170 = arith.constant 0 : i32
      %dma_start3A_171 = tpu.memref_slice %arg11[%add3A_169, %dma_start3A_170] : memref<256x64xf32, #tpu.memory_space<vmem>> -> memref<1x64xf32, #tpu.memory_space<vmem>>
      %dma_start3A_172 = arith.constant 0 : i32
      %dma_start3A_173 = tpu.memref_slice %arg5[%squeeze3A_165, %dma_start3A_172] : memref<1000000x64xf32, #tpu.memory_space<hbm>> -> memref<1x64xf32, #tpu.memory_space<hbm>>
      %dma_start3A_174 = arith.constant 0 : i32
      %dma_start3A_175 = tpu.memref_slice %arg11[%add3A_169, %dma_start3A_174] : memref<256x64xf32, #tpu.memory_space<vmem>> -> memref<1x64xf32, #tpu.memory_space<vmem>>
      %dma_start3A_176 = arith.constant 0 : i32
      %dma_start3A_177 = tpu.memref_slice %arg5[%squeeze3A_165, %dma_start3A_176] : memref<1000000x64xf32, #tpu.memory_space<hbm>> -> memref<1x64xf32, #tpu.memory_space<hbm>>
      tpu.enqueue_dma source(%dma_start3A_177 : memref<1x64xf32, #tpu.memory_space<hbm>>) target(%dma_start3A_175 : memref<1x64xf32, #tpu.memory_space<vmem>>) target_semaphore(%arg14 : memref<!tpu.dma_semaphore, #tpu.memory_space<semaphore_mem>>)
      %slice3A_178 = vector.extract_strided_slice %get3A_137 {offsets = [3], sizes = [1], strides = [1]} : vector<16xi32> to vector<1xi32>
      %squeeze3A_179 = vector.extract %slice3A_178[0] : i32 from vector<1xi32>
      %mul3A_180 = arith.constant 16 : i32
      %mul3A_181 = arith.muli %scan3A_132, %mul3A_180 : i32
      %add3A_182 = arith.constant 3 : i32
      %add3A_183 = arith.addi %mul3A_181, %add3A_182 : i32
      %dma_start3A_184 = arith.constant 0 : i32
      %dma_start3A_185 = tpu.memref_slice %arg11[%add3A_183, %dma_start3A_184] : memref<256x64xf32, #tpu.memory_space<vmem>> -> memref<1x64xf32, #tpu.memory_space<vmem>>
      %dma_start3A_186 = arith.constant 0 : i32
      %dma_start3A_187 = tpu.memref_slice %arg5[%squeeze3A_179, %dma_start3A_186] : memref<1000000x64xf32, #tpu.memory_space<hbm>> -> memref<1x64xf32, #tpu.memory_space<hbm>>
      %dma_start3A_188 = arith.constant 0 : i32
      %dma_start3A_189 = tpu.memref_slice %arg11[%add3A_183, %dma_start3A_188] : memref<256x64xf32, #tpu.memory_space<vmem>> -> memref<1x64xf32, #tpu.memory_space<vmem>>
      %dma_start3A_190 = arith.constant 0 : i32
      %dma_start3A_191 = tpu.memref_slice %arg5[%squeeze3A_179, %dma_start3A_190] : memref<1000000x64xf32, #tpu.memory_space<hbm>> -> memref<1x64xf32, #tpu.memory_space<hbm>>
      tpu.enqueue_dma source(%dma_start3A_191 : memref<1x64xf32, #tpu.memory_space<hbm>>) target(%dma_start3A_189 : memref<1x64xf32, #tpu.memory_space<vmem>>) target_semaphore(%arg14 : memref<!tpu.dma_semaphore, #tpu.memory_space<semaphore_mem>>)
      %slice3A_192 = vector.extract_strided_slice %get3A_137 {offsets = [4], sizes = [1], strides = [1]} : vector<16xi32> to vector<1xi32>
      %squeeze3A_193 = vector.extract %slice3A_192[0] : i32 from vector<1xi32>
      %mul3A_194 = arith.constant 16 : i32
      %mul3A_195 = arith.muli %scan3A_132, %mul3A_194 : i32
      %add3A_196 = arith.constant 4 : i32
      %add3A_197 = arith.addi %mul3A_195, %add3A_196 : i32
      %dma_start3A_198 = arith.constant 0 : i32
      %dma_start3A_199 = tpu.memref_slice %arg11[%add3A_197, %dma_start3A_198] : memref<256x64xf32, #tpu.memory_space<vmem>> -> memref<1x64xf32, #tpu.memory_space<vmem>>
      %dma_start3A_200 = arith.constant 0 : i32
      %dma_start3A_201 = tpu.memref_slice %arg5[%squeeze3A_193, %dma_start3A_200] : memref<1000000x64xf32, #tpu.memory_space<hbm>> -> memref<1x64xf32, #tpu.memory_space<hbm>>
      %dma_start3A_202 = arith.constant 0 : i32
      %dma_start3A_203 = tpu.memref_slice %arg11[%add3A_197, %dma_start3A_202] : memref<256x64xf32, #tpu.memory_space<vmem>> -> memref<1x64xf32, #tpu.memory_space<vmem>>
      %dma_start3A_204 = arith.constant 0 : i32
      %dma_start3A_205 = tpu.memref_slice %arg5[%squeeze3A_193, %dma_start3A_204] : memref<1000000x64xf32, #tpu.memory_space<hbm>> -> memref<1x64xf32, #tpu.memory_space<hbm>>
      tpu.enqueue_dma source(%dma_start3A_205 : memref<1x64xf32, #tpu.memory_space<hbm>>) target(%dma_start3A_203 : memref<1x64xf32, #tpu.memory_space<vmem>>) target_semaphore(%arg14 : memref<!tpu.dma_semaphore, #tpu.memory_space<semaphore_mem>>)
      %slice3A_206 = vector.extract_strided_slice %get3A_137 {offsets = [5], sizes = [1], strides = [1]} : vector<16xi32> to vector<1xi32>
      %squeeze3A_207 = vector.extract %slice3A_206[0] : i32 from vector<1xi32>
      %mul3A_208 = arith.constant 16 : i32
      %mul3A_209 = arith.muli %scan3A_132, %mul3A_208 : i32
      %add3A_210 = arith.constant 5 : i32
      %add3A_211 = arith.addi %mul3A_209, %add3A_210 : i32
      %dma_start3A_212 = arith.constant 0 : i32
      %dma_start3A_213 = tpu.memref_slice %arg11[%add3A_211, %dma_start3A_212] : memref<256x64xf32, #tpu.memory_space<vmem>> -> memref<1x64xf32, #tpu.memory_space<vmem>>
      %dma_start3A_214 = arith.constant 0 : i32
      %dma_start3A_215 = tpu.memref_slice %arg5[%squeeze3A_207, %dma_start3A_214] : memref<1000000x64xf32, #tpu.memory_space<hbm>> -> memref<1x64xf32, #tpu.memory_space<hbm>>
      %dma_start3A_216 = arith.constant 0 : i32
      %dma_start3A_217 = tpu.memref_slice %arg11[%add3A_211, %dma_start3A_216] : memref<256x64xf32, #tpu.memory_space<vmem>> -> memref<1x64xf32, #tpu.memory_space<vmem>>
      %dma_start3A_218 = arith.constant 0 : i32
      %dma_start3A_219 = tpu.memref_slice %arg5[%squeeze3A_207, %dma_start3A_218] : memref<1000000x64xf32, #tpu.memory_space<hbm>> -> memref<1x64xf32, #tpu.memory_space<hbm>>
      tpu.enqueue_dma source(%dma_start3A_219 : memref<1x64xf32, #tpu.memory_space<hbm>>) target(%dma_start3A_217 : memref<1x64xf32, #tpu.memory_space<vmem>>) target_semaphore(%arg14 : memref<!tpu.dma_semaphore, #tpu.memory_space<semaphore_mem>>)
      %slice3A_220 = vector.extract_strided_slice %get3A_137 {offsets = [6], sizes = [1], strides = [1]} : vector<16xi32> to vector<1xi32>
      %squeeze3A_221 = vector.extract %slice3A_220[0] : i32 from vector<1xi32>
      %mul3A_222 = arith.constant 16 : i32
      %mul3A_223 = arith.muli %scan3A_132, %mul3A_222 : i32
      %add3A_224 = arith.constant 6 : i32
      %add3A_225 = arith.addi %mul3A_223, %add3A_224 : i32
      %dma_start3A_226 = arith.constant 0 : i32
      %dma_start3A_227 = tpu.memref_slice %arg11[%add3A_225, %dma_start3A_226] : memref<256x64xf32, #tpu.memory_space<vmem>> -> memref<1x64xf32, #tpu.memory_space<vmem>>
      %dma_start3A_228 = arith.constant 0 : i32
      %dma_start3A_229 = tpu.memref_slice %arg5[%squeeze3A_221, %dma_start3A_228] : memref<1000000x64xf32, #tpu.memory_space<hbm>> -> memref<1x64xf32, #tpu.memory_space<hbm>>
      %dma_start3A_230 = arith.constant 0 : i32
      %dma_start3A_231 = tpu.memref_slice %arg11[%add3A_225, %dma_start3A_230] : memref<256x64xf32, #tpu.memory_space<vmem>> -> memref<1x64xf32, #tpu.memory_space<vmem>>
      %dma_start3A_232 = arith.constant 0 : i32
      %dma_start3A_233 = tpu.memref_slice %arg5[%squeeze3A_221, %dma_start3A_232] : memref<1000000x64xf32, #tpu.memory_space<hbm>> -> memref<1x64xf32, #tpu.memory_space<hbm>>
      tpu.enqueue_dma source(%dma_start3A_233 : memref<1x64xf32, #tpu.memory_space<hbm>>) target(%dma_start3A_231 : memref<1x64xf32, #tpu.memory_space<vmem>>) target_semaphore(%arg14 : memref<!tpu.dma_semaphore, #tpu.memory_space<semaphore_mem>>)
      %slice3A_234 = vector.extract_strided_slice %get3A_137 {offsets = [7], sizes = [1], strides = [1]} : vector<16xi32> to vector<1xi32>
      %squeeze3A_235 = vector.extract %slice3A_234[0] : i32 from vector<1xi32>
      %mul3A_236 = arith.constant 16 : i32
      %mul3A_237 = arith.muli %scan3A_132, %mul3A_236 : i32
      %add3A_238 = arith.constant 7 : i32
      %add3A_239 = arith.addi %mul3A_237, %add3A_238 : i32
      %dma_start3A_240 = arith.constant 0 : i32
      %dma_start3A_241 = tpu.memref_slice %arg11[%add3A_239, %dma_start3A_240] : memref<256x64xf32, #tpu.memory_space<vmem>> -> memref<1x64xf32, #tpu.memory_space<vmem>>
      %dma_start3A_242 = arith.constant 0 : i32
      %dma_start3A_243 = tpu.memref_slice %arg5[%squeeze3A_235, %dma_start3A_242] : memref<1000000x64xf32, #tpu.memory_space<hbm>> -> memref<1x64xf32, #tpu.memory_space<hbm>>
      %dma_start3A_244 = arith.constant 0 : i32
      %dma_start3A_245 = tpu.memref_slice %arg11[%add3A_239, %dma_start3A_244] : memref<256x64xf32, #tpu.memory_space<vmem>> -> memref<1x64xf32, #tpu.memory_space<vmem>>
      %dma_start3A_246 = arith.constant 0 : i32
      %dma_start3A_247 = tpu.memref_slice %arg5[%squeeze3A_235, %dma_start3A_246] : memref<1000000x64xf32, #tpu.memory_space<hbm>> -> memref<1x64xf32, #tpu.memory_space<hbm>>
      tpu.enqueue_dma source(%dma_start3A_247 : memref<1x64xf32, #tpu.memory_space<hbm>>) target(%dma_start3A_245 : memref<1x64xf32, #tpu.memory_space<vmem>>) target_semaphore(%arg14 : memref<!tpu.dma_semaphore, #tpu.memory_space<semaphore_mem>>)
      %slice3A_248 = vector.extract_strided_slice %get3A_137 {offsets = [8], sizes = [1], strides = [1]} : vector<16xi32> to vector<1xi32>
      %squeeze3A_249 = vector.extract %slice3A_248[0] : i32 from vector<1xi32>
      %mul3A_250 = arith.constant 16 : i32
      %mul3A_251 = arith.muli %scan3A_132, %mul3A_250 : i32
      %add3A_252 = arith.constant 8 : i32
      %add3A_253 = arith.addi %mul3A_251, %add3A_252 : i32
      %dma_start3A_254 = arith.constant 0 : i32
      %dma_start3A_255 = tpu.memref_slice %arg11[%add3A_253, %dma_start3A_254] : memref<256x64xf32, #tpu.memory_space<vmem>> -> memref<1x64xf32, #tpu.memory_space<vmem>>
      %dma_start3A_256 = arith.constant 0 : i32
      %dma_start3A_257 = tpu.memref_slice %arg5[%squeeze3A_249, %dma_start3A_256] : memref<1000000x64xf32, #tpu.memory_space<hbm>> -> memref<1x64xf32, #tpu.memory_space<hbm>>
      %dma_start3A_258 = arith.constant 0 : i32
      %dma_start3A_259 = tpu.memref_slice %arg11[%add3A_253, %dma_start3A_258] : memref<256x64xf32, #tpu.memory_space<vmem>> -> memref<1x64xf32, #tpu.memory_space<vmem>>
      %dma_start3A_260 = arith.constant 0 : i32
      %dma_start3A_261 = tpu.memref_slice %arg5[%squeeze3A_249, %dma_start3A_260] : memref<1000000x64xf32, #tpu.memory_space<hbm>> -> memref<1x64xf32, #tpu.memory_space<hbm>>
      tpu.enqueue_dma source(%dma_start3A_261 : memref<1x64xf32, #tpu.memory_space<hbm>>) target(%dma_start3A_259 : memref<1x64xf32, #tpu.memory_space<vmem>>) target_semaphore(%arg14 : memref<!tpu.dma_semaphore, #tpu.memory_space<semaphore_mem>>)
      %slice3A_262 = vector.extract_strided_slice %get3A_137 {offsets = [9], sizes = [1], strides = [1]} : vector<16xi32> to vector<1xi32>
      %squeeze3A_263 = vector.extract %slice3A_262[0] : i32 from vector<1xi32>
      %mul3A_264 = arith.constant 16 : i32
      %mul3A_265 = arith.muli %scan3A_132, %mul3A_264 : i32
      %add3A_266 = arith.constant 9 : i32
      %add3A_267 = arith.addi %mul3A_265, %add3A_266 : i32
      %dma_start3A_268 = arith.constant 0 : i32
      %dma_start3A_269 = tpu.memref_slice %arg11[%add3A_267, %dma_start3A_268] : memref<256x64xf32, #tpu.memory_space<vmem>> -> memref<1x64xf32, #tpu.memory_space<vmem>>
      %dma_start3A_270 = arith.constant 0 : i32
      %dma_start3A_271 = tpu.memref_slice %arg5[%squeeze3A_263, %dma_start3A_270] : memref<1000000x64xf32, #tpu.memory_space<hbm>> -> memref<1x64xf32, #tpu.memory_space<hbm>>
      %dma_start3A_272 = arith.constant 0 : i32
      %dma_start3A_273 = tpu.memref_slice %arg11[%add3A_267, %dma_start3A_272] : memref<256x64xf32, #tpu.memory_space<vmem>> -> memref<1x64xf32, #tpu.memory_space<vmem>>
      %dma_start3A_274 = arith.constant 0 : i32
      %dma_start3A_275 = tpu.memref_slice %arg5[%squeeze3A_263, %dma_start3A_274] : memref<1000000x64xf32, #tpu.memory_space<hbm>> -> memref<1x64xf32, #tpu.memory_space<hbm>>
      tpu.enqueue_dma source(%dma_start3A_275 : memref<1x64xf32, #tpu.memory_space<hbm>>) target(%dma_start3A_273 : memref<1x64xf32, #tpu.memory_space<vmem>>) target_semaphore(%arg14 : memref<!tpu.dma_semaphore, #tpu.memory_space<semaphore_mem>>)
      %slice3A_276 = vector.extract_strided_slice %get3A_137 {offsets = [10], sizes = [1], strides = [1]} : vector<16xi32> to vector<1xi32>
      %squeeze3A_277 = vector.extract %slice3A_276[0] : i32 from vector<1xi32>
      %mul3A_278 = arith.constant 16 : i32
      %mul3A_279 = arith.muli %scan3A_132, %mul3A_278 : i32
      %add3A_280 = arith.constant 10 : i32
      %add3A_281 = arith.addi %mul3A_279, %add3A_280 : i32
      %dma_start3A_282 = arith.constant 0 : i32
      %dma_start3A_283 = tpu.memref_slice %arg11[%add3A_281, %dma_start3A_282] : memref<256x64xf32, #tpu.memory_space<vmem>> -> memref<1x64xf32, #tpu.memory_space<vmem>>
      %dma_start3A_284 = arith.constant 0 : i32
      %dma_start3A_285 = tpu.memref_slice %arg5[%squeeze3A_277, %dma_start3A_284] : memref<1000000x64xf32, #tpu.memory_space<hbm>> -> memref<1x64xf32, #tpu.memory_space<hbm>>
      %dma_start3A_286 = arith.constant 0 : i32
      %dma_start3A_287 = tpu.memref_slice %arg11[%add3A_281, %dma_start3A_286] : memref<256x64xf32, #tpu.memory_space<vmem>> -> memref<1x64xf32, #tpu.memory_space<vmem>>
      %dma_start3A_288 = arith.constant 0 : i32
      %dma_start3A_289 = tpu.memref_slice %arg5[%squeeze3A_277, %dma_start3A_288] : memref<1000000x64xf32, #tpu.memory_space<hbm>> -> memref<1x64xf32, #tpu.memory_space<hbm>>
      tpu.enqueue_dma source(%dma_start3A_289 : memref<1x64xf32, #tpu.memory_space<hbm>>) target(%dma_start3A_287 : memref<1x64xf32, #tpu.memory_space<vmem>>) target_semaphore(%arg14 : memref<!tpu.dma_semaphore, #tpu.memory_space<semaphore_mem>>)
      %slice3A_290 = vector.extract_strided_slice %get3A_137 {offsets = [11], sizes = [1], strides = [1]} : vector<16xi32> to vector<1xi32>
      %squeeze3A_291 = vector.extract %slice3A_290[0] : i32 from vector<1xi32>
      %mul3A_292 = arith.constant 16 : i32
      %mul3A_293 = arith.muli %scan3A_132, %mul3A_292 : i32
      %add3A_294 = arith.constant 11 : i32
      %add3A_295 = arith.addi %mul3A_293, %add3A_294 : i32
      %dma_start3A_296 = arith.constant 0 : i32
      %dma_start3A_297 = tpu.memref_slice %arg11[%add3A_295, %dma_start3A_296] : memref<256x64xf32, #tpu.memory_space<vmem>> -> memref<1x64xf32, #tpu.memory_space<vmem>>
      %dma_start3A_298 = arith.constant 0 : i32
      %dma_start3A_299 = tpu.memref_slice %arg5[%squeeze3A_291, %dma_start3A_298] : memref<1000000x64xf32, #tpu.memory_space<hbm>> -> memref<1x64xf32, #tpu.memory_space<hbm>>
      %dma_start3A_300 = arith.constant 0 : i32
      %dma_start3A_301 = tpu.memref_slice %arg11[%add3A_295, %dma_start3A_300] : memref<256x64xf32, #tpu.memory_space<vmem>> -> memref<1x64xf32, #tpu.memory_space<vmem>>
      %dma_start3A_302 = arith.constant 0 : i32
      %dma_start3A_303 = tpu.memref_slice %arg5[%squeeze3A_291, %dma_start3A_302] : memref<1000000x64xf32, #tpu.memory_space<hbm>> -> memref<1x64xf32, #tpu.memory_space<hbm>>
      tpu.enqueue_dma source(%dma_start3A_303 : memref<1x64xf32, #tpu.memory_space<hbm>>) target(%dma_start3A_301 : memref<1x64xf32, #tpu.memory_space<vmem>>) target_semaphore(%arg14 : memref<!tpu.dma_semaphore, #tpu.memory_space<semaphore_mem>>)
      %slice3A_304 = vector.extract_strided_slice %get3A_137 {offsets = [12], sizes = [1], strides = [1]} : vector<16xi32> to vector<1xi32>
      %squeeze3A_305 = vector.extract %slice3A_304[0] : i32 from vector<1xi32>
      %mul3A_306 = arith.constant 16 : i32
      %mul3A_307 = arith.muli %scan3A_132, %mul3A_306 : i32
      %add3A_308 = arith.constant 12 : i32
      %add3A_309 = arith.addi %mul3A_307, %add3A_308 : i32
      %dma_start3A_310 = arith.constant 0 : i32
      %dma_start3A_311 = tpu.memref_slice %arg11[%add3A_309, %dma_start3A_310] : memref<256x64xf32, #tpu.memory_space<vmem>> -> memref<1x64xf32, #tpu.memory_space<vmem>>
      %dma_start3A_312 = arith.constant 0 : i32
      %dma_start3A_313 = tpu.memref_slice %arg5[%squeeze3A_305, %dma_start3A_312] : memref<1000000x64xf32, #tpu.memory_space<hbm>> -> memref<1x64xf32, #tpu.memory_space<hbm>>
      %dma_start3A_314 = arith.constant 0 : i32
      %dma_start3A_315 = tpu.memref_slice %arg11[%add3A_309, %dma_start3A_314] : memref<256x64xf32, #tpu.memory_space<vmem>> -> memref<1x64xf32, #tpu.memory_space<vmem>>
      %dma_start3A_316 = arith.constant 0 : i32
      %dma_start3A_317 = tpu.memref_slice %arg5[%squeeze3A_305, %dma_start3A_316] : memref<1000000x64xf32, #tpu.memory_space<hbm>> -> memref<1x64xf32, #tpu.memory_space<hbm>>
      tpu.enqueue_dma source(%dma_start3A_317 : memref<1x64xf32, #tpu.memory_space<hbm>>) target(%dma_start3A_315 : memref<1x64xf32, #tpu.memory_space<vmem>>) target_semaphore(%arg14 : memref<!tpu.dma_semaphore, #tpu.memory_space<semaphore_mem>>)
      %slice3A_318 = vector.extract_strided_slice %get3A_137 {offsets = [13], sizes = [1], strides = [1]} : vector<16xi32> to vector<1xi32>
      %squeeze3A_319 = vector.extract %slice3A_318[0] : i32 from vector<1xi32>
      %mul3A_320 = arith.constant 16 : i32
      %mul3A_321 = arith.muli %scan3A_132, %mul3A_320 : i32
      %add3A_322 = arith.constant 13 : i32
      %add3A_323 = arith.addi %mul3A_321, %add3A_322 : i32
      %dma_start3A_324 = arith.constant 0 : i32
      %dma_start3A_325 = tpu.memref_slice %arg11[%add3A_323, %dma_start3A_324] : memref<256x64xf32, #tpu.memory_space<vmem>> -> memref<1x64xf32, #tpu.memory_space<vmem>>
      %dma_start3A_326 = arith.constant 0 : i32
      %dma_start3A_327 = tpu.memref_slice %arg5[%squeeze3A_319, %dma_start3A_326] : memref<1000000x64xf32, #tpu.memory_space<hbm>> -> memref<1x64xf32, #tpu.memory_space<hbm>>
      %dma_start3A_328 = arith.constant 0 : i32
      %dma_start3A_329 = tpu.memref_slice %arg11[%add3A_323, %dma_start3A_328] : memref<256x64xf32, #tpu.memory_space<vmem>> -> memref<1x64xf32, #tpu.memory_space<vmem>>
      %dma_start3A_330 = arith.constant 0 : i32
      %dma_start3A_331 = tpu.memref_slice %arg5[%squeeze3A_319, %dma_start3A_330] : memref<1000000x64xf32, #tpu.memory_space<hbm>> -> memref<1x64xf32, #tpu.memory_space<hbm>>
      tpu.enqueue_dma source(%dma_start3A_331 : memref<1x64xf32, #tpu.memory_space<hbm>>) target(%dma_start3A_329 : memref<1x64xf32, #tpu.memory_space<vmem>>) target_semaphore(%arg14 : memref<!tpu.dma_semaphore, #tpu.memory_space<semaphore_mem>>)
      %slice3A_332 = vector.extract_strided_slice %get3A_137 {offsets = [14], sizes = [1], strides = [1]} : vector<16xi32> to vector<1xi32>
      %squeeze3A_333 = vector.extract %slice3A_332[0] : i32 from vector<1xi32>
      %mul3A_334 = arith.constant 16 : i32
      %mul3A_335 = arith.muli %scan3A_132, %mul3A_334 : i32
      %add3A_336 = arith.constant 14 : i32
      %add3A_337 = arith.addi %mul3A_335, %add3A_336 : i32
      %dma_start3A_338 = arith.constant 0 : i32
      %dma_start3A_339 = tpu.memref_slice %arg11[%add3A_337, %dma_start3A_338] : memref<256x64xf32, #tpu.memory_space<vmem>> -> memref<1x64xf32, #tpu.memory_space<vmem>>
      %dma_start3A_340 = arith.constant 0 : i32
      %dma_start3A_341 = tpu.memref_slice %arg5[%squeeze3A_333, %dma_start3A_340] : memref<1000000x64xf32, #tpu.memory_space<hbm>> -> memref<1x64xf32, #tpu.memory_space<hbm>>
      %dma_start3A_342 = arith.constant 0 : i32
      %dma_start3A_343 = tpu.memref_slice %arg11[%add3A_337, %dma_start3A_342] : memref<256x64xf32, #tpu.memory_space<vmem>> -> memref<1x64xf32, #tpu.memory_space<vmem>>
      %dma_start3A_344 = arith.constant 0 : i32
      %dma_start3A_345 = tpu.memref_slice %arg5[%squeeze3A_333, %dma_start3A_344] : memref<1000000x64xf32, #tpu.memory_space<hbm>> -> memref<1x64xf32, #tpu.memory_space<hbm>>
      tpu.enqueue_dma source(%dma_start3A_345 : memref<1x64xf32, #tpu.memory_space<hbm>>) target(%dma_start3A_343 : memref<1x64xf32, #tpu.memory_space<vmem>>) target_semaphore(%arg14 : memref<!tpu.dma_semaphore, #tpu.memory_space<semaphore_mem>>)
      %slice3A_346 = vector.extract_strided_slice %get3A_137 {offsets = [15], sizes = [1], strides = [1]} : vector<16xi32> to vector<1xi32>
      %squeeze3A_347 = vector.extract %slice3A_346[0] : i32 from vector<1xi32>
      %mul3A_348 = arith.constant 16 : i32
      %mul3A_349 = arith.muli %scan3A_132, %mul3A_348 : i32
      %add3A_350 = arith.constant 15 : i32
      %add3A_351 = arith.addi %mul3A_349, %add3A_350 : i32
      %dma_start3A_352 = arith.constant 0 : i32
      %dma_start3A_353 = tpu.memref_slice %arg11[%add3A_351, %dma_start3A_352] : memref<256x64xf32, #tpu.memory_space<vmem>> -> memref<1x64xf32, #tpu.memory_space<vmem>>
      %dma_start3A_354 = arith.constant 0 : i32
      %dma_start3A_355 = tpu.memref_slice %arg5[%squeeze3A_347, %dma_start3A_354] : memref<1000000x64xf32, #tpu.memory_space<hbm>> -> memref<1x64xf32, #tpu.memory_space<hbm>>
      %dma_start3A_356 = arith.constant 0 : i32
      %dma_start3A_357 = tpu.memref_slice %arg11[%add3A_351, %dma_start3A_356] : memref<256x64xf32, #tpu.memory_space<vmem>> -> memref<1x64xf32, #tpu.memory_space<vmem>>
      %dma_start3A_358 = arith.constant 0 : i32
      %dma_start3A_359 = tpu.memref_slice %arg5[%squeeze3A_347, %dma_start3A_358] : memref<1000000x64xf32, #tpu.memory_space<hbm>> -> memref<1x64xf32, #tpu.memory_space<hbm>>
      tpu.enqueue_dma source(%dma_start3A_359 : memref<1x64xf32, #tpu.memory_space<hbm>>) target(%dma_start3A_357 : memref<1x64xf32, #tpu.memory_space<vmem>>) target_semaphore(%arg14 : memref<!tpu.dma_semaphore, #tpu.memory_space<semaphore_mem>>)
    }
    %scan3A_89 = arith.constant 16 : i32
    %scan3A_90 = arith.constant 0 : i32
    %scan3A_91 = arith.constant 0 : i32
    %scan3A_92 = arith.constant 16 : i32
    %scan3A_93 = arith.addi %scan3A_91, %scan3A_92 : i32
    %scan3A_94 = arith.constant 1 : i32
    scf.for %scan3A_132 = %scan3A_91 to %scan3A_93 step %scan3A_94  : i32 {
      %mul3A_133 = arith.constant 16 : i32
      %mul3A_134 = arith.muli %scan3A_132, %mul3A_133 : i32
      %add3A_135 = arith.constant 256 : i32
      %add3A_136 = arith.addi %add3A_135, %mul3A_134 : i32
      %get3A = arith.index_cast %add3A_136 : i32 to index
      %get3A_137 = tpu.vector_load %arg10[%get3A] {strides = array<i32>} : memref<512xi32, #tpu.memory_space<vmem>>, vector<16xi32>,
      %slice3A = vector.extract_strided_slice %get3A_137 {offsets = [0], sizes = [1], strides = [1]} : vector<16xi32> to vector<1xi32>
      %squeeze3A = vector.extract %slice3A[0] : i32 from vector<1xi32>
      %mul3A_138 = arith.constant 16 : i32
      %mul3A_139 = arith.muli %scan3A_132, %mul3A_138 : i32
      %add3A_140 = arith.constant 0 : i32
      %add3A_141 = arith.addi %mul3A_139, %add3A_140 : i32
      %dma_start3A_142 = arith.constant 0 : i32
      %dma_start3A_143 = tpu.memref_slice %arg12[%add3A_141, %dma_start3A_142] : memref<256x64xf32, #tpu.memory_space<vmem>> -> memref<1x64xf32, #tpu.memory_space<vmem>>
      %dma_start3A_144 = arith.constant 0 : i32
      %dma_start3A_145 = tpu.memref_slice %arg5[%squeeze3A, %dma_start3A_144] : memref<1000000x64xf32, #tpu.memory_space<hbm>> -> memref<1x64xf32, #tpu.memory_space<hbm>>
      %dma_start3A_146 = arith.constant 0 : i32
      %dma_start3A_147 = tpu.memref_slice %arg12[%add3A_141, %dma_start3A_146] : memref<256x64xf32, #tpu.memory_space<vmem>> -> memref<1x64xf32, #tpu.memory_space<vmem>>
      %dma_start3A_148 = arith.constant 0 : i32
      %dma_start3A_149 = tpu.memref_slice %arg5[%squeeze3A, %dma_start3A_148] : memref<1000000x64xf32, #tpu.memory_space<hbm>> -> memref<1x64xf32, #tpu.memory_space<hbm>>
      tpu.enqueue_dma source(%dma_start3A_149 : memref<1x64xf32, #tpu.memory_space<hbm>>) target(%dma_start3A_147 : memref<1x64xf32, #tpu.memory_space<vmem>>) target_semaphore(%arg15 : memref<!tpu.dma_semaphore, #tpu.memory_space<semaphore_mem>>)
      %slice3A_150 = vector.extract_strided_slice %get3A_137 {offsets = [1], sizes = [1], strides = [1]} : vector<16xi32> to vector<1xi32>
      %squeeze3A_151 = vector.extract %slice3A_150[0] : i32 from vector<1xi32>
      %mul3A_152 = arith.constant 16 : i32
      %mul3A_153 = arith.muli %scan3A_132, %mul3A_152 : i32
      %add3A_154 = arith.constant 1 : i32
      %add3A_155 = arith.addi %mul3A_153, %add3A_154 : i32
      %dma_start3A_156 = arith.constant 0 : i32
      %dma_start3A_157 = tpu.memref_slice %arg12[%add3A_155, %dma_start3A_156] : memref<256x64xf32, #tpu.memory_space<vmem>> -> memref<1x64xf32, #tpu.memory_space<vmem>>
      %dma_start3A_158 = arith.constant 0 : i32
      %dma_start3A_159 = tpu.memref_slice %arg5[%squeeze3A_151, %dma_start3A_158] : memref<1000000x64xf32, #tpu.memory_space<hbm>> -> memref<1x64xf32, #tpu.memory_space<hbm>>
      %dma_start3A_160 = arith.constant 0 : i32
      %dma_start3A_161 = tpu.memref_slice %arg12[%add3A_155, %dma_start3A_160] : memref<256x64xf32, #tpu.memory_space<vmem>> -> memref<1x64xf32, #tpu.memory_space<vmem>>
      %dma_start3A_162 = arith.constant 0 : i32
      %dma_start3A_163 = tpu.memref_slice %arg5[%squeeze3A_151, %dma_start3A_162] : memref<1000000x64xf32, #tpu.memory_space<hbm>> -> memref<1x64xf32, #tpu.memory_space<hbm>>
      tpu.enqueue_dma source(%dma_start3A_163 : memref<1x64xf32, #tpu.memory_space<hbm>>) target(%dma_start3A_161 : memref<1x64xf32, #tpu.memory_space<vmem>>) target_semaphore(%arg15 : memref<!tpu.dma_semaphore, #tpu.memory_space<semaphore_mem>>)
      %slice3A_164 = vector.extract_strided_slice %get3A_137 {offsets = [2], sizes = [1], strides = [1]} : vector<16xi32> to vector<1xi32>
      %squeeze3A_165 = vector.extract %slice3A_164[0] : i32 from vector<1xi32>
      %mul3A_166 = arith.constant 16 : i32
      %mul3A_167 = arith.muli %scan3A_132, %mul3A_166 : i32
      %add3A_168 = arith.constant 2 : i32
      %add3A_169 = arith.addi %mul3A_167, %add3A_168 : i32
      %dma_start3A_170 = arith.constant 0 : i32
      %dma_start3A_171 = tpu.memref_slice %arg12[%add3A_169, %dma_start3A_170] : memref<256x64xf32, #tpu.memory_space<vmem>> -> memref<1x64xf32, #tpu.memory_space<vmem>>
      %dma_start3A_172 = arith.constant 0 : i32
      %dma_start3A_173 = tpu.memref_slice %arg5[%squeeze3A_165, %dma_start3A_172] : memref<1000000x64xf32, #tpu.memory_space<hbm>> -> memref<1x64xf32, #tpu.memory_space<hbm>>
      %dma_start3A_174 = arith.constant 0 : i32
      %dma_start3A_175 = tpu.memref_slice %arg12[%add3A_169, %dma_start3A_174] : memref<256x64xf32, #tpu.memory_space<vmem>> -> memref<1x64xf32, #tpu.memory_space<vmem>>
      %dma_start3A_176 = arith.constant 0 : i32
      %dma_start3A_177 = tpu.memref_slice %arg5[%squeeze3A_165, %dma_start3A_176] : memref<1000000x64xf32, #tpu.memory_space<hbm>> -> memref<1x64xf32, #tpu.memory_space<hbm>>
      tpu.enqueue_dma source(%dma_start3A_177 : memref<1x64xf32, #tpu.memory_space<hbm>>) target(%dma_start3A_175 : memref<1x64xf32, #tpu.memory_space<vmem>>) target_semaphore(%arg15 : memref<!tpu.dma_semaphore, #tpu.memory_space<semaphore_mem>>)
      %slice3A_178 = vector.extract_strided_slice %get3A_137 {offsets = [3], sizes = [1], strides = [1]} : vector<16xi32> to vector<1xi32>
      %squeeze3A_179 = vector.extract %slice3A_178[0] : i32 from vector<1xi32>
      %mul3A_180 = arith.constant 16 : i32
      %mul3A_181 = arith.muli %scan3A_132, %mul3A_180 : i32
      %add3A_182 = arith.constant 3 : i32
      %add3A_183 = arith.addi %mul3A_181, %add3A_182 : i32
      %dma_start3A_184 = arith.constant 0 : i32
      %dma_start3A_185 = tpu.memref_slice %arg12[%add3A_183, %dma_start3A_184] : memref<256x64xf32, #tpu.memory_space<vmem>> -> memref<1x64xf32, #tpu.memory_space<vmem>>
      %dma_start3A_186 = arith.constant 0 : i32
      %dma_start3A_187 = tpu.memref_slice %arg5[%squeeze3A_179, %dma_start3A_186] : memref<1000000x64xf32, #tpu.memory_space<hbm>> -> memref<1x64xf32, #tpu.memory_space<hbm>>
      %dma_start3A_188 = arith.constant 0 : i32
      %dma_start3A_189 = tpu.memref_slice %arg12[%add3A_183, %dma_start3A_188] : memref<256x64xf32, #tpu.memory_space<vmem>> -> memref<1x64xf32, #tpu.memory_space<vmem>>
      %dma_start3A_190 = arith.constant 0 : i32
      %dma_start3A_191 = tpu.memref_slice %arg5[%squeeze3A_179, %dma_start3A_190] : memref<1000000x64xf32, #tpu.memory_space<hbm>> -> memref<1x64xf32, #tpu.memory_space<hbm>>
      tpu.enqueue_dma source(%dma_start3A_191 : memref<1x64xf32, #tpu.memory_space<hbm>>) target(%dma_start3A_189 : memref<1x64xf32, #tpu.memory_space<vmem>>) target_semaphore(%arg15 : memref<!tpu.dma_semaphore, #tpu.memory_space<semaphore_mem>>)
      %slice3A_192 = vector.extract_strided_slice %get3A_137 {offsets = [4], sizes = [1], strides = [1]} : vector<16xi32> to vector<1xi32>
      %squeeze3A_193 = vector.extract %slice3A_192[0] : i32 from vector<1xi32>
      %mul3A_194 = arith.constant 16 : i32
      %mul3A_195 = arith.muli %scan3A_132, %mul3A_194 : i32
      %add3A_196 = arith.constant 4 : i32
      %add3A_197 = arith.addi %mul3A_195, %add3A_196 : i32
      %dma_start3A_198 = arith.constant 0 : i32
      %dma_start3A_199 = tpu.memref_slice %arg12[%add3A_197, %dma_start3A_198] : memref<256x64xf32, #tpu.memory_space<vmem>> -> memref<1x64xf32, #tpu.memory_space<vmem>>
      %dma_start3A_200 = arith.constant 0 : i32
      %dma_start3A_201 = tpu.memref_slice %arg5[%squeeze3A_193, %dma_start3A_200] : memref<1000000x64xf32, #tpu.memory_space<hbm>> -> memref<1x64xf32, #tpu.memory_space<hbm>>
      %dma_start3A_202 = arith.constant 0 : i32
      %dma_start3A_203 = tpu.memref_slice %arg12[%add3A_197, %dma_start3A_202] : memref<256x64xf32, #tpu.memory_space<vmem>> -> memref<1x64xf32, #tpu.memory_space<vmem>>
      %dma_start3A_204 = arith.constant 0 : i32
      %dma_start3A_205 = tpu.memref_slice %arg5[%squeeze3A_193, %dma_start3A_204] : memref<1000000x64xf32, #tpu.memory_space<hbm>> -> memref<1x64xf32, #tpu.memory_space<hbm>>
      tpu.enqueue_dma source(%dma_start3A_205 : memref<1x64xf32, #tpu.memory_space<hbm>>) target(%dma_start3A_203 : memref<1x64xf32, #tpu.memory_space<vmem>>) target_semaphore(%arg15 : memref<!tpu.dma_semaphore, #tpu.memory_space<semaphore_mem>>)
      %slice3A_206 = vector.extract_strided_slice %get3A_137 {offsets = [5], sizes = [1], strides = [1]} : vector<16xi32> to vector<1xi32>
      %squeeze3A_207 = vector.extract %slice3A_206[0] : i32 from vector<1xi32>
      %mul3A_208 = arith.constant 16 : i32
      %mul3A_209 = arith.muli %scan3A_132, %mul3A_208 : i32
      %add3A_210 = arith.constant 5 : i32
      %add3A_211 = arith.addi %mul3A_209, %add3A_210 : i32
      %dma_start3A_212 = arith.constant 0 : i32
      %dma_start3A_213 = tpu.memref_slice %arg12[%add3A_211, %dma_start3A_212] : memref<256x64xf32, #tpu.memory_space<vmem>> -> memref<1x64xf32, #tpu.memory_space<vmem>>
      %dma_start3A_214 = arith.constant 0 : i32
      %dma_start3A_215 = tpu.memref_slice %arg5[%squeeze3A_207, %dma_start3A_214] : memref<1000000x64xf32, #tpu.memory_space<hbm>> -> memref<1x64xf32, #tpu.memory_space<hbm>>
      %dma_start3A_216 = arith.constant 0 : i32
      %dma_start3A_217 = tpu.memref_slice %arg12[%add3A_211, %dma_start3A_216] : memref<256x64xf32, #tpu.memory_space<vmem>> -> memref<1x64xf32, #tpu.memory_space<vmem>>
      %dma_start3A_218 = arith.constant 0 : i32
      %dma_start3A_219 = tpu.memref_slice %arg5[%squeeze3A_207, %dma_start3A_218] : memref<1000000x64xf32, #tpu.memory_space<hbm>> -> memref<1x64xf32, #tpu.memory_space<hbm>>
      tpu.enqueue_dma source(%dma_start3A_219 : memref<1x64xf32, #tpu.memory_space<hbm>>) target(%dma_start3A_217 : memref<1x64xf32, #tpu.memory_space<vmem>>) target_semaphore(%arg15 : memref<!tpu.dma_semaphore, #tpu.memory_space<semaphore_mem>>)
      %slice3A_220 = vector.extract_strided_slice %get3A_137 {offsets = [6], sizes = [1], strides = [1]} : vector<16xi32> to vector<1xi32>
      %squeeze3A_221 = vector.extract %slice3A_220[0] : i32 from vector<1xi32>
      %mul3A_222 = arith.constant 16 : i32
      %mul3A_223 = arith.muli %scan3A_132, %mul3A_222 : i32
      %add3A_224 = arith.constant 6 : i32
      %add3A_225 = arith.addi %mul3A_223, %add3A_224 : i32
      %dma_start3A_226 = arith.constant 0 : i32
      %dma_start3A_227 = tpu.memref_slice %arg12[%add3A_225, %dma_start3A_226] : memref<256x64xf32, #tpu.memory_space<vmem>> -> memref<1x64xf32, #tpu.memory_space<vmem>>
      %dma_start3A_228 = arith.constant 0 : i32
      %dma_start3A_229 = tpu.memref_slice %arg5[%squeeze3A_221, %dma_start3A_228] : memref<1000000x64xf32, #tpu.memory_space<hbm>> -> memref<1x64xf32, #tpu.memory_space<hbm>>
      %dma_start3A_230 = arith.constant 0 : i32
      %dma_start3A_231 = tpu.memref_slice %arg12[%add3A_225, %dma_start3A_230] : memref<256x64xf32, #tpu.memory_space<vmem>> -> memref<1x64xf32, #tpu.memory_space<vmem>>
      %dma_start3A_232 = arith.constant 0 : i32
      %dma_start3A_233 = tpu.memref_slice %arg5[%squeeze3A_221, %dma_start3A_232] : memref<1000000x64xf32, #tpu.memory_space<hbm>> -> memref<1x64xf32, #tpu.memory_space<hbm>>
      tpu.enqueue_dma source(%dma_start3A_233 : memref<1x64xf32, #tpu.memory_space<hbm>>) target(%dma_start3A_231 : memref<1x64xf32, #tpu.memory_space<vmem>>) target_semaphore(%arg15 : memref<!tpu.dma_semaphore, #tpu.memory_space<semaphore_mem>>)
      %slice3A_234 = vector.extract_strided_slice %get3A_137 {offsets = [7], sizes = [1], strides = [1]} : vector<16xi32> to vector<1xi32>
      %squeeze3A_235 = vector.extract %slice3A_234[0] : i32 from vector<1xi32>
      %mul3A_236 = arith.constant 16 : i32
      %mul3A_237 = arith.muli %scan3A_132, %mul3A_236 : i32
      %add3A_238 = arith.constant 7 : i32
      %add3A_239 = arith.addi %mul3A_237, %add3A_238 : i32
      %dma_start3A_240 = arith.constant 0 : i32
      %dma_start3A_241 = tpu.memref_slice %arg12[%add3A_239, %dma_start3A_240] : memref<256x64xf32, #tpu.memory_space<vmem>> -> memref<1x64xf32, #tpu.memory_space<vmem>>
      %dma_start3A_242 = arith.constant 0 : i32
      %dma_start3A_243 = tpu.memref_slice %arg5[%squeeze3A_235, %dma_start3A_242] : memref<1000000x64xf32, #tpu.memory_space<hbm>> -> memref<1x64xf32, #tpu.memory_space<hbm>>
      %dma_start3A_244 = arith.constant 0 : i32
      %dma_start3A_245 = tpu.memref_slice %arg12[%add3A_239, %dma_start3A_244] : memref<256x64xf32, #tpu.memory_space<vmem>> -> memref<1x64xf32, #tpu.memory_space<vmem>>
      %dma_start3A_246 = arith.constant 0 : i32
      %dma_start3A_247 = tpu.memref_slice %arg5[%squeeze3A_235, %dma_start3A_246] : memref<1000000x64xf32, #tpu.memory_space<hbm>> -> memref<1x64xf32, #tpu.memory_space<hbm>>
      tpu.enqueue_dma source(%dma_start3A_247 : memref<1x64xf32, #tpu.memory_space<hbm>>) target(%dma_start3A_245 : memref<1x64xf32, #tpu.memory_space<vmem>>) target_semaphore(%arg15 : memref<!tpu.dma_semaphore, #tpu.memory_space<semaphore_mem>>)
      %slice3A_248 = vector.extract_strided_slice %get3A_137 {offsets = [8], sizes = [1], strides = [1]} : vector<16xi32> to vector<1xi32>
      %squeeze3A_249 = vector.extract %slice3A_248[0] : i32 from vector<1xi32>
      %mul3A_250 = arith.constant 16 : i32
      %mul3A_251 = arith.muli %scan3A_132, %mul3A_250 : i32
      %add3A_252 = arith.constant 8 : i32
      %add3A_253 = arith.addi %mul3A_251, %add3A_252 : i32
      %dma_start3A_254 = arith.constant 0 : i32
      %dma_start3A_255 = tpu.memref_slice %arg12[%add3A_253, %dma_start3A_254] : memref<256x64xf32, #tpu.memory_space<vmem>> -> memref<1x64xf32, #tpu.memory_space<vmem>>
      %dma_start3A_256 = arith.constant 0 : i32
      %dma_start3A_257 = tpu.memref_slice %arg5[%squeeze3A_249, %dma_start3A_256] : memref<1000000x64xf32, #tpu.memory_space<hbm>> -> memref<1x64xf32, #tpu.memory_space<hbm>>
      %dma_start3A_258 = arith.constant 0 : i32
      %dma_start3A_259 = tpu.memref_slice %arg12[%add3A_253, %dma_start3A_258] : memref<256x64xf32, #tpu.memory_space<vmem>> -> memref<1x64xf32, #tpu.memory_space<vmem>>
      %dma_start3A_260 = arith.constant 0 : i32
      %dma_start3A_261 = tpu.memref_slice %arg5[%squeeze3A_249, %dma_start3A_260] : memref<1000000x64xf32, #tpu.memory_space<hbm>> -> memref<1x64xf32, #tpu.memory_space<hbm>>
      tpu.enqueue_dma source(%dma_start3A_261 : memref<1x64xf32, #tpu.memory_space<hbm>>) target(%dma_start3A_259 : memref<1x64xf32, #tpu.memory_space<vmem>>) target_semaphore(%arg15 : memref<!tpu.dma_semaphore, #tpu.memory_space<semaphore_mem>>)
      %slice3A_262 = vector.extract_strided_slice %get3A_137 {offsets = [9], sizes = [1], strides = [1]} : vector<16xi32> to vector<1xi32>
      %squeeze3A_263 = vector.extract %slice3A_262[0] : i32 from vector<1xi32>
      %mul3A_264 = arith.constant 16 : i32
      %mul3A_265 = arith.muli %scan3A_132, %mul3A_264 : i32
      %add3A_266 = arith.constant 9 : i32
      %add3A_267 = arith.addi %mul3A_265, %add3A_266 : i32
      %dma_start3A_268 = arith.constant 0 : i32
      %dma_start3A_269 = tpu.memref_slice %arg12[%add3A_267, %dma_start3A_268] : memref<256x64xf32, #tpu.memory_space<vmem>> -> memref<1x64xf32, #tpu.memory_space<vmem>>
      %dma_start3A_270 = arith.constant 0 : i32
      %dma_start3A_271 = tpu.memref_slice %arg5[%squeeze3A_263, %dma_start3A_270] : memref<1000000x64xf32, #tpu.memory_space<hbm>> -> memref<1x64xf32, #tpu.memory_space<hbm>>
      %dma_start3A_272 = arith.constant 0 : i32
      %dma_start3A_273 = tpu.memref_slice %arg12[%add3A_267, %dma_start3A_272] : memref<256x64xf32, #tpu.memory_space<vmem>> -> memref<1x64xf32, #tpu.memory_space<vmem>>
      %dma_start3A_274 = arith.constant 0 : i32
      %dma_start3A_275 = tpu.memref_slice %arg5[%squeeze3A_263, %dma_start3A_274] : memref<1000000x64xf32, #tpu.memory_space<hbm>> -> memref<1x64xf32, #tpu.memory_space<hbm>>
      tpu.enqueue_dma source(%dma_start3A_275 : memref<1x64xf32, #tpu.memory_space<hbm>>) target(%dma_start3A_273 : memref<1x64xf32, #tpu.memory_space<vmem>>) target_semaphore(%arg15 : memref<!tpu.dma_semaphore, #tpu.memory_space<semaphore_mem>>)
      %slice3A_276 = vector.extract_strided_slice %get3A_137 {offsets = [10], sizes = [1], strides = [1]} : vector<16xi32> to vector<1xi32>
      %squeeze3A_277 = vector.extract %slice3A_276[0] : i32 from vector<1xi32>
      %mul3A_278 = arith.constant 16 : i32
      %mul3A_279 = arith.muli %scan3A_132, %mul3A_278 : i32
      %add3A_280 = arith.constant 10 : i32
      %add3A_281 = arith.addi %mul3A_279, %add3A_280 : i32
      %dma_start3A_282 = arith.constant 0 : i32
      %dma_start3A_283 = tpu.memref_slice %arg12[%add3A_281, %dma_start3A_282] : memref<256x64xf32, #tpu.memory_space<vmem>> -> memref<1x64xf32, #tpu.memory_space<vmem>>
      %dma_start3A_284 = arith.constant 0 : i32
      %dma_start3A_285 = tpu.memref_slice %arg5[%squeeze3A_277, %dma_start3A_284] : memref<1000000x64xf32, #tpu.memory_space<hbm>> -> memref<1x64xf32, #tpu.memory_space<hbm>>
      %dma_start3A_286 = arith.constant 0 : i32
      %dma_start3A_287 = tpu.memref_slice %arg12[%add3A_281, %dma_start3A_286] : memref<256x64xf32, #tpu.memory_space<vmem>> -> memref<1x64xf32, #tpu.memory_space<vmem>>
      %dma_start3A_288 = arith.constant 0 : i32
      %dma_start3A_289 = tpu.memref_slice %arg5[%squeeze3A_277, %dma_start3A_288] : memref<1000000x64xf32, #tpu.memory_space<hbm>> -> memref<1x64xf32, #tpu.memory_space<hbm>>
      tpu.enqueue_dma source(%dma_start3A_289 : memref<1x64xf32, #tpu.memory_space<hbm>>) target(%dma_start3A_287 : memref<1x64xf32, #tpu.memory_space<vmem>>) target_semaphore(%arg15 : memref<!tpu.dma_semaphore, #tpu.memory_space<semaphore_mem>>)
      %slice3A_290 = vector.extract_strided_slice %get3A_137 {offsets = [11], sizes = [1], strides = [1]} : vector<16xi32> to vector<1xi32>
      %squeeze3A_291 = vector.extract %slice3A_290[0] : i32 from vector<1xi32>
      %mul3A_292 = arith.constant 16 : i32
      %mul3A_293 = arith.muli %scan3A_132, %mul3A_292 : i32
      %add3A_294 = arith.constant 11 : i32
      %add3A_295 = arith.addi %mul3A_293, %add3A_294 : i32
      %dma_start3A_296 = arith.constant 0 : i32
      %dma_start3A_297 = tpu.memref_slice %arg12[%add3A_295, %dma_start3A_296] : memref<256x64xf32, #tpu.memory_space<vmem>> -> memref<1x64xf32, #tpu.memory_space<vmem>>
      %dma_start3A_298 = arith.constant 0 : i32
      %dma_start3A_299 = tpu.memref_slice %arg5[%squeeze3A_291, %dma_start3A_298] : memref<1000000x64xf32, #tpu.memory_space<hbm>> -> memref<1x64xf32, #tpu.memory_space<hbm>>
      %dma_start3A_300 = arith.constant 0 : i32
      %dma_start3A_301 = tpu.memref_slice %arg12[%add3A_295, %dma_start3A_300] : memref<256x64xf32, #tpu.memory_space<vmem>> -> memref<1x64xf32, #tpu.memory_space<vmem>>
      %dma_start3A_302 = arith.constant 0 : i32
      %dma_start3A_303 = tpu.memref_slice %arg5[%squeeze3A_291, %dma_start3A_302] : memref<1000000x64xf32, #tpu.memory_space<hbm>> -> memref<1x64xf32, #tpu.memory_space<hbm>>
      tpu.enqueue_dma source(%dma_start3A_303 : memref<1x64xf32, #tpu.memory_space<hbm>>) target(%dma_start3A_301 : memref<1x64xf32, #tpu.memory_space<vmem>>) target_semaphore(%arg15 : memref<!tpu.dma_semaphore, #tpu.memory_space<semaphore_mem>>)
      %slice3A_304 = vector.extract_strided_slice %get3A_137 {offsets = [12], sizes = [1], strides = [1]} : vector<16xi32> to vector<1xi32>
      %squeeze3A_305 = vector.extract %slice3A_304[0] : i32 from vector<1xi32>
      %mul3A_306 = arith.constant 16 : i32
      %mul3A_307 = arith.muli %scan3A_132, %mul3A_306 : i32
      %add3A_308 = arith.constant 12 : i32
      %add3A_309 = arith.addi %mul3A_307, %add3A_308 : i32
      %dma_start3A_310 = arith.constant 0 : i32
      %dma_start3A_311 = tpu.memref_slice %arg12[%add3A_309, %dma_start3A_310] : memref<256x64xf32, #tpu.memory_space<vmem>> -> memref<1x64xf32, #tpu.memory_space<vmem>>
      %dma_start3A_312 = arith.constant 0 : i32
      %dma_start3A_313 = tpu.memref_slice %arg5[%squeeze3A_305, %dma_start3A_312] : memref<1000000x64xf32, #tpu.memory_space<hbm>> -> memref<1x64xf32, #tpu.memory_space<hbm>>
      %dma_start3A_314 = arith.constant 0 : i32
      %dma_start3A_315 = tpu.memref_slice %arg12[%add3A_309, %dma_start3A_314] : memref<256x64xf32, #tpu.memory_space<vmem>> -> memref<1x64xf32, #tpu.memory_space<vmem>>
      %dma_start3A_316 = arith.constant 0 : i32
      %dma_start3A_317 = tpu.memref_slice %arg5[%squeeze3A_305, %dma_start3A_316] : memref<1000000x64xf32, #tpu.memory_space<hbm>> -> memref<1x64xf32, #tpu.memory_space<hbm>>
      tpu.enqueue_dma source(%dma_start3A_317 : memref<1x64xf32, #tpu.memory_space<hbm>>) target(%dma_start3A_315 : memref<1x64xf32, #tpu.memory_space<vmem>>) target_semaphore(%arg15 : memref<!tpu.dma_semaphore, #tpu.memory_space<semaphore_mem>>)
      %slice3A_318 = vector.extract_strided_slice %get3A_137 {offsets = [13], sizes = [1], strides = [1]} : vector<16xi32> to vector<1xi32>
      %squeeze3A_319 = vector.extract %slice3A_318[0] : i32 from vector<1xi32>
      %mul3A_320 = arith.constant 16 : i32
      %mul3A_321 = arith.muli %scan3A_132, %mul3A_320 : i32
      %add3A_322 = arith.constant 13 : i32
      %add3A_323 = arith.addi %mul3A_321, %add3A_322 : i32
      %dma_start3A_324 = arith.constant 0 : i32
      %dma_start3A_325 = tpu.memref_slice %arg12[%add3A_323, %dma_start3A_324] : memref<256x64xf32, #tpu.memory_space<vmem>> -> memref<1x64xf32, #tpu.memory_space<vmem>>
      %dma_start3A_326 = arith.constant 0 : i32
      %dma_start3A_327 = tpu.memref_slice %arg5[%squeeze3A_319, %dma_start3A_326] : memref<1000000x64xf32, #tpu.memory_space<hbm>> -> memref<1x64xf32, #tpu.memory_space<hbm>>
      %dma_start3A_328 = arith.constant 0 : i32
      %dma_start3A_329 = tpu.memref_slice %arg12[%add3A_323, %dma_start3A_328] : memref<256x64xf32, #tpu.memory_space<vmem>> -> memref<1x64xf32, #tpu.memory_space<vmem>>
      %dma_start3A_330 = arith.constant 0 : i32
      %dma_start3A_331 = tpu.memref_slice %arg5[%squeeze3A_319, %dma_start3A_330] : memref<1000000x64xf32, #tpu.memory_space<hbm>> -> memref<1x64xf32, #tpu.memory_space<hbm>>
      tpu.enqueue_dma source(%dma_start3A_331 : memref<1x64xf32, #tpu.memory_space<hbm>>) target(%dma_start3A_329 : memref<1x64xf32, #tpu.memory_space<vmem>>) target_semaphore(%arg15 : memref<!tpu.dma_semaphore, #tpu.memory_space<semaphore_mem>>)
      %slice3A_332 = vector.extract_strided_slice %get3A_137 {offsets = [14], sizes = [1], strides = [1]} : vector<16xi32> to vector<1xi32>
      %squeeze3A_333 = vector.extract %slice3A_332[0] : i32 from vector<1xi32>
      %mul3A_334 = arith.constant 16 : i32
      %mul3A_335 = arith.muli %scan3A_132, %mul3A_334 : i32
      %add3A_336 = arith.constant 14 : i32
      %add3A_337 = arith.addi %mul3A_335, %add3A_336 : i32
      %dma_start3A_338 = arith.constant 0 : i32
      %dma_start3A_339 = tpu.memref_slice %arg12[%add3A_337, %dma_start3A_338] : memref<256x64xf32, #tpu.memory_space<vmem>> -> memref<1x64xf32, #tpu.memory_space<vmem>>
      %dma_start3A_340 = arith.constant 0 : i32
      %dma_start3A_341 = tpu.memref_slice %arg5[%squeeze3A_333, %dma_start3A_340] : memref<1000000x64xf32, #tpu.memory_space<hbm>> -> memref<1x64xf32, #tpu.memory_space<hbm>>
      %dma_start3A_342 = arith.constant 0 : i32
      %dma_start3A_343 = tpu.memref_slice %arg12[%add3A_337, %dma_start3A_342] : memref<256x64xf32, #tpu.memory_space<vmem>> -> memref<1x64xf32, #tpu.memory_space<vmem>>
      %dma_start3A_344 = arith.constant 0 : i32
      %dma_start3A_345 = tpu.memref_slice %arg5[%squeeze3A_333, %dma_start3A_344] : memref<1000000x64xf32, #tpu.memory_space<hbm>> -> memref<1x64xf32, #tpu.memory_space<hbm>>
      tpu.enqueue_dma source(%dma_start3A_345 : memref<1x64xf32, #tpu.memory_space<hbm>>) target(%dma_start3A_343 : memref<1x64xf32, #tpu.memory_space<vmem>>) target_semaphore(%arg15 : memref<!tpu.dma_semaphore, #tpu.memory_space<semaphore_mem>>)
      %slice3A_346 = vector.extract_strided_slice %get3A_137 {offsets = [15], sizes = [1], strides = [1]} : vector<16xi32> to vector<1xi32>
      %squeeze3A_347 = vector.extract %slice3A_346[0] : i32 from vector<1xi32>
      %mul3A_348 = arith.constant 16 : i32
      %mul3A_349 = arith.muli %scan3A_132, %mul3A_348 : i32
      %add3A_350 = arith.constant 15 : i32
      %add3A_351 = arith.addi %mul3A_349, %add3A_350 : i32
      %dma_start3A_352 = arith.constant 0 : i32
      %dma_start3A_353 = tpu.memref_slice %arg12[%add3A_351, %dma_start3A_352] : memref<256x64xf32, #tpu.memory_space<vmem>> -> memref<1x64xf32, #tpu.memory_space<vmem>>
      %dma_start3A_354 = arith.constant 0 : i32
      %dma_start3A_355 = tpu.memref_slice %arg5[%squeeze3A_347, %dma_start3A_354] : memref<1000000x64xf32, #tpu.memory_space<hbm>> -> memref<1x64xf32, #tpu.memory_space<hbm>>
      %dma_start3A_356 = arith.constant 0 : i32
      %dma_start3A_357 = tpu.memref_slice %arg12[%add3A_351, %dma_start3A_356] : memref<256x64xf32, #tpu.memory_space<vmem>> -> memref<1x64xf32, #tpu.memory_space<vmem>>
      %dma_start3A_358 = arith.constant 0 : i32
      %dma_start3A_359 = tpu.memref_slice %arg5[%squeeze3A_347, %dma_start3A_358] : memref<1000000x64xf32, #tpu.memory_space<hbm>> -> memref<1x64xf32, #tpu.memory_space<hbm>>
      tpu.enqueue_dma source(%dma_start3A_359 : memref<1x64xf32, #tpu.memory_space<hbm>>) target(%dma_start3A_357 : memref<1x64xf32, #tpu.memory_space<vmem>>) target_semaphore(%arg15 : memref<!tpu.dma_semaphore, #tpu.memory_space<semaphore_mem>>)
    }
    %scan3A_95 = arith.constant 16 : i32
    %dma_wait3A_96 = arith.constant 0 : i32
    %dma_wait3A_97 = arith.constant 0 : i32
    %dma_wait3A_98 = tpu.memref_slice %arg5[%dma_wait3A_96, %dma_wait3A_97] : memref<1000000x64xf32, #tpu.memory_space<hbm>> -> memref<256x64xf32, #tpu.memory_space<hbm>>
    %dma_wait3A_99 = arith.constant 0 : i32
    %dma_wait3A_100 = arith.constant 0 : i32
    %dma_wait3A_101 = tpu.memref_slice %arg5[%dma_wait3A_99, %dma_wait3A_100] : memref<1000000x64xf32, #tpu.memory_space<hbm>> -> memref<256x64xf32, #tpu.memory_space<hbm>>
    tpu.wait_dma2 semaphore(%arg14 : memref<!tpu.dma_semaphore, #tpu.memory_space<semaphore_mem>>) src(%dma_wait3A_101 : memref<256x64xf32, #tpu.memory_space<hbm>>) dst(%arg11 : memref<256x64xf32, #tpu.memory_space<vmem>>)
    %dma_wait3A_102 = arith.constant 0 : i32
    %dma_wait3A_103 = tpu.memref_slice %arg7[%dma_wait3A_102, %mul3A_2] : memref<64x16384xf32, #tpu.memory_space<hbm>> -> memref<64x512xf32, #tpu.memory_space<hbm>>
    %dma_wait3A_104 = arith.constant 0 : i32
    %dma_wait3A_105 = tpu.memref_slice %arg7[%dma_wait3A_104, %mul3A_2] : memref<64x16384xf32, #tpu.memory_space<hbm>> -> memref<64x512xf32, #tpu.memory_space<hbm>>
    tpu.wait_dma2 semaphore(%arg16 : memref<!tpu.dma_semaphore, #tpu.memory_space<semaphore_mem>>) src(%arg13 : memref<64x512xf32, #tpu.memory_space<vmem>>) dst(%dma_wait3A_105 : memref<64x512xf32, #tpu.memory_space<hbm>>)
    %scan3A_106 = arith.constant 0 : i32
    %scan3A_107 = arith.constant 0 : i32
    %scan3A_108 = arith.constant 16 : i32
    %scan3A_109 = arith.addi %scan3A_107, %scan3A_108 : i32
    %scan3A_110 = arith.constant 1 : i32
    scf.for %scan3A_132 = %scan3A_107 to %scan3A_109 step %scan3A_110  : i32 {
      %iota3A = tpu.iota {dimensions = array<i32: 0>} : vector<16xi32>
      %mul3A_133 = arith.constant 16 : i32
      %mul3A_134 = arith.muli %scan3A_132, %mul3A_133 : i32
      %add3A_135 = vector.broadcast %mul3A_134 : i32 to vector<16xi32>
      %add3A_136 = arith.addi %iota3A, %add3A_135 : vector<16xi32>
      %scan3A_137 = arith.constant 0 : i32
      %scan3A_138 = arith.constant 0 : i32
      %scan3A_139 = arith.constant 8 : i32
      %scan3A_140 = arith.addi %scan3A_138, %scan3A_139 : i32
      %scan3A_141 = arith.constant 1 : i32
      scf.for %scan3A_143 = %scan3A_138 to %scan3A_140 step %scan3A_141  : i32 {
        %mul3A_144 = arith.constant 8 : i32
        %mul3A_145 = arith.muli %scan3A_143, %mul3A_144 : i32
        %add3A_146 = arith.constant 0 : i32
        %add3A_147 = arith.addi %mul3A_145, %add3A_146 : i32
        %broadcast_in_dim3A = arith.constant 0 : i32
        %broadcast_in_dim3A_148 = vector.broadcast %broadcast_in_dim3A : i32 to vector<16xi32>
        %add3A_149 = vector.broadcast %add3A_147 : i32 to vector<16xi32>
        %add3A_150 = arith.addi %broadcast_in_dim3A_148, %add3A_149 : vector<16xi32>
        %gather3A = tpu.vector_load_idx %arg11[%add3A_136, %add3A_150] : memref<256x64xf32, #tpu.memory_space<vmem>>[vector<16xi32>, vector<16xi32>], vector<16xf32>,
        %mul3A_151 = arith.constant 16 : i32
        %mul3A_152 = arith.muli %scan3A_132, %mul3A_151 : i32
        %add3A_153 = arith.constant 0 : i32
        %add3A_154 = arith.addi %add3A_153, %mul3A_152 : i32
        %swap3A = arith.index_cast %add3A_147 : i32 to index
        %swap3A_155 = arith.index_cast %add3A_154 : i32 to index
        %swap3A_156 = tpu.vector_load %arg13[%swap3A, %swap3A_155] {strides = array<i32>} : memref<64x512xf32, #tpu.memory_space<vmem>>, vector<16xf32>,
        tpu.vector_store %arg13[%swap3A, %swap3A_155], %gather3A {strides = array<i32>} : memref<64x512xf32, #tpu.memory_space<vmem>>, vector<16xf32>,
        %mul3A_157 = arith.constant 8 : i32
        %mul3A_158 = arith.muli %scan3A_143, %mul3A_157 : i32
        %add3A_159 = arith.constant 1 : i32
        %add3A_160 = arith.addi %mul3A_158, %add3A_159 : i32
        %broadcast_in_dim3A_161 = arith.constant 0 : i32
        %broadcast_in_dim3A_162 = vector.broadcast %broadcast_in_dim3A_161 : i32 to vector<16xi32>
        %add3A_163 = vector.broadcast %add3A_160 : i32 to vector<16xi32>
        %add3A_164 = arith.addi %broadcast_in_dim3A_162, %add3A_163 : vector<16xi32>
        %gather3A_165 = tpu.vector_load_idx %arg11[%add3A_136, %add3A_164] : memref<256x64xf32, #tpu.memory_space<vmem>>[vector<16xi32>, vector<16xi32>], vector<16xf32>,
        %mul3A_166 = arith.constant 16 : i32
        %mul3A_167 = arith.muli %scan3A_132, %mul3A_166 : i32
        %add3A_168 = arith.constant 0 : i32
        %add3A_169 = arith.addi %add3A_168, %mul3A_167 : i32
        %swap3A_170 = arith.index_cast %add3A_160 : i32 to index
        %swap3A_171 = arith.index_cast %add3A_169 : i32 to index
        %swap3A_172 = tpu.vector_load %arg13[%swap3A_170, %swap3A_171] {strides = array<i32>} : memref<64x512xf32, #tpu.memory_space<vmem>>, vector<16xf32>,
        tpu.vector_store %arg13[%swap3A_170, %swap3A_171], %gather3A_165 {strides = array<i32>} : memref<64x512xf32, #tpu.memory_space<vmem>>, vector<16xf32>,
        %mul3A_173 = arith.constant 8 : i32
        %mul3A_174 = arith.muli %scan3A_143, %mul3A_173 : i32
        %add3A_175 = arith.constant 2 : i32
        %add3A_176 = arith.addi %mul3A_174, %add3A_175 : i32
        %broadcast_in_dim3A_177 = arith.constant 0 : i32
        %broadcast_in_dim3A_178 = vector.broadcast %broadcast_in_dim3A_177 : i32 to vector<16xi32>
        %add3A_179 = vector.broadcast %add3A_176 : i32 to vector<16xi32>
        %add3A_180 = arith.addi %broadcast_in_dim3A_178, %add3A_179 : vector<16xi32>
        %gather3A_181 = tpu.vector_load_idx %arg11[%add3A_136, %add3A_180] : memref<256x64xf32, #tpu.memory_space<vmem>>[vector<16xi32>, vector<16xi32>], vector<16xf32>,
        %mul3A_182 = arith.constant 16 : i32
        %mul3A_183 = arith.muli %scan3A_132, %mul3A_182 : i32
        %add3A_184 = arith.constant 0 : i32
        %add3A_185 = arith.addi %add3A_184, %mul3A_183 : i32
        %swap3A_186 = arith.index_cast %add3A_176 : i32 to index
        %swap3A_187 = arith.index_cast %add3A_185 : i32 to index
        %swap3A_188 = tpu.vector_load %arg13[%swap3A_186, %swap3A_187] {strides = array<i32>} : memref<64x512xf32, #tpu.memory_space<vmem>>, vector<16xf32>,
        tpu.vector_store %arg13[%swap3A_186, %swap3A_187], %gather3A_181 {strides = array<i32>} : memref<64x512xf32, #tpu.memory_space<vmem>>, vector<16xf32>,
        %mul3A_189 = arith.constant 8 : i32
        %mul3A_190 = arith.muli %scan3A_143, %mul3A_189 : i32
        %add3A_191 = arith.constant 3 : i32
        %add3A_192 = arith.addi %mul3A_190, %add3A_191 : i32
        %broadcast_in_dim3A_193 = arith.constant 0 : i32
        %broadcast_in_dim3A_194 = vector.broadcast %broadcast_in_dim3A_193 : i32 to vector<16xi32>
        %add3A_195 = vector.broadcast %add3A_192 : i32 to vector<16xi32>
        %add3A_196 = arith.addi %broadcast_in_dim3A_194, %add3A_195 : vector<16xi32>
        %gather3A_197 = tpu.vector_load_idx %arg11[%add3A_136, %add3A_196] : memref<256x64xf32, #tpu.memory_space<vmem>>[vector<16xi32>, vector<16xi32>], vector<16xf32>,
        %mul3A_198 = arith.constant 16 : i32
        %mul3A_199 = arith.muli %scan3A_132, %mul3A_198 : i32
        %add3A_200 = arith.constant 0 : i32
        %add3A_201 = arith.addi %add3A_200, %mul3A_199 : i32
        %swap3A_202 = arith.index_cast %add3A_192 : i32 to index
        %swap3A_203 = arith.index_cast %add3A_201 : i32 to index
        %swap3A_204 = tpu.vector_load %arg13[%swap3A_202, %swap3A_203] {strides = array<i32>} : memref<64x512xf32, #tpu.memory_space<vmem>>, vector<16xf32>,
        tpu.vector_store %arg13[%swap3A_202, %swap3A_203], %gather3A_197 {strides = array<i32>} : memref<64x512xf32, #tpu.memory_space<vmem>>, vector<16xf32>,
        %mul3A_205 = arith.constant 8 : i32
        %mul3A_206 = arith.muli %scan3A_143, %mul3A_205 : i32
        %add3A_207 = arith.constant 4 : i32
        %add3A_208 = arith.addi %mul3A_206, %add3A_207 : i32
        %broadcast_in_dim3A_209 = arith.constant 0 : i32
        %broadcast_in_dim3A_210 = vector.broadcast %broadcast_in_dim3A_209 : i32 to vector<16xi32>
        %add3A_211 = vector.broadcast %add3A_208 : i32 to vector<16xi32>
        %add3A_212 = arith.addi %broadcast_in_dim3A_210, %add3A_211 : vector<16xi32>
        %gather3A_213 = tpu.vector_load_idx %arg11[%add3A_136, %add3A_212] : memref<256x64xf32, #tpu.memory_space<vmem>>[vector<16xi32>, vector<16xi32>], vector<16xf32>,
        %mul3A_214 = arith.constant 16 : i32
        %mul3A_215 = arith.muli %scan3A_132, %mul3A_214 : i32
        %add3A_216 = arith.constant 0 : i32
        %add3A_217 = arith.addi %add3A_216, %mul3A_215 : i32
        %swap3A_218 = arith.index_cast %add3A_208 : i32 to index
        %swap3A_219 = arith.index_cast %add3A_217 : i32 to index
        %swap3A_220 = tpu.vector_load %arg13[%swap3A_218, %swap3A_219] {strides = array<i32>} : memref<64x512xf32, #tpu.memory_space<vmem>>, vector<16xf32>,
        tpu.vector_store %arg13[%swap3A_218, %swap3A_219], %gather3A_213 {strides = array<i32>} : memref<64x512xf32, #tpu.memory_space<vmem>>, vector<16xf32>,
        %mul3A_221 = arith.constant 8 : i32
        %mul3A_222 = arith.muli %scan3A_143, %mul3A_221 : i32
        %add3A_223 = arith.constant 5 : i32
        %add3A_224 = arith.addi %mul3A_222, %add3A_223 : i32
        %broadcast_in_dim3A_225 = arith.constant 0 : i32
        %broadcast_in_dim3A_226 = vector.broadcast %broadcast_in_dim3A_225 : i32 to vector<16xi32>
        %add3A_227 = vector.broadcast %add3A_224 : i32 to vector<16xi32>
        %add3A_228 = arith.addi %broadcast_in_dim3A_226, %add3A_227 : vector<16xi32>
        %gather3A_229 = tpu.vector_load_idx %arg11[%add3A_136, %add3A_228] : memref<256x64xf32, #tpu.memory_space<vmem>>[vector<16xi32>, vector<16xi32>], vector<16xf32>,
        %mul3A_230 = arith.constant 16 : i32
        %mul3A_231 = arith.muli %scan3A_132, %mul3A_230 : i32
        %add3A_232 = arith.constant 0 : i32
        %add3A_233 = arith.addi %add3A_232, %mul3A_231 : i32
        %swap3A_234 = arith.index_cast %add3A_224 : i32 to index
        %swap3A_235 = arith.index_cast %add3A_233 : i32 to index
        %swap3A_236 = tpu.vector_load %arg13[%swap3A_234, %swap3A_235] {strides = array<i32>} : memref<64x512xf32, #tpu.memory_space<vmem>>, vector<16xf32>,
        tpu.vector_store %arg13[%swap3A_234, %swap3A_235], %gather3A_229 {strides = array<i32>} : memref<64x512xf32, #tpu.memory_space<vmem>>, vector<16xf32>,
        %mul3A_237 = arith.constant 8 : i32
        %mul3A_238 = arith.muli %scan3A_143, %mul3A_237 : i32
        %add3A_239 = arith.constant 6 : i32
        %add3A_240 = arith.addi %mul3A_238, %add3A_239 : i32
        %broadcast_in_dim3A_241 = arith.constant 0 : i32
        %broadcast_in_dim3A_242 = vector.broadcast %broadcast_in_dim3A_241 : i32 to vector<16xi32>
        %add3A_243 = vector.broadcast %add3A_240 : i32 to vector<16xi32>
        %add3A_244 = arith.addi %broadcast_in_dim3A_242, %add3A_243 : vector<16xi32>
        %gather3A_245 = tpu.vector_load_idx %arg11[%add3A_136, %add3A_244] : memref<256x64xf32, #tpu.memory_space<vmem>>[vector<16xi32>, vector<16xi32>], vector<16xf32>,
        %mul3A_246 = arith.constant 16 : i32
        %mul3A_247 = arith.muli %scan3A_132, %mul3A_246 : i32
        %add3A_248 = arith.constant 0 : i32
        %add3A_249 = arith.addi %add3A_248, %mul3A_247 : i32
        %swap3A_250 = arith.index_cast %add3A_240 : i32 to index
        %swap3A_251 = arith.index_cast %add3A_249 : i32 to index
        %swap3A_252 = tpu.vector_load %arg13[%swap3A_250, %swap3A_251] {strides = array<i32>} : memref<64x512xf32, #tpu.memory_space<vmem>>, vector<16xf32>,
        tpu.vector_store %arg13[%swap3A_250, %swap3A_251], %gather3A_245 {strides = array<i32>} : memref<64x512xf32, #tpu.memory_space<vmem>>, vector<16xf32>,
        %mul3A_253 = arith.constant 8 : i32
        %mul3A_254 = arith.muli %scan3A_143, %mul3A_253 : i32
        %add3A_255 = arith.constant 7 : i32
        %add3A_256 = arith.addi %mul3A_254, %add3A_255 : i32
        %broadcast_in_dim3A_257 = arith.constant 0 : i32
        %broadcast_in_dim3A_258 = vector.broadcast %broadcast_in_dim3A_257 : i32 to vector<16xi32>
        %add3A_259 = vector.broadcast %add3A_256 : i32 to vector<16xi32>
        %add3A_260 = arith.addi %broadcast_in_dim3A_258, %add3A_259 : vector<16xi32>
        %gather3A_261 = tpu.vector_load_idx %arg11[%add3A_136, %add3A_260] : memref<256x64xf32, #tpu.memory_space<vmem>>[vector<16xi32>, vector<16xi32>], vector<16xf32>,
        %mul3A_262 = arith.constant 16 : i32
        %mul3A_263 = arith.muli %scan3A_132, %mul3A_262 : i32
        %add3A_264 = arith.constant 0 : i32
        %add3A_265 = arith.addi %add3A_264, %mul3A_263 : i32
        %swap3A_266 = arith.index_cast %add3A_256 : i32 to index
        %swap3A_267 = arith.index_cast %add3A_265 : i32 to index
        %swap3A_268 = tpu.vector_load %arg13[%swap3A_266, %swap3A_267] {strides = array<i32>} : memref<64x512xf32, #tpu.memory_space<vmem>>, vector<16xf32>,
        tpu.vector_store %arg13[%swap3A_266, %swap3A_267], %gather3A_261 {strides = array<i32>} : memref<64x512xf32, #tpu.memory_space<vmem>>, vector<16xf32>,
      }
      %scan3A_142 = arith.constant 8 : i32
    }
    %scan3A_111 = arith.constant 16 : i32
    %dma_wait3A_112 = arith.constant 0 : i32
    %dma_wait3A_113 = arith.constant 0 : i32
    %dma_wait3A_114 = tpu.memref_slice %arg5[%dma_wait3A_112, %dma_wait3A_113] : memref<1000000x64xf32, #tpu.memory_space<hbm>> -> memref<256x64xf32, #tpu.memory_space<hbm>>
    %dma_wait3A_115 = arith.constant 0 : i32
    %dma_wait3A_116 = arith.constant 0 : i32
    %dma_wait3A_117 = tpu.memref_slice %arg5[%dma_wait3A_115, %dma_wait3A_116] : memref<1000000x64xf32, #tpu.memory_space<hbm>> -> memref<256x64xf32, #tpu.memory_space<hbm>>
    tpu.wait_dma2 semaphore(%arg15 : memref<!tpu.dma_semaphore, #tpu.memory_space<semaphore_mem>>) src(%dma_wait3A_117 : memref<256x64xf32, #tpu.memory_space<hbm>>) dst(%arg12 : memref<256x64xf32, #tpu.memory_space<vmem>>)
    %scan3A_118 = arith.constant 0 : i32
    %scan3A_119 = arith.constant 0 : i32
    %scan3A_120 = arith.constant 16 : i32
    %scan3A_121 = arith.addi %scan3A_119, %scan3A_120 : i32
    %scan3A_122 = arith.constant 1 : i32
    scf.for %scan3A_132 = %scan3A_119 to %scan3A_121 step %scan3A_122  : i32 {
      %iota3A = tpu.iota {dimensions = array<i32: 0>} : vector<16xi32>
      %mul3A_133 = arith.constant 16 : i32
      %mul3A_134 = arith.muli %scan3A_132, %mul3A_133 : i32
      %add3A_135 = vector.broadcast %mul3A_134 : i32 to vector<16xi32>
      %add3A_136 = arith.addi %iota3A, %add3A_135 : vector<16xi32>
      %scan3A_137 = arith.constant 0 : i32
      %scan3A_138 = arith.constant 0 : i32
      %scan3A_139 = arith.constant 8 : i32
      %scan3A_140 = arith.addi %scan3A_138, %scan3A_139 : i32
      %scan3A_141 = arith.constant 1 : i32
      scf.for %scan3A_143 = %scan3A_138 to %scan3A_140 step %scan3A_141  : i32 {
        %mul3A_144 = arith.constant 8 : i32
        %mul3A_145 = arith.muli %scan3A_143, %mul3A_144 : i32
        %add3A_146 = arith.constant 0 : i32
        %add3A_147 = arith.addi %mul3A_145, %add3A_146 : i32
        %broadcast_in_dim3A = arith.constant 0 : i32
        %broadcast_in_dim3A_148 = vector.broadcast %broadcast_in_dim3A : i32 to vector<16xi32>
        %add3A_149 = vector.broadcast %add3A_147 : i32 to vector<16xi32>
        %add3A_150 = arith.addi %broadcast_in_dim3A_148, %add3A_149 : vector<16xi32>
        %gather3A = tpu.vector_load_idx %arg12[%add3A_136, %add3A_150] : memref<256x64xf32, #tpu.memory_space<vmem>>[vector<16xi32>, vector<16xi32>], vector<16xf32>,
        %mul3A_151 = arith.constant 16 : i32
        %mul3A_152 = arith.muli %scan3A_132, %mul3A_151 : i32
        %add3A_153 = arith.constant 256 : i32
        %add3A_154 = arith.addi %add3A_153, %mul3A_152 : i32
        %swap3A = arith.index_cast %add3A_147 : i32 to index
        %swap3A_155 = arith.index_cast %add3A_154 : i32 to index
        %swap3A_156 = tpu.vector_load %arg13[%swap3A, %swap3A_155] {strides = array<i32>} : memref<64x512xf32, #tpu.memory_space<vmem>>, vector<16xf32>,
        tpu.vector_store %arg13[%swap3A, %swap3A_155], %gather3A {strides = array<i32>} : memref<64x512xf32, #tpu.memory_space<vmem>>, vector<16xf32>,
        %mul3A_157 = arith.constant 8 : i32
        %mul3A_158 = arith.muli %scan3A_143, %mul3A_157 : i32
        %add3A_159 = arith.constant 1 : i32
        %add3A_160 = arith.addi %mul3A_158, %add3A_159 : i32
        %broadcast_in_dim3A_161 = arith.constant 0 : i32
        %broadcast_in_dim3A_162 = vector.broadcast %broadcast_in_dim3A_161 : i32 to vector<16xi32>
        %add3A_163 = vector.broadcast %add3A_160 : i32 to vector<16xi32>
        %add3A_164 = arith.addi %broadcast_in_dim3A_162, %add3A_163 : vector<16xi32>
        %gather3A_165 = tpu.vector_load_idx %arg12[%add3A_136, %add3A_164] : memref<256x64xf32, #tpu.memory_space<vmem>>[vector<16xi32>, vector<16xi32>], vector<16xf32>,
        %mul3A_166 = arith.constant 16 : i32
        %mul3A_167 = arith.muli %scan3A_132, %mul3A_166 : i32
        %add3A_168 = arith.constant 256 : i32
        %add3A_169 = arith.addi %add3A_168, %mul3A_167 : i32
        %swap3A_170 = arith.index_cast %add3A_160 : i32 to index
        %swap3A_171 = arith.index_cast %add3A_169 : i32 to index
        %swap3A_172 = tpu.vector_load %arg13[%swap3A_170, %swap3A_171] {strides = array<i32>} : memref<64x512xf32, #tpu.memory_space<vmem>>, vector<16xf32>,
        tpu.vector_store %arg13[%swap3A_170, %swap3A_171], %gather3A_165 {strides = array<i32>} : memref<64x512xf32, #tpu.memory_space<vmem>>, vector<16xf32>,
        %mul3A_173 = arith.constant 8 : i32
        %mul3A_174 = arith.muli %scan3A_143, %mul3A_173 : i32
        %add3A_175 = arith.constant 2 : i32
        %add3A_176 = arith.addi %mul3A_174, %add3A_175 : i32
        %broadcast_in_dim3A_177 = arith.constant 0 : i32
        %broadcast_in_dim3A_178 = vector.broadcast %broadcast_in_dim3A_177 : i32 to vector<16xi32>
        %add3A_179 = vector.broadcast %add3A_176 : i32 to vector<16xi32>
        %add3A_180 = arith.addi %broadcast_in_dim3A_178, %add3A_179 : vector<16xi32>
        %gather3A_181 = tpu.vector_load_idx %arg12[%add3A_136, %add3A_180] : memref<256x64xf32, #tpu.memory_space<vmem>>[vector<16xi32>, vector<16xi32>], vector<16xf32>,
        %mul3A_182 = arith.constant 16 : i32
        %mul3A_183 = arith.muli %scan3A_132, %mul3A_182 : i32
        %add3A_184 = arith.constant 256 : i32
        %add3A_185 = arith.addi %add3A_184, %mul3A_183 : i32
        %swap3A_186 = arith.index_cast %add3A_176 : i32 to index
        %swap3A_187 = arith.index_cast %add3A_185 : i32 to index
        %swap3A_188 = tpu.vector_load %arg13[%swap3A_186, %swap3A_187] {strides = array<i32>} : memref<64x512xf32, #tpu.memory_space<vmem>>, vector<16xf32>,
        tpu.vector_store %arg13[%swap3A_186, %swap3A_187], %gather3A_181 {strides = array<i32>} : memref<64x512xf32, #tpu.memory_space<vmem>>, vector<16xf32>,
        %mul3A_189 = arith.constant 8 : i32
        %mul3A_190 = arith.muli %scan3A_143, %mul3A_189 : i32
        %add3A_191 = arith.constant 3 : i32
        %add3A_192 = arith.addi %mul3A_190, %add3A_191 : i32
        %broadcast_in_dim3A_193 = arith.constant 0 : i32
        %broadcast_in_dim3A_194 = vector.broadcast %broadcast_in_dim3A_193 : i32 to vector<16xi32>
        %add3A_195 = vector.broadcast %add3A_192 : i32 to vector<16xi32>
        %add3A_196 = arith.addi %broadcast_in_dim3A_194, %add3A_195 : vector<16xi32>
        %gather3A_197 = tpu.vector_load_idx %arg12[%add3A_136, %add3A_196] : memref<256x64xf32, #tpu.memory_space<vmem>>[vector<16xi32>, vector<16xi32>], vector<16xf32>,
        %mul3A_198 = arith.constant 16 : i32
        %mul3A_199 = arith.muli %scan3A_132, %mul3A_198 : i32
        %add3A_200 = arith.constant 256 : i32
        %add3A_201 = arith.addi %add3A_200, %mul3A_199 : i32
        %swap3A_202 = arith.index_cast %add3A_192 : i32 to index
        %swap3A_203 = arith.index_cast %add3A_201 : i32 to index
        %swap3A_204 = tpu.vector_load %arg13[%swap3A_202, %swap3A_203] {strides = array<i32>} : memref<64x512xf32, #tpu.memory_space<vmem>>, vector<16xf32>,
        tpu.vector_store %arg13[%swap3A_202, %swap3A_203], %gather3A_197 {strides = array<i32>} : memref<64x512xf32, #tpu.memory_space<vmem>>, vector<16xf32>,
        %mul3A_205 = arith.constant 8 : i32
        %mul3A_206 = arith.muli %scan3A_143, %mul3A_205 : i32
        %add3A_207 = arith.constant 4 : i32
        %add3A_208 = arith.addi %mul3A_206, %add3A_207 : i32
        %broadcast_in_dim3A_209 = arith.constant 0 : i32
        %broadcast_in_dim3A_210 = vector.broadcast %broadcast_in_dim3A_209 : i32 to vector<16xi32>
        %add3A_211 = vector.broadcast %add3A_208 : i32 to vector<16xi32>
        %add3A_212 = arith.addi %broadcast_in_dim3A_210, %add3A_211 : vector<16xi32>
        %gather3A_213 = tpu.vector_load_idx %arg12[%add3A_136, %add3A_212] : memref<256x64xf32, #tpu.memory_space<vmem>>[vector<16xi32>, vector<16xi32>], vector<16xf32>,
        %mul3A_214 = arith.constant 16 : i32
        %mul3A_215 = arith.muli %scan3A_132, %mul3A_214 : i32
        %add3A_216 = arith.constant 256 : i32
        %add3A_217 = arith.addi %add3A_216, %mul3A_215 : i32
        %swap3A_218 = arith.index_cast %add3A_208 : i32 to index
        %swap3A_219 = arith.index_cast %add3A_217 : i32 to index
        %swap3A_220 = tpu.vector_load %arg13[%swap3A_218, %swap3A_219] {strides = array<i32>} : memref<64x512xf32, #tpu.memory_space<vmem>>, vector<16xf32>,
        tpu.vector_store %arg13[%swap3A_218, %swap3A_219], %gather3A_213 {strides = array<i32>} : memref<64x512xf32, #tpu.memory_space<vmem>>, vector<16xf32>,
        %mul3A_221 = arith.constant 8 : i32
        %mul3A_222 = arith.muli %scan3A_143, %mul3A_221 : i32
        %add3A_223 = arith.constant 5 : i32
        %add3A_224 = arith.addi %mul3A_222, %add3A_223 : i32
        %broadcast_in_dim3A_225 = arith.constant 0 : i32
        %broadcast_in_dim3A_226 = vector.broadcast %broadcast_in_dim3A_225 : i32 to vector<16xi32>
        %add3A_227 = vector.broadcast %add3A_224 : i32 to vector<16xi32>
        %add3A_228 = arith.addi %broadcast_in_dim3A_226, %add3A_227 : vector<16xi32>
        %gather3A_229 = tpu.vector_load_idx %arg12[%add3A_136, %add3A_228] : memref<256x64xf32, #tpu.memory_space<vmem>>[vector<16xi32>, vector<16xi32>], vector<16xf32>,
        %mul3A_230 = arith.constant 16 : i32
        %mul3A_231 = arith.muli %scan3A_132, %mul3A_230 : i32
        %add3A_232 = arith.constant 256 : i32
        %add3A_233 = arith.addi %add3A_232, %mul3A_231 : i32
        %swap3A_234 = arith.index_cast %add3A_224 : i32 to index
        %swap3A_235 = arith.index_cast %add3A_233 : i32 to index
        %swap3A_236 = tpu.vector_load %arg13[%swap3A_234, %swap3A_235] {strides = array<i32>} : memref<64x512xf32, #tpu.memory_space<vmem>>, vector<16xf32>,
        tpu.vector_store %arg13[%swap3A_234, %swap3A_235], %gather3A_229 {strides = array<i32>} : memref<64x512xf32, #tpu.memory_space<vmem>>, vector<16xf32>,
        %mul3A_237 = arith.constant 8 : i32
        %mul3A_238 = arith.muli %scan3A_143, %mul3A_237 : i32
        %add3A_239 = arith.constant 6 : i32
        %add3A_240 = arith.addi %mul3A_238, %add3A_239 : i32
        %broadcast_in_dim3A_241 = arith.constant 0 : i32
        %broadcast_in_dim3A_242 = vector.broadcast %broadcast_in_dim3A_241 : i32 to vector<16xi32>
        %add3A_243 = vector.broadcast %add3A_240 : i32 to vector<16xi32>
        %add3A_244 = arith.addi %broadcast_in_dim3A_242, %add3A_243 : vector<16xi32>
        %gather3A_245 = tpu.vector_load_idx %arg12[%add3A_136, %add3A_244] : memref<256x64xf32, #tpu.memory_space<vmem>>[vector<16xi32>, vector<16xi32>], vector<16xf32>,
        %mul3A_246 = arith.constant 16 : i32
        %mul3A_247 = arith.muli %scan3A_132, %mul3A_246 : i32
        %add3A_248 = arith.constant 256 : i32
        %add3A_249 = arith.addi %add3A_248, %mul3A_247 : i32
        %swap3A_250 = arith.index_cast %add3A_240 : i32 to index
        %swap3A_251 = arith.index_cast %add3A_249 : i32 to index
        %swap3A_252 = tpu.vector_load %arg13[%swap3A_250, %swap3A_251] {strides = array<i32>} : memref<64x512xf32, #tpu.memory_space<vmem>>, vector<16xf32>,
        tpu.vector_store %arg13[%swap3A_250, %swap3A_251], %gather3A_245 {strides = array<i32>} : memref<64x512xf32, #tpu.memory_space<vmem>>, vector<16xf32>,
        %mul3A_253 = arith.constant 8 : i32
        %mul3A_254 = arith.muli %scan3A_143, %mul3A_253 : i32
        %add3A_255 = arith.constant 7 : i32
        %add3A_256 = arith.addi %mul3A_254, %add3A_255 : i32
        %broadcast_in_dim3A_257 = arith.constant 0 : i32
        %broadcast_in_dim3A_258 = vector.broadcast %broadcast_in_dim3A_257 : i32 to vector<16xi32>
        %add3A_259 = vector.broadcast %add3A_256 : i32 to vector<16xi32>
        %add3A_260 = arith.addi %broadcast_in_dim3A_258, %add3A_259 : vector<16xi32>
        %gather3A_261 = tpu.vector_load_idx %arg12[%add3A_136, %add3A_260] : memref<256x64xf32, #tpu.memory_space<vmem>>[vector<16xi32>, vector<16xi32>], vector<16xf32>,
        %mul3A_262 = arith.constant 16 : i32
        %mul3A_263 = arith.muli %scan3A_132, %mul3A_262 : i32
        %add3A_264 = arith.constant 256 : i32
        %add3A_265 = arith.addi %add3A_264, %mul3A_263 : i32
        %swap3A_266 = arith.index_cast %add3A_256 : i32 to index
        %swap3A_267 = arith.index_cast %add3A_265 : i32 to index
        %swap3A_268 = tpu.vector_load %arg13[%swap3A_266, %swap3A_267] {strides = array<i32>} : memref<64x512xf32, #tpu.memory_space<vmem>>, vector<16xf32>,
        tpu.vector_store %arg13[%swap3A_266, %swap3A_267], %gather3A_261 {strides = array<i32>} : memref<64x512xf32, #tpu.memory_space<vmem>>, vector<16xf32>,
      }
      %scan3A_142 = arith.constant 8 : i32
    }
    %scan3A_123 = arith.constant 16 : i32
    %dma_start3A_124 = arith.constant 0 : i32
    %dma_start3A_125 = tpu.memref_slice %arg9[%dma_start3A_124, %mul3A_2] : memref<64x16384xf32, #tpu.memory_space<hbm>> -> memref<64x512xf32, #tpu.memory_space<hbm>>
    %dma_start3A_126 = arith.constant 0 : i32
    %dma_start3A_127 = tpu.memref_slice %arg9[%dma_start3A_126, %mul3A_2] : memref<64x16384xf32, #tpu.memory_space<hbm>> -> memref<64x512xf32, #tpu.memory_space<hbm>>
    tpu.enqueue_dma source(%arg13 : memref<64x512xf32, #tpu.memory_space<vmem>>) target(%dma_start3A_127 : memref<64x512xf32, #tpu.memory_space<hbm>>) target_semaphore(%arg16 : memref<!tpu.dma_semaphore, #tpu.memory_space<semaphore_mem>>)
    %dma_wait3A_128 = arith.constant 0 : i32
    %dma_wait3A_129 = tpu.memref_slice %arg9[%dma_wait3A_128, %mul3A_2] : memref<64x16384xf32, #tpu.memory_space<hbm>> -> memref<64x512xf32, #tpu.memory_space<hbm>>
    %dma_wait3A_130 = arith.constant 0 : i32
    %dma_wait3A_131 = tpu.memref_slice %arg9[%dma_wait3A_130, %mul3A_2] : memref<64x16384xf32, #tpu.memory_space<hbm>> -> memref<64x512xf32, #tpu.memory_space<hbm>>
    tpu.wait_dma2 semaphore(%arg16 : memref<!tpu.dma_semaphore, #tpu.memory_space<semaphore_mem>>) src(%arg13 : memref<64x512xf32, #tpu.memory_space<vmem>>) dst(%dma_wait3A_131 : memref<64x512xf32, #tpu.memory_space<hbm>>)
    return
  }
}

</mosaic_0001>

<sc_bundles>
// kernel: kernel.3.cloned.1.call-start
scs
__scs_entry_jumppad:
0x0: {  	(pc) =	sbr.rel $0x88, $3  }
0x1: {  	(tag) =	ssettag $0x0;
	lr =	simm.s32 $0x1  }
0x2: {  	[smem:$0x3F9C] =	sst lr;
	_ =	strace $0xD0000000  }
0x3: {  	_ = 	snop  }
0x4: {  	_ = 	snop  }
0x5: {  	_ = 	snop  }
0x6: {  	_ = 	snop  }
0x7: {  	_ = 	snop  }
__scs_overlays_trampoline_lowered:
0x8: {  	[smem:$0x3FAB] =	sst s0  }
0x9: {  	[smem:$0x3FAC] =	sst s1  }
0xa: {  	[smem:$0x3FAD] =	sst s2  }
0xb: {  	[smem:$0x3FAE] =	sst s3  }
0xc: {  	[smem:$0x3FAF] =	sst s4  }
0xd: {  	[smem:$0x3FB0] =	sst s5  }
0xe: {  	[smem:$0x3FB1] =	sst s6  }
0xf: {  	[smem:$0x3FB2] =	sst s7  }
0x10: {  	[smem:$0x3FB3] =	sst s8  }
0x11: {  	[smem:$0x3FB4] =	sst s9;
	s0 =	simm.s32 @!p0 $0x0  }
0x12: {  	s1 =	sld [smem:$0x3F9A];
	s0 =	simm.s32 @p0 $0x1  }
0x13: {  	[smem:$0x3FB5] =	sst s0;
	s0 =	simm.s32 @!p1 $0x0  }
0x14: {  	s2 =	sld [smem:$0x3F99];
	s0 =	simm.s32 @p1 $0x1  }
0x15: {  	[smem:$0x3FB6] =	sst s0;
	s0 =	simm.s32 @!p2 $0x0  }
0x16: {  	s3 =	sld [smem:$0x3FDB];
	s0 =	simm.s32 @p2 $0x1  }
0x17: {  	s4 =	simm.s32 $0x1BF5;
	[smem:$0x3FB8] =	sst s0  }
0x18: {  	s0 =	sld [smem:$0x3F9B];
	_ =	swait.ge [sflag:s4], $0x0  }
0x19: {  	s7 =	sld [smem:$0x3F9C]  }
0x1a: {  	s8 =	sadd.s32 $0xFFFFE003, lr  }
0x1b: {  	s9 =	sadd.s32 $0xFFFFFEF7, lr;
	s5 =	simm.s32 $0xFFFFFFFF;
	p2 =	slt.u32 s8, $0xFFFFF086  }
0x1c: {  	p1 =	slt.u32 s9, $0xF7A;
	s5 =	simm.s32 @!p2 $0x0  }
0x1d: {  	s5 =	simm.s32 @p1 $0x1;
	p0 =	seq.s32 s7, s2  }
0x1e: {  	s7 =	smul.u32 @!p0 $0xF7A, s2;
	p2 =	seq.s32 @!p0 s5, $0x0  }
0x1f: {  	s9 =	smul.u32 $0xF7A, s1;
	s8 =	simm.s32 @!p0 $0x1BF5;
	p2 =	por !p2, p0  }
0x20: {  	[sflag:s8] =	ssyncset.s32 @!p0 $0xFFFFF086;
	s6 =	sadd.s32 @!p0 s3, s7;
	s7 =	simm.s32 @!p0 $0x108  }
0x21: {  	s3 =	sadd.s32 s3, s9;
	s6 =	sadd.s32 @!p0 $0x88, s6;
	s7 =	simm.s32 @p2 $0x1082  }
0x22: {  	[simem:s7], [sflag:s8] =	dma.local @!p0 [hbm:s6], $0xF7A  }
0x23: {  	s9 =	sor.u32 $0xD0000000, s2;
	s6 =	simm.s32 $0x108;
	_ =	swait.ge @!p0 [sflag:s8], $0x0  }
0x24: {  	s3 =	sadd.s32 $0x88, s3;
	s6 =	simm.s32 @!p1 $0x1082;
	[sflag:s4] =	ssyncset.s32 $0xFFFFF086  }
0x25: {  	[simem:s6], [sflag:s4] =	dma.local [hbm:s3], $0xF7A  }
0x26: {  	[smem:$0x3F9C] =	sst s1;
	(tag) =	ssettag s2;
	_ =	strace s9  }
0x27: {  	s1 =	sld [smem:$0x3FAC]  }
0x28: {  	s2 =	sld [smem:$0x3FAD]  }
0x29: {  	s4 =	sld [smem:$0x3FAF]  }
0x2a: {  	p0 =	seq.s32 s5, $0x0;
	s5 =	sld [smem:$0x3FB0]  }
0x2b: {  	s6 =	sld [smem:$0x3FB1]  }
0x2c: {  	s7 =	sld [smem:$0x3FB2]  }
0x2d: {  	s3 =	simm.s32 $0x108;
	s8 =	sld [smem:$0x3FB3]  }
0x2e: {  	s3 =	simm.s32 @!p0 $0x1082;
	s9 =	sld [smem:$0x3FB4]  }
0x2f: {  	lr =	sadd.s32 s0, s3;
	s0 =	sld [smem:$0x3FAB]  }
0x30: {  	s3 =	sld [smem:$0x3FAE]  }
0x31: {  	[smem:$0x3FB7] =	sst s10  }
0x32: {  	s10 =	sld [smem:$0x3FB5];
	_ =	sdelay $0x3  }
0x33: {  	p0 =	seq.s32 s10, $0x1;
	s10 =	sld [smem:$0x3FB7];
	_ =	sdelay $0x3  }
0x34: {  	[smem:$0x3FB7] =	sst s10  }
0x35: {  	s10 =	sld [smem:$0x3FB6];
	_ =	sdelay $0x3  }
0x36: {  	p1 =	seq.s32 s10, $0x1;
	s10 =	sld [smem:$0x3FB7];
	_ =	sdelay $0x3  }
0x37: {  	[smem:$0x3FB7] =	sst s10  }
0x38: {  	s10 =	sld [smem:$0x3FB8]  }
0x39: {  	_ = 	snop;
	(pc) =	sbr.ind lr, $3  }
0x3a: {  	_ = 	snop  }
0x3b: {  	_ = 	snop  }
0x3c: {  	p2 =	seq.s32 s10, $0x1;
	s10 =	sld [smem:$0x3FB7]  }
0x3d: {  	_ =	shalt  }
0x3e: {  	_ =	shalt  }
0x3f: {  	_ =	shalt  }
0x40: {  	_ =	shalt  }
0x41: {  	_ =	shalt  }
0x42: {  	_ =	shalt  }
0x43: {  	_ =	shalt  }
0x44: {  	_ =	shalt  }
0x45: {  	_ =	shalt  }
0x46: {  	_ =	shalt  }
0x47: {  	_ =	shalt  }
0x48: {  	_ =	shalt  }
0x49: {  	_ =	shalt  }
0x4a: {  	_ =	shalt  }
0x4b: {  	_ =	shalt  }
0x4c: {  	_ =	shalt  }
0x4d: {  	_ =	shalt  }
0x4e: {  	_ =	shalt  }
0x4f: {  	_ =	shalt  }
0x50: {  	_ =	shalt  }
0x51: {  	_ =	shalt  }
0x52: {  	_ =	shalt  }
0x53: {  	_ =	shalt  }
0x54: {  	_ =	shalt  }
0x55: {  	_ =	shalt  }
0x56: {  	_ =	shalt  }
0x57: {  	_ =	shalt  }
0x58: {  	_ =	shalt  }
0x59: {  	_ =	shalt  }
0x5a: {  	_ =	shalt  }
0x5b: {  	_ =	shalt  }
0x5c: {  	_ =	shalt  }
0x5d: {  	_ =	shalt  }
0x5e: {  	_ =	shalt  }
0x5f: {  	_ =	shalt  }
0x60: {  	_ =	shalt  }
0x61: {  	_ =	shalt  }
0x62: {  	_ =	shalt  }
0x63: {  	_ =	shalt  }
0x64: {  	_ =	shalt  }
0x65: {  	_ =	shalt  }
0x66: {  	_ =	shalt  }
0x67: {  	_ =	shalt  }
0x68: {  	_ =	shalt  }
0x69: {  	_ =	shalt  }
0x6a: {  	_ =	shalt  }
0x6b: {  	_ =	shalt  }
0x6c: {  	_ =	shalt  }
0x6d: {  	_ =	shalt  }
0x6e: {  	_ =	shalt  }
0x6f: {  	_ =	shalt  }
0x70: {  	_ =	shalt  }
0x71: {  	_ =	shalt  }
0x72: {  	_ =	shalt  }
0x73: {  	_ =	shalt  }
0x74: {  	_ =	shalt  }
0x75: {  	_ =	shalt  }
0x76: {  	_ =	shalt  }
0x77: {  	_ =	shalt  }
0x78: {  	_ =	shalt  }
0x79: {  	_ =	shalt  }
0x7a: {  	_ =	shalt  }
0x7b: {  	_ =	shalt  }
0x7c: {  	_ =	shalt  }
0x7d: {  	_ =	shalt  }
0x7e: {  	_ =	shalt  }
0x7f: {  	_ =	shalt  }
0x80: {  	_ =	shalt  }
0x81: {  	_ =	shalt  }
0x82: {  	_ =	shalt  }
0x83: {  	_ =	shalt  }
0x84: {  	_ =	shalt  }
0x85: {  	_ =	shalt  }
0x86: {  	_ =	shalt  }
0x87: {  	_ =	shalt  }
.Lfunc_end0:
.L_simem_size_0:
called_computation_lowered:
.L_overlay_start_0:
0x88: {  	s2 =	sld [smem:$0x3FD9]  }
0x89: {  	s3 =	sld [smem:$0x3FFE];
	_ =	sdelay $0x1  }
0x8a: {  	s1 =	srdreg.scid  }
0x8b: {  	s0 =	sand.u32 $0x1, s1  }
0x8c: {  	s14 =	sshll.u32 s0, $0xA;
	s2 =	sadd.s32 s3, s2  }
0x8d: {  	s2 =	sadd.s32 s2, s14  }
0x8e: {  	[smem:$0x3FC3] =	sst s2  }
0x8f: {  	_ = 	snop  }
0x90: {  	s2 =	sld [smem:$0x3FD0]  }
0x91: {  	s15 =	sld [smem:$0x3FC9]  }
0x92: {  	s4 =	sld [smem:$0x3FC8]  }
0x93: {  	s6 =	simm.s32 $0xA;
	s7 =	simm.s32 $0x10;
	s5 =	sld [smem:$0x3FC7]  }
0x94: {  	[smem:s7], [sflag:s6] =	dma.local [hbm:s2], $0x1  }
0x95: {  	_ =	swait.eq [sflag:s6], $0x1  }
0x96: {  	s16 =	sld [smem:$0x10];
	[sflag:s6] =	ssyncset.done $0x0  }
0x97: {  	s17 =	sld [smem:$0x11];
	[sflag:s6] =	ssyncadd.s32 $0xFFFFFFFF  }
0x98: {  	s18 =	sld [smem:$0x12];
	(tm) =	ssettm $0x1  }
0x99: {  	s8 =	sld [smem:$0x3FFB];
	_ =	sdelay $0x3  }
0x9a: {  	_ =	strace s8  }
0x9b: {  	s8 =	sld [smem:$0x3FFC];
	_ =	sdelay $0x3  }
0x9c: {  	_ =	strace s8  }
0x9d: {  	s8 =	sld [smem:$0x3FFD];
	_ =	sdelay $0x3  }
0x9e: {  	_ =	strace s8  }
0x9f: {  	_ =	strace $0x8FFFFFFF  }
0xa0: {  	s19 =	sld [smem:$0x3FDB];
	_ =	sdelay $0x1  }
0xa1: {  	s9 =	simm.s32 $_scs_section_size  }
0xa2: {  	s10 =	simm.s32 $_size__tile_overlayer_lowered;
	s11 =	simm.s32 $_tile_overlayer_lowered  }
0xa3: {  	s22 =	simm.s32 $0x1BFF;
	s21 =	sshll.u32 s11, $0x1;
	s8 =	sadd.s32 s9, s19  }
0xa4: {  	s12 =	simm.s32 $0x0;
	s20 =	sshll.u32 s10, $0x1;
	s10 =	sadd.s32 s21, s8  }
0xa5: {  	[timem:s12], [sflag:s22] =	dma.local [hbm:s10], s20  }
0xa6: {  	_ =	swait.ge [sflag:s22], s20  }
0xa7: {  	s9 =	ssub.s32 $0x0, s20;
	[sflag:s22] =	ssyncset.done $0x0  }
0xa8: {  	[sflag:s22] =	ssyncadd.s32 s9;
	_ =	sdelay $0x1  }
0xa9: {  	s23 =	simm.s32 $0x1B8B  }
0xaa: {  	_ =	swait.ge [sflag:s23], $0x1  }
0xab: {  	[sflag:s23] =	ssyncset.done $0x0  }
0xac: {  	s25 =	simm.s32 $0x1B8E;
	s24 =	sld [smem:$0x3FFE];
	[sflag:s23] =	ssyncadd.s32 $0xFFFFFFFF  }
0xad: {  	s26 =	simm.s32 $execute0_lowered;
	[smem:$0x3FD2] =	sst s25  }
0xae: {  	s10 =	sshll.u32 s26, $0x1;
	_ =	strace $0x80000046;
	[dreg:$0x1] =	wrdreg $0xFFFFFFFF  }
0xaf: {  	s28 =	simm.s32 $_size_execute0_lowered;
	s8 =	sadd.s32 s8, s10;
	[dreg:$0x0] =	wrdreg $0x0  }
0xb0: {  	s10 =	sshll.u32 s28, $0x1;
	[dreg:$0x2] =	wrdreg s8  }
0xb1: {  	[dreg:$0x3] =	wrdreg s10  }
0xb2: {  	[dreg:$0x4] =	wrdreg $0xC0  }
0xb3: {  	_ =	task [dreg:s12], $0x5FFFF  }
0xb4: {  	[dreg:$0x1] =	wrdreg $0xFFFFFFFF  }
0xb5: {  	[dreg:$0x0] =	wrdreg $0x60  }
0xb6: {  	[dreg:$0x2] =	wrdreg s15  }
0xb7: {  	[dreg:$0x3] =	wrdreg s4  }
0xb8: {  	[dreg:$0x4] =	wrdreg s5  }
0xb9: {  	[dreg:$0x5] =	wrdreg s24  }
0xba: {  	[dreg:$0x6] =	wrdreg s16  }
0xbb: {  	[dreg:$0x7] =	wrdreg s17  }
0xbc: {  	[dreg:$0x8] =	wrdreg s18  }
0xbd: {  	[dreg:$0x9] =	wrdreg $0x9  }
0xbe: {  	_ =	task.clear_ibuf [dreg:s12], $0xAFFFF;
	_ =	strace $0x90000046  }
0xbf: {  	s29 =	simm.s32 $0x9;
	_ =	strace $0x80000048  }
0xc0: {  	_ =	swait.ge [sflag:s29], $0x1  }
0xc1: {  	[sflag:s29] =	ssyncadd.s32 $0xFFFFFFFF  }
0xc2: {  	_ =	strace $0x90000048  }
0xc3: {  	_ =	sfence  }
0xc4: {  	s30 =	sld [smem:$0x0];
	_ =	sdelay $0x2  }
0xc5: {  	s31 =	sshll.u32 s1, $0xD;
	s1 =	sshrl.u32 s1, $0x2  }
0xc6: {  	s3 =	sand.u32 $0x4000, s31;
	s1 =	sadd.s32 s1, s30  }
0xc7: {  	s0 =	sor.u32 s3, s0;
	s1 =	sshll.u32 s1, $0x11  }
0xc8: {  	s0 =	sor.u32 s1, s0  }
0xc9: {  	s0 =	sadd.s32 $0x8F2B, s0  }
0xca: {  	[sflag:s0] =	ssyncadd.remote.s32 $0x1  }
0xcb: {  	_ =	sfence.sel $0xFFFF  }
0xcc: {  	[dreg:$0x0] =	wrdreg $0xFFFFFFFF;
	(pc) =	sbr.abs _section_cstart, $3  }
0xcd: {  	[dreg:$0x1] =	wrdreg $0xFFFFFFFF  }
0xce: {  	_ =	task.clear_ibuf [dreg:s12], $0x2FFFF;
	_ =	strace $0x9FFFFFFF  }
0xcf: {  	(tm) =	ssettm $0x7FFFFFFF  }
tec
execute0_lowered:
.L_overlay_start_1:
0x0: {  	(tag) =	ssettag $0x1  }
0x1: {  	s0 =	rddreg [dreg:$0x0]  }
0x2: {  	s1 =	rddreg [dreg:$0x1]  }
0x3: {  	s5 =	rddreg [dreg:$0x2]  }
0x4: {  	s4 =	rddreg [dreg:$0x3]  }
0x5: {  	s6 =	rddreg [dreg:$0x4]  }
0x6: {  	s7 =	rddreg [dreg:$0x5]  }
0x7: {  	s10 =	rddreg [dreg:$0x6]  }
0x8: {  	s2 =	simm.s32 $0x0;
	s3 =	srdreg.scid;
	s9 =	stileid.u32  }
0x9: {  	s14 =	simm.s32 $0x200;
	s15 =	simm.s32 $0x2;
	s8 =	sand.u32 $0x1, s3  }
0xa: {  	s16 =	simm.s32 $0x8200;
	s9 =	sshll.u32 s9, $0xA;
	s11 =	sshll.u32 s8, $0x9  }
0xb: {  	s20 =	simm.s32 $0x3;
	s21 =	simm.s32 $0x0;
	s11 =	sor.u32 s11, s9  }
0xc: {  	[smem:$0x7FF] =	sst s2;
	s3 =	sadd.s32 $0x4800, s4;
	s26 =	sadd.s32 s7, s11  }
0xd: {  	_ =	strace $0x80000047;
	s28 =	sadd.s32 s6, s11;
	[dreg:$0x9] =	wrdreg s26  }
0xe: {  	s12 =	sshrl.u32 s11, $0x3;
	s30 =	sadd.s32 s10, s11;
	[dreg:$0xb] =	wrdreg s28  }
0xf: {  	s8 =	ssub.s32 $0x2, s8;
	s1 =	sadd.s32 s1, s12;
	[dreg:$0xd] =	wrdreg s30  }
0x10: {  	s25 =	sshrl.u32 s8, $0x1;
	s0 =	sadd.s32 s0, s12;
	[dreg:$0x8] =	wrdreg s1  }
0x11: {  	s13 =	ssub.s32 s8, s25;
	s29 =	sadd.s32 s5, s12;
	[dreg:$0xa] =	wrdreg s0  }
0x12: {  	v0 =	vlaneseq.u32;
	s4 =	sadd.s32 $0x800, s4;
	s31 =	smax.u32 s13, $0x1;
	[dreg:$0xc] =	wrdreg s29  }
0x13: {  	v0 =	vmul.u32 $0x80, v0;
	s12 =	simm.s32 $0x4;
	s13 =	simm.s32 $0x1;
	[dreg:$0xe] =	wrdreg s31  }
.LBB2_1:
0x14: {  	s0 =	rddreg [dreg:$0x8]  }
0x15: {  	[tilespmem:s2], [sflag:$0x4] =	stream.linear.gather [hbm4b:s0+s2], $0x200, $0x38;
	[tilespmem:$0x18200] =	vst v63  }
0x16: {  	_ =	swait.ge [sflag:s12], $0x200  }
0x17: {  	[sflag:s12] =	ssyncset.done $0x0  }
0x18: {  	[sflag:s12] =	ssyncadd.s32 $0xFFFFFE00  }
0x19: {  	v1 =	vld [tilespmem:s2+$0x0];
	_ =	sdelay $0x4  }
0x1a: {  	v1 =	vshll.u32 v1, $0x4  }
0x1b: {  	(v2sf) =	vpush v1, $0x0  }
0x1c: {  	(v2sf) =	vpush v1, $0x1  }
0x1d: {  	(v2sf) =	vpush v1, $0x2;
	_ =	sdelay $0x1  }
0x1e: {  	(v2sf) =	vpush v1, $0x4;
	_ =	sdelay $0x1  }
0x1f: {  	(v2sf) =	vpush v1, $0x3  }
0x20: {  	(v2sf) =	vpush v1, $0x5  }
0x21: {  	s24 =	simm.s32 $0x2000;
	s23 =	simm.s32 $0x0;
	s25 =	simm.s32 $0x0;
	(v2sf) =	vpush v1, $0x6  }
.LBB2_2:
0x22: {  	p0 =	sne.s32 s24, $0x1E000  }
0x23: {  	s7 =	sadd.s32 $0x280, s23;
	s30 =	sadd.s32 $0x780, s23;
	s26 =	smov.u32 s24  }
0x24: {  	s24 =	sadd.s32 $0x2000, s24;
	s1 =	sadd.s32 $0x580, s23;
	s28 =	sadd.s32 $0x800, s23;
	(v2sf) =	vpush v1, $0x7  }
0x25: {  	s6 =	sadd.s32 $0x480, s23;
	s31 =	sadd.s32 $0x600, s23;
	s29 =	sadd.s32 $0x880, s23  }
0x26: {  	s8 =	sadd.s32 $0x200, s23;
	s9 =	sadd.s32 $0x400, s23;
	(v2sf) =	vpush v1, $0x8  }
0x27: {  	s22 =	simm.s32 $0x0;
	s10 =	sadd.s32 $0x500, s23;
	s25 =	sadd.s32 $0x10, s25  }
0x28: {  	s11 =	sadd.s32 $0x300, s23;
	s0 =	sadd.s32 $0x700, s23;
	s5 =	spop (v2sf);
	(v2sf) =	vpush v1, $0x9  }
0x29: {  	s17 =	sand.u32 $0x1FFFFFF0, s5;
	s5 =	sadd.s32 $0x680, s23;
	s18 =	spop (v2sf)  }
0x2a: {  	s17 =	sadd.s32 s4, s17;
	s18 =	sand.u32 $0x1FFFFFF0, s18;
	s19 =	spop (v2sf);
	(v2sf) =	vpush v1, $0xA  }
0x2b: {  	[tilespmem:s8], [sflag:$0x1] =	stream.linear.gather [hbm4b:s17+s22], $0x80, $0x38;
	[tilespmem:$0x18200] =	vst v63  }
0x2c: {  	s8 =	sadd.s32 s4, s18;
	s17 =	sadd.s32 $0x380, s23;
	s18 =	spop (v2sf);
	(v2sf) =	vpush v1, $0xB  }
0x2d: {  	[tilespmem:s7], [sflag:$0x1] =	stream.linear.gather [hbm4b:s8+s22], $0x80, $0x38;
	[tilespmem:$0x18200] =	vst v63  }
0x2e: {  	s7 =	sand.u32 $0x1FFFFFF0, s19;
	s8 =	sand.u32 $0x1FFFFFF0, s18;
	s18 =	spop (v2sf);
	(v2sf) =	vpush v1, $0xC  }
0x2f: {  	s7 =	sadd.s32 s4, s7;
	s18 =	sand.u32 $0x1FFFFFF0, s18;
	s19 =	spop (v2sf)  }
0x30: {  	[tilespmem:s11], [sflag:$0x1] =	stream.linear.gather [hbm4b:s7+s22], $0x80, $0x38;
	(v2sf) =	vpush v1, $0xD;
	[tilespmem:$0x18200] =	vst v63  }
0x31: {  	s7 =	sadd.s32 s4, s18;
	s11 =	sand.u32 $0x1FFFFFF0, s19;
	s18 =	spop (v2sf)  }
0x32: {  	[tilespmem:s17], [sflag:$0x1] =	stream.linear.gather [hbm4b:s7+s22], $0x80, $0x38;
	(v2sf) =	vpush v1, $0xE;
	[tilespmem:$0x18200] =	vst v63  }
0x33: {  	s7 =	sadd.s32 s4, s8;
	s8 =	sand.u32 $0x1FFFFFF0, s18;
	s17 =	spop (v2sf)  }
0x34: {  	[tilespmem:s9], [sflag:$0x1] =	stream.linear.gather [hbm4b:s7+s22], $0x80, $0x38;
	(v2sf) =	vpush v1, $0xF;
	[tilespmem:$0x18200] =	vst v63  }
0x35: {  	s7 =	sadd.s32 s4, s11;
	s9 =	sand.u32 $0x1FFFFFF0, s17;
	s11 =	spop (v2sf)  }
0x36: {  	[tilespmem:s6], [sflag:$0x1] =	stream.linear.gather [hbm4b:s7+s22], $0x80, $0x38;
	[tilespmem:$0x18200] =	vst v63  }
0x37: {  	s6 =	sadd.s32 s4, s8;
	s7 =	sand.u32 $0x1FFFFFF0, s11;
	s8 =	spop (v2sf)  }
0x38: {  	[tilespmem:s10], [sflag:$0x1] =	stream.linear.gather [hbm4b:s6+s22], $0x80, $0x38;
	[tilespmem:$0x18200] =	vst v63  }
0x39: {  	s6 =	sadd.s32 s4, s9;
	s8 =	sand.u32 $0x1FFFFFF0, s8;
	s9 =	spop (v2sf)  }
0x3a: {  	[tilespmem:s1], [sflag:$0x1] =	stream.linear.gather [hbm4b:s6+s22], $0x80, $0x38;
	[tilespmem:$0x18200] =	vst v63  }
0x3b: {  	s1 =	sadd.s32 s4, s7;
	s6 =	sand.u32 $0x1FFFFFF0, s9;
	s7 =	spop (v2sf)  }
0x3c: {  	[tilespmem:s31], [sflag:$0x1] =	stream.linear.gather [hbm4b:s1+s22], $0x80, $0x38;
	[tilespmem:$0x18200] =	vst v63  }
0x3d: {  	s1 =	sadd.s32 s4, s8;
	s7 =	sand.u32 $0x1FFFFFF0, s7;
	s8 =	spop (v2sf)  }
0x3e: {  	[tilespmem:s5], [sflag:$0x1] =	stream.linear.gather [hbm4b:s1+s22], $0x80, $0x38;
	[tilespmem:$0x18200] =	vst v63  }
0x3f: {  	s1 =	sadd.s32 s4, s6;
	s5 =	sand.u32 $0x1FFFFFF0, s8;
	s6 =	spop (v2sf)  }
0x40: {  	[tilespmem:s0], [sflag:$0x1] =	stream.linear.gather [hbm4b:s1+s22], $0x80, $0x38;
	[tilespmem:$0x18200] =	vst v63  }
0x41: {  	s0 =	sadd.s32 s4, s7;
	s1 =	sand.u32 $0x1FFFFFF0, s6;
	s6 =	spop (v2sf)  }
0x42: {  	[tilespmem:s30], [sflag:$0x1] =	stream.linear.gather [hbm4b:s0+s22], $0x80, $0x38;
	[tilespmem:$0x18200] =	vst v63  }
0x43: {  	s0 =	sadd.s32 s4, s5;
	s5 =	sand.u32 $0x1FFFFFF0, s6;
	s6 =	spop (v2sf)  }
0x44: {  	[tilespmem:s28], [sflag:$0x1] =	stream.linear.gather [hbm4b:s0+s22], $0x80, $0x38;
	[tilespmem:$0x18200] =	vst v63  }
0x45: {  	s0 =	sadd.s32 s4, s1;
	s1 =	sand.u32 $0x1FFFFFF0, s6  }
0x46: {  	[tilespmem:s29], [sflag:$0x1] =	stream.linear.gather [hbm4b:s0+s22], $0x80, $0x38;
	[tilespmem:$0x18200] =	vst v63  }
0x47: {  	s5 =	sadd.s32 s4, s5;
	s0 =	sadd.s32 $0x900, s23  }
0x48: {  	[tilespmem:s0], [sflag:$0x1] =	stream.linear.gather [hbm4b:s5+s22], $0x80, $0x38;
	[tilespmem:$0x18200] =	vst v63  }
0x49: {  	s1 =	sadd.s32 s4, s1;
	s0 =	sadd.s32 $0x980, s23  }
0x4a: {  	[tilespmem:s0], [sflag:$0x1] =	stream.linear.gather [hbm4b:s1+s22], $0x80, $0x38;
	[tilespmem:$0x18200] =	vst v63  }
0x4b: {  	v1 =	vld [tilespmem:s25+$0x0];
	_ =	sdelay $0x4  }
0x4c: {  	v1 =	vshll.u32 v1, $0x4  }
0x4d: {  	(v2sf) =	vpush v1, $0x0  }
0x4e: {  	(v2sf) =	vpush v1, $0x1  }
0x4f: {  	(v2sf) =	vpush v1, $0x2;
	_ =	sdelay $0x1  }
0x50: {  	(v2sf) =	vpush v1, $0x4  }
.Ltmp0:
0x51: {  	(pc) =	sbr.rel @p0 .LBB2_2-.Ltmp0, $3  }
0x52: {  	(v2sf) =	vpush v1, $0x3  }
0x53: {  	(v2sf) =	vpush v1, $0x5;
	_ =	sdelay $0x1  }
0x54: {  	s23 =	sshra.s32 s26, $0x2;
	(v2sf) =	vpush v1, $0x6  }
0x55: {  	_ =	sdelay $0x1  }
0x56: {  	s5 =	sadd.s32 $0x280, s23;
	s24 =	sadd.s32 $0x780, s23  }
0x57: {  	s6 =	sadd.s32 $0x580, s23;
	s0 =	sadd.s32 $0x800, s23;
	(v2sf) =	vpush v1, $0x7;
	s7 =	sadd.s32 $0x480, s23  }
0x58: {  	s8 =	sadd.s32 $0x600, s23;
	s1 =	sadd.s32 $0x880, s23;
	s9 =	sadd.s32 $0x200, s23  }
0x59: {  	s10 =	sadd.s32 $0x400, s23;
	s11 =	sadd.s32 $0x500, s23;
	(v2sf) =	vpush v1, $0x8;
	s17 =	spop (v2sf)  }
0x5a: {  	s18 =	sadd.s32 $0x300, s23;
	s17 =	sand.u32 $0x1FFFFFF0, s17;
	s19 =	spop (v2sf)  }
0x5b: {  	(v2sf) =	vpush v1, $0x9;
	s17 =	sadd.s32 s4, s17;
	s19 =	sand.u32 $0x1FFFFFF0, s19;
	s25 =	spop (v2sf)  }
0x5c: {  	[tilespmem:s9], [sflag:$0x1] =	stream.linear.gather [hbm4b:s17+s22], $0x80, $0x38;
	[tilespmem:$0x18200] =	vst v63  }
0x5d: {  	(v2sf) =	vpush v1, $0xA;
	s26 =	sadd.s32 s4, s19;
	s29 =	sand.u32 $0x1FFFFFF0, s25;
	s28 =	spop (v2sf)  }
0x5e: {  	[tilespmem:s5], [sflag:$0x1] =	stream.linear.gather [hbm4b:s26+s22], $0x80, $0x38;
	[tilespmem:$0x18200] =	vst v63  }
0x5f: {  	s9 =	sadd.s32 $0x700, s23;
	(v2sf) =	vpush v1, $0xB;
	s17 =	sadd.s32 s4, s29;
	s30 =	spop (v2sf)  }
0x60: {  	s5 =	sadd.s32 $0x680, s23;
	s26 =	sadd.s32 $0x380, s23;
	s25 =	sand.u32 $0x1FFFFFF0, s30  }
0x61: {  	(v2sf) =	vpush v1, $0xC;
	[tilespmem:s18], [sflag:$0x1] =	stream.linear.gather [hbm4b:s17+s22], $0x80, $0x38;
	[tilespmem:$0x18200] =	vst v63  }
0x62: {  	s31 =	sand.u32 $0x1FFFFFF0, s28;
	s28 =	spop (v2sf);
	s29 =	sadd.s32 s4, s25  }
0x63: {  	(v2sf) =	vpush v1, $0xD;
	[tilespmem:s26], [sflag:$0x1] =	stream.linear.gather [hbm4b:s29+s22], $0x80, $0x38;
	[tilespmem:$0x18200] =	vst v63  }
0x64: {  	s17 =	sadd.s32 s4, s31;
	s18 =	sand.u32 $0x1FFFFFF0, s28;
	s30 =	spop (v2sf)  }
0x65: {  	(v2sf) =	vpush v1, $0xE;
	[tilespmem:s10], [sflag:$0x1] =	stream.linear.gather [hbm4b:s17+s22], $0x80, $0x38;
	[tilespmem:$0x18200] =	vst v63  }
0x66: {  	s18 =	sadd.s32 s4, s18;
	s31 =	sand.u32 $0x1FFFFFF0, s30;
	s19 =	spop (v2sf)  }
0x67: {  	(v2sf) =	vpush v1, $0xF;
	[tilespmem:s7], [sflag:$0x1] =	stream.linear.gather [hbm4b:s18+s22], $0x80, $0x38;
	[tilespmem:$0x18200] =	vst v63  }
0x68: {  	s25 =	sand.u32 $0x1FFFFFF0, s19;
	s26 =	spop (v2sf);
	s10 =	sadd.s32 s4, s31  }
0x69: {  	[tilespmem:s11], [sflag:$0x1] =	stream.linear.gather [hbm4b:s10+s22], $0x80, $0x38;
	[tilespmem:$0x18200] =	vst v63  }
0x6a: {  	s28 =	sand.u32 $0x1FFFFFF0, s26;
	s7 =	sadd.s32 s4, s25;
	s29 =	spop (v2sf)  }
0x6b: {  	[tilespmem:s6], [sflag:$0x1] =	stream.linear.gather [hbm4b:s7+s22], $0x80, $0x38;
	[tilespmem:$0x18200] =	vst v63  }
0x6c: {  	s10 =	sadd.s32 s4, s28;
	s30 =	sand.u32 $0x1FFFFFF0, s29;
	s31 =	spop (v2sf)  }
0x6d: {  	[tilespmem:s8], [sflag:$0x1] =	stream.linear.gather [hbm4b:s10+s22], $0x80, $0x38;
	[tilespmem:$0x18200] =	vst v63  }
0x6e: {  	s7 =	sand.u32 $0x1FFFFFF0, s31;
	s6 =	sadd.s32 s4, s30;
	s10 =	spop (v2sf)  }
0x6f: {  	[tilespmem:s5], [sflag:$0x1] =	stream.linear.gather [hbm4b:s6+s22], $0x80, $0x38;
	[tilespmem:$0x18200] =	vst v63  }
0x70: {  	s7 =	sadd.s32 s4, s7;
	s11 =	sand.u32 $0x1FFFFFF0, s10;
	s17 =	spop (v2sf)  }
0x71: {  	[tilespmem:s9], [sflag:$0x1] =	stream.linear.gather [hbm4b:s7+s22], $0x80, $0x38;
	[tilespmem:$0x18200] =	vst v63  }
0x72: {  	s5 =	sadd.s32 s4, s11;
	s6 =	sand.u32 $0x1FFFFFF0, s17;
	s18 =	spop (v2sf)  }
0x73: {  	[tilespmem:s24], [sflag:$0x1] =	stream.linear.gather [hbm4b:s5+s22], $0x80, $0x38;
	[tilespmem:$0x18200] =	vst v63  }
0x74: {  	s19 =	sand.u32 $0x1FFFFFF0, s18;
	s6 =	sadd.s32 s4, s6;
	s24 =	spop (v2sf)  }
0x75: {  	[tilespmem:s0], [sflag:$0x1] =	stream.linear.gather [hbm4b:s6+s22], $0x80, $0x38;
	[tilespmem:$0x18200] =	vst v63  }
0x76: {  	s5 =	sadd.s32 s4, s19;
	s25 =	sand.u32 $0x1FFFFFF0, s24;
	s26 =	spop (v2sf)  }
0x77: {  	[tilespmem:s1], [sflag:$0x1] =	stream.linear.gather [hbm4b:s5+s22], $0x80, $0x38;
	[tilespmem:$0x18200] =	vst v63  }
0x78: {  	s29 =	sadd.s32 $0x900, s23;
	s28 =	sand.u32 $0x1FFFFFF0, s26;
	s0 =	sadd.s32 s4, s25  }
0x79: {  	[tilespmem:s29], [sflag:$0x1] =	stream.linear.gather [hbm4b:s0+s22], $0x80, $0x38;
	[tilespmem:$0x18200] =	vst v63  }
0x7a: {  	s30 =	sadd.s32 $0x980, s23;
	s31 =	sand.u32 $0xF0, s22;
	s1 =	sadd.s32 s4, s28  }
0x7b: {  	[tilespmem:s30], [sflag:$0x1] =	stream.linear.gather [hbm4b:s1+s22], $0x80, $0x38;
	[tilespmem:$0x18200] =	vst v63  }
0x7c: {  	v1 =	vld [tilespmem:s31+$0x100];
	_ =	sdelay $0x4  }
0x7d: {  	v1 =	vshll.u32 v1, $0x4  }
0x7e: {  	(v2sf) =	vpush v1, $0x0  }
0x7f: {  	(v2sf) =	vpush v1, $0x2  }
0x80: {  	(v2sf) =	vpush v1, $0x1;
	_ =	sdelay $0x1  }
0x81: {  	(v2sf) =	vpush v1, $0x3  }
0x82: {  	(v2sf) =	vpush v1, $0x4;
	_ =	sdelay $0x2  }
0x83: {  	s23 =	simm.s32 $0x2000;
	s24 =	simm.s32 $0x10  }
.LBB2_4:
0x84: {  	p0 =	sne.s32 s23, $0x1E000;
	(v2sf) =	vpush v1, $0x5;
	s0 =	smov.u32 s23;
	s23 =	sadd.s32 $0x2000, s23  }
0x85: {  	s25 =	sshra.s32 s22, $0x2;
	s22 =	smov.u32 s0  }
0x86: {  	s6 =	sadd.s32 $0x8280, s25;
	(v2sf) =	vpush v1, $0x6  }
0x87: {  	s7 =	sadd.s32 $0x8200, s25  }
0x88: {  	s29 =	sadd.s32 $0x8780, s25;
	s28 =	sadd.s32 $0x8800, s25;
	s26 =	sadd.s32 $0x8880, s25;
	(v2sf) =	vpush v1, $0x7  }
0x89: {  	s1 =	sadd.s32 $0x8600, s25;
	s0 =	sadd.s32 $0x8680, s25;
	s30 =	sadd.s32 $0x8700, s25  }
0x8a: {  	s8 =	sadd.s32 $0x8500, s25;
	s5 =	sadd.s32 $0x8580, s25;
	s9 =	spop (v2sf);
	(v2sf) =	vpush v1, $0x8  }
0x8b: {  	s10 =	sadd.s32 $0x8300, s25;
	s9 =	sand.u32 $0x1FFFFFF0, s9;
	s11 =	spop (v2sf)  }
0x8c: {  	s17 =	sadd.s32 $0x8480, s25;
	s9 =	sadd.s32 s4, s9;
	s18 =	spop (v2sf);
	(v2sf) =	vpush v1, $0x9  }
0x8d: {  	[tilespmem:s7], [sflag:$0x2] =	stream.linear.gather [hbm4b:s9+s2], $0x80, $0x38;
	[tilespmem:$0x18200] =	vst v63  }
0x8e: {  	s7 =	sand.u32 $0x1FFFFFF0, s18;
	s9 =	sand.u32 $0x1FFFFFF0, s11;
	s11 =	spop (v2sf);
	(v2sf) =	vpush v1, $0xA  }
0x8f: {  	s18 =	sadd.s32 $0x8400, s25;
	s7 =	sadd.s32 s4, s7;
	s19 =	spop (v2sf)  }
0x90: {  	[tilespmem:s6], [sflag:$0x2] =	stream.linear.gather [hbm4b:s7+s2], $0x80, $0x38;
	(v2sf) =	vpush v1, $0xB;
	[tilespmem:$0x18200] =	vst v63  }
0x91: {  	s6 =	sadd.s32 s4, s9;
	s7 =	sand.u32 $0x1FFFFFF0, s11;
	s9 =	sand.u32 $0x1FFFFFF0, s19  }
0x92: {  	[tilespmem:s10], [sflag:$0x2] =	stream.linear.gather [hbm4b:s6+s2], $0x80, $0x38;
	(v2sf) =	vpush v1, $0xC;
	[tilespmem:$0x18200] =	vst v63  }
0x93: {  	s7 =	sadd.s32 s4, s7;
	s6 =	sadd.s32 $0x8380, s25;
	s10 =	spop (v2sf)  }
0x94: {  	[tilespmem:s6], [sflag:$0x2] =	stream.linear.gather [hbm4b:s7+s2], $0x80, $0x38;
	(v2sf) =	vpush v1, $0xD;
	[tilespmem:$0x18200] =	vst v63  }
0x95: {  	s6 =	sadd.s32 s4, s9;
	s7 =	sand.u32 $0x1FFFFFF0, s10;
	s9 =	spop (v2sf)  }
0x96: {  	[tilespmem:s18], [sflag:$0x2] =	stream.linear.gather [hbm4b:s6+s2], $0x80, $0x38;
	(v2sf) =	vpush v1, $0xE;
	[tilespmem:$0x18200] =	vst v63  }
0x97: {  	s6 =	sadd.s32 s4, s7;
	s7 =	sand.u32 $0x1FFFFFF0, s9;
	s9 =	spop (v2sf)  }
0x98: {  	[tilespmem:s17], [sflag:$0x2] =	stream.linear.gather [hbm4b:s6+s2], $0x80, $0x38;
	(v2sf) =	vpush v1, $0xF;
	[tilespmem:$0x18200] =	vst v63  }
0x99: {  	s6 =	sadd.s32 s4, s7;
	s7 =	sand.u32 $0x1FFFFFF0, s9;
	s9 =	spop (v2sf)  }
0x9a: {  	[tilespmem:s8], [sflag:$0x2] =	stream.linear.gather [hbm4b:s6+s2], $0x80, $0x38;
	[tilespmem:$0x18200] =	vst v63  }
0x9b: {  	s6 =	sadd.s32 s4, s7;
	s7 =	sand.u32 $0x1FFFFFF0, s9;
	s8 =	spop (v2sf)  }
0x9c: {  	[tilespmem:s5], [sflag:$0x2] =	stream.linear.gather [hbm4b:s6+s2], $0x80, $0x38;
	[tilespmem:$0x18200] =	vst v63  }
0x9d: {  	s5 =	sadd.s32 s4, s7;
	s6 =	sand.u32 $0x1FFFFFF0, s8;
	s7 =	spop (v2sf)  }
0x9e: {  	[tilespmem:s1], [sflag:$0x2] =	stream.linear.gather [hbm4b:s5+s2], $0x80, $0x38;
	[tilespmem:$0x18200] =	vst v63  }
0x9f: {  	s1 =	sadd.s32 s4, s6;
	s5 =	sand.u32 $0x1FFFFFF0, s7;
	s6 =	spop (v2sf)  }
0xa0: {  	[tilespmem:s0], [sflag:$0x2] =	stream.linear.gather [hbm4b:s1+s2], $0x80, $0x38;
	[tilespmem:$0x18200] =	vst v63  }
0xa1: {  	s0 =	sadd.s32 s4, s5;
	s1 =	sand.u32 $0x1FFFFFF0, s6;
	s5 =	spop (v2sf)  }
0xa2: {  	[tilespmem:s30], [sflag:$0x2] =	stream.linear.gather [hbm4b:s0+s2], $0x80, $0x38;
	[tilespmem:$0x18200] =	vst v63  }
0xa3: {  	s0 =	sadd.s32 s4, s1;
	s1 =	sand.u32 $0x1FFFFFF0, s5;
	s5 =	spop (v2sf)  }
0xa4: {  	[tilespmem:s29], [sflag:$0x2] =	stream.linear.gather [hbm4b:s0+s2], $0x80, $0x38;
	[tilespmem:$0x18200] =	vst v63  }
0xa5: {  	s0 =	sadd.s32 s4, s1;
	s1 =	sand.u32 $0x1FFFFFF0, s5;
	s5 =	spop (v2sf)  }
0xa6: {  	[tilespmem:s28], [sflag:$0x2] =	stream.linear.gather [hbm4b:s0+s2], $0x80, $0x38;
	[tilespmem:$0x18200] =	vst v63  }
0xa7: {  	s0 =	sadd.s32 s4, s1;
	s1 =	sand.u32 $0x1FFFFFF0, s5;
	s5 =	spop (v2sf)  }
0xa8: {  	[tilespmem:s26], [sflag:$0x2] =	stream.linear.gather [hbm4b:s0+s2], $0x80, $0x38;
	[tilespmem:$0x18200] =	vst v63  }
0xa9: {  	s1 =	sadd.s32 s4, s1;
	s0 =	sadd.s32 $0x8900, s25;
	s5 =	sand.u32 $0x1FFFFFF0, s5  }
0xaa: {  	[tilespmem:s0], [sflag:$0x2] =	stream.linear.gather [hbm4b:s1+s2], $0x80, $0x38;
	[tilespmem:$0x18200] =	vst v63  }
0xab: {  	s5 =	sadd.s32 s4, s5;
	s0 =	sand.u32 $0xF0, s24;
	s1 =	sadd.s32 $0x8980, s25  }
0xac: {  	[tilespmem:s1], [sflag:$0x2] =	stream.linear.gather [hbm4b:s5+s2], $0x80, $0x38;
	[tilespmem:$0x18200] =	vst v63  }
0xad: {  	v1 =	vld [tilespmem:s0+$0x100];
	_ =	sdelay $0x4  }
0xae: {  	v1 =	vshll.u32 v1, $0x4  }
0xaf: {  	(v2sf) =	vpush v1, $0x0  }
0xb0: {  	(v2sf) =	vpush v1, $0x2  }
0xb1: {  	(v2sf) =	vpush v1, $0x1;
	_ =	sdelay $0x1  }
.Ltmp1:
0xb2: {  	(v2sf) =	vpush v1, $0x3;
	(pc) =	sbr.rel @p0 .LBB2_4-.Ltmp1, $2  }
0xb3: {  	(v2sf) =	vpush v1, $0x4;
	_ =	sdelay $0x2  }
0xb4: {  	s24 =	sadd.s32 $0x10, s24  }
0xb5: {  	(v2sf) =	vpush v1, $0x5;
	_ =	sdelay $0x1  }
0xb6: {  	s22 =	sshra.s32 s22, $0x2;
	(v2sf) =	vpush v1, $0x6  }
0xb7: {  	s6 =	sadd.s32 $0x8280, s22;
	s7 =	sadd.s32 $0x8200, s22  }
0xb8: {  	s5 =	sadd.s32 $0x8780, s22;
	s1 =	sadd.s32 $0x8800, s22;
	s0 =	sadd.s32 $0x8880, s22;
	(v2sf) =	vpush v1, $0x7  }
0xb9: {  	s8 =	sadd.s32 $0x8600, s22;
	s9 =	sadd.s32 $0x8680, s22;
	s10 =	sadd.s32 $0x8700, s22  }
0xba: {  	s11 =	sadd.s32 $0x8500, s22;
	s17 =	sadd.s32 $0x8580, s22;
	s18 =	spop (v2sf);
	(v2sf) =	vpush v1, $0x8  }
0xbb: {  	s19 =	sadd.s32 $0x8300, s22;
	s18 =	sand.u32 $0x1FFFFFF0, s18;
	s23 =	spop (v2sf)  }
0xbc: {  	s24 =	sadd.s32 $0x8480, s22;
	s18 =	sadd.s32 s4, s18;
	s25 =	spop (v2sf);
	(v2sf) =	vpush v1, $0x9  }
0xbd: {  	[tilespmem:s7], [sflag:$0x2] =	stream.linear.gather [hbm4b:s18+s2], $0x80, $0x38;
	[tilespmem:$0x18200] =	vst v63  }
0xbe: {  	s30 =	sand.u32 $0x1FFFFFF0, s23;
	s29 =	sand.u32 $0x1FFFFFF0, s25;
	s31 =	spop (v2sf);
	(v2sf) =	vpush v1, $0xA  }
0xbf: {  	s25 =	sadd.s32 $0x8400, s22;
	s7 =	sadd.s32 s4, s29;
	s26 =	spop (v2sf)  }
0xc0: {  	[tilespmem:s6], [sflag:$0x2] =	stream.linear.gather [hbm4b:s7+s2], $0x80, $0x38;
	(v2sf) =	vpush v1, $0xB;
	[tilespmem:$0x18200] =	vst v63  }
0xc1: {  	s18 =	sadd.s32 s4, s30;
	s30 =	sadd.s32 $0x8380, s22;
	s28 =	sand.u32 $0x1FFFFFF0, s31  }
0xc2: {  	(v2sf) =	vpush v1, $0xC;
	[tilespmem:s19], [sflag:$0x2] =	stream.linear.gather [hbm4b:s18+s2], $0x80, $0x38;
	[tilespmem:$0x18200] =	vst v63  }
0xc3: {  	s29 =	sand.u32 $0x1FFFFFF0, s26;
	s7 =	sadd.s32 s4, s28;
	s31 =	spop (v2sf)  }
0xc4: {  	[tilespmem:s30], [sflag:$0x2] =	stream.linear.gather [hbm4b:s7+s2], $0x80, $0x38;
	(v2sf) =	vpush v1, $0xD;
	[tilespmem:$0x18200] =	vst v63  }
0xc5: {  	s18 =	sadd.s32 s4, s29;
	s19 =	sand.u32 $0x1FFFFFF0, s31;
	s23 =	spop (v2sf)  }
0xc6: {  	(v2sf) =	vpush v1, $0xE;
	[tilespmem:s25], [sflag:$0x2] =	stream.linear.gather [hbm4b:s18+s2], $0x80, $0x38;
	[tilespmem:$0x18200] =	vst v63  }
0xc7: {  	s25 =	sadd.s32 s4, s19;
	s26 =	sand.u32 $0x1FFFFFF0, s23;
	s28 =	spop (v2sf)  }
0xc8: {  	(v2sf) =	vpush v1, $0xF;
	[tilespmem:s24], [sflag:$0x2] =	stream.linear.gather [hbm4b:s25+s2], $0x80, $0x38;
	[tilespmem:$0x18200] =	vst v63  }
0xc9: {  	s29 =	sadd.s32 s4, s26;
	s30 =	sand.u32 $0x1FFFFFF0, s28;
	s31 =	spop (v2sf)  }
0xca: {  	[tilespmem:s11], [sflag:$0x2] =	stream.linear.gather [hbm4b:s29+s2], $0x80, $0x38;
	[tilespmem:$0x18200] =	vst v63  }
0xcb: {  	s7 =	sadd.s32 s4, s30;
	s11 =	sand.u32 $0x1FFFFFF0, s31;
	s18 =	spop (v2sf)  }
0xcc: {  	[tilespmem:s17], [sflag:$0x2] =	stream.linear.gather [hbm4b:s7+s2], $0x80, $0x38;
	[tilespmem:$0x18200] =	vst v63  }
0xcd: {  	s19 =	sadd.s32 s4, s11;
	s23 =	sand.u32 $0x1FFFFFF0, s18;
	s24 =	spop (v2sf)  }
0xce: {  	[tilespmem:s8], [sflag:$0x2] =	stream.linear.gather [hbm4b:s19+s2], $0x80, $0x38;
	[tilespmem:$0x18200] =	vst v63  }
0xcf: {  	s25 =	sadd.s32 s4, s23;
	s26 =	sand.u32 $0x1FFFFFF0, s24;
	s28 =	spop (v2sf)  }
0xd0: {  	[tilespmem:s9], [sflag:$0x2] =	stream.linear.gather [hbm4b:s25+s2], $0x80, $0x38;
	[tilespmem:$0x18200] =	vst v63  }
0xd1: {  	s29 =	sadd.s32 s4, s26;
	s30 =	sand.u32 $0x1FFFFFF0, s28;
	s31 =	spop (v2sf)  }
0xd2: {  	[tilespmem:s10], [sflag:$0x2] =	stream.linear.gather [hbm4b:s29+s2], $0x80, $0x38;
	[tilespmem:$0x18200] =	vst v63  }
0xd3: {  	s9 =	sadd.s32 s4, s30;
	s10 =	sand.u32 $0x1FFFFFF0, s31;
	s11 =	spop (v2sf)  }
0xd4: {  	[tilespmem:s5], [sflag:$0x2] =	stream.linear.gather [hbm4b:s9+s2], $0x80, $0x38;
	[tilespmem:$0x18200] =	vst v63  }
0xd5: {  	s17 =	sadd.s32 s4, s10;
	s18 =	sand.u32 $0x1FFFFFF0, s11;
	s19 =	spop (v2sf)  }
0xd6: {  	[tilespmem:s1], [sflag:$0x2] =	stream.linear.gather [hbm4b:s17+s2], $0x80, $0x38;
	[tilespmem:$0x18200] =	vst v63  }
0xd7: {  	s23 =	sadd.s32 s4, s18;
	s24 =	sand.u32 $0x1FFFFFF0, s19;
	s25 =	spop (v2sf)  }
0xd8: {  	[tilespmem:s0], [sflag:$0x2] =	stream.linear.gather [hbm4b:s23+s2], $0x80, $0x38;
	[tilespmem:$0x18200] =	vst v63  }
0xd9: {  	s26 =	sadd.s32 $0x8900, s22;
	s28 =	sadd.s32 s4, s24;
	s29 =	sand.u32 $0x1FFFFFF0, s25  }
0xda: {  	[tilespmem:s26], [sflag:$0x2] =	stream.linear.gather [hbm4b:s28+s2], $0x80, $0x38;
	[tilespmem:$0x18200] =	vst v63  }
0xdb: {  	s30 =	sadd.s32 $0x8980, s22;
	s31 =	sadd.s32 s4, s29  }
0xdc: {  	[tilespmem:s30], [sflag:$0x2] =	stream.linear.gather [hbm4b:s31+s2], $0x80, $0x38;
	[tilespmem:$0x18200] =	vst v63  }
0xdd: {  	_ =	swait.ge [sflag:s13], $0x8000  }
0xde: {  	s22 =	simm.s32 $0x0;
	[sflag:s13] =	ssyncset.done $0x0  }
0xdf: {  	s24 =	simm.s32 $0x0;
	s23 =	simm.s32 $0x0;
	[sflag:s13] =	ssyncadd.s32 $0xFFFF8000  }
.LBB2_6:
0xe0: {  	s0 =	simm.s32 $0x0  }
0xe1: {  	s1 =	sshll.u32 s24, $0x4;
	v1 =	vmov s0  }
0xe2: {  	v2 =	vmov s1;
	v1 =	vand.u32 $0x78, v1  }
0xe3: {  	v2 =	vshll.u32 v2, $0x7;
	v3 =	vbroadcast v1, $0x0  }
0xe4: {  	v1 =	vor.u32 v0, v2  }
0xe5: {  	v2 =	vor.u32 v1, v3  }
0xe6: {  	s10 =	simm.s32 $0x1  }
0xe7: {  	v3 =	vmov s10  }
0xe8: {  	v3 =	vand.u32 $0x79, v3  }
0xe9: {  	v3 =	vbroadcast v3, $0x0  }
0xea: {  	s11 =	sshll.u32 s23, $0x2;
	s17 =	sand.u32 $0x7, s22;
	v2 =	vld.idx.msk [tilespmem:v2+s14+$0x0], $0xffff  }
0xeb: {  	s0 =	sand.u32 $0xFFFFF000, s11;
	s1 =	sshll.u32 s17, $0x6;
	v3 =	vor.u32 v1, v3  }
0xec: {  	s18 =	simm.s32 $0x2;
	s0 =	sor.u32 s1, s0  }
0xed: {  	v4 =	vmov s18;
	s0 =	sshrl.u32 s0, $0x2  }
0xee: {  	v4 =	vand.u32 $0x7A, v4;
	s25 =	sadd.s32 $0x10400, s0  }
0xef: {  	[tilespmem:s25+$0xFFFFFE00] =	vst v2;
	v2 =	vbroadcast v4, $0x0  }
0xf0: {  	v3 =	vld.idx.msk [tilespmem:v3+s14+$0x0], $0xffff  }
0xf1: {  	v2 =	vor.u32 v1, v2  }
0xf2: {  	s19 =	simm.s32 $0x3  }
0xf3: {  	v4 =	vmov s19  }
0xf4: {  	v4 =	vand.u32 $0x7B, v4  }
0xf5: {  	[tilespmem:s25+$0xFFFFFE80] =	vst v3;
	v3 =	vbroadcast v4, $0x0  }
0xf6: {  	v2 =	vld.idx.msk [tilespmem:v2+s14+$0x0], $0xffff  }
0xf7: {  	v3 =	vor.u32 v1, v3  }
0xf8: {  	s26 =	simm.s32 $0x4  }
0xf9: {  	v4 =	vmov s26  }
0xfa: {  	v4 =	vand.u32 $0x7C, v4  }
0xfb: {  	[tilespmem:s25+$0xFFFFFF00] =	vst v2;
	v2 =	vbroadcast v4, $0x0  }
0xfc: {  	v3 =	vld.idx.msk [tilespmem:v3+s14+$0x0], $0xffff  }
0xfd: {  	v2 =	vor.u32 v1, v2  }
0xfe: {  	s29 =	simm.s32 $0x5  }
0xff: {  	v4 =	vmov s29  }
0x100: {  	v4 =	vand.u32 $0x7D, v4  }
0x101: {  	[tilespmem:s25+$0xFFFFFF80] =	vst v3;
	v3 =	vbroadcast v4, $0x0  }
0x102: {  	v2 =	vld.idx.msk [tilespmem:v2+s14+$0x0], $0xffff  }
0x103: {  	v3 =	vor.u32 v1, v3  }
0x104: {  	s30 =	simm.s32 $0x6  }
0x105: {  	v4 =	vmov s30  }
0x106: {  	v4 =	vand.u32 $0x7E, v4  }
0x107: {  	[tilespmem:s25+$0x0] =	vst v2;
	v2 =	vbroadcast v4, $0x0  }
0x108: {  	v3 =	vld.idx.msk [tilespmem:v3+s14+$0x0], $0xffff  }
0x109: {  	v2 =	vor.u32 v1, v2  }
0x10a: {  	s31 =	simm.s32 $0x7  }
0x10b: {  	v4 =	vmov s31  }
0x10c: {  	v4 =	vand.u32 $0x7F, v4  }
0x10d: {  	v4 =	vbroadcast v4, $0x0;
	[tilespmem:s25+$0x80] =	vst v3  }
0x10e: {  	v2 =	vld.idx.msk [tilespmem:v2+s14+$0x0], $0xffff  }
0x10f: {  	v3 =	vor.u32 v1, v4;
	_ =	sdelay $0x1  }
0x110: {  	s28 =	simm.s32 $0x17;
	s0 =	simm.s32 $0x8;
	s26 =	simm.s32 $0xF  }
.LBB2_7:
0x111: {  	p0 =	sne.s32 s28, $0x3F;
	v4 =	vmov s0  }
0x112: {  	v4 =	vand.u32 $0x78, v4;
	[tilespmem:s25+$0x100] =	vst v2  }
0x113: {  	v2 =	vbroadcast v4, $0x0;
	v3 =	vld.idx.msk [tilespmem:v3+s14+$0x0], $0xffff;
	_ =	sdelay $0x1  }
0x114: {  	v2 =	vor.u32 v1, v2;
	_ =	sdelay $0x1  }
0x115: {  	s0 =	sadd.s32 $0xFFFFFFFA, s26  }
0x116: {  	v4 =	vmov s0  }
0x117: {  	v4 =	vand.u32 $0x79, v4;
	[tilespmem:s25+$0x180] =	vst v3  }
0x118: {  	v3 =	vbroadcast v4, $0x0;
	v2 =	vld.idx.msk [tilespmem:v2+s14+$0x0], $0xffff;
	_ =	sdelay $0x1  }
0x119: {  	v3 =	vor.u32 v1, v3;
	_ =	sdelay $0x1  }
0x11a: {  	s0 =	sadd.s32 $0xFFFFFFFB, s26  }
0x11b: {  	v4 =	vmov s0;
	s25 =	sadd.s32 $0x1000, s25  }
0x11c: {  	[tilespmem:s25+$0xFFFFFE00] =	vst v2;
	v2 =	vand.u32 $0x7A, v4  }
0x11d: {  	v3 =	vld.idx.msk [tilespmem:v3+s14+$0x0], $0xffff;
	v2 =	vbroadcast v2, $0x0;
	_ =	sdelay $0x1  }
0x11e: {  	v2 =	vor.u32 v1, v2;
	_ =	sdelay $0x1  }
0x11f: {  	s0 =	sadd.s32 $0xFFFFFFFC, s26  }
0x120: {  	v4 =	vmov s0  }
0x121: {  	[tilespmem:s25+$0xFFFFFE80] =	vst v3;
	v3 =	vand.u32 $0x7B, v4  }
0x122: {  	v2 =	vld.idx.msk [tilespmem:v2+s14+$0x0], $0xffff;
	v3 =	vbroadcast v3, $0x0;
	_ =	sdelay $0x1  }
0x123: {  	v3 =	vor.u32 v1, v3;
	_ =	sdelay $0x1  }
0x124: {  	s0 =	sadd.s32 $0xFFFFFFFD, s26  }
0x125: {  	v4 =	vmov s0  }
0x126: {  	[tilespmem:s25+$0xFFFFFF00] =	vst v2;
	v2 =	vand.u32 $0x7C, v4  }
0x127: {  	v3 =	vld.idx.msk [tilespmem:v3+s14+$0x0], $0xffff;
	v2 =	vbroadcast v2, $0x0;
	_ =	sdelay $0x1  }
0x128: {  	v2 =	vor.u32 v1, v2;
	_ =	sdelay $0x1  }
0x129: {  	s0 =	sadd.s32 $0xFFFFFFFE, s26  }
0x12a: {  	v4 =	vmov s0  }
0x12b: {  	[tilespmem:s25+$0xFFFFFF80] =	vst v3;
	v3 =	vand.u32 $0x7D, v4  }
0x12c: {  	v2 =	vld.idx.msk [tilespmem:v2+s14+$0x0], $0xffff;
	v3 =	vbroadcast v3, $0x0;
	_ =	sdelay $0x1  }
0x12d: {  	v3 =	vor.u32 v1, v3;
	_ =	sdelay $0x1  }
0x12e: {  	s0 =	sadd.s32 $0xFFFFFFFF, s26  }
0x12f: {  	v4 =	vmov s0  }
0x130: {  	[tilespmem:s25+$0x0] =	vst v2;
	v2 =	vand.u32 $0x7E, v4  }
0x131: {  	v3 =	vld.idx.msk [tilespmem:v3+s14+$0x0], $0xffff;
	v2 =	vbroadcast v2, $0x0;
	_ =	sdelay $0x1  }
0x132: {  	v2 =	vor.u32 v1, v2;
	_ =	sdelay $0x2  }
0x133: {  	v4 =	vmov s26;
	s26 =	smov.u32 s28  }
0x134: {  	[tilespmem:s25+$0x80] =	vst v3;
	v3 =	vand.u32 $0x7F, v4  }
.Ltmp2:
0x135: {  	v2 =	vld.idx.msk [tilespmem:v2+s14+$0x0], $0xffff;
	v3 =	vbroadcast v3, $0x0;
	(pc) =	sbr.rel @p0 .LBB2_7-.Ltmp2, $3  }
0x136: {  	_ = 	snop  }
0x137: {  	v3 =	vor.u32 v1, v3;
	_ =	sdelay $0x1  }
0x138: {  	s28 =	sadd.s32 $0x8, s28;
	s0 =	sadd.s32 $0xFFFFFFF9, s26  }
0x139: {  	_ = 	snop  }
0x13a: {  	v4 =	vmov s0  }
0x13b: {  	v4 =	vand.u32 $0x78, v4  }
0x13c: {  	[tilespmem:s25+$0x100] =	vst v2;
	v2 =	vbroadcast v4, $0x0  }
0x13d: {  	v3 =	vld.idx.msk [tilespmem:v3+s14+$0x0], $0xffff  }
0x13e: {  	v2 =	vor.u32 v1, v2  }
0x13f: {  	s18 =	sadd.s32 $0xFFFFFFFA, s26  }
0x140: {  	v57 =	vmov s18  }
0x141: {  	v4 =	vand.u32 $0x79, v57  }
0x142: {  	[tilespmem:s25+$0x180] =	vst v3;
	v3 =	vbroadcast v4, $0x0  }
0x143: {  	v2 =	vld.idx.msk [tilespmem:v2+s14+$0x0], $0xffff  }
0x144: {  	v3 =	vor.u32 v1, v3  }
0x145: {  	s19 =	sadd.s32 $0xFFFFFFFB, s26  }
0x146: {  	v58 =	vmov s19  }
0x147: {  	s28 =	sadd.s32 $0x1000, s25;
	v4 =	vand.u32 $0x7A, v58  }
0x148: {  	[tilespmem:s28+$0xFFFFFE00] =	vst v2;
	v2 =	vbroadcast v4, $0x0  }
0x149: {  	v3 =	vld.idx.msk [tilespmem:v3+s14+$0x0], $0xffff  }
0x14a: {  	v2 =	vor.u32 v1, v2  }
0x14b: {  	s1 =	sadd.s32 $0xFFFFFFFC, s26  }
0x14c: {  	v59 =	vmov s1  }
0x14d: {  	v4 =	vand.u32 $0x7B, v59  }
0x14e: {  	[tilespmem:s28+$0xFFFFFE80] =	vst v3;
	v3 =	vbroadcast v4, $0x0  }
0x14f: {  	v2 =	vld.idx.msk [tilespmem:v2+s14+$0x0], $0xffff  }
0x150: {  	v3 =	vor.u32 v1, v3  }
0x151: {  	s29 =	sadd.s32 $0xFFFFFFFD, s26  }
0x152: {  	v60 =	vmov s29  }
0x153: {  	v4 =	vand.u32 $0x7C, v60  }
0x154: {  	[tilespmem:s28+$0xFFFFFF00] =	vst v2;
	v2 =	vbroadcast v4, $0x0  }
0x155: {  	v3 =	vld.idx.msk [tilespmem:v3+s14+$0x0], $0xffff  }
0x156: {  	v2 =	vor.u32 v1, v2  }
0x157: {  	s30 =	sadd.s32 $0xFFFFFFFE, s26  }
0x158: {  	v61 =	vmov s30  }
0x159: {  	v4 =	vand.u32 $0x7D, v61  }
0x15a: {  	[tilespmem:s28+$0xFFFFFF80] =	vst v3;
	v3 =	vbroadcast v4, $0x0  }
0x15b: {  	v2 =	vld.idx.msk [tilespmem:v2+s14+$0x0], $0xffff  }
0x15c: {  	v3 =	vor.u32 v1, v3  }
0x15d: {  	s31 =	sadd.s32 $0xFFFFFFFF, s26  }
0x15e: {  	v62 =	vmov s31  }
0x15f: {  	v4 =	vand.u32 $0x7E, v62  }
0x160: {  	[tilespmem:s28+$0x0] =	vst v2;
	v2 =	vbroadcast v4, $0x0  }
0x161: {  	v3 =	vld.idx.msk [tilespmem:v3+s14+$0x0], $0xffff  }
0x162: {  	v2 =	vor.u32 v1, v2;
	_ =	sdelay $0x1  }
0x163: {  	v63 =	vmov s26  }
0x164: {  	v4 =	vand.u32 $0x7F, v63  }
0x165: {  	[tilespmem:s28+$0x80] =	vst v3;
	v3 =	vbroadcast v4, $0x0  }
0x166: {  	v2 =	vld.idx.msk [tilespmem:v2+s14+$0x0], $0xffff  }
0x167: {  	v1 =	vor.u32 v1, v3;
	_ =	sdelay $0x3  }
0x168: {  	s24 =	sadd.s32 $0x1, s24;
	[tilespmem:s28+$0x100] =	vst v2  }
0x169: {  	p0 =	sne.s32 s24, $0x10;
	v1 =	vld.idx.msk [tilespmem:v1+s14+$0x0], $0xffff  }
.Ltmp3:
0x16a: {  	_ = 	snop;
	(pc) =	sbr.rel @p0 .LBB2_6-.Ltmp3, $2  }
0x16b: {  	_ =	sdelay $0x2  }
0x16c: {  	s23 =	sadd.s32 $0x80, s23;
	s22 =	sadd.s32 $0x1, s22;
	[tilespmem:s28+$0x180] =	vst v1  }
0x16d: {  	_ =	swait.ge [sflag:s15], $0x8000  }
0x16e: {  	s22 =	simm.s32 $0x0;
	[sflag:s15] =	ssyncset.done $0x0  }
0x16f: {  	s23 =	simm.s32 $0x0;
	s24 =	simm.s32 $0x0;
	[sflag:s15] =	ssyncadd.s32 $0xFFFF8000  }
.LBB2_10:
0x170: {  	s0 =	simm.s32 $0x0  }
0x171: {  	s1 =	sshll.u32 s24, $0x4;
	v1 =	vmov s0  }
0x172: {  	v2 =	vmov s1;
	v1 =	vand.u32 $0x78, v1  }
0x173: {  	v2 =	vshll.u32 v2, $0x7;
	v3 =	vbroadcast v1, $0x0  }
0x174: {  	v1 =	vor.u32 v0, v2  }
0x175: {  	v2 =	vor.u32 v1, v3  }
0x176: {  	s10 =	simm.s32 $0x1  }
0x177: {  	v3 =	vmov s10  }
0x178: {  	v3 =	vand.u32 $0x79, v3  }
0x179: {  	v3 =	vbroadcast v3, $0x0  }
0x17a: {  	s11 =	sshll.u32 s23, $0x2;
	s17 =	sand.u32 $0x7, s22;
	v2 =	vld.idx.msk [tilespmem:v2+s16+$0x0], $0xffff  }
0x17b: {  	s0 =	sand.u32 $0xFFFFF000, s11;
	s1 =	sshll.u32 s17, $0x6;
	v3 =	vor.u32 v1, v3  }
0x17c: {  	s18 =	simm.s32 $0x2;
	s0 =	sor.u32 s1, s0  }
0x17d: {  	v4 =	vmov s18;
	s0 =	sshrl.u32 s0, $0x2  }
0x17e: {  	v4 =	vand.u32 $0x7A, v4;
	s25 =	sadd.s32 $0x10D80, s0  }
0x17f: {  	[tilespmem:s25+$0xFFFFFC80] =	vst v2;
	v2 =	vbroadcast v4, $0x0  }
0x180: {  	v3 =	vld.idx.msk [tilespmem:v3+s16+$0x0], $0xffff  }
0x181: {  	v2 =	vor.u32 v1, v2  }
0x182: {  	s19 =	simm.s32 $0x3  }
0x183: {  	v4 =	vmov s19  }
0x184: {  	v4 =	vand.u32 $0x7B, v4  }
0x185: {  	[tilespmem:s25+$0xFFFFFD00] =	vst v3;
	v3 =	vbroadcast v4, $0x0  }
0x186: {  	v2 =	vld.idx.msk [tilespmem:v2+s16+$0x0], $0xffff  }
0x187: {  	v3 =	vor.u32 v1, v3  }
0x188: {  	s26 =	simm.s32 $0x4  }
0x189: {  	v4 =	vmov s26  }
0x18a: {  	v4 =	vand.u32 $0x7C, v4  }
0x18b: {  	[tilespmem:s25+$0xFFFFFD80] =	vst v2;
	v2 =	vbroadcast v4, $0x0  }
0x18c: {  	v3 =	vld.idx.msk [tilespmem:v3+s16+$0x0], $0xffff  }
0x18d: {  	v2 =	vor.u32 v1, v2  }
0x18e: {  	s29 =	simm.s32 $0x5  }
0x18f: {  	v4 =	vmov s29  }
0x190: {  	v4 =	vand.u32 $0x7D, v4  }
0x191: {  	[tilespmem:s25+$0xFFFFFE00] =	vst v3;
	v3 =	vbroadcast v4, $0x0  }
0x192: {  	v2 =	vld.idx.msk [tilespmem:v2+s16+$0x0], $0xffff  }
0x193: {  	v3 =	vor.u32 v1, v3  }
0x194: {  	s30 =	simm.s32 $0x6  }
0x195: {  	v4 =	vmov s30  }
0x196: {  	v4 =	vand.u32 $0x7E, v4  }
0x197: {  	[tilespmem:s25+$0xFFFFFE80] =	vst v2;
	v2 =	vbroadcast v4, $0x0  }
0x198: {  	v3 =	vld.idx.msk [tilespmem:v3+s16+$0x0], $0xffff  }
0x199: {  	v2 =	vor.u32 v1, v2  }
0x19a: {  	s31 =	simm.s32 $0x7  }
0x19b: {  	v4 =	vmov s31  }
0x19c: {  	v4 =	vand.u32 $0x7F, v4  }
0x19d: {  	v4 =	vbroadcast v4, $0x0;
	[tilespmem:s25+$0xFFFFFF00] =	vst v3  }
0x19e: {  	v2 =	vld.idx.msk [tilespmem:v2+s16+$0x0], $0xffff  }
0x19f: {  	v3 =	vor.u32 v1, v4;
	_ =	sdelay $0x1  }
0x1a0: {  	s28 =	simm.s32 $0x17;
	s0 =	simm.s32 $0x8;
	s26 =	simm.s32 $0xF  }
.LBB2_11:
0x1a1: {  	p0 =	sne.s32 s28, $0x3F;
	v4 =	vmov s0  }
0x1a2: {  	v4 =	vand.u32 $0x78, v4;
	[tilespmem:s25+$0xFFFFFF80] =	vst v2  }
0x1a3: {  	v2 =	vbroadcast v4, $0x0;
	v3 =	vld.idx.msk [tilespmem:v3+s16+$0x0], $0xffff;
	_ =	sdelay $0x1  }
0x1a4: {  	v2 =	vor.u32 v1, v2;
	_ =	sdelay $0x1  }
0x1a5: {  	s0 =	sadd.s32 $0xFFFFFFFA, s26  }
0x1a6: {  	v4 =	vmov s0  }
0x1a7: {  	v4 =	vand.u32 $0x79, v4;
	[tilespmem:s25+$0x0] =	vst v3  }
0x1a8: {  	v3 =	vbroadcast v4, $0x0;
	v2 =	vld.idx.msk [tilespmem:v2+s16+$0x0], $0xffff;
	_ =	sdelay $0x1  }
0x1a9: {  	v3 =	vor.u32 v1, v3;
	_ =	sdelay $0x1  }
0x1aa: {  	s0 =	sadd.s32 $0xFFFFFFFB, s26  }
0x1ab: {  	v4 =	vmov s0;
	s25 =	sadd.s32 $0x1000, s25  }
0x1ac: {  	[tilespmem:s25+$0xFFFFFC80] =	vst v2;
	v2 =	vand.u32 $0x7A, v4  }
0x1ad: {  	v3 =	vld.idx.msk [tilespmem:v3+s16+$0x0], $0xffff;
	v2 =	vbroadcast v2, $0x0;
	_ =	sdelay $0x1  }
0x1ae: {  	v2 =	vor.u32 v1, v2;
	_ =	sdelay $0x1  }
0x1af: {  	s0 =	sadd.s32 $0xFFFFFFFC, s26  }
0x1b0: {  	v4 =	vmov s0  }
0x1b1: {  	[tilespmem:s25+$0xFFFFFD00] =	vst v3;
	v3 =	vand.u32 $0x7B, v4  }
0x1b2: {  	v2 =	vld.idx.msk [tilespmem:v2+s16+$0x0], $0xffff;
	v3 =	vbroadcast v3, $0x0;
	_ =	sdelay $0x1  }
0x1b3: {  	v3 =	vor.u32 v1, v3;
	_ =	sdelay $0x1  }
0x1b4: {  	s0 =	sadd.s32 $0xFFFFFFFD, s26  }
0x1b5: {  	v4 =	vmov s0  }
0x1b6: {  	[tilespmem:s25+$0xFFFFFD80] =	vst v2;
	v2 =	vand.u32 $0x7C, v4  }
0x1b7: {  	v3 =	vld.idx.msk [tilespmem:v3+s16+$0x0], $0xffff;
	v2 =	vbroadcast v2, $0x0;
	_ =	sdelay $0x1  }
0x1b8: {  	v2 =	vor.u32 v1, v2;
	_ =	sdelay $0x1  }
0x1b9: {  	s0 =	sadd.s32 $0xFFFFFFFE, s26  }
0x1ba: {  	v4 =	vmov s0  }
0x1bb: {  	[tilespmem:s25+$0xFFFFFE00] =	vst v3;
	v3 =	vand.u32 $0x7D, v4  }
0x1bc: {  	v2 =	vld.idx.msk [tilespmem:v2+s16+$0x0], $0xffff;
	v3 =	vbroadcast v3, $0x0;
	_ =	sdelay $0x1  }
0x1bd: {  	v3 =	vor.u32 v1, v3;
	_ =	sdelay $0x1  }
0x1be: {  	s0 =	sadd.s32 $0xFFFFFFFF, s26  }
0x1bf: {  	v4 =	vmov s0  }
0x1c0: {  	[tilespmem:s25+$0xFFFFFE80] =	vst v2;
	v2 =	vand.u32 $0x7E, v4  }
0x1c1: {  	v3 =	vld.idx.msk [tilespmem:v3+s16+$0x0], $0xffff;
	v2 =	vbroadcast v2, $0x0;
	_ =	sdelay $0x1  }
0x1c2: {  	v2 =	vor.u32 v1, v2;
	_ =	sdelay $0x2  }
0x1c3: {  	v4 =	vmov s26;
	s26 =	smov.u32 s28  }
0x1c4: {  	[tilespmem:s25+$0xFFFFFF00] =	vst v3;
	v3 =	vand.u32 $0x7F, v4  }
.Ltmp4:
0x1c5: {  	v2 =	vld.idx.msk [tilespmem:v2+s16+$0x0], $0xffff;
	v3 =	vbroadcast v3, $0x0;
	(pc) =	sbr.rel @p0 .LBB2_11-.Ltmp4, $3  }
0x1c6: {  	_ = 	snop  }
0x1c7: {  	v3 =	vor.u32 v1, v3;
	_ =	sdelay $0x1  }
0x1c8: {  	s28 =	sadd.s32 $0x8, s28;
	s0 =	sadd.s32 $0xFFFFFFF9, s26  }
0x1c9: {  	_ = 	snop  }
0x1ca: {  	v4 =	vmov s0  }
0x1cb: {  	v4 =	vand.u32 $0x78, v4  }
0x1cc: {  	[tilespmem:s25+$0xFFFFFF80] =	vst v2;
	v2 =	vbroadcast v4, $0x0  }
0x1cd: {  	v3 =	vld.idx.msk [tilespmem:v3+s16+$0x0], $0xffff  }
0x1ce: {  	v2 =	vor.u32 v1, v2  }
0x1cf: {  	s18 =	sadd.s32 $0xFFFFFFFA, s26  }
0x1d0: {  	v57 =	vmov s18  }
0x1d1: {  	v4 =	vand.u32 $0x79, v57  }
0x1d2: {  	[tilespmem:s25+$0x0] =	vst v3;
	v3 =	vbroadcast v4, $0x0  }
0x1d3: {  	v2 =	vld.idx.msk [tilespmem:v2+s16+$0x0], $0xffff  }
0x1d4: {  	v3 =	vor.u32 v1, v3  }
0x1d5: {  	s19 =	sadd.s32 $0xFFFFFFFB, s26  }
0x1d6: {  	v58 =	vmov s19  }
0x1d7: {  	s28 =	sadd.s32 $0x1000, s25;
	v4 =	vand.u32 $0x7A, v58  }
0x1d8: {  	[tilespmem:s28+$0xFFFFFC80] =	vst v2;
	v2 =	vbroadcast v4, $0x0  }
0x1d9: {  	v3 =	vld.idx.msk [tilespmem:v3+s16+$0x0], $0xffff  }
0x1da: {  	v2 =	vor.u32 v1, v2  }
0x1db: {  	s1 =	sadd.s32 $0xFFFFFFFC, s26  }
0x1dc: {  	v59 =	vmov s1  }
0x1dd: {  	v4 =	vand.u32 $0x7B, v59  }
0x1de: {  	[tilespmem:s28+$0xFFFFFD00] =	vst v3;
	v3 =	vbroadcast v4, $0x0  }
0x1df: {  	v2 =	vld.idx.msk [tilespmem:v2+s16+$0x0], $0xffff  }
0x1e0: {  	v3 =	vor.u32 v1, v3  }
0x1e1: {  	s29 =	sadd.s32 $0xFFFFFFFD, s26  }
0x1e2: {  	v60 =	vmov s29  }
0x1e3: {  	v4 =	vand.u32 $0x7C, v60  }
0x1e4: {  	[tilespmem:s28+$0xFFFFFD80] =	vst v2;
	v2 =	vbroadcast v4, $0x0  }
0x1e5: {  	v3 =	vld.idx.msk [tilespmem:v3+s16+$0x0], $0xffff  }
0x1e6: {  	v2 =	vor.u32 v1, v2  }
0x1e7: {  	s30 =	sadd.s32 $0xFFFFFFFE, s26  }
0x1e8: {  	v61 =	vmov s30  }
0x1e9: {  	v4 =	vand.u32 $0x7D, v61  }
0x1ea: {  	[tilespmem:s28+$0xFFFFFE00] =	vst v3;
	v3 =	vbroadcast v4, $0x0  }
0x1eb: {  	v2 =	vld.idx.msk [tilespmem:v2+s16+$0x0], $0xffff  }
0x1ec: {  	v3 =	vor.u32 v1, v3  }
0x1ed: {  	s31 =	sadd.s32 $0xFFFFFFFF, s26  }
0x1ee: {  	v62 =	vmov s31  }
0x1ef: {  	v4 =	vand.u32 $0x7E, v62  }
0x1f0: {  	[tilespmem:s28+$0xFFFFFE80] =	vst v2;
	v2 =	vbroadcast v4, $0x0  }
0x1f1: {  	v3 =	vld.idx.msk [tilespmem:v3+s16+$0x0], $0xffff  }
0x1f2: {  	v2 =	vor.u32 v1, v2;
	_ =	sdelay $0x1  }
0x1f3: {  	v63 =	vmov s26  }
0x1f4: {  	v4 =	vand.u32 $0x7F, v63  }
0x1f5: {  	[tilespmem:s28+$0xFFFFFF00] =	vst v3;
	v3 =	vbroadcast v4, $0x0  }
0x1f6: {  	v2 =	vld.idx.msk [tilespmem:v2+s16+$0x0], $0xffff  }
0x1f7: {  	v1 =	vor.u32 v1, v3;
	_ =	sdelay $0x3  }
0x1f8: {  	s24 =	sadd.s32 $0x1, s24;
	[tilespmem:s28+$0xFFFFFF80] =	vst v2  }
0x1f9: {  	p0 =	sne.s32 s24, $0x10;
	v1 =	vld.idx.msk [tilespmem:v1+s16+$0x0], $0xffff  }
.Ltmp5:
0x1fa: {  	_ = 	snop;
	(pc) =	sbr.rel @p0 .LBB2_10-.Ltmp5, $2  }
0x1fb: {  	_ =	sdelay $0x2  }
0x1fc: {  	s23 =	sadd.s32 $0x80, s23;
	s22 =	sadd.s32 $0x1, s22;
	[tilespmem:s28+$0x0] =	vst v1  }
0x1fd: {  	s0 =	rddreg [dreg:$0x9]  }
0x1fe: {  	s1 =	simm.s32 $0x1000;
	s5 =	simm.s32 $0x20000;
	s6 =	simm.s32 $0x10200  }
0x1ff: {  	[hbm4b:s0+s1] =	stream.strided.scatter [tilespmem:s6], [sflag:$0x3], $0x8000, s5, s1, $0x38;
	[tilespmem:$0x18200] =	vst v63  }
0x200: {  	s22 =	simm.s32 $0x0;
	s31 =	rddreg [dreg:$0xa]  }
0x201: {  	[tilespmem:s22], [sflag:$0x4] =	stream.linear.gather [hbm4b:s31+s22], $0x200, $0x38;
	[tilespmem:$0x18200] =	vst v63  }
0x202: {  	_ =	swait.ge [sflag:s12], $0x200  }
0x203: {  	[sflag:s12] =	ssyncset.done $0x0  }
0x204: {  	[sflag:s12] =	ssyncadd.s32 $0xFFFFFE00  }
0x205: {  	v1 =	vld [tilespmem:s22+$0x0];
	_ =	sdelay $0x4  }
0x206: {  	v1 =	vshll.u32 v1, $0x4  }
0x207: {  	(v2sf) =	vpush v1, $0x0  }
0x208: {  	(v2sf) =	vpush v1, $0x1  }
0x209: {  	(v2sf) =	vpush v1, $0x2;
	_ =	sdelay $0x1  }
0x20a: {  	(v2sf) =	vpush v1, $0x4;
	_ =	sdelay $0x1  }
0x20b: {  	(v2sf) =	vpush v1, $0x3  }
0x20c: {  	(v2sf) =	vpush v1, $0x5  }
0x20d: {  	s24 =	simm.s32 $0x2000;
	s23 =	simm.s32 $0x0;
	s25 =	simm.s32 $0x0;
	(v2sf) =	vpush v1, $0x6  }
.LBB2_14:
0x20e: {  	p0 =	sne.s32 s24, $0x1E000  }
0x20f: {  	s7 =	sadd.s32 $0x280, s23;
	s30 =	sadd.s32 $0x780, s23;
	s26 =	smov.u32 s24  }
0x210: {  	s24 =	sadd.s32 $0x2000, s24;
	s31 =	sadd.s32 $0x580, s23;
	s28 =	sadd.s32 $0x800, s23;
	(v2sf) =	vpush v1, $0x7  }
0x211: {  	s6 =	sadd.s32 $0x480, s23;
	s1 =	sadd.s32 $0x600, s23;
	s29 =	sadd.s32 $0x880, s23  }
0x212: {  	s8 =	sadd.s32 $0x200, s23;
	s9 =	sadd.s32 $0x400, s23;
	(v2sf) =	vpush v1, $0x8  }
0x213: {  	s10 =	sadd.s32 $0x500, s23;
	s25 =	sadd.s32 $0x10, s25  }
0x214: {  	s11 =	sadd.s32 $0x300, s23;
	s0 =	sadd.s32 $0x700, s23;
	s5 =	spop (v2sf);
	(v2sf) =	vpush v1, $0x9  }
0x215: {  	s17 =	sand.u32 $0x1FFFFFF0, s5;
	s5 =	sadd.s32 $0x680, s23;
	s18 =	spop (v2sf)  }
0x216: {  	s17 =	sadd.s32 s3, s17;
	s18 =	sand.u32 $0x1FFFFFF0, s18;
	s19 =	spop (v2sf);
	(v2sf) =	vpush v1, $0xA  }
0x217: {  	[tilespmem:s8], [sflag:$0x1] =	stream.linear.gather [hbm4b:s17+s22], $0x80, $0x38;
	[tilespmem:$0x18200] =	vst v63  }
0x218: {  	s8 =	sadd.s32 s3, s18;
	s17 =	sadd.s32 $0x380, s23;
	s18 =	spop (v2sf);
	(v2sf) =	vpush v1, $0xB  }
0x219: {  	[tilespmem:s7], [sflag:$0x1] =	stream.linear.gather [hbm4b:s8+s22], $0x80, $0x38;
	[tilespmem:$0x18200] =	vst v63  }
0x21a: {  	s7 =	sand.u32 $0x1FFFFFF0, s19;
	s8 =	sand.u32 $0x1FFFFFF0, s18;
	s18 =	spop (v2sf);
	(v2sf) =	vpush v1, $0xC  }
0x21b: {  	s7 =	sadd.s32 s3, s7;
	s18 =	sand.u32 $0x1FFFFFF0, s18;
	s19 =	spop (v2sf)  }
0x21c: {  	[tilespmem:s11], [sflag:$0x1] =	stream.linear.gather [hbm4b:s7+s22], $0x80, $0x38;
	(v2sf) =	vpush v1, $0xD;
	[tilespmem:$0x18200] =	vst v63  }
0x21d: {  	s7 =	sadd.s32 s3, s18;
	s11 =	sand.u32 $0x1FFFFFF0, s19;
	s18 =	spop (v2sf)  }
0x21e: {  	[tilespmem:s17], [sflag:$0x1] =	stream.linear.gather [hbm4b:s7+s22], $0x80, $0x38;
	(v2sf) =	vpush v1, $0xE;
	[tilespmem:$0x18200] =	vst v63  }
0x21f: {  	s7 =	sadd.s32 s3, s8;
	s8 =	sand.u32 $0x1FFFFFF0, s18;
	s17 =	spop (v2sf)  }
0x220: {  	[tilespmem:s9], [sflag:$0x1] =	stream.linear.gather [hbm4b:s7+s22], $0x80, $0x38;
	(v2sf) =	vpush v1, $0xF;
	[tilespmem:$0x18200] =	vst v63  }
0x221: {  	s7 =	sadd.s32 s3, s11;
	s9 =	sand.u32 $0x1FFFFFF0, s17;
	s11 =	spop (v2sf)  }
0x222: {  	[tilespmem:s6], [sflag:$0x1] =	stream.linear.gather [hbm4b:s7+s22], $0x80, $0x38;
	[tilespmem:$0x18200] =	vst v63  }
0x223: {  	s6 =	sadd.s32 s3, s8;
	s7 =	sand.u32 $0x1FFFFFF0, s11;
	s8 =	spop (v2sf)  }
0x224: {  	[tilespmem:s10], [sflag:$0x1] =	stream.linear.gather [hbm4b:s6+s22], $0x80, $0x38;
	[tilespmem:$0x18200] =	vst v63  }
0x225: {  	s6 =	sadd.s32 s3, s9;
	s8 =	sand.u32 $0x1FFFFFF0, s8;
	s9 =	spop (v2sf)  }
0x226: {  	[tilespmem:s31], [sflag:$0x1] =	stream.linear.gather [hbm4b:s6+s22], $0x80, $0x38;
	[tilespmem:$0x18200] =	vst v63  }
0x227: {  	s6 =	sadd.s32 s3, s7;
	s7 =	sand.u32 $0x1FFFFFF0, s9;
	s9 =	spop (v2sf)  }
0x228: {  	[tilespmem:s1], [sflag:$0x1] =	stream.linear.gather [hbm4b:s6+s22], $0x80, $0x38;
	[tilespmem:$0x18200] =	vst v63  }
0x229: {  	s1 =	sadd.s32 s3, s8;
	s6 =	sand.u32 $0x1FFFFFF0, s9;
	s8 =	spop (v2sf)  }
0x22a: {  	[tilespmem:s5], [sflag:$0x1] =	stream.linear.gather [hbm4b:s1+s22], $0x80, $0x38;
	[tilespmem:$0x18200] =	vst v63  }
0x22b: {  	s1 =	sadd.s32 s3, s7;
	s5 =	sand.u32 $0x1FFFFFF0, s8;
	s7 =	spop (v2sf)  }
0x22c: {  	[tilespmem:s0], [sflag:$0x1] =	stream.linear.gather [hbm4b:s1+s22], $0x80, $0x38;
	[tilespmem:$0x18200] =	vst v63  }
0x22d: {  	s0 =	sadd.s32 s3, s6;
	s1 =	sand.u32 $0x1FFFFFF0, s7;
	s6 =	spop (v2sf)  }
0x22e: {  	[tilespmem:s30], [sflag:$0x1] =	stream.linear.gather [hbm4b:s0+s22], $0x80, $0x38;
	[tilespmem:$0x18200] =	vst v63  }
0x22f: {  	s0 =	sadd.s32 s3, s5;
	s5 =	sand.u32 $0x1FFFFFF0, s6;
	s6 =	spop (v2sf)  }
0x230: {  	[tilespmem:s28], [sflag:$0x1] =	stream.linear.gather [hbm4b:s0+s22], $0x80, $0x38;
	[tilespmem:$0x18200] =	vst v63  }
0x231: {  	s0 =	sadd.s32 s3, s1;
	s1 =	sand.u32 $0x1FFFFFF0, s6  }
0x232: {  	[tilespmem:s29], [sflag:$0x1] =	stream.linear.gather [hbm4b:s0+s22], $0x80, $0x38;
	[tilespmem:$0x18200] =	vst v63  }
0x233: {  	s5 =	sadd.s32 s3, s5;
	s0 =	sadd.s32 $0x900, s23  }
0x234: {  	[tilespmem:s0], [sflag:$0x1] =	stream.linear.gather [hbm4b:s5+s22], $0x80, $0x38;
	[tilespmem:$0x18200] =	vst v63  }
0x235: {  	s1 =	sadd.s32 s3, s1;
	s0 =	sadd.s32 $0x980, s23  }
0x236: {  	[tilespmem:s0], [sflag:$0x1] =	stream.linear.gather [hbm4b:s1+s22], $0x80, $0x38;
	[tilespmem:$0x18200] =	vst v63  }
0x237: {  	v1 =	vld [tilespmem:s25+$0x0];
	_ =	sdelay $0x4  }
0x238: {  	v1 =	vshll.u32 v1, $0x4  }
0x239: {  	(v2sf) =	vpush v1, $0x0  }
0x23a: {  	(v2sf) =	vpush v1, $0x1  }
0x23b: {  	(v2sf) =	vpush v1, $0x2;
	_ =	sdelay $0x1  }
0x23c: {  	(v2sf) =	vpush v1, $0x4  }
.Ltmp6:
0x23d: {  	(pc) =	sbr.rel @p0 .LBB2_14-.Ltmp6, $3  }
0x23e: {  	(v2sf) =	vpush v1, $0x3  }
0x23f: {  	(v2sf) =	vpush v1, $0x5;
	_ =	sdelay $0x1  }
0x240: {  	s23 =	sshra.s32 s26, $0x2;
	(v2sf) =	vpush v1, $0x6  }
0x241: {  	_ =	sdelay $0x1  }
0x242: {  	s5 =	sadd.s32 $0x280, s23;
	s24 =	sadd.s32 $0x780, s23  }
0x243: {  	s6 =	sadd.s32 $0x580, s23;
	s0 =	sadd.s32 $0x800, s23;
	(v2sf) =	vpush v1, $0x7;
	s7 =	sadd.s32 $0x480, s23  }
0x244: {  	s8 =	sadd.s32 $0x600, s23;
	s1 =	sadd.s32 $0x880, s23;
	s9 =	sadd.s32 $0x200, s23  }
0x245: {  	s10 =	sadd.s32 $0x400, s23;
	s11 =	sadd.s32 $0x500, s23;
	(v2sf) =	vpush v1, $0x8;
	s17 =	spop (v2sf)  }
0x246: {  	s18 =	sadd.s32 $0x300, s23;
	s17 =	sand.u32 $0x1FFFFFF0, s17;
	s19 =	spop (v2sf)  }
0x247: {  	(v2sf) =	vpush v1, $0x9;
	s17 =	sadd.s32 s3, s17;
	s19 =	sand.u32 $0x1FFFFFF0, s19;
	s25 =	spop (v2sf)  }
0x248: {  	[tilespmem:s9], [sflag:$0x1] =	stream.linear.gather [hbm4b:s17+s22], $0x80, $0x38;
	[tilespmem:$0x18200] =	vst v63  }
0x249: {  	(v2sf) =	vpush v1, $0xA;
	s26 =	sadd.s32 s3, s19;
	s29 =	sand.u32 $0x1FFFFFF0, s25;
	s28 =	spop (v2sf)  }
0x24a: {  	[tilespmem:s5], [sflag:$0x1] =	stream.linear.gather [hbm4b:s26+s22], $0x80, $0x38;
	[tilespmem:$0x18200] =	vst v63  }
0x24b: {  	s9 =	sadd.s32 $0x700, s23;
	(v2sf) =	vpush v1, $0xB;
	s17 =	sadd.s32 s3, s29;
	s30 =	spop (v2sf)  }
0x24c: {  	s5 =	sadd.s32 $0x680, s23;
	s26 =	sadd.s32 $0x380, s23;
	s25 =	sand.u32 $0x1FFFFFF0, s30  }
0x24d: {  	(v2sf) =	vpush v1, $0xC;
	[tilespmem:s18], [sflag:$0x1] =	stream.linear.gather [hbm4b:s17+s22], $0x80, $0x38;
	[tilespmem:$0x18200] =	vst v63  }
0x24e: {  	s31 =	sand.u32 $0x1FFFFFF0, s28;
	s28 =	spop (v2sf);
	s29 =	sadd.s32 s3, s25  }
0x24f: {  	(v2sf) =	vpush v1, $0xD;
	[tilespmem:s26], [sflag:$0x1] =	stream.linear.gather [hbm4b:s29+s22], $0x80, $0x38;
	[tilespmem:$0x18200] =	vst v63  }
0x250: {  	s17 =	sadd.s32 s3, s31;
	s18 =	sand.u32 $0x1FFFFFF0, s28;
	s30 =	spop (v2sf)  }
0x251: {  	(v2sf) =	vpush v1, $0xE;
	[tilespmem:s10], [sflag:$0x1] =	stream.linear.gather [hbm4b:s17+s22], $0x80, $0x38;
	[tilespmem:$0x18200] =	vst v63  }
0x252: {  	s18 =	sadd.s32 s3, s18;
	s31 =	sand.u32 $0x1FFFFFF0, s30;
	s19 =	spop (v2sf)  }
0x253: {  	(v2sf) =	vpush v1, $0xF;
	[tilespmem:s7], [sflag:$0x1] =	stream.linear.gather [hbm4b:s18+s22], $0x80, $0x38;
	[tilespmem:$0x18200] =	vst v63  }
0x254: {  	s25 =	sand.u32 $0x1FFFFFF0, s19;
	s26 =	spop (v2sf);
	s10 =	sadd.s32 s3, s31  }
0x255: {  	[tilespmem:s11], [sflag:$0x1] =	stream.linear.gather [hbm4b:s10+s22], $0x80, $0x38;
	[tilespmem:$0x18200] =	vst v63  }
0x256: {  	s28 =	sand.u32 $0x1FFFFFF0, s26;
	s7 =	sadd.s32 s3, s25;
	s29 =	spop (v2sf)  }
0x257: {  	[tilespmem:s6], [sflag:$0x1] =	stream.linear.gather [hbm4b:s7+s22], $0x80, $0x38;
	[tilespmem:$0x18200] =	vst v63  }
0x258: {  	s10 =	sadd.s32 s3, s28;
	s30 =	sand.u32 $0x1FFFFFF0, s29;
	s31 =	spop (v2sf)  }
0x259: {  	[tilespmem:s8], [sflag:$0x1] =	stream.linear.gather [hbm4b:s10+s22], $0x80, $0x38;
	[tilespmem:$0x18200] =	vst v63  }
0x25a: {  	s7 =	sand.u32 $0x1FFFFFF0, s31;
	s6 =	sadd.s32 s3, s30;
	s10 =	spop (v2sf)  }
0x25b: {  	[tilespmem:s5], [sflag:$0x1] =	stream.linear.gather [hbm4b:s6+s22], $0x80, $0x38;
	[tilespmem:$0x18200] =	vst v63  }
0x25c: {  	s7 =	sadd.s32 s3, s7;
	s11 =	sand.u32 $0x1FFFFFF0, s10;
	s17 =	spop (v2sf)  }
0x25d: {  	[tilespmem:s9], [sflag:$0x1] =	stream.linear.gather [hbm4b:s7+s22], $0x80, $0x38;
	[tilespmem:$0x18200] =	vst v63  }
0x25e: {  	s5 =	sadd.s32 s3, s11;
	s6 =	sand.u32 $0x1FFFFFF0, s17;
	s18 =	spop (v2sf)  }
0x25f: {  	[tilespmem:s24], [sflag:$0x1] =	stream.linear.gather [hbm4b:s5+s22], $0x80, $0x38;
	[tilespmem:$0x18200] =	vst v63  }
0x260: {  	s19 =	sand.u32 $0x1FFFFFF0, s18;
	s6 =	sadd.s32 s3, s6;
	s24 =	spop (v2sf)  }
0x261: {  	[tilespmem:s0], [sflag:$0x1] =	stream.linear.gather [hbm4b:s6+s22], $0x80, $0x38;
	[tilespmem:$0x18200] =	vst v63  }
0x262: {  	s5 =	sadd.s32 s3, s19;
	s25 =	sand.u32 $0x1FFFFFF0, s24;
	s26 =	spop (v2sf)  }
0x263: {  	[tilespmem:s1], [sflag:$0x1] =	stream.linear.gather [hbm4b:s5+s22], $0x80, $0x38;
	[tilespmem:$0x18200] =	vst v63  }
0x264: {  	s29 =	sadd.s32 $0x900, s23;
	s28 =	sand.u32 $0x1FFFFFF0, s26;
	s0 =	sadd.s32 s3, s25  }
0x265: {  	[tilespmem:s29], [sflag:$0x1] =	stream.linear.gather [hbm4b:s0+s22], $0x80, $0x38;
	[tilespmem:$0x18200] =	vst v63  }
0x266: {  	s30 =	sadd.s32 $0x980, s23;
	s31 =	sand.u32 $0xF0, s22;
	s1 =	sadd.s32 s3, s28  }
0x267: {  	[tilespmem:s30], [sflag:$0x1] =	stream.linear.gather [hbm4b:s1+s22], $0x80, $0x38;
	[tilespmem:$0x18200] =	vst v63  }
0x268: {  	v1 =	vld [tilespmem:s31+$0x100];
	_ =	sdelay $0x4  }
0x269: {  	v1 =	vshll.u32 v1, $0x4  }
0x26a: {  	(v2sf) =	vpush v1, $0x0  }
0x26b: {  	(v2sf) =	vpush v1, $0x2  }
0x26c: {  	(v2sf) =	vpush v1, $0x1;
	_ =	sdelay $0x1  }
0x26d: {  	(v2sf) =	vpush v1, $0x3  }
0x26e: {  	(v2sf) =	vpush v1, $0x4;
	_ =	sdelay $0x2  }
0x26f: {  	s23 =	simm.s32 $0x2000;
	s24 =	simm.s32 $0x10  }
.LBB2_16:
0x270: {  	p0 =	sne.s32 s23, $0x1E000;
	(v2sf) =	vpush v1, $0x5;
	s0 =	smov.u32 s23;
	s23 =	sadd.s32 $0x2000, s23  }
0x271: {  	s25 =	sshra.s32 s22, $0x2;
	s22 =	smov.u32 s0  }
0x272: {  	s6 =	sadd.s32 $0x8280, s25;
	(v2sf) =	vpush v1, $0x6  }
0x273: {  	s7 =	sadd.s32 $0x8200, s25  }
0x274: {  	s29 =	sadd.s32 $0x8780, s25;
	s28 =	sadd.s32 $0x8800, s25;
	s26 =	sadd.s32 $0x8880, s25;
	(v2sf) =	vpush v1, $0x7  }
0x275: {  	s1 =	sadd.s32 $0x8600, s25;
	s0 =	sadd.s32 $0x8680, s25;
	s30 =	sadd.s32 $0x8700, s25  }
0x276: {  	s8 =	sadd.s32 $0x8500, s25;
	s5 =	sadd.s32 $0x8580, s25;
	s9 =	spop (v2sf);
	(v2sf) =	vpush v1, $0x8  }
0x277: {  	s10 =	sadd.s32 $0x8300, s25;
	s9 =	sand.u32 $0x1FFFFFF0, s9;
	s11 =	spop (v2sf)  }
0x278: {  	s17 =	sadd.s32 $0x8480, s25;
	s9 =	sadd.s32 s3, s9;
	s18 =	spop (v2sf);
	(v2sf) =	vpush v1, $0x9  }
0x279: {  	[tilespmem:s7], [sflag:$0x2] =	stream.linear.gather [hbm4b:s9+s2], $0x80, $0x38;
	[tilespmem:$0x18200] =	vst v63  }
0x27a: {  	s7 =	sand.u32 $0x1FFFFFF0, s18;
	s9 =	sand.u32 $0x1FFFFFF0, s11;
	s11 =	spop (v2sf);
	(v2sf) =	vpush v1, $0xA  }
0x27b: {  	s18 =	sadd.s32 $0x8400, s25;
	s7 =	sadd.s32 s3, s7;
	s19 =	spop (v2sf)  }
0x27c: {  	[tilespmem:s6], [sflag:$0x2] =	stream.linear.gather [hbm4b:s7+s2], $0x80, $0x38;
	(v2sf) =	vpush v1, $0xB;
	[tilespmem:$0x18200] =	vst v63  }
0x27d: {  	s6 =	sadd.s32 s3, s9;
	s7 =	sand.u32 $0x1FFFFFF0, s11;
	s9 =	sand.u32 $0x1FFFFFF0, s19  }
0x27e: {  	[tilespmem:s10], [sflag:$0x2] =	stream.linear.gather [hbm4b:s6+s2], $0x80, $0x38;
	(v2sf) =	vpush v1, $0xC;
	[tilespmem:$0x18200] =	vst v63  }
0x27f: {  	s7 =	sadd.s32 s3, s7;
	s6 =	sadd.s32 $0x8380, s25;
	s10 =	spop (v2sf)  }
0x280: {  	[tilespmem:s6], [sflag:$0x2] =	stream.linear.gather [hbm4b:s7+s2], $0x80, $0x38;
	(v2sf) =	vpush v1, $0xD;
	[tilespmem:$0x18200] =	vst v63  }
0x281: {  	s6 =	sadd.s32 s3, s9;
	s7 =	sand.u32 $0x1FFFFFF0, s10;
	s9 =	spop (v2sf)  }
0x282: {  	[tilespmem:s18], [sflag:$0x2] =	stream.linear.gather [hbm4b:s6+s2], $0x80, $0x38;
	(v2sf) =	vpush v1, $0xE;
	[tilespmem:$0x18200] =	vst v63  }
0x283: {  	s6 =	sadd.s32 s3, s7;
	s7 =	sand.u32 $0x1FFFFFF0, s9;
	s9 =	spop (v2sf)  }
0x284: {  	[tilespmem:s17], [sflag:$0x2] =	stream.linear.gather [hbm4b:s6+s2], $0x80, $0x38;
	(v2sf) =	vpush v1, $0xF;
	[tilespmem:$0x18200] =	vst v63  }
0x285: {  	s6 =	sadd.s32 s3, s7;
	s7 =	sand.u32 $0x1FFFFFF0, s9;
	s9 =	spop (v2sf)  }
0x286: {  	[tilespmem:s8], [sflag:$0x2] =	stream.linear.gather [hbm4b:s6+s2], $0x80, $0x38;
	[tilespmem:$0x18200] =	vst v63  }
0x287: {  	s6 =	sadd.s32 s3, s7;
	s7 =	sand.u32 $0x1FFFFFF0, s9;
	s8 =	spop (v2sf)  }
0x288: {  	[tilespmem:s5], [sflag:$0x2] =	stream.linear.gather [hbm4b:s6+s2], $0x80, $0x38;
	[tilespmem:$0x18200] =	vst v63  }
0x289: {  	s5 =	sadd.s32 s3, s7;
	s6 =	sand.u32 $0x1FFFFFF0, s8;
	s7 =	spop (v2sf)  }
0x28a: {  	[tilespmem:s1], [sflag:$0x2] =	stream.linear.gather [hbm4b:s5+s2], $0x80, $0x38;
	[tilespmem:$0x18200] =	vst v63  }
0x28b: {  	s1 =	sadd.s32 s3, s6;
	s5 =	sand.u32 $0x1FFFFFF0, s7;
	s6 =	spop (v2sf)  }
0x28c: {  	[tilespmem:s0], [sflag:$0x2] =	stream.linear.gather [hbm4b:s1+s2], $0x80, $0x38;
	[tilespmem:$0x18200] =	vst v63  }
0x28d: {  	s0 =	sadd.s32 s3, s5;
	s1 =	sand.u32 $0x1FFFFFF0, s6;
	s5 =	spop (v2sf)  }
0x28e: {  	[tilespmem:s30], [sflag:$0x2] =	stream.linear.gather [hbm4b:s0+s2], $0x80, $0x38;
	[tilespmem:$0x18200] =	vst v63  }
0x28f: {  	s0 =	sadd.s32 s3, s1;
	s1 =	sand.u32 $0x1FFFFFF0, s5;
	s5 =	spop (v2sf)  }
0x290: {  	[tilespmem:s29], [sflag:$0x2] =	stream.linear.gather [hbm4b:s0+s2], $0x80, $0x38;
	[tilespmem:$0x18200] =	vst v63  }
0x291: {  	s0 =	sadd.s32 s3, s1;
	s1 =	sand.u32 $0x1FFFFFF0, s5;
	s5 =	spop (v2sf)  }
0x292: {  	[tilespmem:s28], [sflag:$0x2] =	stream.linear.gather [hbm4b:s0+s2], $0x80, $0x38;
	[tilespmem:$0x18200] =	vst v63  }
0x293: {  	s0 =	sadd.s32 s3, s1;
	s1 =	sand.u32 $0x1FFFFFF0, s5;
	s5 =	spop (v2sf)  }
0x294: {  	[tilespmem:s26], [sflag:$0x2] =	stream.linear.gather [hbm4b:s0+s2], $0x80, $0x38;
	[tilespmem:$0x18200] =	vst v63  }
0x295: {  	s1 =	sadd.s32 s3, s1;
	s0 =	sadd.s32 $0x8900, s25;
	s5 =	sand.u32 $0x1FFFFFF0, s5  }
0x296: {  	[tilespmem:s0], [sflag:$0x2] =	stream.linear.gather [hbm4b:s1+s2], $0x80, $0x38;
	[tilespmem:$0x18200] =	vst v63  }
0x297: {  	s5 =	sadd.s32 s3, s5;
	s0 =	sand.u32 $0xF0, s24;
	s1 =	sadd.s32 $0x8980, s25  }
0x298: {  	[tilespmem:s1], [sflag:$0x2] =	stream.linear.gather [hbm4b:s5+s2], $0x80, $0x38;
	[tilespmem:$0x18200] =	vst v63  }
0x299: {  	v1 =	vld [tilespmem:s0+$0x100];
	_ =	sdelay $0x4  }
0x29a: {  	v1 =	vshll.u32 v1, $0x4  }
0x29b: {  	(v2sf) =	vpush v1, $0x0  }
0x29c: {  	(v2sf) =	vpush v1, $0x2  }
0x29d: {  	(v2sf) =	vpush v1, $0x1;
	_ =	sdelay $0x1  }
.Ltmp7:
0x29e: {  	(v2sf) =	vpush v1, $0x3;
	(pc) =	sbr.rel @p0 .LBB2_16-.Ltmp7, $2  }
0x29f: {  	(v2sf) =	vpush v1, $0x4;
	_ =	sdelay $0x2  }
0x2a0: {  	s24 =	sadd.s32 $0x10, s24  }
0x2a1: {  	(v2sf) =	vpush v1, $0x5;
	_ =	sdelay $0x1  }
0x2a2: {  	s22 =	sshra.s32 s22, $0x2;
	(v2sf) =	vpush v1, $0x6  }
0x2a3: {  	s6 =	sadd.s32 $0x8280, s22;
	s7 =	sadd.s32 $0x8200, s22  }
0x2a4: {  	s5 =	sadd.s32 $0x8780, s22;
	s1 =	sadd.s32 $0x8800, s22;
	s0 =	sadd.s32 $0x8880, s22;
	(v2sf) =	vpush v1, $0x7  }
0x2a5: {  	s8 =	sadd.s32 $0x8600, s22;
	s9 =	sadd.s32 $0x8680, s22;
	s10 =	sadd.s32 $0x8700, s22  }
0x2a6: {  	s11 =	sadd.s32 $0x8500, s22;
	s17 =	sadd.s32 $0x8580, s22;
	s18 =	spop (v2sf);
	(v2sf) =	vpush v1, $0x8  }
0x2a7: {  	s19 =	sadd.s32 $0x8300, s22;
	s18 =	sand.u32 $0x1FFFFFF0, s18;
	s23 =	spop (v2sf)  }
0x2a8: {  	s24 =	sadd.s32 $0x8480, s22;
	s18 =	sadd.s32 s3, s18;
	s25 =	spop (v2sf);
	(v2sf) =	vpush v1, $0x9  }
0x2a9: {  	[tilespmem:s7], [sflag:$0x2] =	stream.linear.gather [hbm4b:s18+s2], $0x80, $0x38;
	[tilespmem:$0x18200] =	vst v63  }
0x2aa: {  	s30 =	sand.u32 $0x1FFFFFF0, s23;
	s29 =	sand.u32 $0x1FFFFFF0, s25;
	s31 =	spop (v2sf);
	(v2sf) =	vpush v1, $0xA  }
0x2ab: {  	s25 =	sadd.s32 $0x8400, s22;
	s7 =	sadd.s32 s3, s29;
	s26 =	spop (v2sf)  }
0x2ac: {  	[tilespmem:s6], [sflag:$0x2] =	stream.linear.gather [hbm4b:s7+s2], $0x80, $0x38;
	(v2sf) =	vpush v1, $0xB;
	[tilespmem:$0x18200] =	vst v63  }
0x2ad: {  	s18 =	sadd.s32 s3, s30;
	s30 =	sadd.s32 $0x8380, s22;
	s28 =	sand.u32 $0x1FFFFFF0, s31  }
0x2ae: {  	(v2sf) =	vpush v1, $0xC;
	[tilespmem:s19], [sflag:$0x2] =	stream.linear.gather [hbm4b:s18+s2], $0x80, $0x38;
	[tilespmem:$0x18200] =	vst v63  }
0x2af: {  	s29 =	sand.u32 $0x1FFFFFF0, s26;
	s7 =	sadd.s32 s3, s28;
	s31 =	spop (v2sf)  }
0x2b0: {  	[tilespmem:s30], [sflag:$0x2] =	stream.linear.gather [hbm4b:s7+s2], $0x80, $0x38;
	(v2sf) =	vpush v1, $0xD;
	[tilespmem:$0x18200] =	vst v63  }
0x2b1: {  	s18 =	sadd.s32 s3, s29;
	s19 =	sand.u32 $0x1FFFFFF0, s31;
	s23 =	spop (v2sf)  }
0x2b2: {  	(v2sf) =	vpush v1, $0xE;
	[tilespmem:s25], [sflag:$0x2] =	stream.linear.gather [hbm4b:s18+s2], $0x80, $0x38;
	[tilespmem:$0x18200] =	vst v63  }
0x2b3: {  	s25 =	sadd.s32 s3, s19;
	s26 =	sand.u32 $0x1FFFFFF0, s23;
	s28 =	spop (v2sf)  }
0x2b4: {  	(v2sf) =	vpush v1, $0xF;
	[tilespmem:s24], [sflag:$0x2] =	stream.linear.gather [hbm4b:s25+s2], $0x80, $0x38;
	[tilespmem:$0x18200] =	vst v63  }
0x2b5: {  	s29 =	sadd.s32 s3, s26;
	s30 =	sand.u32 $0x1FFFFFF0, s28;
	s31 =	spop (v2sf)  }
0x2b6: {  	[tilespmem:s11], [sflag:$0x2] =	stream.linear.gather [hbm4b:s29+s2], $0x80, $0x38;
	[tilespmem:$0x18200] =	vst v63  }
0x2b7: {  	s7 =	sadd.s32 s3, s30;
	s11 =	sand.u32 $0x1FFFFFF0, s31;
	s18 =	spop (v2sf)  }
0x2b8: {  	[tilespmem:s17], [sflag:$0x2] =	stream.linear.gather [hbm4b:s7+s2], $0x80, $0x38;
	[tilespmem:$0x18200] =	vst v63  }
0x2b9: {  	s19 =	sadd.s32 s3, s11;
	s23 =	sand.u32 $0x1FFFFFF0, s18;
	s24 =	spop (v2sf)  }
0x2ba: {  	[tilespmem:s8], [sflag:$0x2] =	stream.linear.gather [hbm4b:s19+s2], $0x80, $0x38;
	[tilespmem:$0x18200] =	vst v63  }
0x2bb: {  	s25 =	sadd.s32 s3, s23;
	s26 =	sand.u32 $0x1FFFFFF0, s24;
	s28 =	spop (v2sf)  }
0x2bc: {  	[tilespmem:s9], [sflag:$0x2] =	stream.linear.gather [hbm4b:s25+s2], $0x80, $0x38;
	[tilespmem:$0x18200] =	vst v63  }
0x2bd: {  	s29 =	sadd.s32 s3, s26;
	s30 =	sand.u32 $0x1FFFFFF0, s28;
	s31 =	spop (v2sf)  }
0x2be: {  	[tilespmem:s10], [sflag:$0x2] =	stream.linear.gather [hbm4b:s29+s2], $0x80, $0x38;
	[tilespmem:$0x18200] =	vst v63  }
0x2bf: {  	s9 =	sadd.s32 s3, s30;
	s10 =	sand.u32 $0x1FFFFFF0, s31;
	s11 =	spop (v2sf)  }
0x2c0: {  	[tilespmem:s5], [sflag:$0x2] =	stream.linear.gather [hbm4b:s9+s2], $0x80, $0x38;
	[tilespmem:$0x18200] =	vst v63  }
0x2c1: {  	s17 =	sadd.s32 s3, s10;
	s18 =	sand.u32 $0x1FFFFFF0, s11;
	s19 =	spop (v2sf)  }
0x2c2: {  	[tilespmem:s1], [sflag:$0x2] =	stream.linear.gather [hbm4b:s17+s2], $0x80, $0x38;
	[tilespmem:$0x18200] =	vst v63  }
0x2c3: {  	s23 =	sadd.s32 s3, s18;
	s24 =	sand.u32 $0x1FFFFFF0, s19;
	s25 =	spop (v2sf)  }
0x2c4: {  	[tilespmem:s0], [sflag:$0x2] =	stream.linear.gather [hbm4b:s23+s2], $0x80, $0x38;
	[tilespmem:$0x18200] =	vst v63  }
0x2c5: {  	s26 =	sadd.s32 $0x8900, s22;
	s28 =	sadd.s32 s3, s24;
	s29 =	sand.u32 $0x1FFFFFF0, s25  }
0x2c6: {  	[tilespmem:s26], [sflag:$0x2] =	stream.linear.gather [hbm4b:s28+s2], $0x80, $0x38;
	[tilespmem:$0x18200] =	vst v63  }
0x2c7: {  	s30 =	sadd.s32 $0x8980, s22;
	s31 =	sadd.s32 s3, s29  }
0x2c8: {  	[tilespmem:s30], [sflag:$0x2] =	stream.linear.gather [hbm4b:s31+s2], $0x80, $0x38;
	[tilespmem:$0x18200] =	vst v63  }
0x2c9: {  	_ =	swait.ge [sflag:s13], $0x8000  }
0x2ca: {  	[sflag:s13] =	ssyncset.done $0x0  }
0x2cb: {  	[sflag:s13] =	ssyncadd.s32 $0xFFFF8000  }
0x2cc: {  	_ =	swait.ge [sflag:s20], $0x8000  }
0x2cd: {  	s22 =	simm.s32 $0x0;
	[sflag:s20] =	ssyncset.done $0x0  }
0x2ce: {  	s24 =	simm.s32 $0x0;
	s23 =	simm.s32 $0x0;
	[sflag:s20] =	ssyncadd.s32 $0xFFFF8000  }
.LBB2_18:
0x2cf: {  	s0 =	simm.s32 $0x0  }
0x2d0: {  	s1 =	sshll.u32 s24, $0x4;
	v1 =	vmov s0  }
0x2d1: {  	v2 =	vmov s1;
	v1 =	vand.u32 $0x78, v1  }
0x2d2: {  	v2 =	vshll.u32 v2, $0x7;
	v3 =	vbroadcast v1, $0x0  }
0x2d3: {  	v1 =	vor.u32 v0, v2  }
0x2d4: {  	v2 =	vor.u32 v1, v3  }
0x2d5: {  	s10 =	simm.s32 $0x1  }
0x2d6: {  	v3 =	vmov s10  }
0x2d7: {  	v3 =	vand.u32 $0x79, v3  }
0x2d8: {  	v3 =	vbroadcast v3, $0x0  }
0x2d9: {  	s11 =	sshll.u32 s23, $0x2;
	s17 =	sand.u32 $0x7, s22;
	v2 =	vld.idx.msk [tilespmem:v2+s14+$0x0], $0xffff  }
0x2da: {  	s0 =	sand.u32 $0xFFFFF000, s11;
	s1 =	sshll.u32 s17, $0x6;
	v3 =	vor.u32 v1, v3  }
0x2db: {  	s18 =	simm.s32 $0x2;
	s0 =	sor.u32 s1, s0  }
0x2dc: {  	v4 =	vmov s18;
	s0 =	sshrl.u32 s0, $0x2  }
0x2dd: {  	v4 =	vand.u32 $0x7A, v4;
	s25 =	sadd.s32 $0x10400, s0  }
0x2de: {  	[tilespmem:s25+$0xFFFFFE00] =	vst v2;
	v2 =	vbroadcast v4, $0x0  }
0x2df: {  	v3 =	vld.idx.msk [tilespmem:v3+s14+$0x0], $0xffff  }
0x2e0: {  	v2 =	vor.u32 v1, v2  }
0x2e1: {  	s19 =	simm.s32 $0x3  }
0x2e2: {  	v4 =	vmov s19  }
0x2e3: {  	v4 =	vand.u32 $0x7B, v4  }
0x2e4: {  	[tilespmem:s25+$0xFFFFFE80] =	vst v3;
	v3 =	vbroadcast v4, $0x0  }
0x2e5: {  	v2 =	vld.idx.msk [tilespmem:v2+s14+$0x0], $0xffff  }
0x2e6: {  	v3 =	vor.u32 v1, v3  }
0x2e7: {  	s26 =	simm.s32 $0x4  }
0x2e8: {  	v4 =	vmov s26  }
0x2e9: {  	v4 =	vand.u32 $0x7C, v4  }
0x2ea: {  	[tilespmem:s25+$0xFFFFFF00] =	vst v2;
	v2 =	vbroadcast v4, $0x0  }
0x2eb: {  	v3 =	vld.idx.msk [tilespmem:v3+s14+$0x0], $0xffff  }
0x2ec: {  	v2 =	vor.u32 v1, v2  }
0x2ed: {  	s29 =	simm.s32 $0x5  }
0x2ee: {  	v4 =	vmov s29  }
0x2ef: {  	v4 =	vand.u32 $0x7D, v4  }
0x2f0: {  	[tilespmem:s25+$0xFFFFFF80] =	vst v3;
	v3 =	vbroadcast v4, $0x0  }
0x2f1: {  	v2 =	vld.idx.msk [tilespmem:v2+s14+$0x0], $0xffff  }
0x2f2: {  	v3 =	vor.u32 v1, v3  }
0x2f3: {  	s30 =	simm.s32 $0x6  }
0x2f4: {  	v4 =	vmov s30  }
0x2f5: {  	v4 =	vand.u32 $0x7E, v4  }
0x2f6: {  	[tilespmem:s25+$0x0] =	vst v2;
	v2 =	vbroadcast v4, $0x0  }
0x2f7: {  	v3 =	vld.idx.msk [tilespmem:v3+s14+$0x0], $0xffff  }
0x2f8: {  	v2 =	vor.u32 v1, v2  }
0x2f9: {  	s31 =	simm.s32 $0x7  }
0x2fa: {  	v4 =	vmov s31  }
0x2fb: {  	v4 =	vand.u32 $0x7F, v4  }
0x2fc: {  	v4 =	vbroadcast v4, $0x0;
	[tilespmem:s25+$0x80] =	vst v3  }
0x2fd: {  	v2 =	vld.idx.msk [tilespmem:v2+s14+$0x0], $0xffff  }
0x2fe: {  	v3 =	vor.u32 v1, v4;
	_ =	sdelay $0x1  }
0x2ff: {  	s28 =	simm.s32 $0x17;
	s0 =	simm.s32 $0x8;
	s26 =	simm.s32 $0xF  }
.LBB2_19:
0x300: {  	p0 =	sne.s32 s28, $0x3F;
	v4 =	vmov s0  }
0x301: {  	v4 =	vand.u32 $0x78, v4;
	[tilespmem:s25+$0x100] =	vst v2  }
0x302: {  	v2 =	vbroadcast v4, $0x0;
	v3 =	vld.idx.msk [tilespmem:v3+s14+$0x0], $0xffff;
	_ =	sdelay $0x1  }
0x303: {  	v2 =	vor.u32 v1, v2;
	_ =	sdelay $0x1  }
0x304: {  	s0 =	sadd.s32 $0xFFFFFFFA, s26  }
0x305: {  	v4 =	vmov s0  }
0x306: {  	v4 =	vand.u32 $0x79, v4;
	[tilespmem:s25+$0x180] =	vst v3  }
0x307: {  	v3 =	vbroadcast v4, $0x0;
	v2 =	vld.idx.msk [tilespmem:v2+s14+$0x0], $0xffff;
	_ =	sdelay $0x1  }
0x308: {  	v3 =	vor.u32 v1, v3;
	_ =	sdelay $0x1  }
0x309: {  	s0 =	sadd.s32 $0xFFFFFFFB, s26  }
0x30a: {  	v4 =	vmov s0;
	s25 =	sadd.s32 $0x1000, s25  }
0x30b: {  	[tilespmem:s25+$0xFFFFFE00] =	vst v2;
	v2 =	vand.u32 $0x7A, v4  }
0x30c: {  	v3 =	vld.idx.msk [tilespmem:v3+s14+$0x0], $0xffff;
	v2 =	vbroadcast v2, $0x0;
	_ =	sdelay $0x1  }
0x30d: {  	v2 =	vor.u32 v1, v2;
	_ =	sdelay $0x1  }
0x30e: {  	s0 =	sadd.s32 $0xFFFFFFFC, s26  }
0x30f: {  	v4 =	vmov s0  }
0x310: {  	[tilespmem:s25+$0xFFFFFE80] =	vst v3;
	v3 =	vand.u32 $0x7B, v4  }
0x311: {  	v2 =	vld.idx.msk [tilespmem:v2+s14+$0x0], $0xffff;
	v3 =	vbroadcast v3, $0x0;
	_ =	sdelay $0x1  }
0x312: {  	v3 =	vor.u32 v1, v3;
	_ =	sdelay $0x1  }
0x313: {  	s0 =	sadd.s32 $0xFFFFFFFD, s26  }
0x314: {  	v4 =	vmov s0  }
0x315: {  	[tilespmem:s25+$0xFFFFFF00] =	vst v2;
	v2 =	vand.u32 $0x7C, v4  }
0x316: {  	v3 =	vld.idx.msk [tilespmem:v3+s14+$0x0], $0xffff;
	v2 =	vbroadcast v2, $0x0;
	_ =	sdelay $0x1  }
0x317: {  	v2 =	vor.u32 v1, v2;
	_ =	sdelay $0x1  }
0x318: {  	s0 =	sadd.s32 $0xFFFFFFFE, s26  }
0x319: {  	v4 =	vmov s0  }
0x31a: {  	[tilespmem:s25+$0xFFFFFF80] =	vst v3;
	v3 =	vand.u32 $0x7D, v4  }
0x31b: {  	v2 =	vld.idx.msk [tilespmem:v2+s14+$0x0], $0xffff;
	v3 =	vbroadcast v3, $0x0;
	_ =	sdelay $0x1  }
0x31c: {  	v3 =	vor.u32 v1, v3;
	_ =	sdelay $0x1  }
0x31d: {  	s0 =	sadd.s32 $0xFFFFFFFF, s26  }
0x31e: {  	v4 =	vmov s0  }
0x31f: {  	[tilespmem:s25+$0x0] =	vst v2;
	v2 =	vand.u32 $0x7E, v4  }
0x320: {  	v3 =	vld.idx.msk [tilespmem:v3+s14+$0x0], $0xffff;
	v2 =	vbroadcast v2, $0x0;
	_ =	sdelay $0x1  }
0x321: {  	v2 =	vor.u32 v1, v2;
	_ =	sdelay $0x2  }
0x322: {  	v4 =	vmov s26;
	s26 =	smov.u32 s28  }
0x323: {  	[tilespmem:s25+$0x80] =	vst v3;
	v3 =	vand.u32 $0x7F, v4  }
.Ltmp8:
0x324: {  	v2 =	vld.idx.msk [tilespmem:v2+s14+$0x0], $0xffff;
	v3 =	vbroadcast v3, $0x0;
	(pc) =	sbr.rel @p0 .LBB2_19-.Ltmp8, $3  }
0x325: {  	_ = 	snop  }
0x326: {  	v3 =	vor.u32 v1, v3;
	_ =	sdelay $0x1  }
0x327: {  	s28 =	sadd.s32 $0x8, s28;
	s0 =	sadd.s32 $0xFFFFFFF9, s26  }
0x328: {  	_ = 	snop  }
0x329: {  	v4 =	vmov s0  }
0x32a: {  	v4 =	vand.u32 $0x78, v4  }
0x32b: {  	[tilespmem:s25+$0x100] =	vst v2;
	v2 =	vbroadcast v4, $0x0  }
0x32c: {  	v3 =	vld.idx.msk [tilespmem:v3+s14+$0x0], $0xffff  }
0x32d: {  	v2 =	vor.u32 v1, v2  }
0x32e: {  	s18 =	sadd.s32 $0xFFFFFFFA, s26  }
0x32f: {  	v57 =	vmov s18  }
0x330: {  	v4 =	vand.u32 $0x79, v57  }
0x331: {  	[tilespmem:s25+$0x180] =	vst v3;
	v3 =	vbroadcast v4, $0x0  }
0x332: {  	v2 =	vld.idx.msk [tilespmem:v2+s14+$0x0], $0xffff  }
0x333: {  	v3 =	vor.u32 v1, v3  }
0x334: {  	s19 =	sadd.s32 $0xFFFFFFFB, s26  }
0x335: {  	v58 =	vmov s19  }
0x336: {  	s28 =	sadd.s32 $0x1000, s25;
	v4 =	vand.u32 $0x7A, v58  }
0x337: {  	[tilespmem:s28+$0xFFFFFE00] =	vst v2;
	v2 =	vbroadcast v4, $0x0  }
0x338: {  	v3 =	vld.idx.msk [tilespmem:v3+s14+$0x0], $0xffff  }
0x339: {  	v2 =	vor.u32 v1, v2  }
0x33a: {  	s1 =	sadd.s32 $0xFFFFFFFC, s26  }
0x33b: {  	v59 =	vmov s1  }
0x33c: {  	v4 =	vand.u32 $0x7B, v59  }
0x33d: {  	[tilespmem:s28+$0xFFFFFE80] =	vst v3;
	v3 =	vbroadcast v4, $0x0  }
0x33e: {  	v2 =	vld.idx.msk [tilespmem:v2+s14+$0x0], $0xffff  }
0x33f: {  	v3 =	vor.u32 v1, v3  }
0x340: {  	s29 =	sadd.s32 $0xFFFFFFFD, s26  }
0x341: {  	v60 =	vmov s29  }
0x342: {  	v4 =	vand.u32 $0x7C, v60  }
0x343: {  	[tilespmem:s28+$0xFFFFFF00] =	vst v2;
	v2 =	vbroadcast v4, $0x0  }
0x344: {  	v3 =	vld.idx.msk [tilespmem:v3+s14+$0x0], $0xffff  }
0x345: {  	v2 =	vor.u32 v1, v2  }
0x346: {  	s30 =	sadd.s32 $0xFFFFFFFE, s26  }
0x347: {  	v61 =	vmov s30  }
0x348: {  	v4 =	vand.u32 $0x7D, v61  }
0x349: {  	[tilespmem:s28+$0xFFFFFF80] =	vst v3;
	v3 =	vbroadcast v4, $0x0  }
0x34a: {  	v2 =	vld.idx.msk [tilespmem:v2+s14+$0x0], $0xffff  }
0x34b: {  	v3 =	vor.u32 v1, v3  }
0x34c: {  	s31 =	sadd.s32 $0xFFFFFFFF, s26  }
0x34d: {  	v62 =	vmov s31  }
0x34e: {  	v4 =	vand.u32 $0x7E, v62  }
0x34f: {  	[tilespmem:s28+$0x0] =	vst v2;
	v2 =	vbroadcast v4, $0x0  }
0x350: {  	v3 =	vld.idx.msk [tilespmem:v3+s14+$0x0], $0xffff  }
0x351: {  	v2 =	vor.u32 v1, v2;
	_ =	sdelay $0x1  }
0x352: {  	v63 =	vmov s26  }
0x353: {  	v4 =	vand.u32 $0x7F, v63  }
0x354: {  	[tilespmem:s28+$0x80] =	vst v3;
	v3 =	vbroadcast v4, $0x0  }
0x355: {  	v2 =	vld.idx.msk [tilespmem:v2+s14+$0x0], $0xffff  }
0x356: {  	v1 =	vor.u32 v1, v3;
	_ =	sdelay $0x3  }
0x357: {  	s24 =	sadd.s32 $0x1, s24;
	[tilespmem:s28+$0x100] =	vst v2  }
0x358: {  	p0 =	sne.s32 s24, $0x10;
	v1 =	vld.idx.msk [tilespmem:v1+s14+$0x0], $0xffff  }
.Ltmp9:
0x359: {  	_ = 	snop;
	(pc) =	sbr.rel @p0 .LBB2_18-.Ltmp9, $2  }
0x35a: {  	_ =	sdelay $0x2  }
0x35b: {  	s23 =	sadd.s32 $0x80, s23;
	s22 =	sadd.s32 $0x1, s22;
	[tilespmem:s28+$0x180] =	vst v1  }
0x35c: {  	_ =	swait.ge [sflag:s15], $0x8000  }
0x35d: {  	s22 =	simm.s32 $0x0;
	[sflag:s15] =	ssyncset.done $0x0  }
0x35e: {  	s23 =	simm.s32 $0x0;
	s24 =	simm.s32 $0x0;
	[sflag:s15] =	ssyncadd.s32 $0xFFFF8000  }
.LBB2_22:
0x35f: {  	s0 =	simm.s32 $0x0  }
0x360: {  	s1 =	sshll.u32 s24, $0x4;
	v1 =	vmov s0  }
0x361: {  	v2 =	vmov s1;
	v1 =	vand.u32 $0x78, v1  }
0x362: {  	v2 =	vshll.u32 v2, $0x7;
	v3 =	vbroadcast v1, $0x0  }
0x363: {  	v1 =	vor.u32 v0, v2  }
0x364: {  	v2 =	vor.u32 v1, v3  }
0x365: {  	s10 =	simm.s32 $0x1  }
0x366: {  	v3 =	vmov s10  }
0x367: {  	v3 =	vand.u32 $0x79, v3  }
0x368: {  	v3 =	vbroadcast v3, $0x0  }
0x369: {  	s11 =	sshll.u32 s23, $0x2;
	s17 =	sand.u32 $0x7, s22;
	v2 =	vld.idx.msk [tilespmem:v2+s16+$0x0], $0xffff  }
0x36a: {  	s0 =	sand.u32 $0xFFFFF000, s11;
	s1 =	sshll.u32 s17, $0x6;
	v3 =	vor.u32 v1, v3  }
0x36b: {  	s18 =	simm.s32 $0x2;
	s0 =	sor.u32 s1, s0  }
0x36c: {  	v4 =	vmov s18;
	s0 =	sshrl.u32 s0, $0x2  }
0x36d: {  	v4 =	vand.u32 $0x7A, v4;
	s25 =	sadd.s32 $0x10D80, s0  }
0x36e: {  	[tilespmem:s25+$0xFFFFFC80] =	vst v2;
	v2 =	vbroadcast v4, $0x0  }
0x36f: {  	v3 =	vld.idx.msk [tilespmem:v3+s16+$0x0], $0xffff  }
0x370: {  	v2 =	vor.u32 v1, v2  }
0x371: {  	s19 =	simm.s32 $0x3  }
0x372: {  	v4 =	vmov s19  }
0x373: {  	v4 =	vand.u32 $0x7B, v4  }
0x374: {  	[tilespmem:s25+$0xFFFFFD00] =	vst v3;
	v3 =	vbroadcast v4, $0x0  }
0x375: {  	v2 =	vld.idx.msk [tilespmem:v2+s16+$0x0], $0xffff  }
0x376: {  	v3 =	vor.u32 v1, v3  }
0x377: {  	s26 =	simm.s32 $0x4  }
0x378: {  	v4 =	vmov s26  }
0x379: {  	v4 =	vand.u32 $0x7C, v4  }
0x37a: {  	[tilespmem:s25+$0xFFFFFD80] =	vst v2;
	v2 =	vbroadcast v4, $0x0  }
0x37b: {  	v3 =	vld.idx.msk [tilespmem:v3+s16+$0x0], $0xffff  }
0x37c: {  	v2 =	vor.u32 v1, v2  }
0x37d: {  	s29 =	simm.s32 $0x5  }
0x37e: {  	v4 =	vmov s29  }
0x37f: {  	v4 =	vand.u32 $0x7D, v4  }
0x380: {  	[tilespmem:s25+$0xFFFFFE00] =	vst v3;
	v3 =	vbroadcast v4, $0x0  }
0x381: {  	v2 =	vld.idx.msk [tilespmem:v2+s16+$0x0], $0xffff  }
0x382: {  	v3 =	vor.u32 v1, v3  }
0x383: {  	s30 =	simm.s32 $0x6  }
0x384: {  	v4 =	vmov s30  }
0x385: {  	v4 =	vand.u32 $0x7E, v4  }
0x386: {  	[tilespmem:s25+$0xFFFFFE80] =	vst v2;
	v2 =	vbroadcast v4, $0x0  }
0x387: {  	v3 =	vld.idx.msk [tilespmem:v3+s16+$0x0], $0xffff  }
0x388: {  	v2 =	vor.u32 v1, v2  }
0x389: {  	s31 =	simm.s32 $0x7  }
0x38a: {  	v4 =	vmov s31  }
0x38b: {  	v4 =	vand.u32 $0x7F, v4  }
0x38c: {  	v4 =	vbroadcast v4, $0x0;
	[tilespmem:s25+$0xFFFFFF00] =	vst v3  }
0x38d: {  	v2 =	vld.idx.msk [tilespmem:v2+s16+$0x0], $0xffff  }
0x38e: {  	v3 =	vor.u32 v1, v4;
	_ =	sdelay $0x1  }
0x38f: {  	s28 =	simm.s32 $0x17;
	s0 =	simm.s32 $0x8;
	s26 =	simm.s32 $0xF  }
.LBB2_23:
0x390: {  	p0 =	sne.s32 s28, $0x3F;
	v4 =	vmov s0  }
0x391: {  	v4 =	vand.u32 $0x78, v4;
	[tilespmem:s25+$0xFFFFFF80] =	vst v2  }
0x392: {  	v2 =	vbroadcast v4, $0x0;
	v3 =	vld.idx.msk [tilespmem:v3+s16+$0x0], $0xffff;
	_ =	sdelay $0x1  }
0x393: {  	v2 =	vor.u32 v1, v2;
	_ =	sdelay $0x1  }
0x394: {  	s0 =	sadd.s32 $0xFFFFFFFA, s26  }
0x395: {  	v4 =	vmov s0  }
0x396: {  	v4 =	vand.u32 $0x79, v4;
	[tilespmem:s25+$0x0] =	vst v3  }
0x397: {  	v3 =	vbroadcast v4, $0x0;
	v2 =	vld.idx.msk [tilespmem:v2+s16+$0x0], $0xffff;
	_ =	sdelay $0x1  }
0x398: {  	v3 =	vor.u32 v1, v3;
	_ =	sdelay $0x1  }
0x399: {  	s0 =	sadd.s32 $0xFFFFFFFB, s26  }
0x39a: {  	v4 =	vmov s0;
	s25 =	sadd.s32 $0x1000, s25  }
0x39b: {  	[tilespmem:s25+$0xFFFFFC80] =	vst v2;
	v2 =	vand.u32 $0x7A, v4  }
0x39c: {  	v3 =	vld.idx.msk [tilespmem:v3+s16+$0x0], $0xffff;
	v2 =	vbroadcast v2, $0x0;
	_ =	sdelay $0x1  }
0x39d: {  	v2 =	vor.u32 v1, v2;
	_ =	sdelay $0x1  }
0x39e: {  	s0 =	sadd.s32 $0xFFFFFFFC, s26  }
0x39f: {  	v4 =	vmov s0  }
0x3a0: {  	[tilespmem:s25+$0xFFFFFD00] =	vst v3;
	v3 =	vand.u32 $0x7B, v4  }
0x3a1: {  	v2 =	vld.idx.msk [tilespmem:v2+s16+$0x0], $0xffff;
	v3 =	vbroadcast v3, $0x0;
	_ =	sdelay $0x1  }
0x3a2: {  	v3 =	vor.u32 v1, v3;
	_ =	sdelay $0x1  }
0x3a3: {  	s0 =	sadd.s32 $0xFFFFFFFD, s26  }
0x3a4: {  	v4 =	vmov s0  }
0x3a5: {  	[tilespmem:s25+$0xFFFFFD80] =	vst v2;
	v2 =	vand.u32 $0x7C, v4  }
0x3a6: {  	v3 =	vld.idx.msk [tilespmem:v3+s16+$0x0], $0xffff;
	v2 =	vbroadcast v2, $0x0;
	_ =	sdelay $0x1  }
0x3a7: {  	v2 =	vor.u32 v1, v2;
	_ =	sdelay $0x1  }
0x3a8: {  	s0 =	sadd.s32 $0xFFFFFFFE, s26  }
0x3a9: {  	v4 =	vmov s0  }
0x3aa: {  	[tilespmem:s25+$0xFFFFFE00] =	vst v3;
	v3 =	vand.u32 $0x7D, v4  }
0x3ab: {  	v2 =	vld.idx.msk [tilespmem:v2+s16+$0x0], $0xffff;
	v3 =	vbroadcast v3, $0x0;
	_ =	sdelay $0x1  }
0x3ac: {  	v3 =	vor.u32 v1, v3;
	_ =	sdelay $0x1  }
0x3ad: {  	s0 =	sadd.s32 $0xFFFFFFFF, s26  }
0x3ae: {  	v4 =	vmov s0  }
0x3af: {  	[tilespmem:s25+$0xFFFFFE80] =	vst v2;
	v2 =	vand.u32 $0x7E, v4  }
0x3b0: {  	v3 =	vld.idx.msk [tilespmem:v3+s16+$0x0], $0xffff;
	v2 =	vbroadcast v2, $0x0;
	_ =	sdelay $0x1  }
0x3b1: {  	v2 =	vor.u32 v1, v2;
	_ =	sdelay $0x2  }
0x3b2: {  	v4 =	vmov s26;
	s26 =	smov.u32 s28  }
0x3b3: {  	[tilespmem:s25+$0xFFFFFF00] =	vst v3;
	v3 =	vand.u32 $0x7F, v4  }
.Ltmp10:
0x3b4: {  	v2 =	vld.idx.msk [tilespmem:v2+s16+$0x0], $0xffff;
	v3 =	vbroadcast v3, $0x0;
	(pc) =	sbr.rel @p0 .LBB2_23-.Ltmp10, $3  }
0x3b5: {  	_ = 	snop  }
0x3b6: {  	v3 =	vor.u32 v1, v3;
	_ =	sdelay $0x1  }
0x3b7: {  	s28 =	sadd.s32 $0x8, s28;
	s0 =	sadd.s32 $0xFFFFFFF9, s26  }
0x3b8: {  	_ = 	snop  }
0x3b9: {  	v4 =	vmov s0  }
0x3ba: {  	v4 =	vand.u32 $0x78, v4  }
0x3bb: {  	[tilespmem:s25+$0xFFFFFF80] =	vst v2;
	v2 =	vbroadcast v4, $0x0  }
0x3bc: {  	v3 =	vld.idx.msk [tilespmem:v3+s16+$0x0], $0xffff  }
0x3bd: {  	v2 =	vor.u32 v1, v2  }
0x3be: {  	s18 =	sadd.s32 $0xFFFFFFFA, s26  }
0x3bf: {  	v57 =	vmov s18  }
0x3c0: {  	v4 =	vand.u32 $0x79, v57  }
0x3c1: {  	[tilespmem:s25+$0x0] =	vst v3;
	v3 =	vbroadcast v4, $0x0  }
0x3c2: {  	v2 =	vld.idx.msk [tilespmem:v2+s16+$0x0], $0xffff  }
0x3c3: {  	v3 =	vor.u32 v1, v3  }
0x3c4: {  	s19 =	sadd.s32 $0xFFFFFFFB, s26  }
0x3c5: {  	v58 =	vmov s19  }
0x3c6: {  	s28 =	sadd.s32 $0x1000, s25;
	v4 =	vand.u32 $0x7A, v58  }
0x3c7: {  	[tilespmem:s28+$0xFFFFFC80] =	vst v2;
	v2 =	vbroadcast v4, $0x0  }
0x3c8: {  	v3 =	vld.idx.msk [tilespmem:v3+s16+$0x0], $0xffff  }
0x3c9: {  	v2 =	vor.u32 v1, v2  }
0x3ca: {  	s1 =	sadd.s32 $0xFFFFFFFC, s26  }
0x3cb: {  	v59 =	vmov s1  }
0x3cc: {  	v4 =	vand.u32 $0x7B, v59  }
0x3cd: {  	[tilespmem:s28+$0xFFFFFD00] =	vst v3;
	v3 =	vbroadcast v4, $0x0  }
0x3ce: {  	v2 =	vld.idx.msk [tilespmem:v2+s16+$0x0], $0xffff  }
0x3cf: {  	v3 =	vor.u32 v1, v3  }
0x3d0: {  	s29 =	sadd.s32 $0xFFFFFFFD, s26  }
0x3d1: {  	v60 =	vmov s29  }
0x3d2: {  	v4 =	vand.u32 $0x7C, v60  }
0x3d3: {  	[tilespmem:s28+$0xFFFFFD80] =	vst v2;
	v2 =	vbroadcast v4, $0x0  }
0x3d4: {  	v3 =	vld.idx.msk [tilespmem:v3+s16+$0x0], $0xffff  }
0x3d5: {  	v2 =	vor.u32 v1, v2  }
0x3d6: {  	s30 =	sadd.s32 $0xFFFFFFFE, s26  }
0x3d7: {  	v61 =	vmov s30  }
0x3d8: {  	v4 =	vand.u32 $0x7D, v61  }
0x3d9: {  	[tilespmem:s28+$0xFFFFFE00] =	vst v3;
	v3 =	vbroadcast v4, $0x0  }
0x3da: {  	v2 =	vld.idx.msk [tilespmem:v2+s16+$0x0], $0xffff  }
0x3db: {  	v3 =	vor.u32 v1, v3  }
0x3dc: {  	s31 =	sadd.s32 $0xFFFFFFFF, s26  }
0x3dd: {  	v62 =	vmov s31  }
0x3de: {  	v4 =	vand.u32 $0x7E, v62  }
0x3df: {  	[tilespmem:s28+$0xFFFFFE80] =	vst v2;
	v2 =	vbroadcast v4, $0x0  }
0x3e0: {  	v3 =	vld.idx.msk [tilespmem:v3+s16+$0x0], $0xffff  }
0x3e1: {  	v2 =	vor.u32 v1, v2;
	_ =	sdelay $0x1  }
0x3e2: {  	v63 =	vmov s26  }
0x3e3: {  	v4 =	vand.u32 $0x7F, v63  }
0x3e4: {  	[tilespmem:s28+$0xFFFFFF00] =	vst v3;
	v3 =	vbroadcast v4, $0x0  }
0x3e5: {  	v2 =	vld.idx.msk [tilespmem:v2+s16+$0x0], $0xffff  }
0x3e6: {  	v1 =	vor.u32 v1, v3;
	_ =	sdelay $0x3  }
0x3e7: {  	s24 =	sadd.s32 $0x1, s24;
	[tilespmem:s28+$0xFFFFFF80] =	vst v2  }
0x3e8: {  	p0 =	sne.s32 s24, $0x10;
	v1 =	vld.idx.msk [tilespmem:v1+s16+$0x0], $0xffff  }
.Ltmp11:
0x3e9: {  	_ = 	snop;
	(pc) =	sbr.rel @p0 .LBB2_22-.Ltmp11, $2  }
0x3ea: {  	_ =	sdelay $0x2  }
0x3eb: {  	s23 =	sadd.s32 $0x80, s23;
	s22 =	sadd.s32 $0x1, s22;
	[tilespmem:s28+$0x0] =	vst v1  }
0x3ec: {  	s0 =	rddreg [dreg:$0xb]  }
0x3ed: {  	s1 =	simm.s32 $0x1000;
	s5 =	simm.s32 $0x20000;
	s6 =	simm.s32 $0x10200  }
0x3ee: {  	[hbm4b:s0+s1] =	stream.strided.scatter [tilespmem:s6], [sflag:$0x3], $0x8000, s5, s1, $0x38;
	[tilespmem:$0x18200] =	vst v63  }
0x3ef: {  	s22 =	simm.s32 $0x0;
	s31 =	rddreg [dreg:$0xc]  }
0x3f0: {  	[tilespmem:s22], [sflag:$0x4] =	stream.linear.gather [hbm4b:s31+s22], $0x200, $0x38;
	[tilespmem:$0x18200] =	vst v63  }
0x3f1: {  	_ =	swait.ge [sflag:s12], $0x200  }
0x3f2: {  	[sflag:s12] =	ssyncset.done $0x0  }
0x3f3: {  	[sflag:s12] =	ssyncadd.s32 $0xFFFFFE00  }
0x3f4: {  	v1 =	vld [tilespmem:s22+$0x0];
	_ =	sdelay $0x4  }
0x3f5: {  	v1 =	vshll.u32 v1, $0x4  }
0x3f6: {  	(v2sf) =	vpush v1, $0x0  }
0x3f7: {  	(v2sf) =	vpush v1, $0x1  }
0x3f8: {  	(v2sf) =	vpush v1, $0x2;
	_ =	sdelay $0x1  }
0x3f9: {  	(v2sf) =	vpush v1, $0x4;
	_ =	sdelay $0x1  }
0x3fa: {  	(v2sf) =	vpush v1, $0x3  }
0x3fb: {  	(v2sf) =	vpush v1, $0x5  }
0x3fc: {  	s24 =	simm.s32 $0x2000;
	s23 =	simm.s32 $0x0;
	s25 =	simm.s32 $0x0;
	(v2sf) =	vpush v1, $0x6  }
.LBB2_26:
0x3fd: {  	p0 =	sne.s32 s24, $0x1E000  }
0x3fe: {  	s7 =	sadd.s32 $0x280, s23;
	s30 =	sadd.s32 $0x780, s23;
	s26 =	smov.u32 s24  }
0x3ff: {  	s24 =	sadd.s32 $0x2000, s24;
	s31 =	sadd.s32 $0x580, s23;
	s28 =	sadd.s32 $0x800, s23;
	(v2sf) =	vpush v1, $0x7  }
0x400: {  	s6 =	sadd.s32 $0x480, s23;
	s1 =	sadd.s32 $0x600, s23;
	s29 =	sadd.s32 $0x880, s23  }
0x401: {  	s8 =	sadd.s32 $0x200, s23;
	s9 =	sadd.s32 $0x400, s23;
	(v2sf) =	vpush v1, $0x8  }
0x402: {  	s10 =	sadd.s32 $0x500, s23;
	s25 =	sadd.s32 $0x10, s25  }
0x403: {  	s11 =	sadd.s32 $0x300, s23;
	s0 =	sadd.s32 $0x700, s23;
	s5 =	spop (v2sf);
	(v2sf) =	vpush v1, $0x9  }
0x404: {  	s17 =	sand.u32 $0x1FFFFFF0, s5;
	s5 =	sadd.s32 $0x680, s23;
	s18 =	spop (v2sf)  }
0x405: {  	s17 =	sadd.s32 s3, s17;
	s18 =	sand.u32 $0x1FFFFFF0, s18;
	s19 =	spop (v2sf);
	(v2sf) =	vpush v1, $0xA  }
0x406: {  	[tilespmem:s8], [sflag:$0x1] =	stream.linear.gather [hbm4b:s17+s22], $0x80, $0x38;
	[tilespmem:$0x18200] =	vst v63  }
0x407: {  	s8 =	sadd.s32 s3, s18;
	s17 =	sadd.s32 $0x380, s23;
	s18 =	spop (v2sf);
	(v2sf) =	vpush v1, $0xB  }
0x408: {  	[tilespmem:s7], [sflag:$0x1] =	stream.linear.gather [hbm4b:s8+s22], $0x80, $0x38;
	[tilespmem:$0x18200] =	vst v63  }
0x409: {  	s7 =	sand.u32 $0x1FFFFFF0, s19;
	s8 =	sand.u32 $0x1FFFFFF0, s18;
	s18 =	spop (v2sf);
	(v2sf) =	vpush v1, $0xC  }
0x40a: {  	s7 =	sadd.s32 s3, s7;
	s18 =	sand.u32 $0x1FFFFFF0, s18;
	s19 =	spop (v2sf)  }
0x40b: {  	[tilespmem:s11], [sflag:$0x1] =	stream.linear.gather [hbm4b:s7+s22], $0x80, $0x38;
	(v2sf) =	vpush v1, $0xD;
	[tilespmem:$0x18200] =	vst v63  }
0x40c: {  	s7 =	sadd.s32 s3, s18;
	s11 =	sand.u32 $0x1FFFFFF0, s19;
	s18 =	spop (v2sf)  }
0x40d: {  	[tilespmem:s17], [sflag:$0x1] =	stream.linear.gather [hbm4b:s7+s22], $0x80, $0x38;
	(v2sf) =	vpush v1, $0xE;
	[tilespmem:$0x18200] =	vst v63  }
0x40e: {  	s7 =	sadd.s32 s3, s8;
	s8 =	sand.u32 $0x1FFFFFF0, s18;
	s17 =	spop (v2sf)  }
0x40f: {  	[tilespmem:s9], [sflag:$0x1] =	stream.linear.gather [hbm4b:s7+s22], $0x80, $0x38;
	(v2sf) =	vpush v1, $0xF;
	[tilespmem:$0x18200] =	vst v63  }
0x410: {  	s7 =	sadd.s32 s3, s11;
	s9 =	sand.u32 $0x1FFFFFF0, s17;
	s11 =	spop (v2sf)  }
0x411: {  	[tilespmem:s6], [sflag:$0x1] =	stream.linear.gather [hbm4b:s7+s22], $0x80, $0x38;
	[tilespmem:$0x18200] =	vst v63  }
0x412: {  	s6 =	sadd.s32 s3, s8;
	s7 =	sand.u32 $0x1FFFFFF0, s11;
	s8 =	spop (v2sf)  }
0x413: {  	[tilespmem:s10], [sflag:$0x1] =	stream.linear.gather [hbm4b:s6+s22], $0x80, $0x38;
	[tilespmem:$0x18200] =	vst v63  }
0x414: {  	s6 =	sadd.s32 s3, s9;
	s8 =	sand.u32 $0x1FFFFFF0, s8;
	s9 =	spop (v2sf)  }
0x415: {  	[tilespmem:s31], [sflag:$0x1] =	stream.linear.gather [hbm4b:s6+s22], $0x80, $0x38;
	[tilespmem:$0x18200] =	vst v63  }
0x416: {  	s6 =	sadd.s32 s3, s7;
	s7 =	sand.u32 $0x1FFFFFF0, s9;
	s9 =	spop (v2sf)  }
0x417: {  	[tilespmem:s1], [sflag:$0x1] =	stream.linear.gather [hbm4b:s6+s22], $0x80, $0x38;
	[tilespmem:$0x18200] =	vst v63  }
0x418: {  	s1 =	sadd.s32 s3, s8;
	s6 =	sand.u32 $0x1FFFFFF0, s9;
	s8 =	spop (v2sf)  }
0x419: {  	[tilespmem:s5], [sflag:$0x1] =	stream.linear.gather [hbm4b:s1+s22], $0x80, $0x38;
	[tilespmem:$0x18200] =	vst v63  }
0x41a: {  	s1 =	sadd.s32 s3, s7;
	s5 =	sand.u32 $0x1FFFFFF0, s8;
	s7 =	spop (v2sf)  }
0x41b: {  	[tilespmem:s0], [sflag:$0x1] =	stream.linear.gather [hbm4b:s1+s22], $0x80, $0x38;
	[tilespmem:$0x18200] =	vst v63  }
0x41c: {  	s0 =	sadd.s32 s3, s6;
	s1 =	sand.u32 $0x1FFFFFF0, s7;
	s6 =	spop (v2sf)  }
0x41d: {  	[tilespmem:s30], [sflag:$0x1] =	stream.linear.gather [hbm4b:s0+s22], $0x80, $0x38;
	[tilespmem:$0x18200] =	vst v63  }
0x41e: {  	s0 =	sadd.s32 s3, s5;
	s5 =	sand.u32 $0x1FFFFFF0, s6;
	s6 =	spop (v2sf)  }
0x41f: {  	[tilespmem:s28], [sflag:$0x1] =	stream.linear.gather [hbm4b:s0+s22], $0x80, $0x38;
	[tilespmem:$0x18200] =	vst v63  }
0x420: {  	s0 =	sadd.s32 s3, s1;
	s1 =	sand.u32 $0x1FFFFFF0, s6  }
0x421: {  	[tilespmem:s29], [sflag:$0x1] =	stream.linear.gather [hbm4b:s0+s22], $0x80, $0x38;
	[tilespmem:$0x18200] =	vst v63  }
0x422: {  	s5 =	sadd.s32 s3, s5;
	s0 =	sadd.s32 $0x900, s23  }
0x423: {  	[tilespmem:s0], [sflag:$0x1] =	stream.linear.gather [hbm4b:s5+s22], $0x80, $0x38;
	[tilespmem:$0x18200] =	vst v63  }
0x424: {  	s1 =	sadd.s32 s3, s1;
	s0 =	sadd.s32 $0x980, s23  }
0x425: {  	[tilespmem:s0], [sflag:$0x1] =	stream.linear.gather [hbm4b:s1+s22], $0x80, $0x38;
	[tilespmem:$0x18200] =	vst v63  }
0x426: {  	v1 =	vld [tilespmem:s25+$0x0];
	_ =	sdelay $0x4  }
0x427: {  	v1 =	vshll.u32 v1, $0x4  }
0x428: {  	(v2sf) =	vpush v1, $0x0  }
0x429: {  	(v2sf) =	vpush v1, $0x1  }
0x42a: {  	(v2sf) =	vpush v1, $0x2;
	_ =	sdelay $0x1  }
0x42b: {  	(v2sf) =	vpush v1, $0x4  }
.Ltmp12:
0x42c: {  	(pc) =	sbr.rel @p0 .LBB2_26-.Ltmp12, $3  }
0x42d: {  	(v2sf) =	vpush v1, $0x3  }
0x42e: {  	(v2sf) =	vpush v1, $0x5;
	_ =	sdelay $0x1  }
0x42f: {  	s23 =	sshra.s32 s26, $0x2;
	(v2sf) =	vpush v1, $0x6  }
0x430: {  	_ =	sdelay $0x1  }
0x431: {  	s5 =	sadd.s32 $0x280, s23;
	s24 =	sadd.s32 $0x780, s23  }
0x432: {  	s6 =	sadd.s32 $0x580, s23;
	s0 =	sadd.s32 $0x800, s23;
	(v2sf) =	vpush v1, $0x7;
	s7 =	sadd.s32 $0x480, s23  }
0x433: {  	s8 =	sadd.s32 $0x600, s23;
	s1 =	sadd.s32 $0x880, s23;
	s9 =	sadd.s32 $0x200, s23  }
0x434: {  	s10 =	sadd.s32 $0x400, s23;
	s11 =	sadd.s32 $0x500, s23;
	(v2sf) =	vpush v1, $0x8;
	s17 =	spop (v2sf)  }
0x435: {  	s18 =	sadd.s32 $0x300, s23;
	s17 =	sand.u32 $0x1FFFFFF0, s17;
	s19 =	spop (v2sf)  }
0x436: {  	(v2sf) =	vpush v1, $0x9;
	s17 =	sadd.s32 s3, s17;
	s19 =	sand.u32 $0x1FFFFFF0, s19;
	s25 =	spop (v2sf)  }
0x437: {  	[tilespmem:s9], [sflag:$0x1] =	stream.linear.gather [hbm4b:s17+s22], $0x80, $0x38;
	[tilespmem:$0x18200] =	vst v63  }
0x438: {  	(v2sf) =	vpush v1, $0xA;
	s26 =	sadd.s32 s3, s19;
	s29 =	sand.u32 $0x1FFFFFF0, s25;
	s28 =	spop (v2sf)  }
0x439: {  	[tilespmem:s5], [sflag:$0x1] =	stream.linear.gather [hbm4b:s26+s22], $0x80, $0x38;
	[tilespmem:$0x18200] =	vst v63  }
0x43a: {  	s9 =	sadd.s32 $0x700, s23;
	(v2sf) =	vpush v1, $0xB;
	s17 =	sadd.s32 s3, s29;
	s30 =	spop (v2sf)  }
0x43b: {  	s5 =	sadd.s32 $0x680, s23;
	s26 =	sadd.s32 $0x380, s23;
	s25 =	sand.u32 $0x1FFFFFF0, s30  }
0x43c: {  	(v2sf) =	vpush v1, $0xC;
	[tilespmem:s18], [sflag:$0x1] =	stream.linear.gather [hbm4b:s17+s22], $0x80, $0x38;
	[tilespmem:$0x18200] =	vst v63  }
0x43d: {  	s31 =	sand.u32 $0x1FFFFFF0, s28;
	s28 =	spop (v2sf);
	s29 =	sadd.s32 s3, s25  }
0x43e: {  	(v2sf) =	vpush v1, $0xD;
	[tilespmem:s26], [sflag:$0x1] =	stream.linear.gather [hbm4b:s29+s22], $0x80, $0x38;
	[tilespmem:$0x18200] =	vst v63  }
0x43f: {  	s17 =	sadd.s32 s3, s31;
	s18 =	sand.u32 $0x1FFFFFF0, s28;
	s30 =	spop (v2sf)  }
0x440: {  	(v2sf) =	vpush v1, $0xE;
	[tilespmem:s10], [sflag:$0x1] =	stream.linear.gather [hbm4b:s17+s22], $0x80, $0x38;
	[tilespmem:$0x18200] =	vst v63  }
0x441: {  	s18 =	sadd.s32 s3, s18;
	s31 =	sand.u32 $0x1FFFFFF0, s30;
	s19 =	spop (v2sf)  }
0x442: {  	(v2sf) =	vpush v1, $0xF;
	[tilespmem:s7], [sflag:$0x1] =	stream.linear.gather [hbm4b:s18+s22], $0x80, $0x38;
	[tilespmem:$0x18200] =	vst v63  }
0x443: {  	s25 =	sand.u32 $0x1FFFFFF0, s19;
	s26 =	spop (v2sf);
	s10 =	sadd.s32 s3, s31  }
0x444: {  	[tilespmem:s11], [sflag:$0x1] =	stream.linear.gather [hbm4b:s10+s22], $0x80, $0x38;
	[tilespmem:$0x18200] =	vst v63  }
0x445: {  	s28 =	sand.u32 $0x1FFFFFF0, s26;
	s7 =	sadd.s32 s3, s25;
	s29 =	spop (v2sf)  }
0x446: {  	[tilespmem:s6], [sflag:$0x1] =	stream.linear.gather [hbm4b:s7+s22], $0x80, $0x38;
	[tilespmem:$0x18200] =	vst v63  }
0x447: {  	s10 =	sadd.s32 s3, s28;
	s30 =	sand.u32 $0x1FFFFFF0, s29;
	s31 =	spop (v2sf)  }
0x448: {  	[tilespmem:s8], [sflag:$0x1] =	stream.linear.gather [hbm4b:s10+s22], $0x80, $0x38;
	[tilespmem:$0x18200] =	vst v63  }
0x449: {  	s7 =	sand.u32 $0x1FFFFFF0, s31;
	s6 =	sadd.s32 s3, s30;
	s10 =	spop (v2sf)  }
0x44a: {  	[tilespmem:s5], [sflag:$0x1] =	stream.linear.gather [hbm4b:s6+s22], $0x80, $0x38;
	[tilespmem:$0x18200] =	vst v63  }
0x44b: {  	s7 =	sadd.s32 s3, s7;
	s11 =	sand.u32 $0x1FFFFFF0, s10;
	s17 =	spop (v2sf)  }
0x44c: {  	[tilespmem:s9], [sflag:$0x1] =	stream.linear.gather [hbm4b:s7+s22], $0x80, $0x38;
	[tilespmem:$0x18200] =	vst v63  }
0x44d: {  	s5 =	sadd.s32 s3, s11;
	s6 =	sand.u32 $0x1FFFFFF0, s17;
	s18 =	spop (v2sf)  }
0x44e: {  	[tilespmem:s24], [sflag:$0x1] =	stream.linear.gather [hbm4b:s5+s22], $0x80, $0x38;
	[tilespmem:$0x18200] =	vst v63  }
0x44f: {  	s19 =	sand.u32 $0x1FFFFFF0, s18;
	s6 =	sadd.s32 s3, s6;
	s24 =	spop (v2sf)  }
0x450: {  	[tilespmem:s0], [sflag:$0x1] =	stream.linear.gather [hbm4b:s6+s22], $0x80, $0x38;
	[tilespmem:$0x18200] =	vst v63  }
0x451: {  	s5 =	sadd.s32 s3, s19;
	s25 =	sand.u32 $0x1FFFFFF0, s24;
	s26 =	spop (v2sf)  }
0x452: {  	[tilespmem:s1], [sflag:$0x1] =	stream.linear.gather [hbm4b:s5+s22], $0x80, $0x38;
	[tilespmem:$0x18200] =	vst v63  }
0x453: {  	s29 =	sadd.s32 $0x900, s23;
	s28 =	sand.u32 $0x1FFFFFF0, s26;
	s0 =	sadd.s32 s3, s25  }
0x454: {  	[tilespmem:s29], [sflag:$0x1] =	stream.linear.gather [hbm4b:s0+s22], $0x80, $0x38;
	[tilespmem:$0x18200] =	vst v63  }
0x455: {  	s30 =	sadd.s32 $0x980, s23;
	s31 =	sand.u32 $0xF0, s22;
	s1 =	sadd.s32 s3, s28  }
0x456: {  	[tilespmem:s30], [sflag:$0x1] =	stream.linear.gather [hbm4b:s1+s22], $0x80, $0x38;
	[tilespmem:$0x18200] =	vst v63  }
0x457: {  	v1 =	vld [tilespmem:s31+$0x100];
	_ =	sdelay $0x4  }
0x458: {  	v1 =	vshll.u32 v1, $0x4  }
0x459: {  	(v2sf) =	vpush v1, $0x0  }
0x45a: {  	(v2sf) =	vpush v1, $0x2  }
0x45b: {  	(v2sf) =	vpush v1, $0x1;
	_ =	sdelay $0x1  }
0x45c: {  	(v2sf) =	vpush v1, $0x3  }
0x45d: {  	(v2sf) =	vpush v1, $0x4;
	_ =	sdelay $0x2  }
0x45e: {  	s23 =	simm.s32 $0x2000;
	s24 =	simm.s32 $0x10  }
.LBB2_28:
0x45f: {  	p0 =	sne.s32 s23, $0x1E000;
	(v2sf) =	vpush v1, $0x5;
	s0 =	smov.u32 s23;
	s23 =	sadd.s32 $0x2000, s23  }
0x460: {  	s25 =	sshra.s32 s22, $0x2;
	s22 =	smov.u32 s0  }
0x461: {  	s6 =	sadd.s32 $0x8280, s25;
	(v2sf) =	vpush v1, $0x6  }
0x462: {  	s7 =	sadd.s32 $0x8200, s25  }
0x463: {  	s29 =	sadd.s32 $0x8780, s25;
	s28 =	sadd.s32 $0x8800, s25;
	s26 =	sadd.s32 $0x8880, s25;
	(v2sf) =	vpush v1, $0x7  }
0x464: {  	s1 =	sadd.s32 $0x8600, s25;
	s0 =	sadd.s32 $0x8680, s25;
	s30 =	sadd.s32 $0x8700, s25  }
0x465: {  	s8 =	sadd.s32 $0x8500, s25;
	s5 =	sadd.s32 $0x8580, s25;
	s9 =	spop (v2sf);
	(v2sf) =	vpush v1, $0x8  }
0x466: {  	s10 =	sadd.s32 $0x8300, s25;
	s9 =	sand.u32 $0x1FFFFFF0, s9;
	s11 =	spop (v2sf)  }
0x467: {  	s17 =	sadd.s32 $0x8480, s25;
	s9 =	sadd.s32 s3, s9;
	s18 =	spop (v2sf);
	(v2sf) =	vpush v1, $0x9  }
0x468: {  	[tilespmem:s7], [sflag:$0x2] =	stream.linear.gather [hbm4b:s9+s2], $0x80, $0x38;
	[tilespmem:$0x18200] =	vst v63  }
0x469: {  	s7 =	sand.u32 $0x1FFFFFF0, s18;
	s9 =	sand.u32 $0x1FFFFFF0, s11;
	s11 =	spop (v2sf);
	(v2sf) =	vpush v1, $0xA  }
0x46a: {  	s18 =	sadd.s32 $0x8400, s25;
	s7 =	sadd.s32 s3, s7;
	s19 =	spop (v2sf)  }
0x46b: {  	[tilespmem:s6], [sflag:$0x2] =	stream.linear.gather [hbm4b:s7+s2], $0x80, $0x38;
	(v2sf) =	vpush v1, $0xB;
	[tilespmem:$0x18200] =	vst v63  }
0x46c: {  	s6 =	sadd.s32 s3, s9;
	s7 =	sand.u32 $0x1FFFFFF0, s11;
	s9 =	sand.u32 $0x1FFFFFF0, s19  }
0x46d: {  	[tilespmem:s10], [sflag:$0x2] =	stream.linear.gather [hbm4b:s6+s2], $0x80, $0x38;
	(v2sf) =	vpush v1, $0xC;
	[tilespmem:$0x18200] =	vst v63  }
0x46e: {  	s7 =	sadd.s32 s3, s7;
	s6 =	sadd.s32 $0x8380, s25;
	s10 =	spop (v2sf)  }
0x46f: {  	[tilespmem:s6], [sflag:$0x2] =	stream.linear.gather [hbm4b:s7+s2], $0x80, $0x38;
	(v2sf) =	vpush v1, $0xD;
	[tilespmem:$0x18200] =	vst v63  }
0x470: {  	s6 =	sadd.s32 s3, s9;
	s7 =	sand.u32 $0x1FFFFFF0, s10;
	s9 =	spop (v2sf)  }
0x471: {  	[tilespmem:s18], [sflag:$0x2] =	stream.linear.gather [hbm4b:s6+s2], $0x80, $0x38;
	(v2sf) =	vpush v1, $0xE;
	[tilespmem:$0x18200] =	vst v63  }
0x472: {  	s6 =	sadd.s32 s3, s7;
	s7 =	sand.u32 $0x1FFFFFF0, s9;
	s9 =	spop (v2sf)  }
0x473: {  	[tilespmem:s17], [sflag:$0x2] =	stream.linear.gather [hbm4b:s6+s2], $0x80, $0x38;
	(v2sf) =	vpush v1, $0xF;
	[tilespmem:$0x18200] =	vst v63  }
0x474: {  	s6 =	sadd.s32 s3, s7;
	s7 =	sand.u32 $0x1FFFFFF0, s9;
	s9 =	spop (v2sf)  }
0x475: {  	[tilespmem:s8], [sflag:$0x2] =	stream.linear.gather [hbm4b:s6+s2], $0x80, $0x38;
	[tilespmem:$0x18200] =	vst v63  }
0x476: {  	s6 =	sadd.s32 s3, s7;
	s7 =	sand.u32 $0x1FFFFFF0, s9;
	s8 =	spop (v2sf)  }
0x477: {  	[tilespmem:s5], [sflag:$0x2] =	stream.linear.gather [hbm4b:s6+s2], $0x80, $0x38;
	[tilespmem:$0x18200] =	vst v63  }
0x478: {  	s5 =	sadd.s32 s3, s7;
	s6 =	sand.u32 $0x1FFFFFF0, s8;
	s7 =	spop (v2sf)  }
0x479: {  	[tilespmem:s1], [sflag:$0x2] =	stream.linear.gather [hbm4b:s5+s2], $0x80, $0x38;
	[tilespmem:$0x18200] =	vst v63  }
0x47a: {  	s1 =	sadd.s32 s3, s6;
	s5 =	sand.u32 $0x1FFFFFF0, s7;
	s6 =	spop (v2sf)  }
0x47b: {  	[tilespmem:s0], [sflag:$0x2] =	stream.linear.gather [hbm4b:s1+s2], $0x80, $0x38;
	[tilespmem:$0x18200] =	vst v63  }
0x47c: {  	s0 =	sadd.s32 s3, s5;
	s1 =	sand.u32 $0x1FFFFFF0, s6;
	s5 =	spop (v2sf)  }
0x47d: {  	[tilespmem:s30], [sflag:$0x2] =	stream.linear.gather [hbm4b:s0+s2], $0x80, $0x38;
	[tilespmem:$0x18200] =	vst v63  }
0x47e: {  	s0 =	sadd.s32 s3, s1;
	s1 =	sand.u32 $0x1FFFFFF0, s5;
	s5 =	spop (v2sf)  }
0x47f: {  	[tilespmem:s29], [sflag:$0x2] =	stream.linear.gather [hbm4b:s0+s2], $0x80, $0x38;
	[tilespmem:$0x18200] =	vst v63  }
0x480: {  	s0 =	sadd.s32 s3, s1;
	s1 =	sand.u32 $0x1FFFFFF0, s5;
	s5 =	spop (v2sf)  }
0x481: {  	[tilespmem:s28], [sflag:$0x2] =	stream.linear.gather [hbm4b:s0+s2], $0x80, $0x38;
	[tilespmem:$0x18200] =	vst v63  }
0x482: {  	s0 =	sadd.s32 s3, s1;
	s1 =	sand.u32 $0x1FFFFFF0, s5;
	s5 =	spop (v2sf)  }
0x483: {  	[tilespmem:s26], [sflag:$0x2] =	stream.linear.gather [hbm4b:s0+s2], $0x80, $0x38;
	[tilespmem:$0x18200] =	vst v63  }
0x484: {  	s1 =	sadd.s32 s3, s1;
	s0 =	sadd.s32 $0x8900, s25;
	s5 =	sand.u32 $0x1FFFFFF0, s5  }
0x485: {  	[tilespmem:s0], [sflag:$0x2] =	stream.linear.gather [hbm4b:s1+s2], $0x80, $0x38;
	[tilespmem:$0x18200] =	vst v63  }
0x486: {  	s5 =	sadd.s32 s3, s5;
	s0 =	sand.u32 $0xF0, s24;
	s1 =	sadd.s32 $0x8980, s25  }
0x487: {  	[tilespmem:s1], [sflag:$0x2] =	stream.linear.gather [hbm4b:s5+s2], $0x80, $0x38;
	[tilespmem:$0x18200] =	vst v63  }
0x488: {  	v1 =	vld [tilespmem:s0+$0x100];
	_ =	sdelay $0x4  }
0x489: {  	v1 =	vshll.u32 v1, $0x4  }
0x48a: {  	(v2sf) =	vpush v1, $0x0  }
0x48b: {  	(v2sf) =	vpush v1, $0x2  }
0x48c: {  	(v2sf) =	vpush v1, $0x1;
	_ =	sdelay $0x1  }
.Ltmp13:
0x48d: {  	(v2sf) =	vpush v1, $0x3;
	(pc) =	sbr.rel @p0 .LBB2_28-.Ltmp13, $2  }
0x48e: {  	(v2sf) =	vpush v1, $0x4;
	_ =	sdelay $0x2  }
0x48f: {  	s24 =	sadd.s32 $0x10, s24  }
0x490: {  	(v2sf) =	vpush v1, $0x5;
	_ =	sdelay $0x1  }
0x491: {  	s22 =	sshra.s32 s22, $0x2;
	(v2sf) =	vpush v1, $0x6  }
0x492: {  	s6 =	sadd.s32 $0x8280, s22;
	s7 =	sadd.s32 $0x8200, s22  }
0x493: {  	s5 =	sadd.s32 $0x8780, s22;
	s1 =	sadd.s32 $0x8800, s22;
	s0 =	sadd.s32 $0x8880, s22;
	(v2sf) =	vpush v1, $0x7  }
0x494: {  	s8 =	sadd.s32 $0x8600, s22;
	s9 =	sadd.s32 $0x8680, s22;
	s10 =	sadd.s32 $0x8700, s22  }
0x495: {  	s11 =	sadd.s32 $0x8500, s22;
	s17 =	sadd.s32 $0x8580, s22;
	s18 =	spop (v2sf);
	(v2sf) =	vpush v1, $0x8  }
0x496: {  	s19 =	sadd.s32 $0x8300, s22;
	s18 =	sand.u32 $0x1FFFFFF0, s18;
	s23 =	spop (v2sf)  }
0x497: {  	s24 =	sadd.s32 $0x8480, s22;
	s18 =	sadd.s32 s3, s18;
	s25 =	spop (v2sf);
	(v2sf) =	vpush v1, $0x9  }
0x498: {  	[tilespmem:s7], [sflag:$0x2] =	stream.linear.gather [hbm4b:s18+s2], $0x80, $0x38;
	[tilespmem:$0x18200] =	vst v63  }
0x499: {  	s30 =	sand.u32 $0x1FFFFFF0, s23;
	s29 =	sand.u32 $0x1FFFFFF0, s25;
	s31 =	spop (v2sf);
	(v2sf) =	vpush v1, $0xA  }
0x49a: {  	s25 =	sadd.s32 $0x8400, s22;
	s7 =	sadd.s32 s3, s29;
	s26 =	spop (v2sf)  }
0x49b: {  	[tilespmem:s6], [sflag:$0x2] =	stream.linear.gather [hbm4b:s7+s2], $0x80, $0x38;
	(v2sf) =	vpush v1, $0xB;
	[tilespmem:$0x18200] =	vst v63  }
0x49c: {  	s18 =	sadd.s32 s3, s30;
	s30 =	sadd.s32 $0x8380, s22;
	s28 =	sand.u32 $0x1FFFFFF0, s31  }
0x49d: {  	(v2sf) =	vpush v1, $0xC;
	[tilespmem:s19], [sflag:$0x2] =	stream.linear.gather [hbm4b:s18+s2], $0x80, $0x38;
	[tilespmem:$0x18200] =	vst v63  }
0x49e: {  	s29 =	sand.u32 $0x1FFFFFF0, s26;
	s7 =	sadd.s32 s3, s28;
	s31 =	spop (v2sf)  }
0x49f: {  	[tilespmem:s30], [sflag:$0x2] =	stream.linear.gather [hbm4b:s7+s2], $0x80, $0x38;
	(v2sf) =	vpush v1, $0xD;
	[tilespmem:$0x18200] =	vst v63  }
0x4a0: {  	s18 =	sadd.s32 s3, s29;
	s19 =	sand.u32 $0x1FFFFFF0, s31;
	s23 =	spop (v2sf)  }
0x4a1: {  	(v2sf) =	vpush v1, $0xE;
	[tilespmem:s25], [sflag:$0x2] =	stream.linear.gather [hbm4b:s18+s2], $0x80, $0x38;
	[tilespmem:$0x18200] =	vst v63  }
0x4a2: {  	s25 =	sadd.s32 s3, s19;
	s26 =	sand.u32 $0x1FFFFFF0, s23;
	s28 =	spop (v2sf)  }
0x4a3: {  	(v2sf) =	vpush v1, $0xF;
	[tilespmem:s24], [sflag:$0x2] =	stream.linear.gather [hbm4b:s25+s2], $0x80, $0x38;
	[tilespmem:$0x18200] =	vst v63  }
0x4a4: {  	s29 =	sadd.s32 s3, s26;
	s30 =	sand.u32 $0x1FFFFFF0, s28;
	s31 =	spop (v2sf)  }
0x4a5: {  	[tilespmem:s11], [sflag:$0x2] =	stream.linear.gather [hbm4b:s29+s2], $0x80, $0x38;
	[tilespmem:$0x18200] =	vst v63  }
0x4a6: {  	s7 =	sadd.s32 s3, s30;
	s11 =	sand.u32 $0x1FFFFFF0, s31;
	s18 =	spop (v2sf)  }
0x4a7: {  	[tilespmem:s17], [sflag:$0x2] =	stream.linear.gather [hbm4b:s7+s2], $0x80, $0x38;
	[tilespmem:$0x18200] =	vst v63  }
0x4a8: {  	s19 =	sadd.s32 s3, s11;
	s23 =	sand.u32 $0x1FFFFFF0, s18;
	s24 =	spop (v2sf)  }
0x4a9: {  	[tilespmem:s8], [sflag:$0x2] =	stream.linear.gather [hbm4b:s19+s2], $0x80, $0x38;
	[tilespmem:$0x18200] =	vst v63  }
0x4aa: {  	s25 =	sadd.s32 s3, s23;
	s26 =	sand.u32 $0x1FFFFFF0, s24;
	s28 =	spop (v2sf)  }
0x4ab: {  	[tilespmem:s9], [sflag:$0x2] =	stream.linear.gather [hbm4b:s25+s2], $0x80, $0x38;
	[tilespmem:$0x18200] =	vst v63  }
0x4ac: {  	s29 =	sadd.s32 s3, s26;
	s30 =	sand.u32 $0x1FFFFFF0, s28;
	s31 =	spop (v2sf)  }
0x4ad: {  	[tilespmem:s10], [sflag:$0x2] =	stream.linear.gather [hbm4b:s29+s2], $0x80, $0x38;
	[tilespmem:$0x18200] =	vst v63  }
0x4ae: {  	s9 =	sadd.s32 s3, s30;
	s10 =	sand.u32 $0x1FFFFFF0, s31;
	s11 =	spop (v2sf)  }
0x4af: {  	[tilespmem:s5], [sflag:$0x2] =	stream.linear.gather [hbm4b:s9+s2], $0x80, $0x38;
	[tilespmem:$0x18200] =	vst v63  }
0x4b0: {  	s17 =	sadd.s32 s3, s10;
	s18 =	sand.u32 $0x1FFFFFF0, s11;
	s19 =	spop (v2sf)  }
0x4b1: {  	[tilespmem:s1], [sflag:$0x2] =	stream.linear.gather [hbm4b:s17+s2], $0x80, $0x38;
	[tilespmem:$0x18200] =	vst v63  }
0x4b2: {  	s23 =	sadd.s32 s3, s18;
	s24 =	sand.u32 $0x1FFFFFF0, s19;
	s25 =	spop (v2sf)  }
0x4b3: {  	[tilespmem:s0], [sflag:$0x2] =	stream.linear.gather [hbm4b:s23+s2], $0x80, $0x38;
	[tilespmem:$0x18200] =	vst v63  }
0x4b4: {  	s26 =	sadd.s32 $0x8900, s22;
	s28 =	sadd.s32 s3, s24;
	s29 =	sand.u32 $0x1FFFFFF0, s25  }
0x4b5: {  	[tilespmem:s26], [sflag:$0x2] =	stream.linear.gather [hbm4b:s28+s2], $0x80, $0x38;
	[tilespmem:$0x18200] =	vst v63  }
0x4b6: {  	s30 =	sadd.s32 $0x8980, s22;
	s31 =	sadd.s32 s3, s29  }
0x4b7: {  	[tilespmem:s30], [sflag:$0x2] =	stream.linear.gather [hbm4b:s31+s2], $0x80, $0x38;
	[tilespmem:$0x18200] =	vst v63  }
0x4b8: {  	_ =	swait.ge [sflag:s13], $0x8000  }
0x4b9: {  	[sflag:s13] =	ssyncset.done $0x0  }
0x4ba: {  	[sflag:s13] =	ssyncadd.s32 $0xFFFF8000  }
0x4bb: {  	_ =	swait.ge [sflag:s20], $0x8000  }
0x4bc: {  	s22 =	simm.s32 $0x0;
	[sflag:s20] =	ssyncset.done $0x0  }
0x4bd: {  	s24 =	simm.s32 $0x0;
	s23 =	simm.s32 $0x0;
	[sflag:s20] =	ssyncadd.s32 $0xFFFF8000  }
.LBB2_30:
0x4be: {  	s0 =	simm.s32 $0x0  }
0x4bf: {  	s1 =	sshll.u32 s24, $0x4;
	v1 =	vmov s0  }
0x4c0: {  	v2 =	vmov s1;
	v1 =	vand.u32 $0x78, v1  }
0x4c1: {  	v2 =	vshll.u32 v2, $0x7;
	v3 =	vbroadcast v1, $0x0  }
0x4c2: {  	v1 =	vor.u32 v0, v2  }
0x4c3: {  	v2 =	vor.u32 v1, v3  }
0x4c4: {  	s10 =	simm.s32 $0x1  }
0x4c5: {  	v3 =	vmov s10  }
0x4c6: {  	v3 =	vand.u32 $0x79, v3  }
0x4c7: {  	v3 =	vbroadcast v3, $0x0  }
0x4c8: {  	s11 =	sshll.u32 s23, $0x2;
	s17 =	sand.u32 $0x7, s22;
	v2 =	vld.idx.msk [tilespmem:v2+s14+$0x0], $0xffff  }
0x4c9: {  	s0 =	sand.u32 $0xFFFFF000, s11;
	s1 =	sshll.u32 s17, $0x6;
	v3 =	vor.u32 v1, v3  }
0x4ca: {  	s18 =	simm.s32 $0x2;
	s0 =	sor.u32 s1, s0  }
0x4cb: {  	v4 =	vmov s18;
	s0 =	sshrl.u32 s0, $0x2  }
0x4cc: {  	v4 =	vand.u32 $0x7A, v4;
	s25 =	sadd.s32 $0x10400, s0  }
0x4cd: {  	[tilespmem:s25+$0xFFFFFE00] =	vst v2;
	v2 =	vbroadcast v4, $0x0  }
0x4ce: {  	v3 =	vld.idx.msk [tilespmem:v3+s14+$0x0], $0xffff  }
0x4cf: {  	v2 =	vor.u32 v1, v2  }
0x4d0: {  	s19 =	simm.s32 $0x3  }
0x4d1: {  	v4 =	vmov s19  }
0x4d2: {  	v4 =	vand.u32 $0x7B, v4  }
0x4d3: {  	[tilespmem:s25+$0xFFFFFE80] =	vst v3;
	v3 =	vbroadcast v4, $0x0  }
0x4d4: {  	v2 =	vld.idx.msk [tilespmem:v2+s14+$0x0], $0xffff  }
0x4d5: {  	v3 =	vor.u32 v1, v3  }
0x4d6: {  	s26 =	simm.s32 $0x4  }
0x4d7: {  	v4 =	vmov s26  }
0x4d8: {  	v4 =	vand.u32 $0x7C, v4  }
0x4d9: {  	[tilespmem:s25+$0xFFFFFF00] =	vst v2;
	v2 =	vbroadcast v4, $0x0  }
0x4da: {  	v3 =	vld.idx.msk [tilespmem:v3+s14+$0x0], $0xffff  }
0x4db: {  	v2 =	vor.u32 v1, v2  }
0x4dc: {  	s29 =	simm.s32 $0x5  }
0x4dd: {  	v4 =	vmov s29  }
0x4de: {  	v4 =	vand.u32 $0x7D, v4  }
0x4df: {  	[tilespmem:s25+$0xFFFFFF80] =	vst v3;
	v3 =	vbroadcast v4, $0x0  }
0x4e0: {  	v2 =	vld.idx.msk [tilespmem:v2+s14+$0x0], $0xffff  }
0x4e1: {  	v3 =	vor.u32 v1, v3  }
0x4e2: {  	s30 =	simm.s32 $0x6  }
0x4e3: {  	v4 =	vmov s30  }
0x4e4: {  	v4 =	vand.u32 $0x7E, v4  }
0x4e5: {  	[tilespmem:s25+$0x0] =	vst v2;
	v2 =	vbroadcast v4, $0x0  }
0x4e6: {  	v3 =	vld.idx.msk [tilespmem:v3+s14+$0x0], $0xffff  }
0x4e7: {  	v2 =	vor.u32 v1, v2  }
0x4e8: {  	s31 =	simm.s32 $0x7  }
0x4e9: {  	v4 =	vmov s31  }
0x4ea: {  	v4 =	vand.u32 $0x7F, v4  }
0x4eb: {  	v4 =	vbroadcast v4, $0x0;
	[tilespmem:s25+$0x80] =	vst v3  }
0x4ec: {  	v2 =	vld.idx.msk [tilespmem:v2+s14+$0x0], $0xffff  }
0x4ed: {  	v3 =	vor.u32 v1, v4;
	_ =	sdelay $0x1  }
0x4ee: {  	s28 =	simm.s32 $0x17;
	s0 =	simm.s32 $0x8;
	s26 =	simm.s32 $0xF  }
.LBB2_31:
0x4ef: {  	p0 =	sne.s32 s28, $0x3F;
	v4 =	vmov s0  }
0x4f0: {  	v4 =	vand.u32 $0x78, v4;
	[tilespmem:s25+$0x100] =	vst v2  }
0x4f1: {  	v2 =	vbroadcast v4, $0x0;
	v3 =	vld.idx.msk [tilespmem:v3+s14+$0x0], $0xffff;
	_ =	sdelay $0x1  }
0x4f2: {  	v2 =	vor.u32 v1, v2;
	_ =	sdelay $0x1  }
0x4f3: {  	s0 =	sadd.s32 $0xFFFFFFFA, s26  }
0x4f4: {  	v4 =	vmov s0  }
0x4f5: {  	v4 =	vand.u32 $0x79, v4;
	[tilespmem:s25+$0x180] =	vst v3  }
0x4f6: {  	v3 =	vbroadcast v4, $0x0;
	v2 =	vld.idx.msk [tilespmem:v2+s14+$0x0], $0xffff;
	_ =	sdelay $0x1  }
0x4f7: {  	v3 =	vor.u32 v1, v3;
	_ =	sdelay $0x1  }
0x4f8: {  	s0 =	sadd.s32 $0xFFFFFFFB, s26  }
0x4f9: {  	v4 =	vmov s0;
	s25 =	sadd.s32 $0x1000, s25  }
0x4fa: {  	[tilespmem:s25+$0xFFFFFE00] =	vst v2;
	v2 =	vand.u32 $0x7A, v4  }
0x4fb: {  	v3 =	vld.idx.msk [tilespmem:v3+s14+$0x0], $0xffff;
	v2 =	vbroadcast v2, $0x0;
	_ =	sdelay $0x1  }
0x4fc: {  	v2 =	vor.u32 v1, v2;
	_ =	sdelay $0x1  }
0x4fd: {  	s0 =	sadd.s32 $0xFFFFFFFC, s26  }
0x4fe: {  	v4 =	vmov s0  }
0x4ff: {  	[tilespmem:s25+$0xFFFFFE80] =	vst v3;
	v3 =	vand.u32 $0x7B, v4  }
0x500: {  	v2 =	vld.idx.msk [tilespmem:v2+s14+$0x0], $0xffff;
	v3 =	vbroadcast v3, $0x0;
	_ =	sdelay $0x1  }
0x501: {  	v3 =	vor.u32 v1, v3;
	_ =	sdelay $0x1  }
0x502: {  	s0 =	sadd.s32 $0xFFFFFFFD, s26  }
0x503: {  	v4 =	vmov s0  }
0x504: {  	[tilespmem:s25+$0xFFFFFF00] =	vst v2;
	v2 =	vand.u32 $0x7C, v4  }
0x505: {  	v3 =	vld.idx.msk [tilespmem:v3+s14+$0x0], $0xffff;
	v2 =	vbroadcast v2, $0x0;
	_ =	sdelay $0x1  }
0x506: {  	v2 =	vor.u32 v1, v2;
	_ =	sdelay $0x1  }
0x507: {  	s0 =	sadd.s32 $0xFFFFFFFE, s26  }
0x508: {  	v4 =	vmov s0  }
0x509: {  	[tilespmem:s25+$0xFFFFFF80] =	vst v3;
	v3 =	vand.u32 $0x7D, v4  }
0x50a: {  	v2 =	vld.idx.msk [tilespmem:v2+s14+$0x0], $0xffff;
	v3 =	vbroadcast v3, $0x0;
	_ =	sdelay $0x1  }
0x50b: {  	v3 =	vor.u32 v1, v3;
	_ =	sdelay $0x1  }
0x50c: {  	s0 =	sadd.s32 $0xFFFFFFFF, s26  }
0x50d: {  	v4 =	vmov s0  }
0x50e: {  	[tilespmem:s25+$0x0] =	vst v2;
	v2 =	vand.u32 $0x7E, v4  }
0x50f: {  	v3 =	vld.idx.msk [tilespmem:v3+s14+$0x0], $0xffff;
	v2 =	vbroadcast v2, $0x0;
	_ =	sdelay $0x1  }
0x510: {  	v2 =	vor.u32 v1, v2;
	_ =	sdelay $0x2  }
0x511: {  	v4 =	vmov s26;
	s26 =	smov.u32 s28  }
0x512: {  	[tilespmem:s25+$0x80] =	vst v3;
	v3 =	vand.u32 $0x7F, v4  }
.Ltmp14:
0x513: {  	v2 =	vld.idx.msk [tilespmem:v2+s14+$0x0], $0xffff;
	v3 =	vbroadcast v3, $0x0;
	(pc) =	sbr.rel @p0 .LBB2_31-.Ltmp14, $3  }
0x514: {  	_ = 	snop  }
0x515: {  	v3 =	vor.u32 v1, v3;
	_ =	sdelay $0x1  }
0x516: {  	s28 =	sadd.s32 $0x8, s28;
	s0 =	sadd.s32 $0xFFFFFFF9, s26  }
0x517: {  	_ = 	snop  }
0x518: {  	v4 =	vmov s0  }
0x519: {  	v4 =	vand.u32 $0x78, v4  }
0x51a: {  	[tilespmem:s25+$0x100] =	vst v2;
	v2 =	vbroadcast v4, $0x0  }
0x51b: {  	v3 =	vld.idx.msk [tilespmem:v3+s14+$0x0], $0xffff  }
0x51c: {  	v2 =	vor.u32 v1, v2  }
0x51d: {  	s18 =	sadd.s32 $0xFFFFFFFA, s26  }
0x51e: {  	v57 =	vmov s18  }
0x51f: {  	v4 =	vand.u32 $0x79, v57  }
0x520: {  	[tilespmem:s25+$0x180] =	vst v3;
	v3 =	vbroadcast v4, $0x0  }
0x521: {  	v2 =	vld.idx.msk [tilespmem:v2+s14+$0x0], $0xffff  }
0x522: {  	v3 =	vor.u32 v1, v3  }
0x523: {  	s19 =	sadd.s32 $0xFFFFFFFB, s26  }
0x524: {  	v58 =	vmov s19  }
0x525: {  	s28 =	sadd.s32 $0x1000, s25;
	v4 =	vand.u32 $0x7A, v58  }
0x526: {  	[tilespmem:s28+$0xFFFFFE00] =	vst v2;
	v2 =	vbroadcast v4, $0x0  }
0x527: {  	v3 =	vld.idx.msk [tilespmem:v3+s14+$0x0], $0xffff  }
0x528: {  	v2 =	vor.u32 v1, v2  }
0x529: {  	s1 =	sadd.s32 $0xFFFFFFFC, s26  }
0x52a: {  	v59 =	vmov s1  }
0x52b: {  	v4 =	vand.u32 $0x7B, v59  }
0x52c: {  	[tilespmem:s28+$0xFFFFFE80] =	vst v3;
	v3 =	vbroadcast v4, $0x0  }
0x52d: {  	v2 =	vld.idx.msk [tilespmem:v2+s14+$0x0], $0xffff  }
0x52e: {  	v3 =	vor.u32 v1, v3  }
0x52f: {  	s29 =	sadd.s32 $0xFFFFFFFD, s26  }
0x530: {  	v60 =	vmov s29  }
0x531: {  	v4 =	vand.u32 $0x7C, v60  }
0x532: {  	[tilespmem:s28+$0xFFFFFF00] =	vst v2;
	v2 =	vbroadcast v4, $0x0  }
0x533: {  	v3 =	vld.idx.msk [tilespmem:v3+s14+$0x0], $0xffff  }
0x534: {  	v2 =	vor.u32 v1, v2  }
0x535: {  	s30 =	sadd.s32 $0xFFFFFFFE, s26  }
0x536: {  	v61 =	vmov s30  }
0x537: {  	v4 =	vand.u32 $0x7D, v61  }
0x538: {  	[tilespmem:s28+$0xFFFFFF80] =	vst v3;
	v3 =	vbroadcast v4, $0x0  }
0x539: {  	v2 =	vld.idx.msk [tilespmem:v2+s14+$0x0], $0xffff  }
0x53a: {  	v3 =	vor.u32 v1, v3  }
0x53b: {  	s31 =	sadd.s32 $0xFFFFFFFF, s26  }
0x53c: {  	v62 =	vmov s31  }
0x53d: {  	v4 =	vand.u32 $0x7E, v62  }
0x53e: {  	[tilespmem:s28+$0x0] =	vst v2;
	v2 =	vbroadcast v4, $0x0  }
0x53f: {  	v3 =	vld.idx.msk [tilespmem:v3+s14+$0x0], $0xffff  }
0x540: {  	v2 =	vor.u32 v1, v2;
	_ =	sdelay $0x1  }
0x541: {  	v63 =	vmov s26  }
0x542: {  	v4 =	vand.u32 $0x7F, v63  }
0x543: {  	[tilespmem:s28+$0x80] =	vst v3;
	v3 =	vbroadcast v4, $0x0  }
0x544: {  	v2 =	vld.idx.msk [tilespmem:v2+s14+$0x0], $0xffff  }
0x545: {  	v1 =	vor.u32 v1, v3;
	_ =	sdelay $0x3  }
0x546: {  	s24 =	sadd.s32 $0x1, s24;
	[tilespmem:s28+$0x100] =	vst v2  }
0x547: {  	p0 =	sne.s32 s24, $0x10;
	v1 =	vld.idx.msk [tilespmem:v1+s14+$0x0], $0xffff  }
.Ltmp15:
0x548: {  	_ = 	snop;
	(pc) =	sbr.rel @p0 .LBB2_30-.Ltmp15, $2  }
0x549: {  	_ =	sdelay $0x2  }
0x54a: {  	s23 =	sadd.s32 $0x80, s23;
	s22 =	sadd.s32 $0x1, s22;
	[tilespmem:s28+$0x180] =	vst v1  }
0x54b: {  	_ =	swait.ge [sflag:s15], $0x8000  }
0x54c: {  	s22 =	simm.s32 $0x0;
	[sflag:s15] =	ssyncset.done $0x0  }
0x54d: {  	s23 =	simm.s32 $0x0;
	s24 =	simm.s32 $0x0;
	[sflag:s15] =	ssyncadd.s32 $0xFFFF8000  }
.LBB2_34:
0x54e: {  	s0 =	simm.s32 $0x0  }
0x54f: {  	s1 =	sshll.u32 s24, $0x4;
	v1 =	vmov s0  }
0x550: {  	v2 =	vmov s1;
	v1 =	vand.u32 $0x78, v1  }
0x551: {  	v2 =	vshll.u32 v2, $0x7;
	v3 =	vbroadcast v1, $0x0  }
0x552: {  	v1 =	vor.u32 v0, v2  }
0x553: {  	v2 =	vor.u32 v1, v3  }
0x554: {  	s10 =	simm.s32 $0x1  }
0x555: {  	v3 =	vmov s10  }
0x556: {  	v3 =	vand.u32 $0x79, v3  }
0x557: {  	v3 =	vbroadcast v3, $0x0  }
0x558: {  	s11 =	sshll.u32 s23, $0x2;
	s17 =	sand.u32 $0x7, s22;
	v2 =	vld.idx.msk [tilespmem:v2+s16+$0x0], $0xffff  }
0x559: {  	s0 =	sand.u32 $0xFFFFF000, s11;
	s1 =	sshll.u32 s17, $0x6;
	v3 =	vor.u32 v1, v3  }
0x55a: {  	s18 =	simm.s32 $0x2;
	s0 =	sor.u32 s1, s0  }
0x55b: {  	v4 =	vmov s18;
	s0 =	sshrl.u32 s0, $0x2  }
0x55c: {  	v4 =	vand.u32 $0x7A, v4;
	s25 =	sadd.s32 $0x10D80, s0  }
0x55d: {  	[tilespmem:s25+$0xFFFFFC80] =	vst v2;
	v2 =	vbroadcast v4, $0x0  }
0x55e: {  	v3 =	vld.idx.msk [tilespmem:v3+s16+$0x0], $0xffff  }
0x55f: {  	v2 =	vor.u32 v1, v2  }
0x560: {  	s19 =	simm.s32 $0x3  }
0x561: {  	v4 =	vmov s19  }
0x562: {  	v4 =	vand.u32 $0x7B, v4  }
0x563: {  	[tilespmem:s25+$0xFFFFFD00] =	vst v3;
	v3 =	vbroadcast v4, $0x0  }
0x564: {  	v2 =	vld.idx.msk [tilespmem:v2+s16+$0x0], $0xffff  }
0x565: {  	v3 =	vor.u32 v1, v3  }
0x566: {  	s26 =	simm.s32 $0x4  }
0x567: {  	v4 =	vmov s26  }
0x568: {  	v4 =	vand.u32 $0x7C, v4  }
0x569: {  	[tilespmem:s25+$0xFFFFFD80] =	vst v2;
	v2 =	vbroadcast v4, $0x0  }
0x56a: {  	v3 =	vld.idx.msk [tilespmem:v3+s16+$0x0], $0xffff  }
0x56b: {  	v2 =	vor.u32 v1, v2  }
0x56c: {  	s29 =	simm.s32 $0x5  }
0x56d: {  	v4 =	vmov s29  }
0x56e: {  	v4 =	vand.u32 $0x7D, v4  }
0x56f: {  	[tilespmem:s25+$0xFFFFFE00] =	vst v3;
	v3 =	vbroadcast v4, $0x0  }
0x570: {  	v2 =	vld.idx.msk [tilespmem:v2+s16+$0x0], $0xffff  }
0x571: {  	v3 =	vor.u32 v1, v3  }
0x572: {  	s30 =	simm.s32 $0x6  }
0x573: {  	v4 =	vmov s30  }
0x574: {  	v4 =	vand.u32 $0x7E, v4  }
0x575: {  	[tilespmem:s25+$0xFFFFFE80] =	vst v2;
	v2 =	vbroadcast v4, $0x0  }
0x576: {  	v3 =	vld.idx.msk [tilespmem:v3+s16+$0x0], $0xffff  }
0x577: {  	v2 =	vor.u32 v1, v2  }
0x578: {  	s31 =	simm.s32 $0x7  }
0x579: {  	v4 =	vmov s31  }
0x57a: {  	v4 =	vand.u32 $0x7F, v4  }
0x57b: {  	v4 =	vbroadcast v4, $0x0;
	[tilespmem:s25+$0xFFFFFF00] =	vst v3  }
0x57c: {  	v2 =	vld.idx.msk [tilespmem:v2+s16+$0x0], $0xffff  }
0x57d: {  	v3 =	vor.u32 v1, v4;
	_ =	sdelay $0x1  }
0x57e: {  	s28 =	simm.s32 $0x17;
	s0 =	simm.s32 $0x8;
	s26 =	simm.s32 $0xF  }
.LBB2_35:
0x57f: {  	p0 =	sne.s32 s28, $0x3F;
	v4 =	vmov s0  }
0x580: {  	v4 =	vand.u32 $0x78, v4;
	[tilespmem:s25+$0xFFFFFF80] =	vst v2  }
0x581: {  	v2 =	vbroadcast v4, $0x0;
	v3 =	vld.idx.msk [tilespmem:v3+s16+$0x0], $0xffff;
	_ =	sdelay $0x1  }
0x582: {  	v2 =	vor.u32 v1, v2;
	_ =	sdelay $0x1  }
0x583: {  	s0 =	sadd.s32 $0xFFFFFFFA, s26  }
0x584: {  	v4 =	vmov s0  }
0x585: {  	v4 =	vand.u32 $0x79, v4;
	[tilespmem:s25+$0x0] =	vst v3  }
0x586: {  	v3 =	vbroadcast v4, $0x0;
	v2 =	vld.idx.msk [tilespmem:v2+s16+$0x0], $0xffff;
	_ =	sdelay $0x1  }
0x587: {  	v3 =	vor.u32 v1, v3;
	_ =	sdelay $0x1  }
0x588: {  	s0 =	sadd.s32 $0xFFFFFFFB, s26  }
0x589: {  	v4 =	vmov s0;
	s25 =	sadd.s32 $0x1000, s25  }
0x58a: {  	[tilespmem:s25+$0xFFFFFC80] =	vst v2;
	v2 =	vand.u32 $0x7A, v4  }
0x58b: {  	v3 =	vld.idx.msk [tilespmem:v3+s16+$0x0], $0xffff;
	v2 =	vbroadcast v2, $0x0;
	_ =	sdelay $0x1  }
0x58c: {  	v2 =	vor.u32 v1, v2;
	_ =	sdelay $0x1  }
0x58d: {  	s0 =	sadd.s32 $0xFFFFFFFC, s26  }
0x58e: {  	v4 =	vmov s0  }
0x58f: {  	[tilespmem:s25+$0xFFFFFD00] =	vst v3;
	v3 =	vand.u32 $0x7B, v4  }
0x590: {  	v2 =	vld.idx.msk [tilespmem:v2+s16+$0x0], $0xffff;
	v3 =	vbroadcast v3, $0x0;
	_ =	sdelay $0x1  }
0x591: {  	v3 =	vor.u32 v1, v3;
	_ =	sdelay $0x1  }
0x592: {  	s0 =	sadd.s32 $0xFFFFFFFD, s26  }
0x593: {  	v4 =	vmov s0  }
0x594: {  	[tilespmem:s25+$0xFFFFFD80] =	vst v2;
	v2 =	vand.u32 $0x7C, v4  }
0x595: {  	v3 =	vld.idx.msk [tilespmem:v3+s16+$0x0], $0xffff;
	v2 =	vbroadcast v2, $0x0;
	_ =	sdelay $0x1  }
0x596: {  	v2 =	vor.u32 v1, v2;
	_ =	sdelay $0x1  }
0x597: {  	s0 =	sadd.s32 $0xFFFFFFFE, s26  }
0x598: {  	v4 =	vmov s0  }
0x599: {  	[tilespmem:s25+$0xFFFFFE00] =	vst v3;
	v3 =	vand.u32 $0x7D, v4  }
0x59a: {  	v2 =	vld.idx.msk [tilespmem:v2+s16+$0x0], $0xffff;
	v3 =	vbroadcast v3, $0x0;
	_ =	sdelay $0x1  }
0x59b: {  	v3 =	vor.u32 v1, v3;
	_ =	sdelay $0x1  }
0x59c: {  	s0 =	sadd.s32 $0xFFFFFFFF, s26  }
0x59d: {  	v4 =	vmov s0  }
0x59e: {  	[tilespmem:s25+$0xFFFFFE80] =	vst v2;
	v2 =	vand.u32 $0x7E, v4  }
0x59f: {  	v3 =	vld.idx.msk [tilespmem:v3+s16+$0x0], $0xffff;
	v2 =	vbroadcast v2, $0x0;
	_ =	sdelay $0x1  }
0x5a0: {  	v2 =	vor.u32 v1, v2;
	_ =	sdelay $0x2  }
0x5a1: {  	v4 =	vmov s26;
	s26 =	smov.u32 s28  }
0x5a2: {  	[tilespmem:s25+$0xFFFFFF00] =	vst v3;
	v3 =	vand.u32 $0x7F, v4  }
.Ltmp16:
0x5a3: {  	v2 =	vld.idx.msk [tilespmem:v2+s16+$0x0], $0xffff;
	v3 =	vbroadcast v3, $0x0;
	(pc) =	sbr.rel @p0 .LBB2_35-.Ltmp16, $3  }
0x5a4: {  	_ = 	snop  }
0x5a5: {  	v3 =	vor.u32 v1, v3;
	_ =	sdelay $0x1  }
0x5a6: {  	s28 =	sadd.s32 $0x8, s28;
	s0 =	sadd.s32 $0xFFFFFFF9, s26  }
0x5a7: {  	_ = 	snop  }
0x5a8: {  	v4 =	vmov s0  }
0x5a9: {  	v4 =	vand.u32 $0x78, v4  }
0x5aa: {  	[tilespmem:s25+$0xFFFFFF80] =	vst v2;
	v2 =	vbroadcast v4, $0x0  }
0x5ab: {  	v3 =	vld.idx.msk [tilespmem:v3+s16+$0x0], $0xffff  }
0x5ac: {  	v2 =	vor.u32 v1, v2  }
0x5ad: {  	s18 =	sadd.s32 $0xFFFFFFFA, s26  }
0x5ae: {  	v57 =	vmov s18  }
0x5af: {  	v4 =	vand.u32 $0x79, v57  }
0x5b0: {  	[tilespmem:s25+$0x0] =	vst v3;
	v3 =	vbroadcast v4, $0x0  }
0x5b1: {  	v2 =	vld.idx.msk [tilespmem:v2+s16+$0x0], $0xffff  }
0x5b2: {  	v3 =	vor.u32 v1, v3  }
0x5b3: {  	s19 =	sadd.s32 $0xFFFFFFFB, s26  }
0x5b4: {  	v58 =	vmov s19  }
0x5b5: {  	s28 =	sadd.s32 $0x1000, s25;
	v4 =	vand.u32 $0x7A, v58  }
0x5b6: {  	[tilespmem:s28+$0xFFFFFC80] =	vst v2;
	v2 =	vbroadcast v4, $0x0  }
0x5b7: {  	v3 =	vld.idx.msk [tilespmem:v3+s16+$0x0], $0xffff  }
0x5b8: {  	v2 =	vor.u32 v1, v2  }
0x5b9: {  	s1 =	sadd.s32 $0xFFFFFFFC, s26  }
0x5ba: {  	v59 =	vmov s1  }
0x5bb: {  	v4 =	vand.u32 $0x7B, v59  }
0x5bc: {  	[tilespmem:s28+$0xFFFFFD00] =	vst v3;
	v3 =	vbroadcast v4, $0x0  }
0x5bd: {  	v2 =	vld.idx.msk [tilespmem:v2+s16+$0x0], $0xffff  }
0x5be: {  	v3 =	vor.u32 v1, v3  }
0x5bf: {  	s29 =	sadd.s32 $0xFFFFFFFD, s26  }
0x5c0: {  	v60 =	vmov s29  }
0x5c1: {  	v4 =	vand.u32 $0x7C, v60  }
0x5c2: {  	[tilespmem:s28+$0xFFFFFD80] =	vst v2;
	v2 =	vbroadcast v4, $0x0  }
0x5c3: {  	v3 =	vld.idx.msk [tilespmem:v3+s16+$0x0], $0xffff  }
0x5c4: {  	v2 =	vor.u32 v1, v2  }
0x5c5: {  	s30 =	sadd.s32 $0xFFFFFFFE, s26  }
0x5c6: {  	v61 =	vmov s30  }
0x5c7: {  	v4 =	vand.u32 $0x7D, v61  }
0x5c8: {  	[tilespmem:s28+$0xFFFFFE00] =	vst v3;
	v3 =	vbroadcast v4, $0x0  }
0x5c9: {  	v2 =	vld.idx.msk [tilespmem:v2+s16+$0x0], $0xffff  }
0x5ca: {  	v3 =	vor.u32 v1, v3  }
0x5cb: {  	s31 =	sadd.s32 $0xFFFFFFFF, s26  }
0x5cc: {  	v62 =	vmov s31  }
0x5cd: {  	v4 =	vand.u32 $0x7E, v62  }
0x5ce: {  	[tilespmem:s28+$0xFFFFFE80] =	vst v2;
	v2 =	vbroadcast v4, $0x0  }
0x5cf: {  	v3 =	vld.idx.msk [tilespmem:v3+s16+$0x0], $0xffff  }
0x5d0: {  	v2 =	vor.u32 v1, v2;
	_ =	sdelay $0x1  }
0x5d1: {  	v63 =	vmov s26  }
0x5d2: {  	v4 =	vand.u32 $0x7F, v63  }
0x5d3: {  	[tilespmem:s28+$0xFFFFFF00] =	vst v3;
	v3 =	vbroadcast v4, $0x0  }
0x5d4: {  	v2 =	vld.idx.msk [tilespmem:v2+s16+$0x0], $0xffff  }
0x5d5: {  	v1 =	vor.u32 v1, v3;
	_ =	sdelay $0x3  }
0x5d6: {  	s24 =	sadd.s32 $0x1, s24;
	[tilespmem:s28+$0xFFFFFF80] =	vst v2  }
0x5d7: {  	p0 =	sne.s32 s24, $0x10;
	v1 =	vld.idx.msk [tilespmem:v1+s16+$0x0], $0xffff  }
.Ltmp17:
0x5d8: {  	_ = 	snop;
	(pc) =	sbr.rel @p0 .LBB2_34-.Ltmp17, $2  }
0x5d9: {  	_ =	sdelay $0x2  }
0x5da: {  	s23 =	sadd.s32 $0x80, s23;
	s22 =	sadd.s32 $0x1, s22;
	[tilespmem:s28+$0x0] =	vst v1  }
0x5db: {  	s0 =	rddreg [dreg:$0xd]  }
0x5dc: {  	s1 =	simm.s32 $0x1000;
	s5 =	simm.s32 $0x20000;
	s6 =	simm.s32 $0x10200  }
0x5dd: {  	[hbm4b:s0+s1] =	stream.strided.scatter [tilespmem:s6], [sflag:$0x3], $0x8000, s5, s1, $0x38;
	[tilespmem:$0x18200] =	vst v63  }
0x5de: {  	_ =	swait.ge [sflag:s20], $0x8000  }
0x5df: {  	s21 =	sadd.s32 $0x1, s21;
	s31 =	rddreg [dreg:$0xe]  }
0x5e0: {  	p0 =	sne.s32 s21, s31  }
.Ltmp18:
0x5e1: {  	_ = 	snop;
	(pc) =	sbr.rel @p0 .LBB2_1-.Ltmp18, $3  }
0x5e2: {  	_ =	sdelay $0x1  }
0x5e3: {  	[sflag:s20] =	ssyncset.done $0x0  }
0x5e4: {  	[sflag:s20] =	ssyncadd.s32 $0xFFFF8000  }
0x5e5: {  	_ =	sfence.sel $0x180000  }
0x5e6: {  	[bflag:$0x0] =	sbarrier.arrive $0xFFFF  }
0x5e7: {  	_ =	strace $0x90000047  }
0x5e8: {  	s0 =	stileid.u32;
	[bflag:$0x2] =	sbarrier.arrive $0xFFFF  }
0x5e9: {  	p0 =	sne.s32 s0, $0x0;
	s0 =	rddreg [dreg:$0x7]  }
0x5ea: {  	s0 =	sadd.s32 @!p0 $0x100000, s0  }
0x5eb: {  	[sflag:s0] =	ssyncadd.tile.s32 @!p0 $0x1;
	_ =	shalt  }
.Lfunc_end2:
_tile_overlayer_lowered:
.L_overlay_start_2:
0x5ec: {  	(tag) =	ssettag $0x2  }
0x5ed: {  	s0 =	rddreg [dreg:$0x0];
	s2 =	stileid.u32  }
0x5ee: {  	s1 =	rddreg [dreg:$0x1];
	p0 =	sne.s32 s2, $0x0  }
0x5ef: {  	s3 =	rddreg [dreg:$0x2];
	[bflag:$0x3] =	sbarrier.arrive $0xFFFF;
	s2 =	simm.s32 @!p0 $0x1C04  }
0x5f0: {  	[timem:s3], [sflag:s2] =	dma.local @!p0 [hbm:s0], s1  }
0x5f1: {  	s0 =	simm.s32 @!p0 $0x4  }
0x5f2: {  	_ =	swait.ge @!p0 [sflag:s0], s1  }
0x5f3: {  	s1 =	ssub.s32 @!p0 $0x0, s1;
	[sflag:s0] =	ssyncset.done @!p0 $0x0  }
0x5f4: {  	[sflag:s0] =	ssyncadd.s32 @!p0 s1  }
0x5f5: {  	[bflag:$0x3] =	sbarrier.arrive $0xFFFF  }
0x5f6: {  	_ =	shalt  }

</sc_bundles>
